<compile_context>
chip_gen: v7x
topology: tpu7x:2x2x1
jax: 0.10.2.dev20260603
libtpu: 0.0.44.dev20260713+nightly
codegen_flags: <defaults>
</compile_context>

<pallas_src>
import functools

import jax
import jax.numpy as jnp
from jax import lax
from jax.experimental import pallas as pl
from jax.experimental.pallas import tpu as pltpu
from jax.experimental.pallas import tpu_sc as plsc

_NC = 2
_NS = 16
_F32 = jnp.float32
_HIGH = lax.Precision.HIGHEST


def _dot(a, b):
    return jnp.dot(a, b, preferred_element_type=_F32, precision=_HIGH)



def _sc_degree(dst, ones_rows, zeros16):
    E = dst.shape[0]
    N = zeros16.shape[0] * _NS
    W = zeros16.shape[1]
    NW = _NC * _NS
    epw = E // NW
    C = 128
    nfull = epw // C
    tail = epw - nfull * C
    rpt = N // _NS
    mesh = plsc.VectorSubcoreMesh(core_axis_name="c", subcore_axis_name="s")

    @functools.partial(
        pl.kernel, mesh=mesh,
        out_type=jax.ShapeDtypeStruct((_NC, N, W), _F32),
        scratch_types=[
            pltpu.VMEM((C,), jnp.int32),
            pltpu.VMEM((tail,), jnp.int32),
            pltpu.VMEM((C, W), _F32),
            pltpu.VMEM_SHARED((N, W), _F32),
        ],
    )
    def k(dst_hbm, ones_hbm, zero_hbm, out_hbm, dstv, dstv2, onesv, acc):
        c = lax.axis_index("c")
        s = lax.axis_index("s")
        wid = c * _NS + s
        r0 = s * rpt
        pltpu.sync_copy(ones_hbm, onesv)
        pltpu.sync_copy(zero_hbm, acc.at[pl.ds(r0, rpt)])
        plsc.subcore_barrier()
        base = wid * epw

        @pl.loop(0, nfull)
        def _(i):
            pltpu.sync_copy(dst_hbm.at[pl.ds(base + i * C, C)], dstv)
            pltpu.sync_copy(onesv, acc.at[dstv], add=True)

        if tail:
            pltpu.sync_copy(dst_hbm.at[pl.ds(base + nfull * C, tail)], dstv2)
            pltpu.sync_copy(onesv.at[pl.ds(0, tail)], acc.at[dstv2], add=True)
        plsc.subcore_barrier()
        pltpu.sync_copy(acc.at[pl.ds(r0, rpt)], out_hbm.at[c, pl.ds(r0, rpt)])

    return k(dst, ones_rows, zeros16)


def _sc_propagate(u, src, dst, zeros_h):
    H = u.shape[1]
    N = zeros_h.shape[0] * _NS
    E = src.shape[0]
    NW = _NC * _NS
    epw = E // NW
    C = 128
    npair = epw // (2 * C)
    tail = epw - npair * 2 * C
    rpt = N // _NS
    mesh = plsc.VectorSubcoreMesh(core_axis_name="c", subcore_axis_name="s")

    @functools.partial(
        pl.kernel, mesh=mesh,
        out_type=jax.ShapeDtypeStruct((_NC, N, H), _F32),
        scratch_types=[
            pltpu.VMEM((C,), jnp.int32),
            pltpu.VMEM((C,), jnp.int32),
            pltpu.VMEM((C,), jnp.int32),
            pltpu.VMEM((C,), jnp.int32),
            pltpu.VMEM((C, H), _F32),
            pltpu.VMEM((C, H), _F32),
            pltpu.VMEM((tail,), jnp.int32),
            pltpu.VMEM((tail,), jnp.int32),
            pltpu.VMEM((tail, H), _F32),
            pltpu.VMEM_SHARED((N, H), _F32),
            pltpu.SemaphoreType.DMA,
            pltpu.SemaphoreType.DMA,
            pltpu.SemaphoreType.DMA,
            pltpu.SemaphoreType.DMA,
            pltpu.SemaphoreType.DMA,
            pltpu.SemaphoreType.DMA,
        ],
    )
    def k(u_hbm, src_hbm, dst_hbm, zero_hbm, out_hbm,
          srcv0, dstv0, srcv1, dstv1, rows0, rows1,
          srcv2, dstv2, rowsv2, acc, sem0, sem1, is0, is1, is2, is3):
        c = lax.axis_index("c")
        s = lax.axis_index("s")
        wid = c * _NS + s
        r0 = s * rpt
        pltpu.sync_copy(zero_hbm, acc.at[pl.ds(r0, rpt)])
        plsc.subcore_barrier()
        base = wid * epw

        @pl.loop(0, npair)
        def _(i):
            off0 = base + (2 * i) * C
            off1 = off0 + C
            i0 = pltpu.async_copy(src_hbm.at[pl.ds(off0, C)], srcv0, is0)
            i1 = pltpu.async_copy(dst_hbm.at[pl.ds(off0, C)], dstv0, is1)
            i2 = pltpu.async_copy(src_hbm.at[pl.ds(off1, C)], srcv1, is2)
            i3 = pltpu.async_copy(dst_hbm.at[pl.ds(off1, C)], dstv1, is3)
            i0.wait()
            d0 = pltpu.async_copy(u_hbm.at[srcv0], rows0, sem0)
            i2.wait()
            d1 = pltpu.async_copy(u_hbm.at[srcv1], rows1, sem1)
            d0.wait()
            i1.wait()
            pltpu.sync_copy(rows0, acc.at[dstv0], add=True)
            d1.wait()
            i3.wait()
            pltpu.sync_copy(rows1, acc.at[dstv1], add=True)

        if tail:
            off = base + npair * 2 * C
            pltpu.sync_copy(src_hbm.at[pl.ds(off, tail)], srcv2)
            pltpu.sync_copy(dst_hbm.at[pl.ds(off, tail)], dstv2)
            pltpu.async_copy(u_hbm.at[srcv2], rowsv2, sem0).wait()
            pltpu.sync_copy(rowsv2, acc.at[dstv2], add=True)
        plsc.subcore_barrier()
        pltpu.sync_copy(acc.at[pl.ds(r0, rpt)], out_hbm.at[c, pl.ds(r0, rpt)])

    return k(u, src, dst, zeros_h)



_BLK = 400


def _tc_encoder(x, W, b):
    N, F = x.shape
    H = W.shape[1]

    def body(x_ref, w_ref, b_ref, o_ref):
        o_ref[...] = jnp.maximum(_dot(x_ref[...], w_ref[...]) + b_ref[...], 0.0)

    return pl.pallas_call(
        body,
        grid=(N // _BLK,),
        in_specs=[
            pl.BlockSpec((_BLK, F), lambda i: (i, 0)),
            pl.BlockSpec((F, H), lambda i: (0, 0)),
            pl.BlockSpec((1, H), lambda i: (0, 0)),
        ],
        out_specs=pl.BlockSpec((_BLK, H), lambda i: (i, 0)),
        out_shape=jax.ShapeDtypeStruct((N, H), _F32),
    )(x, W, b.reshape(1, H))


def _tc_prep(degp, h0):
    N, H = h0.shape

    def body(d_ref, h_ref, dinv_ref, u_ref):
        deg = d_ref[0, :, :1] + d_ref[1, :, :1]
        dinv = jnp.where(deg > 0.0, lax.rsqrt(deg), 0.0)
        dinv_b = jnp.broadcast_to(dinv, (_BLK, H))
        dinv_ref[...] = dinv_b
        u_ref[...] = dinv_b * h_ref[...]

    return pl.pallas_call(
        body,
        grid=(N // _BLK,),
        in_specs=[
            pl.BlockSpec((2, _BLK, H), lambda i: (0, i, 0)),
            pl.BlockSpec((_BLK, H), lambda i: (i, 0)),
        ],
        out_specs=[
            pl.BlockSpec((_BLK, H), lambda i: (i, 0)),
            pl.BlockSpec((_BLK, H), lambda i: (i, 0)),
        ],
        out_shape=[
            jax.ShapeDtypeStruct((N, H), _F32),
            jax.ShapeDtypeStruct((N, H), _F32),
        ],
    )(degp, h0)


def _tc_upass(parts, dinv):
    _, N, H = parts.shape

    def body(p_ref, d_ref, u_ref):
        d = d_ref[...]
        u_ref[...] = d * d * (p_ref[0] + p_ref[1])

    return pl.pallas_call(
        body,
        grid=(N // _BLK,),
        in_specs=[
            pl.BlockSpec((2, _BLK, H), lambda i: (0, i, 0)),
            pl.BlockSpec((_BLK, H), lambda i: (i, 0)),
        ],
        out_specs=pl.BlockSpec((_BLK, H), lambda i: (i, 0)),
        out_shape=jax.ShapeDtypeStruct((N, H), _F32),
    )(parts, dinv)


def _tc_conv(h, p1, p2, p3, dinv, Wstack, bias):
    N, H = h.shape
    ngrid = N // _BLK

    def body(h_ref, p1_ref, p2_ref, p3_ref, d_ref, w_ref, b_ref,
             raw_ref, sum_ref, sq_ref, acc_s, acc_q):
        i = pl.program_id(0)

        @pl.when(i == 0)
        def _():
            acc_s[...] = jnp.zeros_like(acc_s)
            acc_q[...] = jnp.zeros_like(acc_q)

        d = d_ref[...]
        h1 = d * (p1_ref[0] + p1_ref[1])
        h2 = d * (p2_ref[0] + p2_ref[1])
        h3 = d * (p3_ref[0] + p3_ref[1])
        out = (_dot(h_ref[...], w_ref[0]) + _dot(h1, w_ref[1])
               + _dot(h2, w_ref[2]) + _dot(h3, w_ref[3]) + b_ref[...])
        raw_ref[...] = out
        acc_s[...] += jnp.sum(out, axis=0, keepdims=True)
        acc_q[...] += jnp.sum(out * out, axis=0, keepdims=True)

        @pl.when(i == ngrid - 1)
        def _():
            sum_ref[...] = acc_s[...]
            sq_ref[...] = acc_q[...]

    return pl.pallas_call(
        body,
        grid=(ngrid,),
        in_specs=[
            pl.BlockSpec((_BLK, H), lambda i: (i, 0)),
            pl.BlockSpec((2, _BLK, H), lambda i: (0, i, 0)),
            pl.BlockSpec((2, _BLK, H), lambda i: (0, i, 0)),
            pl.BlockSpec((2, _BLK, H), lambda i: (0, i, 0)),
            pl.BlockSpec((_BLK, H), lambda i: (i, 0)),
            pl.BlockSpec((4, H, H), lambda i: (0, 0, 0)),
            pl.BlockSpec((1, H), lambda i: (0, 0)),
        ],
        out_specs=[
            pl.BlockSpec((_BLK, H), lambda i: (i, 0)),
            pl.BlockSpec((1, H), lambda i: (0, 0)),
            pl.BlockSpec((1, H), lambda i: (0, 0)),
        ],
        out_shape=[
            jax.ShapeDtypeStruct((N, H), _F32),
            jax.ShapeDtypeStruct((1, H), _F32),
            jax.ShapeDtypeStruct((1, H), _F32),
        ],
        scratch_shapes=[
            pltpu.VMEM((1, H), _F32),
            pltpu.VMEM((1, H), _F32),
        ],
    )(h, p1, p2, p3, dinv, Wstack, bias.reshape(1, H))


def _tc_bn(raw, ssum, ssq, gamma, beta, dinv, want_u):
    N, H = raw.shape
    inv_n = 1.0 / N

    def body(r_ref, s_ref, q_ref, g_ref, be_ref, d_ref, *outs):
        m = s_ref[...] * inv_n
        v = q_ref[...] * inv_n - m * m
        hn = (r_ref[...] - m) * lax.rsqrt(v + 1e-5) * g_ref[...] + be_ref[...]
        hn = jnp.maximum(hn, 0.0)
        outs[0][...] = hn
        if want_u:
            outs[1][...] = d_ref[...] * hn

    nout = 2 if want_u else 1
    return pl.pallas_call(
        body,
        grid=(N // _BLK,),
        in_specs=[
            pl.BlockSpec((_BLK, H), lambda i: (i, 0)),
            pl.BlockSpec((1, H), lambda i: (0, 0)),
            pl.BlockSpec((1, H), lambda i: (0, 0)),
            pl.BlockSpec((1, H), lambda i: (0, 0)),
            pl.BlockSpec((1, H), lambda i: (0, 0)),
            pl.BlockSpec((_BLK, H), lambda i: (i, 0)),
        ],
        out_specs=[pl.BlockSpec((_BLK, H), lambda i: (i, 0))] * nout,
        out_shape=[jax.ShapeDtypeStruct((N, H), _F32)] * nout,
    )(raw, ssum, ssq, gamma.reshape(1, H), beta.reshape(1, H), dinv)


def _tc_pool(h, bidx3, G):
    N, H = h.shape
    ngrid = N // _BLK

    def body(h_ref, b_ref, xs_ref, cn_ref, acc_x, acc_c):
        i = pl.program_id(0)

        @pl.when(i == 0)
        def _():
            acc_x[...] = jnp.zeros_like(acc_x)
            acc_c[...] = jnp.zeros_like(acc_c)

        b = b_ref[0, 0, :]
        gids = lax.broadcasted_iota(jnp.int32, (_BLK, G), 1)
        mask = (b[:, None] == gids).astype(_F32)
        cn = lax.dot_general(mask, jnp.ones((_BLK, H), _F32),
                             (((0,), (0,)), ((), ())),
                             preferred_element_type=_F32, precision=_HIGH)
        xs = lax.dot_general(mask, h_ref[...], (((0,), (0,)), ((), ())),
                             preferred_element_type=_F32, precision=_HIGH)
        acc_x[...] += xs
        acc_c[...] += cn

        @pl.when(i == ngrid - 1)
        def _():
            xs_ref[...] = acc_x[...]
            cn_ref[...] = acc_c[...]

    return pl.pallas_call(
        body,
        grid=(ngrid,),
        in_specs=[
            pl.BlockSpec((_BLK, H), lambda i: (i, 0)),
            pl.BlockSpec((1, 1, _BLK), lambda i: (i, 0, 0)),
        ],
        out_specs=[
            pl.BlockSpec((G, H), lambda i: (0, 0)),
            pl.BlockSpec((G, H), lambda i: (0, 0)),
        ],
        out_shape=[
            jax.ShapeDtypeStruct((G, H), _F32),
            jax.ShapeDtypeStruct((G, H), _F32),
        ],
        scratch_shapes=[
            pltpu.VMEM((G, H), _F32),
            pltpu.VMEM((G, H), _F32),
        ],
    )(h, bidx3)


def _tc_head(xsum, counts, latf_pad, Wlat_pad, b_lat,
             W1m, W1s, W1l, b1, W2, b2, W3_pad):
    G, H = xsum.shape
    H2 = W2.shape[1]

    def body(xs_ref, cn_ref, lf_ref, wl_ref, bl_ref, w1m_ref, w1s_ref,
             w1l_ref, b1_ref, w2_ref, b2_ref, w3_ref, o_ref):
        xs = xs_ref[...]
        cm = jnp.maximum(cn_ref[...], 1.0)
        xmean = xs / cm
        lat = jnp.maximum(_dot(lf_ref[...], wl_ref[...]) + bl_ref[...], 0.0)
        z = (_dot(xmean, w1m_ref[...]) + _dot(xs, w1s_ref[...])
             + _dot(lat, w1l_ref[...]) + b1_ref[...])
        z = jnp.maximum(z, 0.0)
        z = jnp.maximum(_dot(z, w2_ref[...]) + b2_ref[...], 0.0)
        o_ref[...] = _dot(z, w3_ref[...])

    return pl.pallas_call(
        body,
        out_shape=jax.ShapeDtypeStruct((G, H), _F32),
    )(xsum, counts, latf_pad, Wlat_pad, b_lat.reshape(1, H),
      W1m, W1s, W1l, b1.reshape(1, H), W2, b2.reshape(1, H2), W3_pad)



def kernel(x, edge_index, batch_idx, lattice_features, W_enc, b_enc, W_lat,
           b_lat, Wc1, bc1, g1, be1, Wc2, bc2, g2, be2, Wc3, bc3, g3, be3,
           W1, b1, W2, b2, W3, b3):
    N, F = x.shape
    H = W_enc.shape[1]
    G = lattice_features.shape[0]
    src = edge_index[0]
    dst = edge_index[1]
    npad = 8 * _NS
    Np = ((N + npad - 1) // npad) * npad
    rpt = Np // _NS

    ones_rows = jnp.ones((128, H), _F32)
    zeros_h = jnp.zeros((rpt, H), _F32)
    bidx3 = batch_idx.reshape(N // _BLK, 1, _BLK)

    degp = _sc_degree(dst, ones_rows, zeros_h)
    h = _tc_encoder(x, W_enc, b_enc)
    dinv, u = _tc_prep(degp, h)

    for Wc, bc, g, be, last in ((Wc1, bc1, g1, be1, False),
                                (Wc2, bc2, g2, be2, False),
                                (Wc3, bc3, g3, be3, True)):
        parts = []
        for k in range(3):
            p = _sc_propagate(u, src, dst, zeros_h)
            parts.append(p)
            if k < 2:
                u = _tc_upass(p, dinv)
        raw, ssum, ssq = _tc_conv(h, parts[0], parts[1], parts[2], dinv, Wc, bc)
        if last:
            (h,) = _tc_bn(raw, ssum, ssq, g, be, dinv, want_u=False)
        else:
            h, u = _tc_bn(raw, ssum, ssq, g, be, dinv, want_u=True)

    xsum, counts = _tc_pool(h, bidx3, G)

    latf_pad = jnp.pad(lattice_features, ((0, 0), (0, 16 - lattice_features.shape[1])))
    Wlat_pad = jnp.pad(W_lat, ((0, 16 - W_lat.shape[0]), (0, 0)))
    W3_pad = jnp.pad(W3, ((0, 0), (0, H - W3.shape[1])))
    W1m, W1s, W1l = W1[:H], W1[H:2 * H], W1[2 * H:]

    head = _tc_head(xsum, counts, latf_pad, Wlat_pad, b_lat,
                    W1m, W1s, W1l, b1, W2, b2, W3_pad)
    return head[:, 0] + b3[0]

# --- scband reference (transcript-rebuilt; emitter-appended) ---
"""Pipeline reference for scband-crystal-gnn-22041772163193 (READ-ONLY COPY).

The authoritative reference and input builder live on the scoring server;
editing this copy changes nothing except your own understanding.
"""

import jax, jax.numpy as jnp
import numpy as np

N = 10000
E = 320000
F_IN = 128
H = 128
G = 64
K = 3

def _tag_conv(x, src, dst, norm, W, b):
    # TAGConv: out = sum_{k=0..K} (A_hat^k x) W_k + b, A_hat = sym-normalized adjacency (no self loops)
    out = x @ W[0]
    h = x
    for k in range(1, W.shape[0]):
        h = jax.ops.segment_sum(h[src] * norm[:, None], dst, num_segments=x.shape[0])
        out = out + h @ W[k]
    return out + b

def _batch_norm(x, gamma, beta):
    m = jnp.mean(x, axis=0)
    v = jnp.var(x, axis=0)
    return (x - m) / jnp.sqrt(v + 1e-5) * gamma + beta

def setup_inputs(seed: int = 0):
    key = jax.random.key(seed)
    ks = [jax.random.fold_in(key, i) for i in range(16)]
    s = 0.05
    inp = {}
    inp["x"] = jax.random.normal(ks[0], (N, F_IN), dtype=jnp.float32)
    inp["edge_index"] = jax.random.randint(ks[1], (2, E), 0, N, dtype=jnp.int32)
    inp["batch_idx"] = jnp.sort(jax.random.randint(ks[2], (N,), 0, G, dtype=jnp.int32))
    inp["lattice_features"] = jax.random.normal(ks[3], (G, 9), dtype=jnp.float32)
    inp["W_enc"] = s * jax.random.normal(ks[4], (F_IN, H), dtype=jnp.float32)
    inp["b_enc"] = jnp.zeros((H,), jnp.float32)
    inp["W_lat"] = s * jax.random.normal(ks[5], (9, H), dtype=jnp.float32)
    inp["b_lat"] = jnp.zeros((H,), jnp.float32)
    for i, kk in zip((1, 2, 3), (6, 7, 8)):
        inp[f"Wc{i}"] = s * jax.random.normal(ks[kk], (K + 1, H, H), dtype=jnp.float32)
        inp[f"bc{i}"] = jnp.zeros((H,), jnp.float32)
        inp[f"g{i}"] = jnp.ones((H,), jnp.float32)
        inp[f"be{i}"] = jnp.zeros((H,), jnp.float32)
    inp["W1"] = s * jax.random.normal(ks[9], (3 * H, H), dtype=jnp.float32)
    inp["b1"] = jnp.zeros((H,), jnp.float32)
    inp["W2"] = s * jax.random.normal(ks[10], (H, H // 2), dtype=jnp.float32)
    inp["b2"] = jnp.zeros((H // 2,), jnp.float32)
    inp["W3"] = s * jax.random.normal(ks[11], (H // 2, 1), dtype=jnp.float32)
    inp["b3"] = jnp.zeros((1,), jnp.float32)
    return inp

def reference(x, edge_index, batch_idx, lattice_features, W_enc, b_enc, W_lat, b_lat,
              Wc1, bc1, g1, be1, Wc2, bc2, g2, be2, Wc3, bc3, g3, be3,
              W1, b1, W2, b2, W3, b3):
    src = edge_index[0]
    dst = edge_index[1]
    deg = jax.ops.segment_sum(jnp.ones(src.shape[0], jnp.float32), dst, num_segments=x.shape[0])
    dinv = jnp.where(deg > 0, deg ** -0.5, 0.0)
    norm = dinv[src] * dinv[dst]
    h = jax.nn.relu(x @ W_enc + b_enc)
    lat = jax.nn.relu(lattice_features @ W_lat + b_lat)
    h = jax.nn.relu(_batch_norm(_tag_conv(h, src, dst, norm, Wc1, bc1), g1, be1))
    h = jax.nn.relu(_batch_norm(_tag_conv(h, src, dst, norm, Wc2, bc2), g2, be2))
    h = jax.nn.relu(_batch_norm(_tag_conv(h, src, dst, norm, Wc3, bc3), g3, be3))
    counts = jax.ops.segment_sum(jnp.ones(h.shape[0], jnp.float32), batch_idx, num_segments=lat.shape[0])
    x_sum = jax.ops.segment_sum(h, batch_idx, num_segments=lat.shape[0])
    x_mean = x_sum / jnp.maximum(counts, 1.0)[:, None]
    z = jnp.concatenate([x_mean, x_sum, lat], axis=1)
    z = jax.nn.relu(z @ W1 + b1)
    z = jax.nn.relu(z @ W2 + b2)
    z = z @ W3 + b3
    return z.reshape(-1)

if __name__ == "__main__":
    import jax
    _d = setup_inputs()
    print(jax.jit(kernel)(*tuple(_d.values())))

</pallas_src>

<mosaic_0001>
#map = affine_map<(d0, d1) -> (0, 0)>
#map1 = affine_map<(d0, d1) -> (0)>
#map2 = affine_map<(d0, d1) -> (0, 0, 0)>
module attributes {stable_mosaic.version = 14 : i64} {
  func.func @k(%arg0: i32, %arg1: i32, %arg2: memref<10112x128xf32, #tpu.memory_space<hbm>>, %arg3: memref<320000xi32, #tpu.memory_space<hbm>>, %arg4: memref<320000xi32, #tpu.memory_space<hbm>>, %arg5: memref<632x128xf32, #tpu.memory_space<hbm>>, %arg6: memref<2x10112x128xf32, #tpu.memory_space<hbm>>, %arg7: memref<128xi32, #tpu.memory_space<vmem>>, %arg8: memref<128xi32, #tpu.memory_space<vmem>>, %arg9: memref<128xi32, #tpu.memory_space<vmem>>, %arg10: memref<128xi32, #tpu.memory_space<vmem>>, %arg11: memref<128x128xf32, #tpu.memory_space<vmem>>, %arg12: memref<128x128xf32, #tpu.memory_space<vmem>>, %arg13: memref<16xi32, #tpu.memory_space<vmem>>, %arg14: memref<16xi32, #tpu.memory_space<vmem>>, %arg15: memref<16x128xf32, #tpu.memory_space<vmem>>, %arg16: memref<10112x128xf32, #tpu.memory_space<vmem_shared>>, %arg17: memref<!tpu.dma_semaphore, #tpu.memory_space<semaphore_mem>>, %arg18: memref<!tpu.dma_semaphore, #tpu.memory_space<semaphore_mem>>, %arg19: memref<!tpu.dma_semaphore, #tpu.memory_space<semaphore_mem>>, %arg20: memref<!tpu.dma_semaphore, #tpu.memory_space<semaphore_mem>>, %arg21: memref<!tpu.dma_semaphore, #tpu.memory_space<semaphore_mem>>, %arg22: memref<!tpu.dma_semaphore, #tpu.memory_space<semaphore_mem>>) attributes {dimension_semantics = [#tpu.dimension_semantics<core_parallel>, #tpu.dimension_semantics<subcore_parallel>], iteration_bounds = array<i64: 2, 16>, scalar_prefetch = 0 : i64, scratch_operands = 16 : i64, tpu.core_type = #tpu.core_type<sc_vector_subcore>, window_params = [{transform_indices = #map}, {transform_indices = #map1}, {transform_indices = #map1}, {transform_indices = #map}, {transform_indices = #map2}]} {
    %mul3A = arith.constant 16 : i32
    %mul3A_0 = arith.muli %arg0, %mul3A : i32
    %add3A = arith.addi %mul3A_0, %arg1 : i32
    %mul3A_1 = arith.constant 632 : i32
    %mul3A_2 = arith.muli %arg1, %mul3A_1 : i32
    "tpu.region"() ({
      %run_scoped3A = tpu.sem_alloc : memref<!tpu.dma_semaphore, #tpu.memory_space<semaphore_mem>>
      %dma_start3A_16 = arith.constant 0 : i32
      %dma_start3A_17 = tpu.memref_slice %arg16[%mul3A_2, %dma_start3A_16] : memref<10112x128xf32, #tpu.memory_space<vmem_shared>> -> memref<632x128xf32, #tpu.memory_space<vmem_shared>>
      tpu.enqueue_dma source(%arg5 : memref<632x128xf32, #tpu.memory_space<hbm>>) target(%dma_start3A_17 : memref<632x128xf32, #tpu.memory_space<vmem_shared>>) target_semaphore(%run_scoped3A : memref<!tpu.dma_semaphore, #tpu.memory_space<semaphore_mem>>)
      %dma_wait3A_18 = arith.constant 0 : i32
      %dma_wait3A_19 = tpu.memref_slice %arg16[%mul3A_2, %dma_wait3A_18] : memref<10112x128xf32, #tpu.memory_space<vmem_shared>> -> memref<632x128xf32, #tpu.memory_space<vmem_shared>>
      tpu.wait_dma2 semaphore(%run_scoped3A : memref<!tpu.dma_semaphore, #tpu.memory_space<semaphore_mem>>) src(%arg5 : memref<632x128xf32, #tpu.memory_space<hbm>>) dst(%dma_wait3A_19 : memref<632x128xf32, #tpu.memory_space<vmem_shared>>)
      tpu.yield
    }) : () -> ()
    %barrier3A = arith.constant 0 : index
    tpu.barrier barrier_id(%barrier3A)
    %mul3A_3 = arith.constant 10000 : i32
    %mul3A_4 = arith.muli %add3A, %mul3A_3 : i32
    %scan3A = arith.constant 0 : i32
    %scan3A_5 = arith.constant 39 : i32
    %scan3A_6 = arith.addi %scan3A, %scan3A_5 : i32
    %scan3A_7 = arith.constant 1 : i32
    scf.for %scan3A_16 = %scan3A to %scan3A_6 step %scan3A_7  : i32 {
      %mul3A_17 = arith.constant 1 : i32
      %mul3A_18 = arith.muli %scan3A_16, %mul3A_17 : i32
      %add3A_19 = arith.constant 0 : i32
      %add3A_20 = arith.addi %add3A_19, %mul3A_18 : i32
      %mul3A_21 = arith.constant 2 : i32
      %mul3A_22 = arith.muli %mul3A_21, %add3A_20 : i32
      %mul3A_23 = arith.constant 128 : i32
      %mul3A_24 = arith.muli %mul3A_22, %mul3A_23 : i32
      %add3A_25 = arith.addi %mul3A_4, %mul3A_24 : i32
      %add3A_26 = arith.constant 128 : i32
      %add3A_27 = arith.addi %add3A_25, %add3A_26 : i32
      %dma_start3A_28 = tpu.memref_slice %arg3[%add3A_25] : memref<320000xi32, #tpu.memory_space<hbm>> -> memref<128xi32, #tpu.memory_space<hbm>>
      %dma_start3A_29 = tpu.memref_slice %arg3[%add3A_25] : memref<320000xi32, #tpu.memory_space<hbm>> -> memref<128xi32, #tpu.memory_space<hbm>>
      tpu.enqueue_dma source(%dma_start3A_29 : memref<128xi32, #tpu.memory_space<hbm>>) target(%arg7 : memref<128xi32, #tpu.memory_space<vmem>>) target_semaphore(%arg19 : memref<!tpu.dma_semaphore, #tpu.memory_space<semaphore_mem>>)
      %dma_start3A_30 = tpu.memref_slice %arg4[%add3A_25] : memref<320000xi32, #tpu.memory_space<hbm>> -> memref<128xi32, #tpu.memory_space<hbm>>
      %dma_start3A_31 = tpu.memref_slice %arg4[%add3A_25] : memref<320000xi32, #tpu.memory_space<hbm>> -> memref<128xi32, #tpu.memory_space<hbm>>
      tpu.enqueue_dma source(%dma_start3A_31 : memref<128xi32, #tpu.memory_space<hbm>>) target(%arg8 : memref<128xi32, #tpu.memory_space<vmem>>) target_semaphore(%arg20 : memref<!tpu.dma_semaphore, #tpu.memory_space<semaphore_mem>>)
      %dma_start3A_32 = tpu.memref_slice %arg3[%add3A_27] : memref<320000xi32, #tpu.memory_space<hbm>> -> memref<128xi32, #tpu.memory_space<hbm>>
      %dma_start3A_33 = tpu.memref_slice %arg3[%add3A_27] : memref<320000xi32, #tpu.memory_space<hbm>> -> memref<128xi32, #tpu.memory_space<hbm>>
      tpu.enqueue_dma source(%dma_start3A_33 : memref<128xi32, #tpu.memory_space<hbm>>) target(%arg9 : memref<128xi32, #tpu.memory_space<vmem>>) target_semaphore(%arg21 : memref<!tpu.dma_semaphore, #tpu.memory_space<semaphore_mem>>)
      %dma_start3A_34 = tpu.memref_slice %arg4[%add3A_27] : memref<320000xi32, #tpu.memory_space<hbm>> -> memref<128xi32, #tpu.memory_space<hbm>>
      %dma_start3A_35 = tpu.memref_slice %arg4[%add3A_27] : memref<320000xi32, #tpu.memory_space<hbm>> -> memref<128xi32, #tpu.memory_space<hbm>>
      tpu.enqueue_dma source(%dma_start3A_35 : memref<128xi32, #tpu.memory_space<hbm>>) target(%arg10 : memref<128xi32, #tpu.memory_space<vmem>>) target_semaphore(%arg22 : memref<!tpu.dma_semaphore, #tpu.memory_space<semaphore_mem>>)
      %dma_wait3A_36 = tpu.memref_slice %arg3[%add3A_25] : memref<320000xi32, #tpu.memory_space<hbm>> -> memref<128xi32, #tpu.memory_space<hbm>>
      %dma_wait3A_37 = tpu.memref_slice %arg3[%add3A_25] : memref<320000xi32, #tpu.memory_space<hbm>> -> memref<128xi32, #tpu.memory_space<hbm>>
      tpu.wait_dma2 semaphore(%arg19 : memref<!tpu.dma_semaphore, #tpu.memory_space<semaphore_mem>>) src(%dma_wait3A_37 : memref<128xi32, #tpu.memory_space<hbm>>) dst(%arg7 : memref<128xi32, #tpu.memory_space<vmem>>)
      %dma_start3A_38 = arith.constant 0 : i32
      %dma_start3A_39 = arith.constant 0 : i32
      %dma_start3A_40 = tpu.memref_slice %arg2[%dma_start3A_38, %dma_start3A_39] : memref<10112x128xf32, #tpu.memory_space<hbm>> -> memref<10112x128xf32, #tpu.memory_space<hbm>>
      tpu.enqueue_indirect_dma source(%dma_start3A_40 : memref<10112x128xf32, #tpu.memory_space<hbm>>) target(%arg11 : memref<128x128xf32, #tpu.memory_space<vmem>>) offsets(%arg7 : memref<128xi32, #tpu.memory_space<vmem>>) semaphore(%arg17 : memref<!tpu.dma_semaphore, #tpu.memory_space<semaphore_mem>>)
      %dma_wait3A_41 = tpu.memref_slice %arg3[%add3A_27] : memref<320000xi32, #tpu.memory_space<hbm>> -> memref<128xi32, #tpu.memory_space<hbm>>
      %dma_wait3A_42 = tpu.memref_slice %arg3[%add3A_27] : memref<320000xi32, #tpu.memory_space<hbm>> -> memref<128xi32, #tpu.memory_space<hbm>>
      tpu.wait_dma2 semaphore(%arg21 : memref<!tpu.dma_semaphore, #tpu.memory_space<semaphore_mem>>) src(%dma_wait3A_42 : memref<128xi32, #tpu.memory_space<hbm>>) dst(%arg9 : memref<128xi32, #tpu.memory_space<vmem>>)
      %dma_start3A_43 = arith.constant 0 : i32
      %dma_start3A_44 = arith.constant 0 : i32
      %dma_start3A_45 = tpu.memref_slice %arg2[%dma_start3A_43, %dma_start3A_44] : memref<10112x128xf32, #tpu.memory_space<hbm>> -> memref<10112x128xf32, #tpu.memory_space<hbm>>
      tpu.enqueue_indirect_dma source(%dma_start3A_45 : memref<10112x128xf32, #tpu.memory_space<hbm>>) target(%arg12 : memref<128x128xf32, #tpu.memory_space<vmem>>) offsets(%arg9 : memref<128xi32, #tpu.memory_space<vmem>>) semaphore(%arg18 : memref<!tpu.dma_semaphore, #tpu.memory_space<semaphore_mem>>)
      %dma_wait3A_46 = arith.constant 0 : i32
      %dma_wait3A_47 = arith.constant 0 : i32
      %dma_wait3A_48 = tpu.memref_slice %arg2[%dma_wait3A_46, %dma_wait3A_47] : memref<10112x128xf32, #tpu.memory_space<hbm>> -> memref<10112x128xf32, #tpu.memory_space<hbm>>
      tpu.wait_indirect_dma semaphore(%arg17 : memref<!tpu.dma_semaphore, #tpu.memory_space<semaphore_mem>>) src(%dma_wait3A_48 : memref<10112x128xf32, #tpu.memory_space<hbm>>) dst(%arg11 : memref<128x128xf32, #tpu.memory_space<vmem>>)
      %dma_wait3A_49 = tpu.memref_slice %arg4[%add3A_25] : memref<320000xi32, #tpu.memory_space<hbm>> -> memref<128xi32, #tpu.memory_space<hbm>>
      %dma_wait3A_50 = tpu.memref_slice %arg4[%add3A_25] : memref<320000xi32, #tpu.memory_space<hbm>> -> memref<128xi32, #tpu.memory_space<hbm>>
      tpu.wait_dma2 semaphore(%arg20 : memref<!tpu.dma_semaphore, #tpu.memory_space<semaphore_mem>>) src(%dma_wait3A_50 : memref<128xi32, #tpu.memory_space<hbm>>) dst(%arg8 : memref<128xi32, #tpu.memory_space<vmem>>)
      "tpu.region"() ({
        %run_scoped3A = tpu.sem_alloc : memref<!tpu.dma_semaphore, #tpu.memory_space<semaphore_mem>>
        %dma_start3A_56 = arith.constant 0 : i32
        %dma_start3A_57 = arith.constant 0 : i32
        %dma_start3A_58 = tpu.memref_slice %arg16[%dma_start3A_56, %dma_start3A_57] : memref<10112x128xf32, #tpu.memory_space<vmem_shared>> -> memref<10112x128xf32, #tpu.memory_space<vmem_shared>>
        tpu.enqueue_indirect_dma source(%arg11 : memref<128x128xf32, #tpu.memory_space<vmem>>) target(%dma_start3A_58 : memref<10112x128xf32, #tpu.memory_space<vmem_shared>>) offsets(%arg8 : memref<128xi32, #tpu.memory_space<vmem>>) semaphore(%run_scoped3A : memref<!tpu.dma_semaphore, #tpu.memory_space<semaphore_mem>>) {add = true}
        %dma_wait3A_59 = arith.constant 0 : i32
        %dma_wait3A_60 = arith.constant 0 : i32
        %dma_wait3A_61 = tpu.memref_slice %arg16[%dma_wait3A_59, %dma_wait3A_60] : memref<10112x128xf32, #tpu.memory_space<vmem_shared>> -> memref<10112x128xf32, #tpu.memory_space<vmem_shared>>
        tpu.wait_indirect_dma semaphore(%run_scoped3A : memref<!tpu.dma_semaphore, #tpu.memory_space<semaphore_mem>>) src(%arg11 : memref<128x128xf32, #tpu.memory_space<vmem>>) dst(%dma_wait3A_61 : memref<10112x128xf32, #tpu.memory_space<vmem_shared>>)
        tpu.yield
      }) : () -> ()
      %dma_wait3A_51 = arith.constant 0 : i32
      %dma_wait3A_52 = arith.constant 0 : i32
      %dma_wait3A_53 = tpu.memref_slice %arg2[%dma_wait3A_51, %dma_wait3A_52] : memref<10112x128xf32, #tpu.memory_space<hbm>> -> memref<10112x128xf32, #tpu.memory_space<hbm>>
      tpu.wait_indirect_dma semaphore(%arg18 : memref<!tpu.dma_semaphore, #tpu.memory_space<semaphore_mem>>) src(%dma_wait3A_53 : memref<10112x128xf32, #tpu.memory_space<hbm>>) dst(%arg12 : memref<128x128xf32, #tpu.memory_space<vmem>>)
      %dma_wait3A_54 = tpu.memref_slice %arg4[%add3A_27] : memref<320000xi32, #tpu.memory_space<hbm>> -> memref<128xi32, #tpu.memory_space<hbm>>
      %dma_wait3A_55 = tpu.memref_slice %arg4[%add3A_27] : memref<320000xi32, #tpu.memory_space<hbm>> -> memref<128xi32, #tpu.memory_space<hbm>>
      tpu.wait_dma2 semaphore(%arg22 : memref<!tpu.dma_semaphore, #tpu.memory_space<semaphore_mem>>) src(%dma_wait3A_55 : memref<128xi32, #tpu.memory_space<hbm>>) dst(%arg10 : memref<128xi32, #tpu.memory_space<vmem>>)
      "tpu.region"() ({
        %run_scoped3A = tpu.sem_alloc : memref<!tpu.dma_semaphore, #tpu.memory_space<semaphore_mem>>
        %dma_start3A_56 = arith.constant 0 : i32
        %dma_start3A_57 = arith.constant 0 : i32
        %dma_start3A_58 = tpu.memref_slice %arg16[%dma_start3A_56, %dma_start3A_57] : memref<10112x128xf32, #tpu.memory_space<vmem_shared>> -> memref<10112x128xf32, #tpu.memory_space<vmem_shared>>
        tpu.enqueue_indirect_dma source(%arg12 : memref<128x128xf32, #tpu.memory_space<vmem>>) target(%dma_start3A_58 : memref<10112x128xf32, #tpu.memory_space<vmem_shared>>) offsets(%arg10 : memref<128xi32, #tpu.memory_space<vmem>>) semaphore(%run_scoped3A : memref<!tpu.dma_semaphore, #tpu.memory_space<semaphore_mem>>) {add = true}
        %dma_wait3A_59 = arith.constant 0 : i32
        %dma_wait3A_60 = arith.constant 0 : i32
        %dma_wait3A_61 = tpu.memref_slice %arg16[%dma_wait3A_59, %dma_wait3A_60] : memref<10112x128xf32, #tpu.memory_space<vmem_shared>> -> memref<10112x128xf32, #tpu.memory_space<vmem_shared>>
        tpu.wait_indirect_dma semaphore(%run_scoped3A : memref<!tpu.dma_semaphore, #tpu.memory_space<semaphore_mem>>) src(%arg12 : memref<128x128xf32, #tpu.memory_space<vmem>>) dst(%dma_wait3A_61 : memref<10112x128xf32, #tpu.memory_space<vmem_shared>>)
        tpu.yield
      }) : () -> ()
    }
    %scan3A_8 = arith.constant 39 : i32
    %add3A_9 = arith.constant 9984 : i32
    %add3A_10 = arith.addi %mul3A_4, %add3A_9 : i32
    "tpu.region"() ({
      %run_scoped3A = tpu.sem_alloc : memref<!tpu.dma_semaphore, #tpu.memory_space<semaphore_mem>>
      %dma_start3A_16 = tpu.memref_slice %arg3[%add3A_10] : memref<320000xi32, #tpu.memory_space<hbm>> -> memref<16xi32, #tpu.memory_space<hbm>>
      %dma_start3A_17 = tpu.memref_slice %arg3[%add3A_10] : memref<320000xi32, #tpu.memory_space<hbm>> -> memref<16xi32, #tpu.memory_space<hbm>>
      tpu.enqueue_dma source(%dma_start3A_17 : memref<16xi32, #tpu.memory_space<hbm>>) target(%arg13 : memref<16xi32, #tpu.memory_space<vmem>>) target_semaphore(%run_scoped3A : memref<!tpu.dma_semaphore, #tpu.memory_space<semaphore_mem>>)
      %dma_wait3A_18 = tpu.memref_slice %arg3[%add3A_10] : memref<320000xi32, #tpu.memory_space<hbm>> -> memref<16xi32, #tpu.memory_space<hbm>>
      %dma_wait3A_19 = tpu.memref_slice %arg3[%add3A_10] : memref<320000xi32, #tpu.memory_space<hbm>> -> memref<16xi32, #tpu.memory_space<hbm>>
      tpu.wait_dma2 semaphore(%run_scoped3A : memref<!tpu.dma_semaphore, #tpu.memory_space<semaphore_mem>>) src(%dma_wait3A_19 : memref<16xi32, #tpu.memory_space<hbm>>) dst(%arg13 : memref<16xi32, #tpu.memory_space<vmem>>)
      tpu.yield
    }) : () -> ()
    "tpu.region"() ({
      %run_scoped3A = tpu.sem_alloc : memref<!tpu.dma_semaphore, #tpu.memory_space<semaphore_mem>>
      %dma_start3A_16 = tpu.memref_slice %arg4[%add3A_10] : memref<320000xi32, #tpu.memory_space<hbm>> -> memref<16xi32, #tpu.memory_space<hbm>>
      %dma_start3A_17 = tpu.memref_slice %arg4[%add3A_10] : memref<320000xi32, #tpu.memory_space<hbm>> -> memref<16xi32, #tpu.memory_space<hbm>>
      tpu.enqueue_dma source(%dma_start3A_17 : memref<16xi32, #tpu.memory_space<hbm>>) target(%arg14 : memref<16xi32, #tpu.memory_space<vmem>>) target_semaphore(%run_scoped3A : memref<!tpu.dma_semaphore, #tpu.memory_space<semaphore_mem>>)
      %dma_wait3A_18 = tpu.memref_slice %arg4[%add3A_10] : memref<320000xi32, #tpu.memory_space<hbm>> -> memref<16xi32, #tpu.memory_space<hbm>>
      %dma_wait3A_19 = tpu.memref_slice %arg4[%add3A_10] : memref<320000xi32, #tpu.memory_space<hbm>> -> memref<16xi32, #tpu.memory_space<hbm>>
      tpu.wait_dma2 semaphore(%run_scoped3A : memref<!tpu.dma_semaphore, #tpu.memory_space<semaphore_mem>>) src(%dma_wait3A_19 : memref<16xi32, #tpu.memory_space<hbm>>) dst(%arg14 : memref<16xi32, #tpu.memory_space<vmem>>)
      tpu.yield
    }) : () -> ()
    %dma_start3A = arith.constant 0 : i32
    %dma_start3A_11 = arith.constant 0 : i32
    %dma_start3A_12 = tpu.memref_slice %arg2[%dma_start3A, %dma_start3A_11] : memref<10112x128xf32, #tpu.memory_space<hbm>> -> memref<10112x128xf32, #tpu.memory_space<hbm>>
    tpu.enqueue_indirect_dma source(%dma_start3A_12 : memref<10112x128xf32, #tpu.memory_space<hbm>>) target(%arg15 : memref<16x128xf32, #tpu.memory_space<vmem>>) offsets(%arg13 : memref<16xi32, #tpu.memory_space<vmem>>) semaphore(%arg17 : memref<!tpu.dma_semaphore, #tpu.memory_space<semaphore_mem>>)
    %dma_wait3A = arith.constant 0 : i32
    %dma_wait3A_13 = arith.constant 0 : i32
    %dma_wait3A_14 = tpu.memref_slice %arg2[%dma_wait3A, %dma_wait3A_13] : memref<10112x128xf32, #tpu.memory_space<hbm>> -> memref<10112x128xf32, #tpu.memory_space<hbm>>
    tpu.wait_indirect_dma semaphore(%arg17 : memref<!tpu.dma_semaphore, #tpu.memory_space<semaphore_mem>>) src(%dma_wait3A_14 : memref<10112x128xf32, #tpu.memory_space<hbm>>) dst(%arg15 : memref<16x128xf32, #tpu.memory_space<vmem>>)
    "tpu.region"() ({
      %run_scoped3A = tpu.sem_alloc : memref<!tpu.dma_semaphore, #tpu.memory_space<semaphore_mem>>
      %dma_start3A_16 = arith.constant 0 : i32
      %dma_start3A_17 = arith.constant 0 : i32
      %dma_start3A_18 = tpu.memref_slice %arg16[%dma_start3A_16, %dma_start3A_17] : memref<10112x128xf32, #tpu.memory_space<vmem_shared>> -> memref<10112x128xf32, #tpu.memory_space<vmem_shared>>
      tpu.enqueue_indirect_dma source(%arg15 : memref<16x128xf32, #tpu.memory_space<vmem>>) target(%dma_start3A_18 : memref<10112x128xf32, #tpu.memory_space<vmem_shared>>) offsets(%arg14 : memref<16xi32, #tpu.memory_space<vmem>>) semaphore(%run_scoped3A : memref<!tpu.dma_semaphore, #tpu.memory_space<semaphore_mem>>) {add = true}
      %dma_wait3A_19 = arith.constant 0 : i32
      %dma_wait3A_20 = arith.constant 0 : i32
      %dma_wait3A_21 = tpu.memref_slice %arg16[%dma_wait3A_19, %dma_wait3A_20] : memref<10112x128xf32, #tpu.memory_space<vmem_shared>> -> memref<10112x128xf32, #tpu.memory_space<vmem_shared>>
      tpu.wait_indirect_dma semaphore(%run_scoped3A : memref<!tpu.dma_semaphore, #tpu.memory_space<semaphore_mem>>) src(%arg15 : memref<16x128xf32, #tpu.memory_space<vmem>>) dst(%dma_wait3A_21 : memref<10112x128xf32, #tpu.memory_space<vmem_shared>>)
      tpu.yield
    }) : () -> ()
    %barrier3A_15 = arith.constant 0 : index
    tpu.barrier barrier_id(%barrier3A_15)
    "tpu.region"() ({
      %run_scoped3A = tpu.sem_alloc : memref<!tpu.dma_semaphore, #tpu.memory_space<semaphore_mem>>
      %dma_start3A_16 = arith.constant 0 : i32
      %dma_start3A_17 = tpu.memref_slice %arg6[%arg0, %mul3A_2, %dma_start3A_16] : memref<2x10112x128xf32, #tpu.memory_space<hbm>> -> memref<1x632x128xf32, #tpu.memory_space<hbm>>
      %dma_start3A_18 = tpu.memref_squeeze %dma_start3A_17 : memref<1x632x128xf32, #tpu.memory_space<hbm>> -> memref<632x128xf32, #tpu.memory_space<hbm>>
      %dma_start3A_19 = arith.constant 0 : i32
      %dma_start3A_20 = tpu.memref_slice %arg16[%mul3A_2, %dma_start3A_19] : memref<10112x128xf32, #tpu.memory_space<vmem_shared>> -> memref<632x128xf32, #tpu.memory_space<vmem_shared>>
      tpu.enqueue_dma source(%dma_start3A_20 : memref<632x128xf32, #tpu.memory_space<vmem_shared>>) target(%dma_start3A_18 : memref<632x128xf32, #tpu.memory_space<hbm>>) target_semaphore(%run_scoped3A : memref<!tpu.dma_semaphore, #tpu.memory_space<semaphore_mem>>)
      %dma_wait3A_21 = arith.constant 0 : i32
      %dma_wait3A_22 = tpu.memref_slice %arg6[%arg0, %mul3A_2, %dma_wait3A_21] : memref<2x10112x128xf32, #tpu.memory_space<hbm>> -> memref<1x632x128xf32, #tpu.memory_space<hbm>>
      %dma_wait3A_23 = tpu.memref_squeeze %dma_wait3A_22 : memref<1x632x128xf32, #tpu.memory_space<hbm>> -> memref<632x128xf32, #tpu.memory_space<hbm>>
      %dma_wait3A_24 = arith.constant 0 : i32
      %dma_wait3A_25 = tpu.memref_slice %arg16[%mul3A_2, %dma_wait3A_24] : memref<10112x128xf32, #tpu.memory_space<vmem_shared>> -> memref<632x128xf32, #tpu.memory_space<vmem_shared>>
      tpu.wait_dma2 semaphore(%run_scoped3A : memref<!tpu.dma_semaphore, #tpu.memory_space<semaphore_mem>>) src(%dma_wait3A_25 : memref<632x128xf32, #tpu.memory_space<vmem_shared>>) dst(%dma_wait3A_23 : memref<632x128xf32, #tpu.memory_space<hbm>>)
      tpu.yield
    }) : () -> ()
    return
  }
}

#map = affine_map<(d0, d1) -> (0, 0)>
#map1 = affine_map<(d0, d1) -> (0)>
#map2 = affine_map<(d0, d1) -> (0, 0, 0)>
module attributes {stable_mosaic.version = 14 : i64} {
  func.func @k(%arg0: i32, %arg1: i32, %arg2: memref<10000x128xf32, #tpu.memory_space<hbm>>, %arg3: memref<320000xi32, #tpu.memory_space<hbm>>, %arg4: memref<320000xi32, #tpu.memory_space<hbm>>, %arg5: memref<632x128xf32, #tpu.memory_space<hbm>>, %arg6: memref<2x10112x128xf32, #tpu.memory_space<hbm>>, %arg7: memref<128xi32, #tpu.memory_space<vmem>>, %arg8: memref<128xi32, #tpu.memory_space<vmem>>, %arg9: memref<128xi32, #tpu.memory_space<vmem>>, %arg10: memref<128xi32, #tpu.memory_space<vmem>>, %arg11: memref<128x128xf32, #tpu.memory_space<vmem>>, %arg12: memref<128x128xf32, #tpu.memory_space<vmem>>, %arg13: memref<16xi32, #tpu.memory_space<vmem>>, %arg14: memref<16xi32, #tpu.memory_space<vmem>>, %arg15: memref<16x128xf32, #tpu.memory_space<vmem>>, %arg16: memref<10112x128xf32, #tpu.memory_space<vmem_shared>>, %arg17: memref<!tpu.dma_semaphore, #tpu.memory_space<semaphore_mem>>, %arg18: memref<!tpu.dma_semaphore, #tpu.memory_space<semaphore_mem>>, %arg19: memref<!tpu.dma_semaphore, #tpu.memory_space<semaphore_mem>>, %arg20: memref<!tpu.dma_semaphore, #tpu.memory_space<semaphore_mem>>, %arg21: memref<!tpu.dma_semaphore, #tpu.memory_space<semaphore_mem>>, %arg22: memref<!tpu.dma_semaphore, #tpu.memory_space<semaphore_mem>>) attributes {dimension_semantics = [#tpu.dimension_semantics<core_parallel>, #tpu.dimension_semantics<subcore_parallel>], iteration_bounds = array<i64: 2, 16>, scalar_prefetch = 0 : i64, scratch_operands = 16 : i64, tpu.core_type = #tpu.core_type<sc_vector_subcore>, window_params = [{transform_indices = #map}, {transform_indices = #map1}, {transform_indices = #map1}, {transform_indices = #map}, {transform_indices = #map2}]} {
    %mul3A = arith.constant 16 : i32
    %mul3A_0 = arith.muli %arg0, %mul3A : i32
    %add3A = arith.addi %mul3A_0, %arg1 : i32
    %mul3A_1 = arith.constant 632 : i32
    %mul3A_2 = arith.muli %arg1, %mul3A_1 : i32
    "tpu.region"() ({
      %run_scoped3A = tpu.sem_alloc : memref<!tpu.dma_semaphore, #tpu.memory_space<semaphore_mem>>
      %dma_start3A_16 = arith.constant 0 : i32
      %dma_start3A_17 = tpu.memref_slice %arg16[%mul3A_2, %dma_start3A_16] : memref<10112x128xf32, #tpu.memory_space<vmem_shared>> -> memref<632x128xf32, #tpu.memory_space<vmem_shared>>
      tpu.enqueue_dma source(%arg5 : memref<632x128xf32, #tpu.memory_space<hbm>>) target(%dma_start3A_17 : memref<632x128xf32, #tpu.memory_space<vmem_shared>>) target_semaphore(%run_scoped3A : memref<!tpu.dma_semaphore, #tpu.memory_space<semaphore_mem>>)
      %dma_wait3A_18 = arith.constant 0 : i32
      %dma_wait3A_19 = tpu.memref_slice %arg16[%mul3A_2, %dma_wait3A_18] : memref<10112x128xf32, #tpu.memory_space<vmem_shared>> -> memref<632x128xf32, #tpu.memory_space<vmem_shared>>
      tpu.wait_dma2 semaphore(%run_scoped3A : memref<!tpu.dma_semaphore, #tpu.memory_space<semaphore_mem>>) src(%arg5 : memref<632x128xf32, #tpu.memory_space<hbm>>) dst(%dma_wait3A_19 : memref<632x128xf32, #tpu.memory_space<vmem_shared>>)
      tpu.yield
    }) : () -> ()
    %barrier3A = arith.constant 0 : index
    tpu.barrier barrier_id(%barrier3A)
    %mul3A_3 = arith.constant 10000 : i32
    %mul3A_4 = arith.muli %add3A, %mul3A_3 : i32
    %scan3A = arith.constant 0 : i32
    %scan3A_5 = arith.constant 39 : i32
    %scan3A_6 = arith.addi %scan3A, %scan3A_5 : i32
    %scan3A_7 = arith.constant 1 : i32
    scf.for %scan3A_16 = %scan3A to %scan3A_6 step %scan3A_7  : i32 {
      %mul3A_17 = arith.constant 1 : i32
      %mul3A_18 = arith.muli %scan3A_16, %mul3A_17 : i32
      %add3A_19 = arith.constant 0 : i32
      %add3A_20 = arith.addi %add3A_19, %mul3A_18 : i32
      %mul3A_21 = arith.constant 2 : i32
      %mul3A_22 = arith.muli %mul3A_21, %add3A_20 : i32
      %mul3A_23 = arith.constant 128 : i32
      %mul3A_24 = arith.muli %mul3A_22, %mul3A_23 : i32
      %add3A_25 = arith.addi %mul3A_4, %mul3A_24 : i32
      %add3A_26 = arith.constant 128 : i32
      %add3A_27 = arith.addi %add3A_25, %add3A_26 : i32
      %dma_start3A_28 = tpu.memref_slice %arg3[%add3A_25] : memref<320000xi32, #tpu.memory_space<hbm>> -> memref<128xi32, #tpu.memory_space<hbm>>
      %dma_start3A_29 = tpu.memref_slice %arg3[%add3A_25] : memref<320000xi32, #tpu.memory_space<hbm>> -> memref<128xi32, #tpu.memory_space<hbm>>
      tpu.enqueue_dma source(%dma_start3A_29 : memref<128xi32, #tpu.memory_space<hbm>>) target(%arg7 : memref<128xi32, #tpu.memory_space<vmem>>) target_semaphore(%arg19 : memref<!tpu.dma_semaphore, #tpu.memory_space<semaphore_mem>>)
      %dma_start3A_30 = tpu.memref_slice %arg4[%add3A_25] : memref<320000xi32, #tpu.memory_space<hbm>> -> memref<128xi32, #tpu.memory_space<hbm>>
      %dma_start3A_31 = tpu.memref_slice %arg4[%add3A_25] : memref<320000xi32, #tpu.memory_space<hbm>> -> memref<128xi32, #tpu.memory_space<hbm>>
      tpu.enqueue_dma source(%dma_start3A_31 : memref<128xi32, #tpu.memory_space<hbm>>) target(%arg8 : memref<128xi32, #tpu.memory_space<vmem>>) target_semaphore(%arg20 : memref<!tpu.dma_semaphore, #tpu.memory_space<semaphore_mem>>)
      %dma_start3A_32 = tpu.memref_slice %arg3[%add3A_27] : memref<320000xi32, #tpu.memory_space<hbm>> -> memref<128xi32, #tpu.memory_space<hbm>>
      %dma_start3A_33 = tpu.memref_slice %arg3[%add3A_27] : memref<320000xi32, #tpu.memory_space<hbm>> -> memref<128xi32, #tpu.memory_space<hbm>>
      tpu.enqueue_dma source(%dma_start3A_33 : memref<128xi32, #tpu.memory_space<hbm>>) target(%arg9 : memref<128xi32, #tpu.memory_space<vmem>>) target_semaphore(%arg21 : memref<!tpu.dma_semaphore, #tpu.memory_space<semaphore_mem>>)
      %dma_start3A_34 = tpu.memref_slice %arg4[%add3A_27] : memref<320000xi32, #tpu.memory_space<hbm>> -> memref<128xi32, #tpu.memory_space<hbm>>
      %dma_start3A_35 = tpu.memref_slice %arg4[%add3A_27] : memref<320000xi32, #tpu.memory_space<hbm>> -> memref<128xi32, #tpu.memory_space<hbm>>
      tpu.enqueue_dma source(%dma_start3A_35 : memref<128xi32, #tpu.memory_space<hbm>>) target(%arg10 : memref<128xi32, #tpu.memory_space<vmem>>) target_semaphore(%arg22 : memref<!tpu.dma_semaphore, #tpu.memory_space<semaphore_mem>>)
      %dma_wait3A_36 = tpu.memref_slice %arg3[%add3A_25] : memref<320000xi32, #tpu.memory_space<hbm>> -> memref<128xi32, #tpu.memory_space<hbm>>
      %dma_wait3A_37 = tpu.memref_slice %arg3[%add3A_25] : memref<320000xi32, #tpu.memory_space<hbm>> -> memref<128xi32, #tpu.memory_space<hbm>>
      tpu.wait_dma2 semaphore(%arg19 : memref<!tpu.dma_semaphore, #tpu.memory_space<semaphore_mem>>) src(%dma_wait3A_37 : memref<128xi32, #tpu.memory_space<hbm>>) dst(%arg7 : memref<128xi32, #tpu.memory_space<vmem>>)
      %dma_start3A_38 = arith.constant 0 : i32
      %dma_start3A_39 = arith.constant 0 : i32
      %dma_start3A_40 = tpu.memref_slice %arg2[%dma_start3A_38, %dma_start3A_39] : memref<10000x128xf32, #tpu.memory_space<hbm>> -> memref<10000x128xf32, #tpu.memory_space<hbm>>
      tpu.enqueue_indirect_dma source(%dma_start3A_40 : memref<10000x128xf32, #tpu.memory_space<hbm>>) target(%arg11 : memref<128x128xf32, #tpu.memory_space<vmem>>) offsets(%arg7 : memref<128xi32, #tpu.memory_space<vmem>>) semaphore(%arg17 : memref<!tpu.dma_semaphore, #tpu.memory_space<semaphore_mem>>)
      %dma_wait3A_41 = tpu.memref_slice %arg3[%add3A_27] : memref<320000xi32, #tpu.memory_space<hbm>> -> memref<128xi32, #tpu.memory_space<hbm>>
      %dma_wait3A_42 = tpu.memref_slice %arg3[%add3A_27] : memref<320000xi32, #tpu.memory_space<hbm>> -> memref<128xi32, #tpu.memory_space<hbm>>
      tpu.wait_dma2 semaphore(%arg21 : memref<!tpu.dma_semaphore, #tpu.memory_space<semaphore_mem>>) src(%dma_wait3A_42 : memref<128xi32, #tpu.memory_space<hbm>>) dst(%arg9 : memref<128xi32, #tpu.memory_space<vmem>>)
      %dma_start3A_43 = arith.constant 0 : i32
      %dma_start3A_44 = arith.constant 0 : i32
      %dma_start3A_45 = tpu.memref_slice %arg2[%dma_start3A_43, %dma_start3A_44] : memref<10000x128xf32, #tpu.memory_space<hbm>> -> memref<10000x128xf32, #tpu.memory_space<hbm>>
      tpu.enqueue_indirect_dma source(%dma_start3A_45 : memref<10000x128xf32, #tpu.memory_space<hbm>>) target(%arg12 : memref<128x128xf32, #tpu.memory_space<vmem>>) offsets(%arg9 : memref<128xi32, #tpu.memory_space<vmem>>) semaphore(%arg18 : memref<!tpu.dma_semaphore, #tpu.memory_space<semaphore_mem>>)
      %dma_wait3A_46 = arith.constant 0 : i32
      %dma_wait3A_47 = arith.constant 0 : i32
      %dma_wait3A_48 = tpu.memref_slice %arg2[%dma_wait3A_46, %dma_wait3A_47] : memref<10000x128xf32, #tpu.memory_space<hbm>> -> memref<10000x128xf32, #tpu.memory_space<hbm>>
      tpu.wait_indirect_dma semaphore(%arg17 : memref<!tpu.dma_semaphore, #tpu.memory_space<semaphore_mem>>) src(%dma_wait3A_48 : memref<10000x128xf32, #tpu.memory_space<hbm>>) dst(%arg11 : memref<128x128xf32, #tpu.memory_space<vmem>>)
      %dma_wait3A_49 = tpu.memref_slice %arg4[%add3A_25] : memref<320000xi32, #tpu.memory_space<hbm>> -> memref<128xi32, #tpu.memory_space<hbm>>
      %dma_wait3A_50 = tpu.memref_slice %arg4[%add3A_25] : memref<320000xi32, #tpu.memory_space<hbm>> -> memref<128xi32, #tpu.memory_space<hbm>>
      tpu.wait_dma2 semaphore(%arg20 : memref<!tpu.dma_semaphore, #tpu.memory_space<semaphore_mem>>) src(%dma_wait3A_50 : memref<128xi32, #tpu.memory_space<hbm>>) dst(%arg8 : memref<128xi32, #tpu.memory_space<vmem>>)
      "tpu.region"() ({
        %run_scoped3A = tpu.sem_alloc : memref<!tpu.dma_semaphore, #tpu.memory_space<semaphore_mem>>
        %dma_start3A_56 = arith.constant 0 : i32
        %dma_start3A_57 = arith.constant 0 : i32
        %dma_start3A_58 = tpu.memref_slice %arg16[%dma_start3A_56, %dma_start3A_57] : memref<10112x128xf32, #tpu.memory_space<vmem_shared>> -> memref<10112x128xf32, #tpu.memory_space<vmem_shared>>
        tpu.enqueue_indirect_dma source(%arg11 : memref<128x128xf32, #tpu.memory_space<vmem>>) target(%dma_start3A_58 : memref<10112x128xf32, #tpu.memory_space<vmem_shared>>) offsets(%arg8 : memref<128xi32, #tpu.memory_space<vmem>>) semaphore(%run_scoped3A : memref<!tpu.dma_semaphore, #tpu.memory_space<semaphore_mem>>) {add = true}
        %dma_wait3A_59 = arith.constant 0 : i32
        %dma_wait3A_60 = arith.constant 0 : i32
        %dma_wait3A_61 = tpu.memref_slice %arg16[%dma_wait3A_59, %dma_wait3A_60] : memref<10112x128xf32, #tpu.memory_space<vmem_shared>> -> memref<10112x128xf32, #tpu.memory_space<vmem_shared>>
        tpu.wait_indirect_dma semaphore(%run_scoped3A : memref<!tpu.dma_semaphore, #tpu.memory_space<semaphore_mem>>) src(%arg11 : memref<128x128xf32, #tpu.memory_space<vmem>>) dst(%dma_wait3A_61 : memref<10112x128xf32, #tpu.memory_space<vmem_shared>>)
        tpu.yield
      }) : () -> ()
      %dma_wait3A_51 = arith.constant 0 : i32
      %dma_wait3A_52 = arith.constant 0 : i32
      %dma_wait3A_53 = tpu.memref_slice %arg2[%dma_wait3A_51, %dma_wait3A_52] : memref<10000x128xf32, #tpu.memory_space<hbm>> -> memref<10000x128xf32, #tpu.memory_space<hbm>>
      tpu.wait_indirect_dma semaphore(%arg18 : memref<!tpu.dma_semaphore, #tpu.memory_space<semaphore_mem>>) src(%dma_wait3A_53 : memref<10000x128xf32, #tpu.memory_space<hbm>>) dst(%arg12 : memref<128x128xf32, #tpu.memory_space<vmem>>)
      %dma_wait3A_54 = tpu.memref_slice %arg4[%add3A_27] : memref<320000xi32, #tpu.memory_space<hbm>> -> memref<128xi32, #tpu.memory_space<hbm>>
      %dma_wait3A_55 = tpu.memref_slice %arg4[%add3A_27] : memref<320000xi32, #tpu.memory_space<hbm>> -> memref<128xi32, #tpu.memory_space<hbm>>
      tpu.wait_dma2 semaphore(%arg22 : memref<!tpu.dma_semaphore, #tpu.memory_space<semaphore_mem>>) src(%dma_wait3A_55 : memref<128xi32, #tpu.memory_space<hbm>>) dst(%arg10 : memref<128xi32, #tpu.memory_space<vmem>>)
      "tpu.region"() ({
        %run_scoped3A = tpu.sem_alloc : memref<!tpu.dma_semaphore, #tpu.memory_space<semaphore_mem>>
        %dma_start3A_56 = arith.constant 0 : i32
        %dma_start3A_57 = arith.constant 0 : i32
        %dma_start3A_58 = tpu.memref_slice %arg16[%dma_start3A_56, %dma_start3A_57] : memref<10112x128xf32, #tpu.memory_space<vmem_shared>> -> memref<10112x128xf32, #tpu.memory_space<vmem_shared>>
        tpu.enqueue_indirect_dma source(%arg12 : memref<128x128xf32, #tpu.memory_space<vmem>>) target(%dma_start3A_58 : memref<10112x128xf32, #tpu.memory_space<vmem_shared>>) offsets(%arg10 : memref<128xi32, #tpu.memory_space<vmem>>) semaphore(%run_scoped3A : memref<!tpu.dma_semaphore, #tpu.memory_space<semaphore_mem>>) {add = true}
        %dma_wait3A_59 = arith.constant 0 : i32
        %dma_wait3A_60 = arith.constant 0 : i32
        %dma_wait3A_61 = tpu.memref_slice %arg16[%dma_wait3A_59, %dma_wait3A_60] : memref<10112x128xf32, #tpu.memory_space<vmem_shared>> -> memref<10112x128xf32, #tpu.memory_space<vmem_shared>>
        tpu.wait_indirect_dma semaphore(%run_scoped3A : memref<!tpu.dma_semaphore, #tpu.memory_space<semaphore_mem>>) src(%arg12 : memref<128x128xf32, #tpu.memory_space<vmem>>) dst(%dma_wait3A_61 : memref<10112x128xf32, #tpu.memory_space<vmem_shared>>)
        tpu.yield
      }) : () -> ()
    }
    %scan3A_8 = arith.constant 39 : i32
    %add3A_9 = arith.constant 9984 : i32
    %add3A_10 = arith.addi %mul3A_4, %add3A_9 : i32
    "tpu.region"() ({
      %run_scoped3A = tpu.sem_alloc : memref<!tpu.dma_semaphore, #tpu.memory_space<semaphore_mem>>
      %dma_start3A_16 = tpu.memref_slice %arg3[%add3A_10] : memref<320000xi32, #tpu.memory_space<hbm>> -> memref<16xi32, #tpu.memory_space<hbm>>
      %dma_start3A_17 = tpu.memref_slice %arg3[%add3A_10] : memref<320000xi32, #tpu.memory_space<hbm>> -> memref<16xi32, #tpu.memory_space<hbm>>
      tpu.enqueue_dma source(%dma_start3A_17 : memref<16xi32, #tpu.memory_space<hbm>>) target(%arg13 : memref<16xi32, #tpu.memory_space<vmem>>) target_semaphore(%run_scoped3A : memref<!tpu.dma_semaphore, #tpu.memory_space<semaphore_mem>>)
      %dma_wait3A_18 = tpu.memref_slice %arg3[%add3A_10] : memref<320000xi32, #tpu.memory_space<hbm>> -> memref<16xi32, #tpu.memory_space<hbm>>
      %dma_wait3A_19 = tpu.memref_slice %arg3[%add3A_10] : memref<320000xi32, #tpu.memory_space<hbm>> -> memref<16xi32, #tpu.memory_space<hbm>>
      tpu.wait_dma2 semaphore(%run_scoped3A : memref<!tpu.dma_semaphore, #tpu.memory_space<semaphore_mem>>) src(%dma_wait3A_19 : memref<16xi32, #tpu.memory_space<hbm>>) dst(%arg13 : memref<16xi32, #tpu.memory_space<vmem>>)
      tpu.yield
    }) : () -> ()
    "tpu.region"() ({
      %run_scoped3A = tpu.sem_alloc : memref<!tpu.dma_semaphore, #tpu.memory_space<semaphore_mem>>
      %dma_start3A_16 = tpu.memref_slice %arg4[%add3A_10] : memref<320000xi32, #tpu.memory_space<hbm>> -> memref<16xi32, #tpu.memory_space<hbm>>
      %dma_start3A_17 = tpu.memref_slice %arg4[%add3A_10] : memref<320000xi32, #tpu.memory_space<hbm>> -> memref<16xi32, #tpu.memory_space<hbm>>
      tpu.enqueue_dma source(%dma_start3A_17 : memref<16xi32, #tpu.memory_space<hbm>>) target(%arg14 : memref<16xi32, #tpu.memory_space<vmem>>) target_semaphore(%run_scoped3A : memref<!tpu.dma_semaphore, #tpu.memory_space<semaphore_mem>>)
      %dma_wait3A_18 = tpu.memref_slice %arg4[%add3A_10] : memref<320000xi32, #tpu.memory_space<hbm>> -> memref<16xi32, #tpu.memory_space<hbm>>
      %dma_wait3A_19 = tpu.memref_slice %arg4[%add3A_10] : memref<320000xi32, #tpu.memory_space<hbm>> -> memref<16xi32, #tpu.memory_space<hbm>>
      tpu.wait_dma2 semaphore(%run_scoped3A : memref<!tpu.dma_semaphore, #tpu.memory_space<semaphore_mem>>) src(%dma_wait3A_19 : memref<16xi32, #tpu.memory_space<hbm>>) dst(%arg14 : memref<16xi32, #tpu.memory_space<vmem>>)
      tpu.yield
    }) : () -> ()
    %dma_start3A = arith.constant 0 : i32
    %dma_start3A_11 = arith.constant 0 : i32
    %dma_start3A_12 = tpu.memref_slice %arg2[%dma_start3A, %dma_start3A_11] : memref<10000x128xf32, #tpu.memory_space<hbm>> -> memref<10000x128xf32, #tpu.memory_space<hbm>>
    tpu.enqueue_indirect_dma source(%dma_start3A_12 : memref<10000x128xf32, #tpu.memory_space<hbm>>) target(%arg15 : memref<16x128xf32, #tpu.memory_space<vmem>>) offsets(%arg13 : memref<16xi32, #tpu.memory_space<vmem>>) semaphore(%arg17 : memref<!tpu.dma_semaphore, #tpu.memory_space<semaphore_mem>>)
    %dma_wait3A = arith.constant 0 : i32
    %dma_wait3A_13 = arith.constant 0 : i32
    %dma_wait3A_14 = tpu.memref_slice %arg2[%dma_wait3A, %dma_wait3A_13] : memref<10000x128xf32, #tpu.memory_space<hbm>> -> memref<10000x128xf32, #tpu.memory_space<hbm>>
    tpu.wait_indirect_dma semaphore(%arg17 : memref<!tpu.dma_semaphore, #tpu.memory_space<semaphore_mem>>) src(%dma_wait3A_14 : memref<10000x128xf32, #tpu.memory_space<hbm>>) dst(%arg15 : memref<16x128xf32, #tpu.memory_space<vmem>>)
    "tpu.region"() ({
      %run_scoped3A = tpu.sem_alloc : memref<!tpu.dma_semaphore, #tpu.memory_space<semaphore_mem>>
      %dma_start3A_16 = arith.constant 0 : i32
      %dma_start3A_17 = arith.constant 0 : i32
      %dma_start3A_18 = tpu.memref_slice %arg16[%dma_start3A_16, %dma_start3A_17] : memref<10112x128xf32, #tpu.memory_space<vmem_shared>> -> memref<10112x128xf32, #tpu.memory_space<vmem_shared>>
      tpu.enqueue_indirect_dma source(%arg15 : memref<16x128xf32, #tpu.memory_space<vmem>>) target(%dma_start3A_18 : memref<10112x128xf32, #tpu.memory_space<vmem_shared>>) offsets(%arg14 : memref<16xi32, #tpu.memory_space<vmem>>) semaphore(%run_scoped3A : memref<!tpu.dma_semaphore, #tpu.memory_space<semaphore_mem>>) {add = true}
      %dma_wait3A_19 = arith.constant 0 : i32
      %dma_wait3A_20 = arith.constant 0 : i32
      %dma_wait3A_21 = tpu.memref_slice %arg16[%dma_wait3A_19, %dma_wait3A_20] : memref<10112x128xf32, #tpu.memory_space<vmem_shared>> -> memref<10112x128xf32, #tpu.memory_space<vmem_shared>>
      tpu.wait_indirect_dma semaphore(%run_scoped3A : memref<!tpu.dma_semaphore, #tpu.memory_space<semaphore_mem>>) src(%arg15 : memref<16x128xf32, #tpu.memory_space<vmem>>) dst(%dma_wait3A_21 : memref<10112x128xf32, #tpu.memory_space<vmem_shared>>)
      tpu.yield
    }) : () -> ()
    %barrier3A_15 = arith.constant 0 : index
    tpu.barrier barrier_id(%barrier3A_15)
    "tpu.region"() ({
      %run_scoped3A = tpu.sem_alloc : memref<!tpu.dma_semaphore, #tpu.memory_space<semaphore_mem>>
      %dma_start3A_16 = arith.constant 0 : i32
      %dma_start3A_17 = tpu.memref_slice %arg6[%arg0, %mul3A_2, %dma_start3A_16] : memref<2x10112x128xf32, #tpu.memory_space<hbm>> -> memref<1x632x128xf32, #tpu.memory_space<hbm>>
      %dma_start3A_18 = tpu.memref_squeeze %dma_start3A_17 : memref<1x632x128xf32, #tpu.memory_space<hbm>> -> memref<632x128xf32, #tpu.memory_space<hbm>>
      %dma_start3A_19 = arith.constant 0 : i32
      %dma_start3A_20 = tpu.memref_slice %arg16[%mul3A_2, %dma_start3A_19] : memref<10112x128xf32, #tpu.memory_space<vmem_shared>> -> memref<632x128xf32, #tpu.memory_space<vmem_shared>>
      tpu.enqueue_dma source(%dma_start3A_20 : memref<632x128xf32, #tpu.memory_space<vmem_shared>>) target(%dma_start3A_18 : memref<632x128xf32, #tpu.memory_space<hbm>>) target_semaphore(%run_scoped3A : memref<!tpu.dma_semaphore, #tpu.memory_space<semaphore_mem>>)
      %dma_wait3A_21 = arith.constant 0 : i32
      %dma_wait3A_22 = tpu.memref_slice %arg6[%arg0, %mul3A_2, %dma_wait3A_21] : memref<2x10112x128xf32, #tpu.memory_space<hbm>> -> memref<1x632x128xf32, #tpu.memory_space<hbm>>
      %dma_wait3A_23 = tpu.memref_squeeze %dma_wait3A_22 : memref<1x632x128xf32, #tpu.memory_space<hbm>> -> memref<632x128xf32, #tpu.memory_space<hbm>>
      %dma_wait3A_24 = arith.constant 0 : i32
      %dma_wait3A_25 = tpu.memref_slice %arg16[%mul3A_2, %dma_wait3A_24] : memref<10112x128xf32, #tpu.memory_space<vmem_shared>> -> memref<632x128xf32, #tpu.memory_space<vmem_shared>>
      tpu.wait_dma2 semaphore(%run_scoped3A : memref<!tpu.dma_semaphore, #tpu.memory_space<semaphore_mem>>) src(%dma_wait3A_25 : memref<632x128xf32, #tpu.memory_space<vmem_shared>>) dst(%dma_wait3A_23 : memref<632x128xf32, #tpu.memory_space<hbm>>)
      tpu.yield
    }) : () -> ()
    return
  }
}

#map = affine_map<(d0, d1) -> (0)>
#map1 = affine_map<(d0, d1) -> (0, 0)>
#map2 = affine_map<(d0, d1) -> (0, 0, 0)>
module attributes {stable_mosaic.version = 14 : i64} {
  func.func @k(%arg0: i32, %arg1: i32, %arg2: memref<320000xi32, #tpu.memory_space<hbm>>, %arg3: memref<128x128xf32, #tpu.memory_space<hbm>>, %arg4: memref<632x128xf32, #tpu.memory_space<hbm>>, %arg5: memref<2x10112x128xf32, #tpu.memory_space<hbm>>, %arg6: memref<128xi32, #tpu.memory_space<vmem>>, %arg7: memref<16xi32, #tpu.memory_space<vmem>>, %arg8: memref<128x128xf32, #tpu.memory_space<vmem>>, %arg9: memref<10112x128xf32, #tpu.memory_space<vmem_shared>>) attributes {dimension_semantics = [#tpu.dimension_semantics<core_parallel>, #tpu.dimension_semantics<subcore_parallel>], iteration_bounds = array<i64: 2, 16>, scalar_prefetch = 0 : i64, scratch_operands = 4 : i64, tpu.core_type = #tpu.core_type<sc_vector_subcore>, window_params = [{transform_indices = #map}, {transform_indices = #map1}, {transform_indices = #map1}, {transform_indices = #map2}]} {
    %mul3A = arith.constant 16 : i32
    %mul3A_0 = arith.muli %arg0, %mul3A : i32
    %add3A = arith.addi %mul3A_0, %arg1 : i32
    %mul3A_1 = arith.constant 632 : i32
    %mul3A_2 = arith.muli %arg1, %mul3A_1 : i32
    "tpu.region"() ({
      %run_scoped3A = tpu.sem_alloc : memref<!tpu.dma_semaphore, #tpu.memory_space<semaphore_mem>>
      tpu.enqueue_dma source(%arg3 : memref<128x128xf32, #tpu.memory_space<hbm>>) target(%arg8 : memref<128x128xf32, #tpu.memory_space<vmem>>) target_semaphore(%run_scoped3A : memref<!tpu.dma_semaphore, #tpu.memory_space<semaphore_mem>>)
      tpu.wait_dma2 semaphore(%run_scoped3A : memref<!tpu.dma_semaphore, #tpu.memory_space<semaphore_mem>>) src(%arg3 : memref<128x128xf32, #tpu.memory_space<hbm>>) dst(%arg8 : memref<128x128xf32, #tpu.memory_space<vmem>>)
      tpu.yield
    }) : () -> ()
    "tpu.region"() ({
      %run_scoped3A = tpu.sem_alloc : memref<!tpu.dma_semaphore, #tpu.memory_space<semaphore_mem>>
      %dma_start3A = arith.constant 0 : i32
      %dma_start3A_12 = tpu.memref_slice %arg9[%mul3A_2, %dma_start3A] : memref<10112x128xf32, #tpu.memory_space<vmem_shared>> -> memref<632x128xf32, #tpu.memory_space<vmem_shared>>
      tpu.enqueue_dma source(%arg4 : memref<632x128xf32, #tpu.memory_space<hbm>>) target(%dma_start3A_12 : memref<632x128xf32, #tpu.memory_space<vmem_shared>>) target_semaphore(%run_scoped3A : memref<!tpu.dma_semaphore, #tpu.memory_space<semaphore_mem>>)
      %dma_wait3A = arith.constant 0 : i32
      %dma_wait3A_13 = tpu.memref_slice %arg9[%mul3A_2, %dma_wait3A] : memref<10112x128xf32, #tpu.memory_space<vmem_shared>> -> memref<632x128xf32, #tpu.memory_space<vmem_shared>>
      tpu.wait_dma2 semaphore(%run_scoped3A : memref<!tpu.dma_semaphore, #tpu.memory_space<semaphore_mem>>) src(%arg4 : memref<632x128xf32, #tpu.memory_space<hbm>>) dst(%dma_wait3A_13 : memref<632x128xf32, #tpu.memory_space<vmem_shared>>)
      tpu.yield
    }) : () -> ()
    %barrier3A = arith.constant 0 : index
    tpu.barrier barrier_id(%barrier3A)
    %mul3A_3 = arith.constant 10000 : i32
    %mul3A_4 = arith.muli %add3A, %mul3A_3 : i32
    %scan3A = arith.constant 0 : i32
    %scan3A_5 = arith.constant 78 : i32
    %scan3A_6 = arith.addi %scan3A, %scan3A_5 : i32
    %scan3A_7 = arith.constant 1 : i32
    scf.for %scan3A_12 = %scan3A to %scan3A_6 step %scan3A_7  : i32 {
      %mul3A_13 = arith.constant 1 : i32
      %mul3A_14 = arith.muli %scan3A_12, %mul3A_13 : i32
      %add3A_15 = arith.constant 0 : i32
      %add3A_16 = arith.addi %add3A_15, %mul3A_14 : i32
      %mul3A_17 = arith.constant 128 : i32
      %mul3A_18 = arith.muli %add3A_16, %mul3A_17 : i32
      %add3A_19 = arith.addi %mul3A_4, %mul3A_18 : i32
      "tpu.region"() ({
        %run_scoped3A = tpu.sem_alloc : memref<!tpu.dma_semaphore, #tpu.memory_space<semaphore_mem>>
        %dma_start3A = tpu.memref_slice %arg2[%add3A_19] : memref<320000xi32, #tpu.memory_space<hbm>> -> memref<128xi32, #tpu.memory_space<hbm>>
        %dma_start3A_20 = tpu.memref_slice %arg2[%add3A_19] : memref<320000xi32, #tpu.memory_space<hbm>> -> memref<128xi32, #tpu.memory_space<hbm>>
        tpu.enqueue_dma source(%dma_start3A_20 : memref<128xi32, #tpu.memory_space<hbm>>) target(%arg6 : memref<128xi32, #tpu.memory_space<vmem>>) target_semaphore(%run_scoped3A : memref<!tpu.dma_semaphore, #tpu.memory_space<semaphore_mem>>)
        %dma_wait3A = tpu.memref_slice %arg2[%add3A_19] : memref<320000xi32, #tpu.memory_space<hbm>> -> memref<128xi32, #tpu.memory_space<hbm>>
        %dma_wait3A_21 = tpu.memref_slice %arg2[%add3A_19] : memref<320000xi32, #tpu.memory_space<hbm>> -> memref<128xi32, #tpu.memory_space<hbm>>
        tpu.wait_dma2 semaphore(%run_scoped3A : memref<!tpu.dma_semaphore, #tpu.memory_space<semaphore_mem>>) src(%dma_wait3A_21 : memref<128xi32, #tpu.memory_space<hbm>>) dst(%arg6 : memref<128xi32, #tpu.memory_space<vmem>>)
        tpu.yield
      }) : () -> ()
      "tpu.region"() ({
        %run_scoped3A = tpu.sem_alloc : memref<!tpu.dma_semaphore, #tpu.memory_space<semaphore_mem>>
        %dma_start3A = arith.constant 0 : i32
        %dma_start3A_20 = arith.constant 0 : i32
        %dma_start3A_21 = tpu.memref_slice %arg9[%dma_start3A, %dma_start3A_20] : memref<10112x128xf32, #tpu.memory_space<vmem_shared>> -> memref<10112x128xf32, #tpu.memory_space<vmem_shared>>
        tpu.enqueue_indirect_dma source(%arg8 : memref<128x128xf32, #tpu.memory_space<vmem>>) target(%dma_start3A_21 : memref<10112x128xf32, #tpu.memory_space<vmem_shared>>) offsets(%arg6 : memref<128xi32, #tpu.memory_space<vmem>>) semaphore(%run_scoped3A : memref<!tpu.dma_semaphore, #tpu.memory_space<semaphore_mem>>) {add = true}
        %dma_wait3A = arith.constant 0 : i32
        %dma_wait3A_22 = arith.constant 0 : i32
        %dma_wait3A_23 = tpu.memref_slice %arg9[%dma_wait3A, %dma_wait3A_22] : memref<10112x128xf32, #tpu.memory_space<vmem_shared>> -> memref<10112x128xf32, #tpu.memory_space<vmem_shared>>
        tpu.wait_indirect_dma semaphore(%run_scoped3A : memref<!tpu.dma_semaphore, #tpu.memory_space<semaphore_mem>>) src(%arg8 : memref<128x128xf32, #tpu.memory_space<vmem>>) dst(%dma_wait3A_23 : memref<10112x128xf32, #tpu.memory_space<vmem_shared>>)
        tpu.yield
      }) : () -> ()
    }
    %scan3A_8 = arith.constant 78 : i32
    %add3A_9 = arith.constant 9984 : i32
    %add3A_10 = arith.addi %mul3A_4, %add3A_9 : i32
    "tpu.region"() ({
      %run_scoped3A = tpu.sem_alloc : memref<!tpu.dma_semaphore, #tpu.memory_space<semaphore_mem>>
      %dma_start3A = tpu.memref_slice %arg2[%add3A_10] : memref<320000xi32, #tpu.memory_space<hbm>> -> memref<16xi32, #tpu.memory_space<hbm>>
      %dma_start3A_12 = tpu.memref_slice %arg2[%add3A_10] : memref<320000xi32, #tpu.memory_space<hbm>> -> memref<16xi32, #tpu.memory_space<hbm>>
      tpu.enqueue_dma source(%dma_start3A_12 : memref<16xi32, #tpu.memory_space<hbm>>) target(%arg7 : memref<16xi32, #tpu.memory_space<vmem>>) target_semaphore(%run_scoped3A : memref<!tpu.dma_semaphore, #tpu.memory_space<semaphore_mem>>)
      %dma_wait3A = tpu.memref_slice %arg2[%add3A_10] : memref<320000xi32, #tpu.memory_space<hbm>> -> memref<16xi32, #tpu.memory_space<hbm>>
      %dma_wait3A_13 = tpu.memref_slice %arg2[%add3A_10] : memref<320000xi32, #tpu.memory_space<hbm>> -> memref<16xi32, #tpu.memory_space<hbm>>
      tpu.wait_dma2 semaphore(%run_scoped3A : memref<!tpu.dma_semaphore, #tpu.memory_space<semaphore_mem>>) src(%dma_wait3A_13 : memref<16xi32, #tpu.memory_space<hbm>>) dst(%arg7 : memref<16xi32, #tpu.memory_space<vmem>>)
      tpu.yield
    }) : () -> ()
    "tpu.region"() ({
      %run_scoped3A = tpu.sem_alloc : memref<!tpu.dma_semaphore, #tpu.memory_space<semaphore_mem>>
      %dma_start3A = arith.constant 0 : i32
      %dma_start3A_12 = arith.constant 0 : i32
      %dma_start3A_13 = tpu.memref_slice %arg8[%dma_start3A, %dma_start3A_12] : memref<128x128xf32, #tpu.memory_space<vmem>> -> memref<16x128xf32, #tpu.memory_space<vmem>>
      %dma_start3A_14 = arith.constant 0 : i32
      %dma_start3A_15 = arith.constant 0 : i32
      %dma_start3A_16 = tpu.memref_slice %arg9[%dma_start3A_14, %dma_start3A_15] : memref<10112x128xf32, #tpu.memory_space<vmem_shared>> -> memref<10112x128xf32, #tpu.memory_space<vmem_shared>>
      tpu.enqueue_indirect_dma source(%dma_start3A_13 : memref<16x128xf32, #tpu.memory_space<vmem>>) target(%dma_start3A_16 : memref<10112x128xf32, #tpu.memory_space<vmem_shared>>) offsets(%arg7 : memref<16xi32, #tpu.memory_space<vmem>>) semaphore(%run_scoped3A : memref<!tpu.dma_semaphore, #tpu.memory_space<semaphore_mem>>) {add = true}
      %dma_wait3A = arith.constant 0 : i32
      %dma_wait3A_17 = arith.constant 0 : i32
      %dma_wait3A_18 = tpu.memref_slice %arg8[%dma_wait3A, %dma_wait3A_17] : memref<128x128xf32, #tpu.memory_space<vmem>> -> memref<16x128xf32, #tpu.memory_space<vmem>>
      %dma_wait3A_19 = arith.constant 0 : i32
      %dma_wait3A_20 = arith.constant 0 : i32
      %dma_wait3A_21 = tpu.memref_slice %arg9[%dma_wait3A_19, %dma_wait3A_20] : memref<10112x128xf32, #tpu.memory_space<vmem_shared>> -> memref<10112x128xf32, #tpu.memory_space<vmem_shared>>
      tpu.wait_indirect_dma semaphore(%run_scoped3A : memref<!tpu.dma_semaphore, #tpu.memory_space<semaphore_mem>>) src(%dma_wait3A_18 : memref<16x128xf32, #tpu.memory_space<vmem>>) dst(%dma_wait3A_21 : memref<10112x128xf32, #tpu.memory_space<vmem_shared>>)
      tpu.yield
    }) : () -> ()
    %barrier3A_11 = arith.constant 0 : index
    tpu.barrier barrier_id(%barrier3A_11)
    "tpu.region"() ({
      %run_scoped3A = tpu.sem_alloc : memref<!tpu.dma_semaphore, #tpu.memory_space<semaphore_mem>>
      %dma_start3A = arith.constant 0 : i32
      %dma_start3A_12 = tpu.memref_slice %arg5[%arg0, %mul3A_2, %dma_start3A] : memref<2x10112x128xf32, #tpu.memory_space<hbm>> -> memref<1x632x128xf32, #tpu.memory_space<hbm>>
      %dma_start3A_13 = tpu.memref_squeeze %dma_start3A_12 : memref<1x632x128xf32, #tpu.memory_space<hbm>> -> memref<632x128xf32, #tpu.memory_space<hbm>>
      %dma_start3A_14 = arith.constant 0 : i32
      %dma_start3A_15 = tpu.memref_slice %arg9[%mul3A_2, %dma_start3A_14] : memref<10112x128xf32, #tpu.memory_space<vmem_shared>> -> memref<632x128xf32, #tpu.memory_space<vmem_shared>>
      tpu.enqueue_dma source(%dma_start3A_15 : memref<632x128xf32, #tpu.memory_space<vmem_shared>>) target(%dma_start3A_13 : memref<632x128xf32, #tpu.memory_space<hbm>>) target_semaphore(%run_scoped3A : memref<!tpu.dma_semaphore, #tpu.memory_space<semaphore_mem>>)
      %dma_wait3A = arith.constant 0 : i32
      %dma_wait3A_16 = tpu.memref_slice %arg5[%arg0, %mul3A_2, %dma_wait3A] : memref<2x10112x128xf32, #tpu.memory_space<hbm>> -> memref<1x632x128xf32, #tpu.memory_space<hbm>>
      %dma_wait3A_17 = tpu.memref_squeeze %dma_wait3A_16 : memref<1x632x128xf32, #tpu.memory_space<hbm>> -> memref<632x128xf32, #tpu.memory_space<hbm>>
      %dma_wait3A_18 = arith.constant 0 : i32
      %dma_wait3A_19 = tpu.memref_slice %arg9[%mul3A_2, %dma_wait3A_18] : memref<10112x128xf32, #tpu.memory_space<vmem_shared>> -> memref<632x128xf32, #tpu.memory_space<vmem_shared>>
      tpu.wait_dma2 semaphore(%run_scoped3A : memref<!tpu.dma_semaphore, #tpu.memory_space<semaphore_mem>>) src(%dma_wait3A_19 : memref<632x128xf32, #tpu.memory_space<vmem_shared>>) dst(%dma_wait3A_17 : memref<632x128xf32, #tpu.memory_space<hbm>>)
      tpu.yield
    }) : () -> ()
    return
  }
}

#map = affine_map<(d0, d1) -> (0, 0)>
#map1 = affine_map<(d0, d1) -> (0)>
#map2 = affine_map<(d0, d1) -> (0, 0, 0)>
module attributes {stable_mosaic.version = 14 : i64} {
  func.func @k(%arg0: i32, %arg1: i32, %arg2: memref<10112x128xf32, #tpu.memory_space<hbm>>, %arg3: memref<320000xi32, #tpu.memory_space<hbm>>, %arg4: memref<320000xi32, #tpu.memory_space<hbm>>, %arg5: memref<632x128xf32, #tpu.memory_space<hbm>>, %arg6: memref<2x10112x128xf32, #tpu.memory_space<hbm>>, %arg7: memref<128xi32, #tpu.memory_space<vmem>>, %arg8: memref<128xi32, #tpu.memory_space<vmem>>, %arg9: memref<128xi32, #tpu.memory_space<vmem>>, %arg10: memref<128xi32, #tpu.memory_space<vmem>>, %arg11: memref<128x128xf32, #tpu.memory_space<vmem>>, %arg12: memref<128x128xf32, #tpu.memory_space<vmem>>, %arg13: memref<16xi32, #tpu.memory_space<vmem>>, %arg14: memref<16xi32, #tpu.memory_space<vmem>>, %arg15: memref<16x128xf32, #tpu.memory_space<vmem>>, %arg16: memref<10112x128xf32, #tpu.memory_space<vmem_shared>>, %arg17: memref<!tpu.dma_semaphore, #tpu.memory_space<semaphore_mem>>, %arg18: memref<!tpu.dma_semaphore, #tpu.memory_space<semaphore_mem>>, %arg19: memref<!tpu.dma_semaphore, #tpu.memory_space<semaphore_mem>>, %arg20: memref<!tpu.dma_semaphore, #tpu.memory_space<semaphore_mem>>, %arg21: memref<!tpu.dma_semaphore, #tpu.memory_space<semaphore_mem>>, %arg22: memref<!tpu.dma_semaphore, #tpu.memory_space<semaphore_mem>>) attributes {dimension_semantics = [#tpu.dimension_semantics<core_parallel>, #tpu.dimension_semantics<subcore_parallel>], iteration_bounds = array<i64: 2, 16>, scalar_prefetch = 0 : i64, scratch_operands = 16 : i64, tpu.core_type = #tpu.core_type<sc_vector_subcore>, window_params = [{transform_indices = #map}, {transform_indices = #map1}, {transform_indices = #map1}, {transform_indices = #map}, {transform_indices = #map2}]} {
    %mul3A = arith.constant 16 : i32
    %mul3A_0 = arith.muli %arg0, %mul3A : i32
    %add3A = arith.addi %mul3A_0, %arg1 : i32
    %mul3A_1 = arith.constant 632 : i32
    %mul3A_2 = arith.muli %arg1, %mul3A_1 : i32
    "tpu.region"() ({
      %run_scoped3A = tpu.sem_alloc : memref<!tpu.dma_semaphore, #tpu.memory_space<semaphore_mem>>
      %dma_start3A_16 = arith.constant 0 : i32
      %dma_start3A_17 = tpu.memref_slice %arg16[%mul3A_2, %dma_start3A_16] : memref<10112x128xf32, #tpu.memory_space<vmem_shared>> -> memref<632x128xf32, #tpu.memory_space<vmem_shared>>
      tpu.enqueue_dma source(%arg5 : memref<632x128xf32, #tpu.memory_space<hbm>>) target(%dma_start3A_17 : memref<632x128xf32, #tpu.memory_space<vmem_shared>>) target_semaphore(%run_scoped3A : memref<!tpu.dma_semaphore, #tpu.memory_space<semaphore_mem>>)
      %dma_wait3A_18 = arith.constant 0 : i32
      %dma_wait3A_19 = tpu.memref_slice %arg16[%mul3A_2, %dma_wait3A_18] : memref<10112x128xf32, #tpu.memory_space<vmem_shared>> -> memref<632x128xf32, #tpu.memory_space<vmem_shared>>
      tpu.wait_dma2 semaphore(%run_scoped3A : memref<!tpu.dma_semaphore, #tpu.memory_space<semaphore_mem>>) src(%arg5 : memref<632x128xf32, #tpu.memory_space<hbm>>) dst(%dma_wait3A_19 : memref<632x128xf32, #tpu.memory_space<vmem_shared>>)
      tpu.yield
    }) : () -> ()
    %barrier3A = arith.constant 0 : index
    tpu.barrier barrier_id(%barrier3A)
    %mul3A_3 = arith.constant 10000 : i32
    %mul3A_4 = arith.muli %add3A, %mul3A_3 : i32
    %scan3A = arith.constant 0 : i32
    %scan3A_5 = arith.constant 39 : i32
    %scan3A_6 = arith.addi %scan3A, %scan3A_5 : i32
    %scan3A_7 = arith.constant 1 : i32
    scf.for %scan3A_16 = %scan3A to %scan3A_6 step %scan3A_7  : i32 {
      %mul3A_17 = arith.constant 1 : i32
      %mul3A_18 = arith.muli %scan3A_16, %mul3A_17 : i32
      %add3A_19 = arith.constant 0 : i32
      %add3A_20 = arith.addi %add3A_19, %mul3A_18 : i32
      %mul3A_21 = arith.constant 2 : i32
      %mul3A_22 = arith.muli %mul3A_21, %add3A_20 : i32
      %mul3A_23 = arith.constant 128 : i32
      %mul3A_24 = arith.muli %mul3A_22, %mul3A_23 : i32
      %add3A_25 = arith.addi %mul3A_4, %mul3A_24 : i32
      %add3A_26 = arith.constant 128 : i32
      %add3A_27 = arith.addi %add3A_25, %add3A_26 : i32
      %dma_start3A_28 = tpu.memref_slice %arg3[%add3A_25] : memref<320000xi32, #tpu.memory_space<hbm>> -> memref<128xi32, #tpu.memory_space<hbm>>
      %dma_start3A_29 = tpu.memref_slice %arg3[%add3A_25] : memref<320000xi32, #tpu.memory_space<hbm>> -> memref<128xi32, #tpu.memory_space<hbm>>
      tpu.enqueue_dma source(%dma_start3A_29 : memref<128xi32, #tpu.memory_space<hbm>>) target(%arg7 : memref<128xi32, #tpu.memory_space<vmem>>) target_semaphore(%arg19 : memref<!tpu.dma_semaphore, #tpu.memory_space<semaphore_mem>>)
      %dma_start3A_30 = tpu.memref_slice %arg4[%add3A_25] : memref<320000xi32, #tpu.memory_space<hbm>> -> memref<128xi32, #tpu.memory_space<hbm>>
      %dma_start3A_31 = tpu.memref_slice %arg4[%add3A_25] : memref<320000xi32, #tpu.memory_space<hbm>> -> memref<128xi32, #tpu.memory_space<hbm>>
      tpu.enqueue_dma source(%dma_start3A_31 : memref<128xi32, #tpu.memory_space<hbm>>) target(%arg8 : memref<128xi32, #tpu.memory_space<vmem>>) target_semaphore(%arg20 : memref<!tpu.dma_semaphore, #tpu.memory_space<semaphore_mem>>)
      %dma_start3A_32 = tpu.memref_slice %arg3[%add3A_27] : memref<320000xi32, #tpu.memory_space<hbm>> -> memref<128xi32, #tpu.memory_space<hbm>>
      %dma_start3A_33 = tpu.memref_slice %arg3[%add3A_27] : memref<320000xi32, #tpu.memory_space<hbm>> -> memref<128xi32, #tpu.memory_space<hbm>>
      tpu.enqueue_dma source(%dma_start3A_33 : memref<128xi32, #tpu.memory_space<hbm>>) target(%arg9 : memref<128xi32, #tpu.memory_space<vmem>>) target_semaphore(%arg21 : memref<!tpu.dma_semaphore, #tpu.memory_space<semaphore_mem>>)
      %dma_start3A_34 = tpu.memref_slice %arg4[%add3A_27] : memref<320000xi32, #tpu.memory_space<hbm>> -> memref<128xi32, #tpu.memory_space<hbm>>
      %dma_start3A_35 = tpu.memref_slice %arg4[%add3A_27] : memref<320000xi32, #tpu.memory_space<hbm>> -> memref<128xi32, #tpu.memory_space<hbm>>
      tpu.enqueue_dma source(%dma_start3A_35 : memref<128xi32, #tpu.memory_space<hbm>>) target(%arg10 : memref<128xi32, #tpu.memory_space<vmem>>) target_semaphore(%arg22 : memref<!tpu.dma_semaphore, #tpu.memory_space<semaphore_mem>>)
      %dma_wait3A_36 = tpu.memref_slice %arg3[%add3A_25] : memref<320000xi32, #tpu.memory_space<hbm>> -> memref<128xi32, #tpu.memory_space<hbm>>
      %dma_wait3A_37 = tpu.memref_slice %arg3[%add3A_25] : memref<320000xi32, #tpu.memory_space<hbm>> -> memref<128xi32, #tpu.memory_space<hbm>>
      tpu.wait_dma2 semaphore(%arg19 : memref<!tpu.dma_semaphore, #tpu.memory_space<semaphore_mem>>) src(%dma_wait3A_37 : memref<128xi32, #tpu.memory_space<hbm>>) dst(%arg7 : memref<128xi32, #tpu.memory_space<vmem>>)
      %dma_start3A_38 = arith.constant 0 : i32
      %dma_start3A_39 = arith.constant 0 : i32
      %dma_start3A_40 = tpu.memref_slice %arg2[%dma_start3A_38, %dma_start3A_39] : memref<10112x128xf32, #tpu.memory_space<hbm>> -> memref<10112x128xf32, #tpu.memory_space<hbm>>
      tpu.enqueue_indirect_dma source(%dma_start3A_40 : memref<10112x128xf32, #tpu.memory_space<hbm>>) target(%arg11 : memref<128x128xf32, #tpu.memory_space<vmem>>) offsets(%arg7 : memref<128xi32, #tpu.memory_space<vmem>>) semaphore(%arg17 : memref<!tpu.dma_semaphore, #tpu.memory_space<semaphore_mem>>)
      %dma_wait3A_41 = tpu.memref_slice %arg3[%add3A_27] : memref<320000xi32, #tpu.memory_space<hbm>> -> memref<128xi32, #tpu.memory_space<hbm>>
      %dma_wait3A_42 = tpu.memref_slice %arg3[%add3A_27] : memref<320000xi32, #tpu.memory_space<hbm>> -> memref<128xi32, #tpu.memory_space<hbm>>
      tpu.wait_dma2 semaphore(%arg21 : memref<!tpu.dma_semaphore, #tpu.memory_space<semaphore_mem>>) src(%dma_wait3A_42 : memref<128xi32, #tpu.memory_space<hbm>>) dst(%arg9 : memref<128xi32, #tpu.memory_space<vmem>>)
      %dma_start3A_43 = arith.constant 0 : i32
      %dma_start3A_44 = arith.constant 0 : i32
      %dma_start3A_45 = tpu.memref_slice %arg2[%dma_start3A_43, %dma_start3A_44] : memref<10112x128xf32, #tpu.memory_space<hbm>> -> memref<10112x128xf32, #tpu.memory_space<hbm>>
      tpu.enqueue_indirect_dma source(%dma_start3A_45 : memref<10112x128xf32, #tpu.memory_space<hbm>>) target(%arg12 : memref<128x128xf32, #tpu.memory_space<vmem>>) offsets(%arg9 : memref<128xi32, #tpu.memory_space<vmem>>) semaphore(%arg18 : memref<!tpu.dma_semaphore, #tpu.memory_space<semaphore_mem>>)
      %dma_wait3A_46 = arith.constant 0 : i32
      %dma_wait3A_47 = arith.constant 0 : i32
      %dma_wait3A_48 = tpu.memref_slice %arg2[%dma_wait3A_46, %dma_wait3A_47] : memref<10112x128xf32, #tpu.memory_space<hbm>> -> memref<10112x128xf32, #tpu.memory_space<hbm>>
      tpu.wait_indirect_dma semaphore(%arg17 : memref<!tpu.dma_semaphore, #tpu.memory_space<semaphore_mem>>) src(%dma_wait3A_48 : memref<10112x128xf32, #tpu.memory_space<hbm>>) dst(%arg11 : memref<128x128xf32, #tpu.memory_space<vmem>>)
      %dma_wait3A_49 = tpu.memref_slice %arg4[%add3A_25] : memref<320000xi32, #tpu.memory_space<hbm>> -> memref<128xi32, #tpu.memory_space<hbm>>
      %dma_wait3A_50 = tpu.memref_slice %arg4[%add3A_25] : memref<320000xi32, #tpu.memory_space<hbm>> -> memref<128xi32, #tpu.memory_space<hbm>>
      tpu.wait_dma2 semaphore(%arg20 : memref<!tpu.dma_semaphore, #tpu.memory_space<semaphore_mem>>) src(%dma_wait3A_50 : memref<128xi32, #tpu.memory_space<hbm>>) dst(%arg8 : memref<128xi32, #tpu.memory_space<vmem>>)
      "tpu.region"() ({
        %run_scoped3A = tpu.sem_alloc : memref<!tpu.dma_semaphore, #tpu.memory_space<semaphore_mem>>
        %dma_start3A_56 = arith.constant 0 : i32
        %dma_start3A_57 = arith.constant 0 : i32
        %dma_start3A_58 = tpu.memref_slice %arg16[%dma_start3A_56, %dma_start3A_57] : memref<10112x128xf32, #tpu.memory_space<vmem_shared>> -> memref<10112x128xf32, #tpu.memory_space<vmem_shared>>
        tpu.enqueue_indirect_dma source(%arg11 : memref<128x128xf32, #tpu.memory_space<vmem>>) target(%dma_start3A_58 : memref<10112x128xf32, #tpu.memory_space<vmem_shared>>) offsets(%arg8 : memref<128xi32, #tpu.memory_space<vmem>>) semaphore(%run_scoped3A : memref<!tpu.dma_semaphore, #tpu.memory_space<semaphore_mem>>) {add = true}
        %dma_wait3A_59 = arith.constant 0 : i32
        %dma_wait3A_60 = arith.constant 0 : i32
        %dma_wait3A_61 = tpu.memref_slice %arg16[%dma_wait3A_59, %dma_wait3A_60] : memref<10112x128xf32, #tpu.memory_space<vmem_shared>> -> memref<10112x128xf32, #tpu.memory_space<vmem_shared>>
        tpu.wait_indirect_dma semaphore(%run_scoped3A : memref<!tpu.dma_semaphore, #tpu.memory_space<semaphore_mem>>) src(%arg11 : memref<128x128xf32, #tpu.memory_space<vmem>>) dst(%dma_wait3A_61 : memref<10112x128xf32, #tpu.memory_space<vmem_shared>>)
        tpu.yield
      }) : () -> ()
      %dma_wait3A_51 = arith.constant 0 : i32
      %dma_wait3A_52 = arith.constant 0 : i32
      %dma_wait3A_53 = tpu.memref_slice %arg2[%dma_wait3A_51, %dma_wait3A_52] : memref<10112x128xf32, #tpu.memory_space<hbm>> -> memref<10112x128xf32, #tpu.memory_space<hbm>>
      tpu.wait_indirect_dma semaphore(%arg18 : memref<!tpu.dma_semaphore, #tpu.memory_space<semaphore_mem>>) src(%dma_wait3A_53 : memref<10112x128xf32, #tpu.memory_space<hbm>>) dst(%arg12 : memref<128x128xf32, #tpu.memory_space<vmem>>)
      %dma_wait3A_54 = tpu.memref_slice %arg4[%add3A_27] : memref<320000xi32, #tpu.memory_space<hbm>> -> memref<128xi32, #tpu.memory_space<hbm>>
      %dma_wait3A_55 = tpu.memref_slice %arg4[%add3A_27] : memref<320000xi32, #tpu.memory_space<hbm>> -> memref<128xi32, #tpu.memory_space<hbm>>
      tpu.wait_dma2 semaphore(%arg22 : memref<!tpu.dma_semaphore, #tpu.memory_space<semaphore_mem>>) src(%dma_wait3A_55 : memref<128xi32, #tpu.memory_space<hbm>>) dst(%arg10 : memref<128xi32, #tpu.memory_space<vmem>>)
      "tpu.region"() ({
        %run_scoped3A = tpu.sem_alloc : memref<!tpu.dma_semaphore, #tpu.memory_space<semaphore_mem>>
        %dma_start3A_56 = arith.constant 0 : i32
        %dma_start3A_57 = arith.constant 0 : i32
        %dma_start3A_58 = tpu.memref_slice %arg16[%dma_start3A_56, %dma_start3A_57] : memref<10112x128xf32, #tpu.memory_space<vmem_shared>> -> memref<10112x128xf32, #tpu.memory_space<vmem_shared>>
        tpu.enqueue_indirect_dma source(%arg12 : memref<128x128xf32, #tpu.memory_space<vmem>>) target(%dma_start3A_58 : memref<10112x128xf32, #tpu.memory_space<vmem_shared>>) offsets(%arg10 : memref<128xi32, #tpu.memory_space<vmem>>) semaphore(%run_scoped3A : memref<!tpu.dma_semaphore, #tpu.memory_space<semaphore_mem>>) {add = true}
        %dma_wait3A_59 = arith.constant 0 : i32
        %dma_wait3A_60 = arith.constant 0 : i32
        %dma_wait3A_61 = tpu.memref_slice %arg16[%dma_wait3A_59, %dma_wait3A_60] : memref<10112x128xf32, #tpu.memory_space<vmem_shared>> -> memref<10112x128xf32, #tpu.memory_space<vmem_shared>>
        tpu.wait_indirect_dma semaphore(%run_scoped3A : memref<!tpu.dma_semaphore, #tpu.memory_space<semaphore_mem>>) src(%arg12 : memref<128x128xf32, #tpu.memory_space<vmem>>) dst(%dma_wait3A_61 : memref<10112x128xf32, #tpu.memory_space<vmem_shared>>)
        tpu.yield
      }) : () -> ()
    }
    %scan3A_8 = arith.constant 39 : i32
    %add3A_9 = arith.constant 9984 : i32
    %add3A_10 = arith.addi %mul3A_4, %add3A_9 : i32
    "tpu.region"() ({
      %run_scoped3A = tpu.sem_alloc : memref<!tpu.dma_semaphore, #tpu.memory_space<semaphore_mem>>
      %dma_start3A_16 = tpu.memref_slice %arg3[%add3A_10] : memref<320000xi32, #tpu.memory_space<hbm>> -> memref<16xi32, #tpu.memory_space<hbm>>
      %dma_start3A_17 = tpu.memref_slice %arg3[%add3A_10] : memref<320000xi32, #tpu.memory_space<hbm>> -> memref<16xi32, #tpu.memory_space<hbm>>
      tpu.enqueue_dma source(%dma_start3A_17 : memref<16xi32, #tpu.memory_space<hbm>>) target(%arg13 : memref<16xi32, #tpu.memory_space<vmem>>) target_semaphore(%run_scoped3A : memref<!tpu.dma_semaphore, #tpu.memory_space<semaphore_mem>>)
      %dma_wait3A_18 = tpu.memref_slice %arg3[%add3A_10] : memref<320000xi32, #tpu.memory_space<hbm>> -> memref<16xi32, #tpu.memory_space<hbm>>
      %dma_wait3A_19 = tpu.memref_slice %arg3[%add3A_10] : memref<320000xi32, #tpu.memory_space<hbm>> -> memref<16xi32, #tpu.memory_space<hbm>>
      tpu.wait_dma2 semaphore(%run_scoped3A : memref<!tpu.dma_semaphore, #tpu.memory_space<semaphore_mem>>) src(%dma_wait3A_19 : memref<16xi32, #tpu.memory_space<hbm>>) dst(%arg13 : memref<16xi32, #tpu.memory_space<vmem>>)
      tpu.yield
    }) : () -> ()
    "tpu.region"() ({
      %run_scoped3A = tpu.sem_alloc : memref<!tpu.dma_semaphore, #tpu.memory_space<semaphore_mem>>
      %dma_start3A_16 = tpu.memref_slice %arg4[%add3A_10] : memref<320000xi32, #tpu.memory_space<hbm>> -> memref<16xi32, #tpu.memory_space<hbm>>
      %dma_start3A_17 = tpu.memref_slice %arg4[%add3A_10] : memref<320000xi32, #tpu.memory_space<hbm>> -> memref<16xi32, #tpu.memory_space<hbm>>
      tpu.enqueue_dma source(%dma_start3A_17 : memref<16xi32, #tpu.memory_space<hbm>>) target(%arg14 : memref<16xi32, #tpu.memory_space<vmem>>) target_semaphore(%run_scoped3A : memref<!tpu.dma_semaphore, #tpu.memory_space<semaphore_mem>>)
      %dma_wait3A_18 = tpu.memref_slice %arg4[%add3A_10] : memref<320000xi32, #tpu.memory_space<hbm>> -> memref<16xi32, #tpu.memory_space<hbm>>
      %dma_wait3A_19 = tpu.memref_slice %arg4[%add3A_10] : memref<320000xi32, #tpu.memory_space<hbm>> -> memref<16xi32, #tpu.memory_space<hbm>>
      tpu.wait_dma2 semaphore(%run_scoped3A : memref<!tpu.dma_semaphore, #tpu.memory_space<semaphore_mem>>) src(%dma_wait3A_19 : memref<16xi32, #tpu.memory_space<hbm>>) dst(%arg14 : memref<16xi32, #tpu.memory_space<vmem>>)
      tpu.yield
    }) : () -> ()
    %dma_start3A = arith.constant 0 : i32
    %dma_start3A_11 = arith.constant 0 : i32
    %dma_start3A_12 = tpu.memref_slice %arg2[%dma_start3A, %dma_start3A_11] : memref<10112x128xf32, #tpu.memory_space<hbm>> -> memref<10112x128xf32, #tpu.memory_space<hbm>>
    tpu.enqueue_indirect_dma source(%dma_start3A_12 : memref<10112x128xf32, #tpu.memory_space<hbm>>) target(%arg15 : memref<16x128xf32, #tpu.memory_space<vmem>>) offsets(%arg13 : memref<16xi32, #tpu.memory_space<vmem>>) semaphore(%arg17 : memref<!tpu.dma_semaphore, #tpu.memory_space<semaphore_mem>>)
    %dma_wait3A = arith.constant 0 : i32
    %dma_wait3A_13 = arith.constant 0 : i32
    %dma_wait3A_14 = tpu.memref_slice %arg2[%dma_wait3A, %dma_wait3A_13] : memref<10112x128xf32, #tpu.memory_space<hbm>> -> memref<10112x128xf32, #tpu.memory_space<hbm>>
    tpu.wait_indirect_dma semaphore(%arg17 : memref<!tpu.dma_semaphore, #tpu.memory_space<semaphore_mem>>) src(%dma_wait3A_14 : memref<10112x128xf32, #tpu.memory_space<hbm>>) dst(%arg15 : memref<16x128xf32, #tpu.memory_space<vmem>>)
    "tpu.region"() ({
      %run_scoped3A = tpu.sem_alloc : memref<!tpu.dma_semaphore, #tpu.memory_space<semaphore_mem>>
      %dma_start3A_16 = arith.constant 0 : i32
      %dma_start3A_17 = arith.constant 0 : i32
      %dma_start3A_18 = tpu.memref_slice %arg16[%dma_start3A_16, %dma_start3A_17] : memref<10112x128xf32, #tpu.memory_space<vmem_shared>> -> memref<10112x128xf32, #tpu.memory_space<vmem_shared>>
      tpu.enqueue_indirect_dma source(%arg15 : memref<16x128xf32, #tpu.memory_space<vmem>>) target(%dma_start3A_18 : memref<10112x128xf32, #tpu.memory_space<vmem_shared>>) offsets(%arg14 : memref<16xi32, #tpu.memory_space<vmem>>) semaphore(%run_scoped3A : memref<!tpu.dma_semaphore, #tpu.memory_space<semaphore_mem>>) {add = true}
      %dma_wait3A_19 = arith.constant 0 : i32
      %dma_wait3A_20 = arith.constant 0 : i32
      %dma_wait3A_21 = tpu.memref_slice %arg16[%dma_wait3A_19, %dma_wait3A_20] : memref<10112x128xf32, #tpu.memory_space<vmem_shared>> -> memref<10112x128xf32, #tpu.memory_space<vmem_shared>>
      tpu.wait_indirect_dma semaphore(%run_scoped3A : memref<!tpu.dma_semaphore, #tpu.memory_space<semaphore_mem>>) src(%arg15 : memref<16x128xf32, #tpu.memory_space<vmem>>) dst(%dma_wait3A_21 : memref<10112x128xf32, #tpu.memory_space<vmem_shared>>)
      tpu.yield
    }) : () -> ()
    %barrier3A_15 = arith.constant 0 : index
    tpu.barrier barrier_id(%barrier3A_15)
    "tpu.region"() ({
      %run_scoped3A = tpu.sem_alloc : memref<!tpu.dma_semaphore, #tpu.memory_space<semaphore_mem>>
      %dma_start3A_16 = arith.constant 0 : i32
      %dma_start3A_17 = tpu.memref_slice %arg6[%arg0, %mul3A_2, %dma_start3A_16] : memref<2x10112x128xf32, #tpu.memory_space<hbm>> -> memref<1x632x128xf32, #tpu.memory_space<hbm>>
      %dma_start3A_18 = tpu.memref_squeeze %dma_start3A_17 : memref<1x632x128xf32, #tpu.memory_space<hbm>> -> memref<632x128xf32, #tpu.memory_space<hbm>>
      %dma_start3A_19 = arith.constant 0 : i32
      %dma_start3A_20 = tpu.memref_slice %arg16[%mul3A_2, %dma_start3A_19] : memref<10112x128xf32, #tpu.memory_space<vmem_shared>> -> memref<632x128xf32, #tpu.memory_space<vmem_shared>>
      tpu.enqueue_dma source(%dma_start3A_20 : memref<632x128xf32, #tpu.memory_space<vmem_shared>>) target(%dma_start3A_18 : memref<632x128xf32, #tpu.memory_space<hbm>>) target_semaphore(%run_scoped3A : memref<!tpu.dma_semaphore, #tpu.memory_space<semaphore_mem>>)
      %dma_wait3A_21 = arith.constant 0 : i32
      %dma_wait3A_22 = tpu.memref_slice %arg6[%arg0, %mul3A_2, %dma_wait3A_21] : memref<2x10112x128xf32, #tpu.memory_space<hbm>> -> memref<1x632x128xf32, #tpu.memory_space<hbm>>
      %dma_wait3A_23 = tpu.memref_squeeze %dma_wait3A_22 : memref<1x632x128xf32, #tpu.memory_space<hbm>> -> memref<632x128xf32, #tpu.memory_space<hbm>>
      %dma_wait3A_24 = arith.constant 0 : i32
      %dma_wait3A_25 = tpu.memref_slice %arg16[%mul3A_2, %dma_wait3A_24] : memref<10112x128xf32, #tpu.memory_space<vmem_shared>> -> memref<632x128xf32, #tpu.memory_space<vmem_shared>>
      tpu.wait_dma2 semaphore(%run_scoped3A : memref<!tpu.dma_semaphore, #tpu.memory_space<semaphore_mem>>) src(%dma_wait3A_25 : memref<632x128xf32, #tpu.memory_space<vmem_shared>>) dst(%dma_wait3A_23 : memref<632x128xf32, #tpu.memory_space<hbm>>)
      tpu.yield
    }) : () -> ()
    return
  }
}

#map = affine_map<(d0, d1) -> (0, 0)>
#map1 = affine_map<(d0, d1) -> (0)>
#map2 = affine_map<(d0, d1) -> (0, 0, 0)>
module attributes {stable_mosaic.version = 14 : i64} {
  func.func @k(%arg0: i32, %arg1: i32, %arg2: memref<10112x128xf32, #tpu.memory_space<hbm>>, %arg3: memref<320000xi32, #tpu.memory_space<hbm>>, %arg4: memref<320000xi32, #tpu.memory_space<hbm>>, %arg5: memref<632x128xf32, #tpu.memory_space<hbm>>, %arg6: memref<2x10112x128xf32, #tpu.memory_space<hbm>>, %arg7: memref<128xi32, #tpu.memory_space<vmem>>, %arg8: memref<128xi32, #tpu.memory_space<vmem>>, %arg9: memref<128xi32, #tpu.memory_space<vmem>>, %arg10: memref<128xi32, #tpu.memory_space<vmem>>, %arg11: memref<128x128xf32, #tpu.memory_space<vmem>>, %arg12: memref<128x128xf32, #tpu.memory_space<vmem>>, %arg13: memref<16xi32, #tpu.memory_space<vmem>>, %arg14: memref<16xi32, #tpu.memory_space<vmem>>, %arg15: memref<16x128xf32, #tpu.memory_space<vmem>>, %arg16: memref<10112x128xf32, #tpu.memory_space<vmem_shared>>, %arg17: memref<!tpu.dma_semaphore, #tpu.memory_space<semaphore_mem>>, %arg18: memref<!tpu.dma_semaphore, #tpu.memory_space<semaphore_mem>>, %arg19: memref<!tpu.dma_semaphore, #tpu.memory_space<semaphore_mem>>, %arg20: memref<!tpu.dma_semaphore, #tpu.memory_space<semaphore_mem>>, %arg21: memref<!tpu.dma_semaphore, #tpu.memory_space<semaphore_mem>>, %arg22: memref<!tpu.dma_semaphore, #tpu.memory_space<semaphore_mem>>) attributes {dimension_semantics = [#tpu.dimension_semantics<core_parallel>, #tpu.dimension_semantics<subcore_parallel>], iteration_bounds = array<i64: 2, 16>, scalar_prefetch = 0 : i64, scratch_operands = 16 : i64, tpu.core_type = #tpu.core_type<sc_vector_subcore>, window_params = [{transform_indices = #map}, {transform_indices = #map1}, {transform_indices = #map1}, {transform_indices = #map}, {transform_indices = #map2}]} {
    %mul3A = arith.constant 16 : i32
    %mul3A_0 = arith.muli %arg0, %mul3A : i32
    %add3A = arith.addi %mul3A_0, %arg1 : i32
    %mul3A_1 = arith.constant 632 : i32
    %mul3A_2 = arith.muli %arg1, %mul3A_1 : i32
    "tpu.region"() ({
      %run_scoped3A = tpu.sem_alloc : memref<!tpu.dma_semaphore, #tpu.memory_space<semaphore_mem>>
      %dma_start3A_16 = arith.constant 0 : i32
      %dma_start3A_17 = tpu.memref_slice %arg16[%mul3A_2, %dma_start3A_16] : memref<10112x128xf32, #tpu.memory_space<vmem_shared>> -> memref<632x128xf32, #tpu.memory_space<vmem_shared>>
      tpu.enqueue_dma source(%arg5 : memref<632x128xf32, #tpu.memory_space<hbm>>) target(%dma_start3A_17 : memref<632x128xf32, #tpu.memory_space<vmem_shared>>) target_semaphore(%run_scoped3A : memref<!tpu.dma_semaphore, #tpu.memory_space<semaphore_mem>>)
      %dma_wait3A_18 = arith.constant 0 : i32
      %dma_wait3A_19 = tpu.memref_slice %arg16[%mul3A_2, %dma_wait3A_18] : memref<10112x128xf32, #tpu.memory_space<vmem_shared>> -> memref<632x128xf32, #tpu.memory_space<vmem_shared>>
      tpu.wait_dma2 semaphore(%run_scoped3A : memref<!tpu.dma_semaphore, #tpu.memory_space<semaphore_mem>>) src(%arg5 : memref<632x128xf32, #tpu.memory_space<hbm>>) dst(%dma_wait3A_19 : memref<632x128xf32, #tpu.memory_space<vmem_shared>>)
      tpu.yield
    }) : () -> ()
    %barrier3A = arith.constant 0 : index
    tpu.barrier barrier_id(%barrier3A)
    %mul3A_3 = arith.constant 10000 : i32
    %mul3A_4 = arith.muli %add3A, %mul3A_3 : i32
    %scan3A = arith.constant 0 : i32
    %scan3A_5 = arith.constant 39 : i32
    %scan3A_6 = arith.addi %scan3A, %scan3A_5 : i32
    %scan3A_7 = arith.constant 1 : i32
    scf.for %scan3A_16 = %scan3A to %scan3A_6 step %scan3A_7  : i32 {
      %mul3A_17 = arith.constant 1 : i32
      %mul3A_18 = arith.muli %scan3A_16, %mul3A_17 : i32
      %add3A_19 = arith.constant 0 : i32
      %add3A_20 = arith.addi %add3A_19, %mul3A_18 : i32
      %mul3A_21 = arith.constant 2 : i32
      %mul3A_22 = arith.muli %mul3A_21, %add3A_20 : i32
      %mul3A_23 = arith.constant 128 : i32
      %mul3A_24 = arith.muli %mul3A_22, %mul3A_23 : i32
      %add3A_25 = arith.addi %mul3A_4, %mul3A_24 : i32
      %add3A_26 = arith.constant 128 : i32
      %add3A_27 = arith.addi %add3A_25, %add3A_26 : i32
      %dma_start3A_28 = tpu.memref_slice %arg3[%add3A_25] : memref<320000xi32, #tpu.memory_space<hbm>> -> memref<128xi32, #tpu.memory_space<hbm>>
      %dma_start3A_29 = tpu.memref_slice %arg3[%add3A_25] : memref<320000xi32, #tpu.memory_space<hbm>> -> memref<128xi32, #tpu.memory_space<hbm>>
      tpu.enqueue_dma source(%dma_start3A_29 : memref<128xi32, #tpu.memory_space<hbm>>) target(%arg7 : memref<128xi32, #tpu.memory_space<vmem>>) target_semaphore(%arg19 : memref<!tpu.dma_semaphore, #tpu.memory_space<semaphore_mem>>)
      %dma_start3A_30 = tpu.memref_slice %arg4[%add3A_25] : memref<320000xi32, #tpu.memory_space<hbm>> -> memref<128xi32, #tpu.memory_space<hbm>>
      %dma_start3A_31 = tpu.memref_slice %arg4[%add3A_25] : memref<320000xi32, #tpu.memory_space<hbm>> -> memref<128xi32, #tpu.memory_space<hbm>>
      tpu.enqueue_dma source(%dma_start3A_31 : memref<128xi32, #tpu.memory_space<hbm>>) target(%arg8 : memref<128xi32, #tpu.memory_space<vmem>>) target_semaphore(%arg20 : memref<!tpu.dma_semaphore, #tpu.memory_space<semaphore_mem>>)
      %dma_start3A_32 = tpu.memref_slice %arg3[%add3A_27] : memref<320000xi32, #tpu.memory_space<hbm>> -> memref<128xi32, #tpu.memory_space<hbm>>
      %dma_start3A_33 = tpu.memref_slice %arg3[%add3A_27] : memref<320000xi32, #tpu.memory_space<hbm>> -> memref<128xi32, #tpu.memory_space<hbm>>
      tpu.enqueue_dma source(%dma_start3A_33 : memref<128xi32, #tpu.memory_space<hbm>>) target(%arg9 : memref<128xi32, #tpu.memory_space<vmem>>) target_semaphore(%arg21 : memref<!tpu.dma_semaphore, #tpu.memory_space<semaphore_mem>>)
      %dma_start3A_34 = tpu.memref_slice %arg4[%add3A_27] : memref<320000xi32, #tpu.memory_space<hbm>> -> memref<128xi32, #tpu.memory_space<hbm>>
      %dma_start3A_35 = tpu.memref_slice %arg4[%add3A_27] : memref<320000xi32, #tpu.memory_space<hbm>> -> memref<128xi32, #tpu.memory_space<hbm>>
      tpu.enqueue_dma source(%dma_start3A_35 : memref<128xi32, #tpu.memory_space<hbm>>) target(%arg10 : memref<128xi32, #tpu.memory_space<vmem>>) target_semaphore(%arg22 : memref<!tpu.dma_semaphore, #tpu.memory_space<semaphore_mem>>)
      %dma_wait3A_36 = tpu.memref_slice %arg3[%add3A_25] : memref<320000xi32, #tpu.memory_space<hbm>> -> memref<128xi32, #tpu.memory_space<hbm>>
      %dma_wait3A_37 = tpu.memref_slice %arg3[%add3A_25] : memref<320000xi32, #tpu.memory_space<hbm>> -> memref<128xi32, #tpu.memory_space<hbm>>
      tpu.wait_dma2 semaphore(%arg19 : memref<!tpu.dma_semaphore, #tpu.memory_space<semaphore_mem>>) src(%dma_wait3A_37 : memref<128xi32, #tpu.memory_space<hbm>>) dst(%arg7 : memref<128xi32, #tpu.memory_space<vmem>>)
      %dma_start3A_38 = arith.constant 0 : i32
      %dma_start3A_39 = arith.constant 0 : i32
      %dma_start3A_40 = tpu.memref_slice %arg2[%dma_start3A_38, %dma_start3A_39] : memref<10112x128xf32, #tpu.memory_space<hbm>> -> memref<10112x128xf32, #tpu.memory_space<hbm>>
      tpu.enqueue_indirect_dma source(%dma_start3A_40 : memref<10112x128xf32, #tpu.memory_space<hbm>>) target(%arg11 : memref<128x128xf32, #tpu.memory_space<vmem>>) offsets(%arg7 : memref<128xi32, #tpu.memory_space<vmem>>) semaphore(%arg17 : memref<!tpu.dma_semaphore, #tpu.memory_space<semaphore_mem>>)
      %dma_wait3A_41 = tpu.memref_slice %arg3[%add3A_27] : memref<320000xi32, #tpu.memory_space<hbm>> -> memref<128xi32, #tpu.memory_space<hbm>>
      %dma_wait3A_42 = tpu.memref_slice %arg3[%add3A_27] : memref<320000xi32, #tpu.memory_space<hbm>> -> memref<128xi32, #tpu.memory_space<hbm>>
      tpu.wait_dma2 semaphore(%arg21 : memref<!tpu.dma_semaphore, #tpu.memory_space<semaphore_mem>>) src(%dma_wait3A_42 : memref<128xi32, #tpu.memory_space<hbm>>) dst(%arg9 : memref<128xi32, #tpu.memory_space<vmem>>)
      %dma_start3A_43 = arith.constant 0 : i32
      %dma_start3A_44 = arith.constant 0 : i32
      %dma_start3A_45 = tpu.memref_slice %arg2[%dma_start3A_43, %dma_start3A_44] : memref<10112x128xf32, #tpu.memory_space<hbm>> -> memref<10112x128xf32, #tpu.memory_space<hbm>>
      tpu.enqueue_indirect_dma source(%dma_start3A_45 : memref<10112x128xf32, #tpu.memory_space<hbm>>) target(%arg12 : memref<128x128xf32, #tpu.memory_space<vmem>>) offsets(%arg9 : memref<128xi32, #tpu.memory_space<vmem>>) semaphore(%arg18 : memref<!tpu.dma_semaphore, #tpu.memory_space<semaphore_mem>>)
      %dma_wait3A_46 = arith.constant 0 : i32
      %dma_wait3A_47 = arith.constant 0 : i32
      %dma_wait3A_48 = tpu.memref_slice %arg2[%dma_wait3A_46, %dma_wait3A_47] : memref<10112x128xf32, #tpu.memory_space<hbm>> -> memref<10112x128xf32, #tpu.memory_space<hbm>>
      tpu.wait_indirect_dma semaphore(%arg17 : memref<!tpu.dma_semaphore, #tpu.memory_space<semaphore_mem>>) src(%dma_wait3A_48 : memref<10112x128xf32, #tpu.memory_space<hbm>>) dst(%arg11 : memref<128x128xf32, #tpu.memory_space<vmem>>)
      %dma_wait3A_49 = tpu.memref_slice %arg4[%add3A_25] : memref<320000xi32, #tpu.memory_space<hbm>> -> memref<128xi32, #tpu.memory_space<hbm>>
      %dma_wait3A_50 = tpu.memref_slice %arg4[%add3A_25] : memref<320000xi32, #tpu.memory_space<hbm>> -> memref<128xi32, #tpu.memory_space<hbm>>
      tpu.wait_dma2 semaphore(%arg20 : memref<!tpu.dma_semaphore, #tpu.memory_space<semaphore_mem>>) src(%dma_wait3A_50 : memref<128xi32, #tpu.memory_space<hbm>>) dst(%arg8 : memref<128xi32, #tpu.memory_space<vmem>>)
      "tpu.region"() ({
        %run_scoped3A = tpu.sem_alloc : memref<!tpu.dma_semaphore, #tpu.memory_space<semaphore_mem>>
        %dma_start3A_56 = arith.constant 0 : i32
        %dma_start3A_57 = arith.constant 0 : i32
        %dma_start3A_58 = tpu.memref_slice %arg16[%dma_start3A_56, %dma_start3A_57] : memref<10112x128xf32, #tpu.memory_space<vmem_shared>> -> memref<10112x128xf32, #tpu.memory_space<vmem_shared>>
        tpu.enqueue_indirect_dma source(%arg11 : memref<128x128xf32, #tpu.memory_space<vmem>>) target(%dma_start3A_58 : memref<10112x128xf32, #tpu.memory_space<vmem_shared>>) offsets(%arg8 : memref<128xi32, #tpu.memory_space<vmem>>) semaphore(%run_scoped3A : memref<!tpu.dma_semaphore, #tpu.memory_space<semaphore_mem>>) {add = true}
        %dma_wait3A_59 = arith.constant 0 : i32
        %dma_wait3A_60 = arith.constant 0 : i32
        %dma_wait3A_61 = tpu.memref_slice %arg16[%dma_wait3A_59, %dma_wait3A_60] : memref<10112x128xf32, #tpu.memory_space<vmem_shared>> -> memref<10112x128xf32, #tpu.memory_space<vmem_shared>>
        tpu.wait_indirect_dma semaphore(%run_scoped3A : memref<!tpu.dma_semaphore, #tpu.memory_space<semaphore_mem>>) src(%arg11 : memref<128x128xf32, #tpu.memory_space<vmem>>) dst(%dma_wait3A_61 : memref<10112x128xf32, #tpu.memory_space<vmem_shared>>)
        tpu.yield
      }) : () -> ()
      %dma_wait3A_51 = arith.constant 0 : i32
      %dma_wait3A_52 = arith.constant 0 : i32
      %dma_wait3A_53 = tpu.memref_slice %arg2[%dma_wait3A_51, %dma_wait3A_52] : memref<10112x128xf32, #tpu.memory_space<hbm>> -> memref<10112x128xf32, #tpu.memory_space<hbm>>
      tpu.wait_indirect_dma semaphore(%arg18 : memref<!tpu.dma_semaphore, #tpu.memory_space<semaphore_mem>>) src(%dma_wait3A_53 : memref<10112x128xf32, #tpu.memory_space<hbm>>) dst(%arg12 : memref<128x128xf32, #tpu.memory_space<vmem>>)
      %dma_wait3A_54 = tpu.memref_slice %arg4[%add3A_27] : memref<320000xi32, #tpu.memory_space<hbm>> -> memref<128xi32, #tpu.memory_space<hbm>>
      %dma_wait3A_55 = tpu.memref_slice %arg4[%add3A_27] : memref<320000xi32, #tpu.memory_space<hbm>> -> memref<128xi32, #tpu.memory_space<hbm>>
      tpu.wait_dma2 semaphore(%arg22 : memref<!tpu.dma_semaphore, #tpu.memory_space<semaphore_mem>>) src(%dma_wait3A_55 : memref<128xi32, #tpu.memory_space<hbm>>) dst(%arg10 : memref<128xi32, #tpu.memory_space<vmem>>)
      "tpu.region"() ({
        %run_scoped3A = tpu.sem_alloc : memref<!tpu.dma_semaphore, #tpu.memory_space<semaphore_mem>>
        %dma_start3A_56 = arith.constant 0 : i32
        %dma_start3A_57 = arith.constant 0 : i32
        %dma_start3A_58 = tpu.memref_slice %arg16[%dma_start3A_56, %dma_start3A_57] : memref<10112x128xf32, #tpu.memory_space<vmem_shared>> -> memref<10112x128xf32, #tpu.memory_space<vmem_shared>>
        tpu.enqueue_indirect_dma source(%arg12 : memref<128x128xf32, #tpu.memory_space<vmem>>) target(%dma_start3A_58 : memref<10112x128xf32, #tpu.memory_space<vmem_shared>>) offsets(%arg10 : memref<128xi32, #tpu.memory_space<vmem>>) semaphore(%run_scoped3A : memref<!tpu.dma_semaphore, #tpu.memory_space<semaphore_mem>>) {add = true}
        %dma_wait3A_59 = arith.constant 0 : i32
        %dma_wait3A_60 = arith.constant 0 : i32
        %dma_wait3A_61 = tpu.memref_slice %arg16[%dma_wait3A_59, %dma_wait3A_60] : memref<10112x128xf32, #tpu.memory_space<vmem_shared>> -> memref<10112x128xf32, #tpu.memory_space<vmem_shared>>
        tpu.wait_indirect_dma semaphore(%run_scoped3A : memref<!tpu.dma_semaphore, #tpu.memory_space<semaphore_mem>>) src(%arg12 : memref<128x128xf32, #tpu.memory_space<vmem>>) dst(%dma_wait3A_61 : memref<10112x128xf32, #tpu.memory_space<vmem_shared>>)
        tpu.yield
      }) : () -> ()
    }
    %scan3A_8 = arith.constant 39 : i32
    %add3A_9 = arith.constant 9984 : i32
    %add3A_10 = arith.addi %mul3A_4, %add3A_9 : i32
    "tpu.region"() ({
      %run_scoped3A = tpu.sem_alloc : memref<!tpu.dma_semaphore, #tpu.memory_space<semaphore_mem>>
      %dma_start3A_16 = tpu.memref_slice %arg3[%add3A_10] : memref<320000xi32, #tpu.memory_space<hbm>> -> memref<16xi32, #tpu.memory_space<hbm>>
      %dma_start3A_17 = tpu.memref_slice %arg3[%add3A_10] : memref<320000xi32, #tpu.memory_space<hbm>> -> memref<16xi32, #tpu.memory_space<hbm>>
      tpu.enqueue_dma source(%dma_start3A_17 : memref<16xi32, #tpu.memory_space<hbm>>) target(%arg13 : memref<16xi32, #tpu.memory_space<vmem>>) target_semaphore(%run_scoped3A : memref<!tpu.dma_semaphore, #tpu.memory_space<semaphore_mem>>)
      %dma_wait3A_18 = tpu.memref_slice %arg3[%add3A_10] : memref<320000xi32, #tpu.memory_space<hbm>> -> memref<16xi32, #tpu.memory_space<hbm>>
      %dma_wait3A_19 = tpu.memref_slice %arg3[%add3A_10] : memref<320000xi32, #tpu.memory_space<hbm>> -> memref<16xi32, #tpu.memory_space<hbm>>
      tpu.wait_dma2 semaphore(%run_scoped3A : memref<!tpu.dma_semaphore, #tpu.memory_space<semaphore_mem>>) src(%dma_wait3A_19 : memref<16xi32, #tpu.memory_space<hbm>>) dst(%arg13 : memref<16xi32, #tpu.memory_space<vmem>>)
      tpu.yield
    }) : () -> ()
    "tpu.region"() ({
      %run_scoped3A = tpu.sem_alloc : memref<!tpu.dma_semaphore, #tpu.memory_space<semaphore_mem>>
      %dma_start3A_16 = tpu.memref_slice %arg4[%add3A_10] : memref<320000xi32, #tpu.memory_space<hbm>> -> memref<16xi32, #tpu.memory_space<hbm>>
      %dma_start3A_17 = tpu.memref_slice %arg4[%add3A_10] : memref<320000xi32, #tpu.memory_space<hbm>> -> memref<16xi32, #tpu.memory_space<hbm>>
      tpu.enqueue_dma source(%dma_start3A_17 : memref<16xi32, #tpu.memory_space<hbm>>) target(%arg14 : memref<16xi32, #tpu.memory_space<vmem>>) target_semaphore(%run_scoped3A : memref<!tpu.dma_semaphore, #tpu.memory_space<semaphore_mem>>)
      %dma_wait3A_18 = tpu.memref_slice %arg4[%add3A_10] : memref<320000xi32, #tpu.memory_space<hbm>> -> memref<16xi32, #tpu.memory_space<hbm>>
      %dma_wait3A_19 = tpu.memref_slice %arg4[%add3A_10] : memref<320000xi32, #tpu.memory_space<hbm>> -> memref<16xi32, #tpu.memory_space<hbm>>
      tpu.wait_dma2 semaphore(%run_scoped3A : memref<!tpu.dma_semaphore, #tpu.memory_space<semaphore_mem>>) src(%dma_wait3A_19 : memref<16xi32, #tpu.memory_space<hbm>>) dst(%arg14 : memref<16xi32, #tpu.memory_space<vmem>>)
      tpu.yield
    }) : () -> ()
    %dma_start3A = arith.constant 0 : i32
    %dma_start3A_11 = arith.constant 0 : i32
    %dma_start3A_12 = tpu.memref_slice %arg2[%dma_start3A, %dma_start3A_11] : memref<10112x128xf32, #tpu.memory_space<hbm>> -> memref<10112x128xf32, #tpu.memory_space<hbm>>
    tpu.enqueue_indirect_dma source(%dma_start3A_12 : memref<10112x128xf32, #tpu.memory_space<hbm>>) target(%arg15 : memref<16x128xf32, #tpu.memory_space<vmem>>) offsets(%arg13 : memref<16xi32, #tpu.memory_space<vmem>>) semaphore(%arg17 : memref<!tpu.dma_semaphore, #tpu.memory_space<semaphore_mem>>)
    %dma_wait3A = arith.constant 0 : i32
    %dma_wait3A_13 = arith.constant 0 : i32
    %dma_wait3A_14 = tpu.memref_slice %arg2[%dma_wait3A, %dma_wait3A_13] : memref<10112x128xf32, #tpu.memory_space<hbm>> -> memref<10112x128xf32, #tpu.memory_space<hbm>>
    tpu.wait_indirect_dma semaphore(%arg17 : memref<!tpu.dma_semaphore, #tpu.memory_space<semaphore_mem>>) src(%dma_wait3A_14 : memref<10112x128xf32, #tpu.memory_space<hbm>>) dst(%arg15 : memref<16x128xf32, #tpu.memory_space<vmem>>)
    "tpu.region"() ({
      %run_scoped3A = tpu.sem_alloc : memref<!tpu.dma_semaphore, #tpu.memory_space<semaphore_mem>>
      %dma_start3A_16 = arith.constant 0 : i32
      %dma_start3A_17 = arith.constant 0 : i32
      %dma_start3A_18 = tpu.memref_slice %arg16[%dma_start3A_16, %dma_start3A_17] : memref<10112x128xf32, #tpu.memory_space<vmem_shared>> -> memref<10112x128xf32, #tpu.memory_space<vmem_shared>>
      tpu.enqueue_indirect_dma source(%arg15 : memref<16x128xf32, #tpu.memory_space<vmem>>) target(%dma_start3A_18 : memref<10112x128xf32, #tpu.memory_space<vmem_shared>>) offsets(%arg14 : memref<16xi32, #tpu.memory_space<vmem>>) semaphore(%run_scoped3A : memref<!tpu.dma_semaphore, #tpu.memory_space<semaphore_mem>>) {add = true}
      %dma_wait3A_19 = arith.constant 0 : i32
      %dma_wait3A_20 = arith.constant 0 : i32
      %dma_wait3A_21 = tpu.memref_slice %arg16[%dma_wait3A_19, %dma_wait3A_20] : memref<10112x128xf32, #tpu.memory_space<vmem_shared>> -> memref<10112x128xf32, #tpu.memory_space<vmem_shared>>
      tpu.wait_indirect_dma semaphore(%run_scoped3A : memref<!tpu.dma_semaphore, #tpu.memory_space<semaphore_mem>>) src(%arg15 : memref<16x128xf32, #tpu.memory_space<vmem>>) dst(%dma_wait3A_21 : memref<10112x128xf32, #tpu.memory_space<vmem_shared>>)
      tpu.yield
    }) : () -> ()
    %barrier3A_15 = arith.constant 0 : index
    tpu.barrier barrier_id(%barrier3A_15)
    "tpu.region"() ({
      %run_scoped3A = tpu.sem_alloc : memref<!tpu.dma_semaphore, #tpu.memory_space<semaphore_mem>>
      %dma_start3A_16 = arith.constant 0 : i32
      %dma_start3A_17 = tpu.memref_slice %arg6[%arg0, %mul3A_2, %dma_start3A_16] : memref<2x10112x128xf32, #tpu.memory_space<hbm>> -> memref<1x632x128xf32, #tpu.memory_space<hbm>>
      %dma_start3A_18 = tpu.memref_squeeze %dma_start3A_17 : memref<1x632x128xf32, #tpu.memory_space<hbm>> -> memref<632x128xf32, #tpu.memory_space<hbm>>
      %dma_start3A_19 = arith.constant 0 : i32
      %dma_start3A_20 = tpu.memref_slice %arg16[%mul3A_2, %dma_start3A_19] : memref<10112x128xf32, #tpu.memory_space<vmem_shared>> -> memref<632x128xf32, #tpu.memory_space<vmem_shared>>
      tpu.enqueue_dma source(%dma_start3A_20 : memref<632x128xf32, #tpu.memory_space<vmem_shared>>) target(%dma_start3A_18 : memref<632x128xf32, #tpu.memory_space<hbm>>) target_semaphore(%run_scoped3A : memref<!tpu.dma_semaphore, #tpu.memory_space<semaphore_mem>>)
      %dma_wait3A_21 = arith.constant 0 : i32
      %dma_wait3A_22 = tpu.memref_slice %arg6[%arg0, %mul3A_2, %dma_wait3A_21] : memref<2x10112x128xf32, #tpu.memory_space<hbm>> -> memref<1x632x128xf32, #tpu.memory_space<hbm>>
      %dma_wait3A_23 = tpu.memref_squeeze %dma_wait3A_22 : memref<1x632x128xf32, #tpu.memory_space<hbm>> -> memref<632x128xf32, #tpu.memory_space<hbm>>
      %dma_wait3A_24 = arith.constant 0 : i32
      %dma_wait3A_25 = tpu.memref_slice %arg16[%mul3A_2, %dma_wait3A_24] : memref<10112x128xf32, #tpu.memory_space<vmem_shared>> -> memref<632x128xf32, #tpu.memory_space<vmem_shared>>
      tpu.wait_dma2 semaphore(%run_scoped3A : memref<!tpu.dma_semaphore, #tpu.memory_space<semaphore_mem>>) src(%dma_wait3A_25 : memref<632x128xf32, #tpu.memory_space<vmem_shared>>) dst(%dma_wait3A_23 : memref<632x128xf32, #tpu.memory_space<hbm>>)
      tpu.yield
    }) : () -> ()
    return
  }
}

#map = affine_map<(d0, d1) -> (0, 0)>
#map1 = affine_map<(d0, d1) -> (0)>
#map2 = affine_map<(d0, d1) -> (0, 0, 0)>
module attributes {stable_mosaic.version = 14 : i64} {
  func.func @k(%arg0: i32, %arg1: i32, %arg2: memref<10000x128xf32, #tpu.memory_space<hbm>>, %arg3: memref<320000xi32, #tpu.memory_space<hbm>>, %arg4: memref<320000xi32, #tpu.memory_space<hbm>>, %arg5: memref<632x128xf32, #tpu.memory_space<hbm>>, %arg6: memref<2x10112x128xf32, #tpu.memory_space<hbm>>, %arg7: memref<128xi32, #tpu.memory_space<vmem>>, %arg8: memref<128xi32, #tpu.memory_space<vmem>>, %arg9: memref<128xi32, #tpu.memory_space<vmem>>, %arg10: memref<128xi32, #tpu.memory_space<vmem>>, %arg11: memref<128x128xf32, #tpu.memory_space<vmem>>, %arg12: memref<128x128xf32, #tpu.memory_space<vmem>>, %arg13: memref<16xi32, #tpu.memory_space<vmem>>, %arg14: memref<16xi32, #tpu.memory_space<vmem>>, %arg15: memref<16x128xf32, #tpu.memory_space<vmem>>, %arg16: memref<10112x128xf32, #tpu.memory_space<vmem_shared>>, %arg17: memref<!tpu.dma_semaphore, #tpu.memory_space<semaphore_mem>>, %arg18: memref<!tpu.dma_semaphore, #tpu.memory_space<semaphore_mem>>, %arg19: memref<!tpu.dma_semaphore, #tpu.memory_space<semaphore_mem>>, %arg20: memref<!tpu.dma_semaphore, #tpu.memory_space<semaphore_mem>>, %arg21: memref<!tpu.dma_semaphore, #tpu.memory_space<semaphore_mem>>, %arg22: memref<!tpu.dma_semaphore, #tpu.memory_space<semaphore_mem>>) attributes {dimension_semantics = [#tpu.dimension_semantics<core_parallel>, #tpu.dimension_semantics<subcore_parallel>], iteration_bounds = array<i64: 2, 16>, scalar_prefetch = 0 : i64, scratch_operands = 16 : i64, tpu.core_type = #tpu.core_type<sc_vector_subcore>, window_params = [{transform_indices = #map}, {transform_indices = #map1}, {transform_indices = #map1}, {transform_indices = #map}, {transform_indices = #map2}]} {
    %mul3A = arith.constant 16 : i32
    %mul3A_0 = arith.muli %arg0, %mul3A : i32
    %add3A = arith.addi %mul3A_0, %arg1 : i32
    %mul3A_1 = arith.constant 632 : i32
    %mul3A_2 = arith.muli %arg1, %mul3A_1 : i32
    "tpu.region"() ({
      %run_scoped3A = tpu.sem_alloc : memref<!tpu.dma_semaphore, #tpu.memory_space<semaphore_mem>>
      %dma_start3A_16 = arith.constant 0 : i32
      %dma_start3A_17 = tpu.memref_slice %arg16[%mul3A_2, %dma_start3A_16] : memref<10112x128xf32, #tpu.memory_space<vmem_shared>> -> memref<632x128xf32, #tpu.memory_space<vmem_shared>>
      tpu.enqueue_dma source(%arg5 : memref<632x128xf32, #tpu.memory_space<hbm>>) target(%dma_start3A_17 : memref<632x128xf32, #tpu.memory_space<vmem_shared>>) target_semaphore(%run_scoped3A : memref<!tpu.dma_semaphore, #tpu.memory_space<semaphore_mem>>)
      %dma_wait3A_18 = arith.constant 0 : i32
      %dma_wait3A_19 = tpu.memref_slice %arg16[%mul3A_2, %dma_wait3A_18] : memref<10112x128xf32, #tpu.memory_space<vmem_shared>> -> memref<632x128xf32, #tpu.memory_space<vmem_shared>>
      tpu.wait_dma2 semaphore(%run_scoped3A : memref<!tpu.dma_semaphore, #tpu.memory_space<semaphore_mem>>) src(%arg5 : memref<632x128xf32, #tpu.memory_space<hbm>>) dst(%dma_wait3A_19 : memref<632x128xf32, #tpu.memory_space<vmem_shared>>)
      tpu.yield
    }) : () -> ()
    %barrier3A = arith.constant 0 : index
    tpu.barrier barrier_id(%barrier3A)
    %mul3A_3 = arith.constant 10000 : i32
    %mul3A_4 = arith.muli %add3A, %mul3A_3 : i32
    %scan3A = arith.constant 0 : i32
    %scan3A_5 = arith.constant 39 : i32
    %scan3A_6 = arith.addi %scan3A, %scan3A_5 : i32
    %scan3A_7 = arith.constant 1 : i32
    scf.for %scan3A_16 = %scan3A to %scan3A_6 step %scan3A_7  : i32 {
      %mul3A_17 = arith.constant 1 : i32
      %mul3A_18 = arith.muli %scan3A_16, %mul3A_17 : i32
      %add3A_19 = arith.constant 0 : i32
      %add3A_20 = arith.addi %add3A_19, %mul3A_18 : i32
      %mul3A_21 = arith.constant 2 : i32
      %mul3A_22 = arith.muli %mul3A_21, %add3A_20 : i32
      %mul3A_23 = arith.constant 128 : i32
      %mul3A_24 = arith.muli %mul3A_22, %mul3A_23 : i32
      %add3A_25 = arith.addi %mul3A_4, %mul3A_24 : i32
      %add3A_26 = arith.constant 128 : i32
      %add3A_27 = arith.addi %add3A_25, %add3A_26 : i32
      %dma_start3A_28 = tpu.memref_slice %arg3[%add3A_25] : memref<320000xi32, #tpu.memory_space<hbm>> -> memref<128xi32, #tpu.memory_space<hbm>>
      %dma_start3A_29 = tpu.memref_slice %arg3[%add3A_25] : memref<320000xi32, #tpu.memory_space<hbm>> -> memref<128xi32, #tpu.memory_space<hbm>>
      tpu.enqueue_dma source(%dma_start3A_29 : memref<128xi32, #tpu.memory_space<hbm>>) target(%arg7 : memref<128xi32, #tpu.memory_space<vmem>>) target_semaphore(%arg19 : memref<!tpu.dma_semaphore, #tpu.memory_space<semaphore_mem>>)
      %dma_start3A_30 = tpu.memref_slice %arg4[%add3A_25] : memref<320000xi32, #tpu.memory_space<hbm>> -> memref<128xi32, #tpu.memory_space<hbm>>
      %dma_start3A_31 = tpu.memref_slice %arg4[%add3A_25] : memref<320000xi32, #tpu.memory_space<hbm>> -> memref<128xi32, #tpu.memory_space<hbm>>
      tpu.enqueue_dma source(%dma_start3A_31 : memref<128xi32, #tpu.memory_space<hbm>>) target(%arg8 : memref<128xi32, #tpu.memory_space<vmem>>) target_semaphore(%arg20 : memref<!tpu.dma_semaphore, #tpu.memory_space<semaphore_mem>>)
      %dma_start3A_32 = tpu.memref_slice %arg3[%add3A_27] : memref<320000xi32, #tpu.memory_space<hbm>> -> memref<128xi32, #tpu.memory_space<hbm>>
      %dma_start3A_33 = tpu.memref_slice %arg3[%add3A_27] : memref<320000xi32, #tpu.memory_space<hbm>> -> memref<128xi32, #tpu.memory_space<hbm>>
      tpu.enqueue_dma source(%dma_start3A_33 : memref<128xi32, #tpu.memory_space<hbm>>) target(%arg9 : memref<128xi32, #tpu.memory_space<vmem>>) target_semaphore(%arg21 : memref<!tpu.dma_semaphore, #tpu.memory_space<semaphore_mem>>)
      %dma_start3A_34 = tpu.memref_slice %arg4[%add3A_27] : memref<320000xi32, #tpu.memory_space<hbm>> -> memref<128xi32, #tpu.memory_space<hbm>>
      %dma_start3A_35 = tpu.memref_slice %arg4[%add3A_27] : memref<320000xi32, #tpu.memory_space<hbm>> -> memref<128xi32, #tpu.memory_space<hbm>>
      tpu.enqueue_dma source(%dma_start3A_35 : memref<128xi32, #tpu.memory_space<hbm>>) target(%arg10 : memref<128xi32, #tpu.memory_space<vmem>>) target_semaphore(%arg22 : memref<!tpu.dma_semaphore, #tpu.memory_space<semaphore_mem>>)
      %dma_wait3A_36 = tpu.memref_slice %arg3[%add3A_25] : memref<320000xi32, #tpu.memory_space<hbm>> -> memref<128xi32, #tpu.memory_space<hbm>>
      %dma_wait3A_37 = tpu.memref_slice %arg3[%add3A_25] : memref<320000xi32, #tpu.memory_space<hbm>> -> memref<128xi32, #tpu.memory_space<hbm>>
      tpu.wait_dma2 semaphore(%arg19 : memref<!tpu.dma_semaphore, #tpu.memory_space<semaphore_mem>>) src(%dma_wait3A_37 : memref<128xi32, #tpu.memory_space<hbm>>) dst(%arg7 : memref<128xi32, #tpu.memory_space<vmem>>)
      %dma_start3A_38 = arith.constant 0 : i32
      %dma_start3A_39 = arith.constant 0 : i32
      %dma_start3A_40 = tpu.memref_slice %arg2[%dma_start3A_38, %dma_start3A_39] : memref<10000x128xf32, #tpu.memory_space<hbm>> -> memref<10000x128xf32, #tpu.memory_space<hbm>>
      tpu.enqueue_indirect_dma source(%dma_start3A_40 : memref<10000x128xf32, #tpu.memory_space<hbm>>) target(%arg11 : memref<128x128xf32, #tpu.memory_space<vmem>>) offsets(%arg7 : memref<128xi32, #tpu.memory_space<vmem>>) semaphore(%arg17 : memref<!tpu.dma_semaphore, #tpu.memory_space<semaphore_mem>>)
      %dma_wait3A_41 = tpu.memref_slice %arg3[%add3A_27] : memref<320000xi32, #tpu.memory_space<hbm>> -> memref<128xi32, #tpu.memory_space<hbm>>
      %dma_wait3A_42 = tpu.memref_slice %arg3[%add3A_27] : memref<320000xi32, #tpu.memory_space<hbm>> -> memref<128xi32, #tpu.memory_space<hbm>>
      tpu.wait_dma2 semaphore(%arg21 : memref<!tpu.dma_semaphore, #tpu.memory_space<semaphore_mem>>) src(%dma_wait3A_42 : memref<128xi32, #tpu.memory_space<hbm>>) dst(%arg9 : memref<128xi32, #tpu.memory_space<vmem>>)
      %dma_start3A_43 = arith.constant 0 : i32
      %dma_start3A_44 = arith.constant 0 : i32
      %dma_start3A_45 = tpu.memref_slice %arg2[%dma_start3A_43, %dma_start3A_44] : memref<10000x128xf32, #tpu.memory_space<hbm>> -> memref<10000x128xf32, #tpu.memory_space<hbm>>
      tpu.enqueue_indirect_dma source(%dma_start3A_45 : memref<10000x128xf32, #tpu.memory_space<hbm>>) target(%arg12 : memref<128x128xf32, #tpu.memory_space<vmem>>) offsets(%arg9 : memref<128xi32, #tpu.memory_space<vmem>>) semaphore(%arg18 : memref<!tpu.dma_semaphore, #tpu.memory_space<semaphore_mem>>)
      %dma_wait3A_46 = arith.constant 0 : i32
      %dma_wait3A_47 = arith.constant 0 : i32
      %dma_wait3A_48 = tpu.memref_slice %arg2[%dma_wait3A_46, %dma_wait3A_47] : memref<10000x128xf32, #tpu.memory_space<hbm>> -> memref<10000x128xf32, #tpu.memory_space<hbm>>
      tpu.wait_indirect_dma semaphore(%arg17 : memref<!tpu.dma_semaphore, #tpu.memory_space<semaphore_mem>>) src(%dma_wait3A_48 : memref<10000x128xf32, #tpu.memory_space<hbm>>) dst(%arg11 : memref<128x128xf32, #tpu.memory_space<vmem>>)
      %dma_wait3A_49 = tpu.memref_slice %arg4[%add3A_25] : memref<320000xi32, #tpu.memory_space<hbm>> -> memref<128xi32, #tpu.memory_space<hbm>>
      %dma_wait3A_50 = tpu.memref_slice %arg4[%add3A_25] : memref<320000xi32, #tpu.memory_space<hbm>> -> memref<128xi32, #tpu.memory_space<hbm>>
      tpu.wait_dma2 semaphore(%arg20 : memref<!tpu.dma_semaphore, #tpu.memory_space<semaphore_mem>>) src(%dma_wait3A_50 : memref<128xi32, #tpu.memory_space<hbm>>) dst(%arg8 : memref<128xi32, #tpu.memory_space<vmem>>)
      "tpu.region"() ({
        %run_scoped3A = tpu.sem_alloc : memref<!tpu.dma_semaphore, #tpu.memory_space<semaphore_mem>>
        %dma_start3A_56 = arith.constant 0 : i32
        %dma_start3A_57 = arith.constant 0 : i32
        %dma_start3A_58 = tpu.memref_slice %arg16[%dma_start3A_56, %dma_start3A_57] : memref<10112x128xf32, #tpu.memory_space<vmem_shared>> -> memref<10112x128xf32, #tpu.memory_space<vmem_shared>>
        tpu.enqueue_indirect_dma source(%arg11 : memref<128x128xf32, #tpu.memory_space<vmem>>) target(%dma_start3A_58 : memref<10112x128xf32, #tpu.memory_space<vmem_shared>>) offsets(%arg8 : memref<128xi32, #tpu.memory_space<vmem>>) semaphore(%run_scoped3A : memref<!tpu.dma_semaphore, #tpu.memory_space<semaphore_mem>>) {add = true}
        %dma_wait3A_59 = arith.constant 0 : i32
        %dma_wait3A_60 = arith.constant 0 : i32
        %dma_wait3A_61 = tpu.memref_slice %arg16[%dma_wait3A_59, %dma_wait3A_60] : memref<10112x128xf32, #tpu.memory_space<vmem_shared>> -> memref<10112x128xf32, #tpu.memory_space<vmem_shared>>
        tpu.wait_indirect_dma semaphore(%run_scoped3A : memref<!tpu.dma_semaphore, #tpu.memory_space<semaphore_mem>>) src(%arg11 : memref<128x128xf32, #tpu.memory_space<vmem>>) dst(%dma_wait3A_61 : memref<10112x128xf32, #tpu.memory_space<vmem_shared>>)
        tpu.yield
      }) : () -> ()
      %dma_wait3A_51 = arith.constant 0 : i32
      %dma_wait3A_52 = arith.constant 0 : i32
      %dma_wait3A_53 = tpu.memref_slice %arg2[%dma_wait3A_51, %dma_wait3A_52] : memref<10000x128xf32, #tpu.memory_space<hbm>> -> memref<10000x128xf32, #tpu.memory_space<hbm>>
      tpu.wait_indirect_dma semaphore(%arg18 : memref<!tpu.dma_semaphore, #tpu.memory_space<semaphore_mem>>) src(%dma_wait3A_53 : memref<10000x128xf32, #tpu.memory_space<hbm>>) dst(%arg12 : memref<128x128xf32, #tpu.memory_space<vmem>>)
      %dma_wait3A_54 = tpu.memref_slice %arg4[%add3A_27] : memref<320000xi32, #tpu.memory_space<hbm>> -> memref<128xi32, #tpu.memory_space<hbm>>
      %dma_wait3A_55 = tpu.memref_slice %arg4[%add3A_27] : memref<320000xi32, #tpu.memory_space<hbm>> -> memref<128xi32, #tpu.memory_space<hbm>>
      tpu.wait_dma2 semaphore(%arg22 : memref<!tpu.dma_semaphore, #tpu.memory_space<semaphore_mem>>) src(%dma_wait3A_55 : memref<128xi32, #tpu.memory_space<hbm>>) dst(%arg10 : memref<128xi32, #tpu.memory_space<vmem>>)
      "tpu.region"() ({
        %run_scoped3A = tpu.sem_alloc : memref<!tpu.dma_semaphore, #tpu.memory_space<semaphore_mem>>
        %dma_start3A_56 = arith.constant 0 : i32
        %dma_start3A_57 = arith.constant 0 : i32
        %dma_start3A_58 = tpu.memref_slice %arg16[%dma_start3A_56, %dma_start3A_57] : memref<10112x128xf32, #tpu.memory_space<vmem_shared>> -> memref<10112x128xf32, #tpu.memory_space<vmem_shared>>
        tpu.enqueue_indirect_dma source(%arg12 : memref<128x128xf32, #tpu.memory_space<vmem>>) target(%dma_start3A_58 : memref<10112x128xf32, #tpu.memory_space<vmem_shared>>) offsets(%arg10 : memref<128xi32, #tpu.memory_space<vmem>>) semaphore(%run_scoped3A : memref<!tpu.dma_semaphore, #tpu.memory_space<semaphore_mem>>) {add = true}
        %dma_wait3A_59 = arith.constant 0 : i32
        %dma_wait3A_60 = arith.constant 0 : i32
        %dma_wait3A_61 = tpu.memref_slice %arg16[%dma_wait3A_59, %dma_wait3A_60] : memref<10112x128xf32, #tpu.memory_space<vmem_shared>> -> memref<10112x128xf32, #tpu.memory_space<vmem_shared>>
        tpu.wait_indirect_dma semaphore(%run_scoped3A : memref<!tpu.dma_semaphore, #tpu.memory_space<semaphore_mem>>) src(%arg12 : memref<128x128xf32, #tpu.memory_space<vmem>>) dst(%dma_wait3A_61 : memref<10112x128xf32, #tpu.memory_space<vmem_shared>>)
        tpu.yield
      }) : () -> ()
    }
    %scan3A_8 = arith.constant 39 : i32
    %add3A_9 = arith.constant 9984 : i32
    %add3A_10 = arith.addi %mul3A_4, %add3A_9 : i32
    "tpu.region"() ({
      %run_scoped3A = tpu.sem_alloc : memref<!tpu.dma_semaphore, #tpu.memory_space<semaphore_mem>>
      %dma_start3A_16 = tpu.memref_slice %arg3[%add3A_10] : memref<320000xi32, #tpu.memory_space<hbm>> -> memref<16xi32, #tpu.memory_space<hbm>>
      %dma_start3A_17 = tpu.memref_slice %arg3[%add3A_10] : memref<320000xi32, #tpu.memory_space<hbm>> -> memref<16xi32, #tpu.memory_space<hbm>>
      tpu.enqueue_dma source(%dma_start3A_17 : memref<16xi32, #tpu.memory_space<hbm>>) target(%arg13 : memref<16xi32, #tpu.memory_space<vmem>>) target_semaphore(%run_scoped3A : memref<!tpu.dma_semaphore, #tpu.memory_space<semaphore_mem>>)
      %dma_wait3A_18 = tpu.memref_slice %arg3[%add3A_10] : memref<320000xi32, #tpu.memory_space<hbm>> -> memref<16xi32, #tpu.memory_space<hbm>>
      %dma_wait3A_19 = tpu.memref_slice %arg3[%add3A_10] : memref<320000xi32, #tpu.memory_space<hbm>> -> memref<16xi32, #tpu.memory_space<hbm>>
      tpu.wait_dma2 semaphore(%run_scoped3A : memref<!tpu.dma_semaphore, #tpu.memory_space<semaphore_mem>>) src(%dma_wait3A_19 : memref<16xi32, #tpu.memory_space<hbm>>) dst(%arg13 : memref<16xi32, #tpu.memory_space<vmem>>)
      tpu.yield
    }) : () -> ()
    "tpu.region"() ({
      %run_scoped3A = tpu.sem_alloc : memref<!tpu.dma_semaphore, #tpu.memory_space<semaphore_mem>>
      %dma_start3A_16 = tpu.memref_slice %arg4[%add3A_10] : memref<320000xi32, #tpu.memory_space<hbm>> -> memref<16xi32, #tpu.memory_space<hbm>>
      %dma_start3A_17 = tpu.memref_slice %arg4[%add3A_10] : memref<320000xi32, #tpu.memory_space<hbm>> -> memref<16xi32, #tpu.memory_space<hbm>>
      tpu.enqueue_dma source(%dma_start3A_17 : memref<16xi32, #tpu.memory_space<hbm>>) target(%arg14 : memref<16xi32, #tpu.memory_space<vmem>>) target_semaphore(%run_scoped3A : memref<!tpu.dma_semaphore, #tpu.memory_space<semaphore_mem>>)
      %dma_wait3A_18 = tpu.memref_slice %arg4[%add3A_10] : memref<320000xi32, #tpu.memory_space<hbm>> -> memref<16xi32, #tpu.memory_space<hbm>>
      %dma_wait3A_19 = tpu.memref_slice %arg4[%add3A_10] : memref<320000xi32, #tpu.memory_space<hbm>> -> memref<16xi32, #tpu.memory_space<hbm>>
      tpu.wait_dma2 semaphore(%run_scoped3A : memref<!tpu.dma_semaphore, #tpu.memory_space<semaphore_mem>>) src(%dma_wait3A_19 : memref<16xi32, #tpu.memory_space<hbm>>) dst(%arg14 : memref<16xi32, #tpu.memory_space<vmem>>)
      tpu.yield
    }) : () -> ()
    %dma_start3A = arith.constant 0 : i32
    %dma_start3A_11 = arith.constant 0 : i32
    %dma_start3A_12 = tpu.memref_slice %arg2[%dma_start3A, %dma_start3A_11] : memref<10000x128xf32, #tpu.memory_space<hbm>> -> memref<10000x128xf32, #tpu.memory_space<hbm>>
    tpu.enqueue_indirect_dma source(%dma_start3A_12 : memref<10000x128xf32, #tpu.memory_space<hbm>>) target(%arg15 : memref<16x128xf32, #tpu.memory_space<vmem>>) offsets(%arg13 : memref<16xi32, #tpu.memory_space<vmem>>) semaphore(%arg17 : memref<!tpu.dma_semaphore, #tpu.memory_space<semaphore_mem>>)
    %dma_wait3A = arith.constant 0 : i32
    %dma_wait3A_13 = arith.constant 0 : i32
    %dma_wait3A_14 = tpu.memref_slice %arg2[%dma_wait3A, %dma_wait3A_13] : memref<10000x128xf32, #tpu.memory_space<hbm>> -> memref<10000x128xf32, #tpu.memory_space<hbm>>
    tpu.wait_indirect_dma semaphore(%arg17 : memref<!tpu.dma_semaphore, #tpu.memory_space<semaphore_mem>>) src(%dma_wait3A_14 : memref<10000x128xf32, #tpu.memory_space<hbm>>) dst(%arg15 : memref<16x128xf32, #tpu.memory_space<vmem>>)
    "tpu.region"() ({
      %run_scoped3A = tpu.sem_alloc : memref<!tpu.dma_semaphore, #tpu.memory_space<semaphore_mem>>
      %dma_start3A_16 = arith.constant 0 : i32
      %dma_start3A_17 = arith.constant 0 : i32
      %dma_start3A_18 = tpu.memref_slice %arg16[%dma_start3A_16, %dma_start3A_17] : memref<10112x128xf32, #tpu.memory_space<vmem_shared>> -> memref<10112x128xf32, #tpu.memory_space<vmem_shared>>
      tpu.enqueue_indirect_dma source(%arg15 : memref<16x128xf32, #tpu.memory_space<vmem>>) target(%dma_start3A_18 : memref<10112x128xf32, #tpu.memory_space<vmem_shared>>) offsets(%arg14 : memref<16xi32, #tpu.memory_space<vmem>>) semaphore(%run_scoped3A : memref<!tpu.dma_semaphore, #tpu.memory_space<semaphore_mem>>) {add = true}
      %dma_wait3A_19 = arith.constant 0 : i32
      %dma_wait3A_20 = arith.constant 0 : i32
      %dma_wait3A_21 = tpu.memref_slice %arg16[%dma_wait3A_19, %dma_wait3A_20] : memref<10112x128xf32, #tpu.memory_space<vmem_shared>> -> memref<10112x128xf32, #tpu.memory_space<vmem_shared>>
      tpu.wait_indirect_dma semaphore(%run_scoped3A : memref<!tpu.dma_semaphore, #tpu.memory_space<semaphore_mem>>) src(%arg15 : memref<16x128xf32, #tpu.memory_space<vmem>>) dst(%dma_wait3A_21 : memref<10112x128xf32, #tpu.memory_space<vmem_shared>>)
      tpu.yield
    }) : () -> ()
    %barrier3A_15 = arith.constant 0 : index
    tpu.barrier barrier_id(%barrier3A_15)
    "tpu.region"() ({
      %run_scoped3A = tpu.sem_alloc : memref<!tpu.dma_semaphore, #tpu.memory_space<semaphore_mem>>
      %dma_start3A_16 = arith.constant 0 : i32
      %dma_start3A_17 = tpu.memref_slice %arg6[%arg0, %mul3A_2, %dma_start3A_16] : memref<2x10112x128xf32, #tpu.memory_space<hbm>> -> memref<1x632x128xf32, #tpu.memory_space<hbm>>
      %dma_start3A_18 = tpu.memref_squeeze %dma_start3A_17 : memref<1x632x128xf32, #tpu.memory_space<hbm>> -> memref<632x128xf32, #tpu.memory_space<hbm>>
      %dma_start3A_19 = arith.constant 0 : i32
      %dma_start3A_20 = tpu.memref_slice %arg16[%mul3A_2, %dma_start3A_19] : memref<10112x128xf32, #tpu.memory_space<vmem_shared>> -> memref<632x128xf32, #tpu.memory_space<vmem_shared>>
      tpu.enqueue_dma source(%dma_start3A_20 : memref<632x128xf32, #tpu.memory_space<vmem_shared>>) target(%dma_start3A_18 : memref<632x128xf32, #tpu.memory_space<hbm>>) target_semaphore(%run_scoped3A : memref<!tpu.dma_semaphore, #tpu.memory_space<semaphore_mem>>)
      %dma_wait3A_21 = arith.constant 0 : i32
      %dma_wait3A_22 = tpu.memref_slice %arg6[%arg0, %mul3A_2, %dma_wait3A_21] : memref<2x10112x128xf32, #tpu.memory_space<hbm>> -> memref<1x632x128xf32, #tpu.memory_space<hbm>>
      %dma_wait3A_23 = tpu.memref_squeeze %dma_wait3A_22 : memref<1x632x128xf32, #tpu.memory_space<hbm>> -> memref<632x128xf32, #tpu.memory_space<hbm>>
      %dma_wait3A_24 = arith.constant 0 : i32
      %dma_wait3A_25 = tpu.memref_slice %arg16[%mul3A_2, %dma_wait3A_24] : memref<10112x128xf32, #tpu.memory_space<vmem_shared>> -> memref<632x128xf32, #tpu.memory_space<vmem_shared>>
      tpu.wait_dma2 semaphore(%run_scoped3A : memref<!tpu.dma_semaphore, #tpu.memory_space<semaphore_mem>>) src(%dma_wait3A_25 : memref<632x128xf32, #tpu.memory_space<vmem_shared>>) dst(%dma_wait3A_23 : memref<632x128xf32, #tpu.memory_space<hbm>>)
      tpu.yield
    }) : () -> ()
    return
  }
}

#map = affine_map<(d0, d1) -> (0, 0)>
#map1 = affine_map<(d0, d1) -> (0)>
#map2 = affine_map<(d0, d1) -> (0, 0, 0)>
module attributes {stable_mosaic.version = 14 : i64} {
  func.func @k(%arg0: i32, %arg1: i32, %arg2: memref<10112x128xf32, #tpu.memory_space<hbm>>, %arg3: memref<320000xi32, #tpu.memory_space<hbm>>, %arg4: memref<320000xi32, #tpu.memory_space<hbm>>, %arg5: memref<632x128xf32, #tpu.memory_space<hbm>>, %arg6: memref<2x10112x128xf32, #tpu.memory_space<hbm>>, %arg7: memref<128xi32, #tpu.memory_space<vmem>>, %arg8: memref<128xi32, #tpu.memory_space<vmem>>, %arg9: memref<128xi32, #tpu.memory_space<vmem>>, %arg10: memref<128xi32, #tpu.memory_space<vmem>>, %arg11: memref<128x128xf32, #tpu.memory_space<vmem>>, %arg12: memref<128x128xf32, #tpu.memory_space<vmem>>, %arg13: memref<16xi32, #tpu.memory_space<vmem>>, %arg14: memref<16xi32, #tpu.memory_space<vmem>>, %arg15: memref<16x128xf32, #tpu.memory_space<vmem>>, %arg16: memref<10112x128xf32, #tpu.memory_space<vmem_shared>>, %arg17: memref<!tpu.dma_semaphore, #tpu.memory_space<semaphore_mem>>, %arg18: memref<!tpu.dma_semaphore, #tpu.memory_space<semaphore_mem>>, %arg19: memref<!tpu.dma_semaphore, #tpu.memory_space<semaphore_mem>>, %arg20: memref<!tpu.dma_semaphore, #tpu.memory_space<semaphore_mem>>, %arg21: memref<!tpu.dma_semaphore, #tpu.memory_space<semaphore_mem>>, %arg22: memref<!tpu.dma_semaphore, #tpu.memory_space<semaphore_mem>>) attributes {dimension_semantics = [#tpu.dimension_semantics<core_parallel>, #tpu.dimension_semantics<subcore_parallel>], iteration_bounds = array<i64: 2, 16>, scalar_prefetch = 0 : i64, scratch_operands = 16 : i64, tpu.core_type = #tpu.core_type<sc_vector_subcore>, window_params = [{transform_indices = #map}, {transform_indices = #map1}, {transform_indices = #map1}, {transform_indices = #map}, {transform_indices = #map2}]} {
    %mul3A = arith.constant 16 : i32
    %mul3A_0 = arith.muli %arg0, %mul3A : i32
    %add3A = arith.addi %mul3A_0, %arg1 : i32
    %mul3A_1 = arith.constant 632 : i32
    %mul3A_2 = arith.muli %arg1, %mul3A_1 : i32
    "tpu.region"() ({
      %run_scoped3A = tpu.sem_alloc : memref<!tpu.dma_semaphore, #tpu.memory_space<semaphore_mem>>
      %dma_start3A_16 = arith.constant 0 : i32
      %dma_start3A_17 = tpu.memref_slice %arg16[%mul3A_2, %dma_start3A_16] : memref<10112x128xf32, #tpu.memory_space<vmem_shared>> -> memref<632x128xf32, #tpu.memory_space<vmem_shared>>
      tpu.enqueue_dma source(%arg5 : memref<632x128xf32, #tpu.memory_space<hbm>>) target(%dma_start3A_17 : memref<632x128xf32, #tpu.memory_space<vmem_shared>>) target_semaphore(%run_scoped3A : memref<!tpu.dma_semaphore, #tpu.memory_space<semaphore_mem>>)
      %dma_wait3A_18 = arith.constant 0 : i32
      %dma_wait3A_19 = tpu.memref_slice %arg16[%mul3A_2, %dma_wait3A_18] : memref<10112x128xf32, #tpu.memory_space<vmem_shared>> -> memref<632x128xf32, #tpu.memory_space<vmem_shared>>
      tpu.wait_dma2 semaphore(%run_scoped3A : memref<!tpu.dma_semaphore, #tpu.memory_space<semaphore_mem>>) src(%arg5 : memref<632x128xf32, #tpu.memory_space<hbm>>) dst(%dma_wait3A_19 : memref<632x128xf32, #tpu.memory_space<vmem_shared>>)
      tpu.yield
    }) : () -> ()
    %barrier3A = arith.constant 0 : index
    tpu.barrier barrier_id(%barrier3A)
    %mul3A_3 = arith.constant 10000 : i32
    %mul3A_4 = arith.muli %add3A, %mul3A_3 : i32
    %scan3A = arith.constant 0 : i32
    %scan3A_5 = arith.constant 39 : i32
    %scan3A_6 = arith.addi %scan3A, %scan3A_5 : i32
    %scan3A_7 = arith.constant 1 : i32
    scf.for %scan3A_16 = %scan3A to %scan3A_6 step %scan3A_7  : i32 {
      %mul3A_17 = arith.constant 1 : i32
      %mul3A_18 = arith.muli %scan3A_16, %mul3A_17 : i32
      %add3A_19 = arith.constant 0 : i32
      %add3A_20 = arith.addi %add3A_19, %mul3A_18 : i32
      %mul3A_21 = arith.constant 2 : i32
      %mul3A_22 = arith.muli %mul3A_21, %add3A_20 : i32
      %mul3A_23 = arith.constant 128 : i32
      %mul3A_24 = arith.muli %mul3A_22, %mul3A_23 : i32
      %add3A_25 = arith.addi %mul3A_4, %mul3A_24 : i32
      %add3A_26 = arith.constant 128 : i32
      %add3A_27 = arith.addi %add3A_25, %add3A_26 : i32
      %dma_start3A_28 = tpu.memref_slice %arg3[%add3A_25] : memref<320000xi32, #tpu.memory_space<hbm>> -> memref<128xi32, #tpu.memory_space<hbm>>
      %dma_start3A_29 = tpu.memref_slice %arg3[%add3A_25] : memref<320000xi32, #tpu.memory_space<hbm>> -> memref<128xi32, #tpu.memory_space<hbm>>
      tpu.enqueue_dma source(%dma_start3A_29 : memref<128xi32, #tpu.memory_space<hbm>>) target(%arg7 : memref<128xi32, #tpu.memory_space<vmem>>) target_semaphore(%arg19 : memref<!tpu.dma_semaphore, #tpu.memory_space<semaphore_mem>>)
      %dma_start3A_30 = tpu.memref_slice %arg4[%add3A_25] : memref<320000xi32, #tpu.memory_space<hbm>> -> memref<128xi32, #tpu.memory_space<hbm>>
      %dma_start3A_31 = tpu.memref_slice %arg4[%add3A_25] : memref<320000xi32, #tpu.memory_space<hbm>> -> memref<128xi32, #tpu.memory_space<hbm>>
      tpu.enqueue_dma source(%dma_start3A_31 : memref<128xi32, #tpu.memory_space<hbm>>) target(%arg8 : memref<128xi32, #tpu.memory_space<vmem>>) target_semaphore(%arg20 : memref<!tpu.dma_semaphore, #tpu.memory_space<semaphore_mem>>)
      %dma_start3A_32 = tpu.memref_slice %arg3[%add3A_27] : memref<320000xi32, #tpu.memory_space<hbm>> -> memref<128xi32, #tpu.memory_space<hbm>>
      %dma_start3A_33 = tpu.memref_slice %arg3[%add3A_27] : memref<320000xi32, #tpu.memory_space<hbm>> -> memref<128xi32, #tpu.memory_space<hbm>>
      tpu.enqueue_dma source(%dma_start3A_33 : memref<128xi32, #tpu.memory_space<hbm>>) target(%arg9 : memref<128xi32, #tpu.memory_space<vmem>>) target_semaphore(%arg21 : memref<!tpu.dma_semaphore, #tpu.memory_space<semaphore_mem>>)
      %dma_start3A_34 = tpu.memref_slice %arg4[%add3A_27] : memref<320000xi32, #tpu.memory_space<hbm>> -> memref<128xi32, #tpu.memory_space<hbm>>
      %dma_start3A_35 = tpu.memref_slice %arg4[%add3A_27] : memref<320000xi32, #tpu.memory_space<hbm>> -> memref<128xi32, #tpu.memory_space<hbm>>
      tpu.enqueue_dma source(%dma_start3A_35 : memref<128xi32, #tpu.memory_space<hbm>>) target(%arg10 : memref<128xi32, #tpu.memory_space<vmem>>) target_semaphore(%arg22 : memref<!tpu.dma_semaphore, #tpu.memory_space<semaphore_mem>>)
      %dma_wait3A_36 = tpu.memref_slice %arg3[%add3A_25] : memref<320000xi32, #tpu.memory_space<hbm>> -> memref<128xi32, #tpu.memory_space<hbm>>
      %dma_wait3A_37 = tpu.memref_slice %arg3[%add3A_25] : memref<320000xi32, #tpu.memory_space<hbm>> -> memref<128xi32, #tpu.memory_space<hbm>>
      tpu.wait_dma2 semaphore(%arg19 : memref<!tpu.dma_semaphore, #tpu.memory_space<semaphore_mem>>) src(%dma_wait3A_37 : memref<128xi32, #tpu.memory_space<hbm>>) dst(%arg7 : memref<128xi32, #tpu.memory_space<vmem>>)
      %dma_start3A_38 = arith.constant 0 : i32
      %dma_start3A_39 = arith.constant 0 : i32
      %dma_start3A_40 = tpu.memref_slice %arg2[%dma_start3A_38, %dma_start3A_39] : memref<10112x128xf32, #tpu.memory_space<hbm>> -> memref<10112x128xf32, #tpu.memory_space<hbm>>
      tpu.enqueue_indirect_dma source(%dma_start3A_40 : memref<10112x128xf32, #tpu.memory_space<hbm>>) target(%arg11 : memref<128x128xf32, #tpu.memory_space<vmem>>) offsets(%arg7 : memref<128xi32, #tpu.memory_space<vmem>>) semaphore(%arg17 : memref<!tpu.dma_semaphore, #tpu.memory_space<semaphore_mem>>)
      %dma_wait3A_41 = tpu.memref_slice %arg3[%add3A_27] : memref<320000xi32, #tpu.memory_space<hbm>> -> memref<128xi32, #tpu.memory_space<hbm>>
      %dma_wait3A_42 = tpu.memref_slice %arg3[%add3A_27] : memref<320000xi32, #tpu.memory_space<hbm>> -> memref<128xi32, #tpu.memory_space<hbm>>
      tpu.wait_dma2 semaphore(%arg21 : memref<!tpu.dma_semaphore, #tpu.memory_space<semaphore_mem>>) src(%dma_wait3A_42 : memref<128xi32, #tpu.memory_space<hbm>>) dst(%arg9 : memref<128xi32, #tpu.memory_space<vmem>>)
      %dma_start3A_43 = arith.constant 0 : i32
      %dma_start3A_44 = arith.constant 0 : i32
      %dma_start3A_45 = tpu.memref_slice %arg2[%dma_start3A_43, %dma_start3A_44] : memref<10112x128xf32, #tpu.memory_space<hbm>> -> memref<10112x128xf32, #tpu.memory_space<hbm>>
      tpu.enqueue_indirect_dma source(%dma_start3A_45 : memref<10112x128xf32, #tpu.memory_space<hbm>>) target(%arg12 : memref<128x128xf32, #tpu.memory_space<vmem>>) offsets(%arg9 : memref<128xi32, #tpu.memory_space<vmem>>) semaphore(%arg18 : memref<!tpu.dma_semaphore, #tpu.memory_space<semaphore_mem>>)
      %dma_wait3A_46 = arith.constant 0 : i32
      %dma_wait3A_47 = arith.constant 0 : i32
      %dma_wait3A_48 = tpu.memref_slice %arg2[%dma_wait3A_46, %dma_wait3A_47] : memref<10112x128xf32, #tpu.memory_space<hbm>> -> memref<10112x128xf32, #tpu.memory_space<hbm>>
      tpu.wait_indirect_dma semaphore(%arg17 : memref<!tpu.dma_semaphore, #tpu.memory_space<semaphore_mem>>) src(%dma_wait3A_48 : memref<10112x128xf32, #tpu.memory_space<hbm>>) dst(%arg11 : memref<128x128xf32, #tpu.memory_space<vmem>>)
      %dma_wait3A_49 = tpu.memref_slice %arg4[%add3A_25] : memref<320000xi32, #tpu.memory_space<hbm>> -> memref<128xi32, #tpu.memory_space<hbm>>
      %dma_wait3A_50 = tpu.memref_slice %arg4[%add3A_25] : memref<320000xi32, #tpu.memory_space<hbm>> -> memref<128xi32, #tpu.memory_space<hbm>>
      tpu.wait_dma2 semaphore(%arg20 : memref<!tpu.dma_semaphore, #tpu.memory_space<semaphore_mem>>) src(%dma_wait3A_50 : memref<128xi32, #tpu.memory_space<hbm>>) dst(%arg8 : memref<128xi32, #tpu.memory_space<vmem>>)
      "tpu.region"() ({
        %run_scoped3A = tpu.sem_alloc : memref<!tpu.dma_semaphore, #tpu.memory_space<semaphore_mem>>
        %dma_start3A_56 = arith.constant 0 : i32
        %dma_start3A_57 = arith.constant 0 : i32
        %dma_start3A_58 = tpu.memref_slice %arg16[%dma_start3A_56, %dma_start3A_57] : memref<10112x128xf32, #tpu.memory_space<vmem_shared>> -> memref<10112x128xf32, #tpu.memory_space<vmem_shared>>
        tpu.enqueue_indirect_dma source(%arg11 : memref<128x128xf32, #tpu.memory_space<vmem>>) target(%dma_start3A_58 : memref<10112x128xf32, #tpu.memory_space<vmem_shared>>) offsets(%arg8 : memref<128xi32, #tpu.memory_space<vmem>>) semaphore(%run_scoped3A : memref<!tpu.dma_semaphore, #tpu.memory_space<semaphore_mem>>) {add = true}
        %dma_wait3A_59 = arith.constant 0 : i32
        %dma_wait3A_60 = arith.constant 0 : i32
        %dma_wait3A_61 = tpu.memref_slice %arg16[%dma_wait3A_59, %dma_wait3A_60] : memref<10112x128xf32, #tpu.memory_space<vmem_shared>> -> memref<10112x128xf32, #tpu.memory_space<vmem_shared>>
        tpu.wait_indirect_dma semaphore(%run_scoped3A : memref<!tpu.dma_semaphore, #tpu.memory_space<semaphore_mem>>) src(%arg11 : memref<128x128xf32, #tpu.memory_space<vmem>>) dst(%dma_wait3A_61 : memref<10112x128xf32, #tpu.memory_space<vmem_shared>>)
        tpu.yield
      }) : () -> ()
      %dma_wait3A_51 = arith.constant 0 : i32
      %dma_wait3A_52 = arith.constant 0 : i32
      %dma_wait3A_53 = tpu.memref_slice %arg2[%dma_wait3A_51, %dma_wait3A_52] : memref<10112x128xf32, #tpu.memory_space<hbm>> -> memref<10112x128xf32, #tpu.memory_space<hbm>>
      tpu.wait_indirect_dma semaphore(%arg18 : memref<!tpu.dma_semaphore, #tpu.memory_space<semaphore_mem>>) src(%dma_wait3A_53 : memref<10112x128xf32, #tpu.memory_space<hbm>>) dst(%arg12 : memref<128x128xf32, #tpu.memory_space<vmem>>)
      %dma_wait3A_54 = tpu.memref_slice %arg4[%add3A_27] : memref<320000xi32, #tpu.memory_space<hbm>> -> memref<128xi32, #tpu.memory_space<hbm>>
      %dma_wait3A_55 = tpu.memref_slice %arg4[%add3A_27] : memref<320000xi32, #tpu.memory_space<hbm>> -> memref<128xi32, #tpu.memory_space<hbm>>
      tpu.wait_dma2 semaphore(%arg22 : memref<!tpu.dma_semaphore, #tpu.memory_space<semaphore_mem>>) src(%dma_wait3A_55 : memref<128xi32, #tpu.memory_space<hbm>>) dst(%arg10 : memref<128xi32, #tpu.memory_space<vmem>>)
      "tpu.region"() ({
        %run_scoped3A = tpu.sem_alloc : memref<!tpu.dma_semaphore, #tpu.memory_space<semaphore_mem>>
        %dma_start3A_56 = arith.constant 0 : i32
        %dma_start3A_57 = arith.constant 0 : i32
        %dma_start3A_58 = tpu.memref_slice %arg16[%dma_start3A_56, %dma_start3A_57] : memref<10112x128xf32, #tpu.memory_space<vmem_shared>> -> memref<10112x128xf32, #tpu.memory_space<vmem_shared>>
        tpu.enqueue_indirect_dma source(%arg12 : memref<128x128xf32, #tpu.memory_space<vmem>>) target(%dma_start3A_58 : memref<10112x128xf32, #tpu.memory_space<vmem_shared>>) offsets(%arg10 : memref<128xi32, #tpu.memory_space<vmem>>) semaphore(%run_scoped3A : memref<!tpu.dma_semaphore, #tpu.memory_space<semaphore_mem>>) {add = true}
        %dma_wait3A_59 = arith.constant 0 : i32
        %dma_wait3A_60 = arith.constant 0 : i32
        %dma_wait3A_61 = tpu.memref_slice %arg16[%dma_wait3A_59, %dma_wait3A_60] : memref<10112x128xf32, #tpu.memory_space<vmem_shared>> -> memref<10112x128xf32, #tpu.memory_space<vmem_shared>>
        tpu.wait_indirect_dma semaphore(%run_scoped3A : memref<!tpu.dma_semaphore, #tpu.memory_space<semaphore_mem>>) src(%arg12 : memref<128x128xf32, #tpu.memory_space<vmem>>) dst(%dma_wait3A_61 : memref<10112x128xf32, #tpu.memory_space<vmem_shared>>)
        tpu.yield
      }) : () -> ()
    }
    %scan3A_8 = arith.constant 39 : i32
    %add3A_9 = arith.constant 9984 : i32
    %add3A_10 = arith.addi %mul3A_4, %add3A_9 : i32
    "tpu.region"() ({
      %run_scoped3A = tpu.sem_alloc : memref<!tpu.dma_semaphore, #tpu.memory_space<semaphore_mem>>
      %dma_start3A_16 = tpu.memref_slice %arg3[%add3A_10] : memref<320000xi32, #tpu.memory_space<hbm>> -> memref<16xi32, #tpu.memory_space<hbm>>
      %dma_start3A_17 = tpu.memref_slice %arg3[%add3A_10] : memref<320000xi32, #tpu.memory_space<hbm>> -> memref<16xi32, #tpu.memory_space<hbm>>
      tpu.enqueue_dma source(%dma_start3A_17 : memref<16xi32, #tpu.memory_space<hbm>>) target(%arg13 : memref<16xi32, #tpu.memory_space<vmem>>) target_semaphore(%run_scoped3A : memref<!tpu.dma_semaphore, #tpu.memory_space<semaphore_mem>>)
      %dma_wait3A_18 = tpu.memref_slice %arg3[%add3A_10] : memref<320000xi32, #tpu.memory_space<hbm>> -> memref<16xi32, #tpu.memory_space<hbm>>
      %dma_wait3A_19 = tpu.memref_slice %arg3[%add3A_10] : memref<320000xi32, #tpu.memory_space<hbm>> -> memref<16xi32, #tpu.memory_space<hbm>>
      tpu.wait_dma2 semaphore(%run_scoped3A : memref<!tpu.dma_semaphore, #tpu.memory_space<semaphore_mem>>) src(%dma_wait3A_19 : memref<16xi32, #tpu.memory_space<hbm>>) dst(%arg13 : memref<16xi32, #tpu.memory_space<vmem>>)
      tpu.yield
    }) : () -> ()
    "tpu.region"() ({
      %run_scoped3A = tpu.sem_alloc : memref<!tpu.dma_semaphore, #tpu.memory_space<semaphore_mem>>
      %dma_start3A_16 = tpu.memref_slice %arg4[%add3A_10] : memref<320000xi32, #tpu.memory_space<hbm>> -> memref<16xi32, #tpu.memory_space<hbm>>
      %dma_start3A_17 = tpu.memref_slice %arg4[%add3A_10] : memref<320000xi32, #tpu.memory_space<hbm>> -> memref<16xi32, #tpu.memory_space<hbm>>
      tpu.enqueue_dma source(%dma_start3A_17 : memref<16xi32, #tpu.memory_space<hbm>>) target(%arg14 : memref<16xi32, #tpu.memory_space<vmem>>) target_semaphore(%run_scoped3A : memref<!tpu.dma_semaphore, #tpu.memory_space<semaphore_mem>>)
      %dma_wait3A_18 = tpu.memref_slice %arg4[%add3A_10] : memref<320000xi32, #tpu.memory_space<hbm>> -> memref<16xi32, #tpu.memory_space<hbm>>
      %dma_wait3A_19 = tpu.memref_slice %arg4[%add3A_10] : memref<320000xi32, #tpu.memory_space<hbm>> -> memref<16xi32, #tpu.memory_space<hbm>>
      tpu.wait_dma2 semaphore(%run_scoped3A : memref<!tpu.dma_semaphore, #tpu.memory_space<semaphore_mem>>) src(%dma_wait3A_19 : memref<16xi32, #tpu.memory_space<hbm>>) dst(%arg14 : memref<16xi32, #tpu.memory_space<vmem>>)
      tpu.yield
    }) : () -> ()
    %dma_start3A = arith.constant 0 : i32
    %dma_start3A_11 = arith.constant 0 : i32
    %dma_start3A_12 = tpu.memref_slice %arg2[%dma_start3A, %dma_start3A_11] : memref<10112x128xf32, #tpu.memory_space<hbm>> -> memref<10112x128xf32, #tpu.memory_space<hbm>>
    tpu.enqueue_indirect_dma source(%dma_start3A_12 : memref<10112x128xf32, #tpu.memory_space<hbm>>) target(%arg15 : memref<16x128xf32, #tpu.memory_space<vmem>>) offsets(%arg13 : memref<16xi32, #tpu.memory_space<vmem>>) semaphore(%arg17 : memref<!tpu.dma_semaphore, #tpu.memory_space<semaphore_mem>>)
    %dma_wait3A = arith.constant 0 : i32
    %dma_wait3A_13 = arith.constant 0 : i32
    %dma_wait3A_14 = tpu.memref_slice %arg2[%dma_wait3A, %dma_wait3A_13] : memref<10112x128xf32, #tpu.memory_space<hbm>> -> memref<10112x128xf32, #tpu.memory_space<hbm>>
    tpu.wait_indirect_dma semaphore(%arg17 : memref<!tpu.dma_semaphore, #tpu.memory_space<semaphore_mem>>) src(%dma_wait3A_14 : memref<10112x128xf32, #tpu.memory_space<hbm>>) dst(%arg15 : memref<16x128xf32, #tpu.memory_space<vmem>>)
    "tpu.region"() ({
      %run_scoped3A = tpu.sem_alloc : memref<!tpu.dma_semaphore, #tpu.memory_space<semaphore_mem>>
      %dma_start3A_16 = arith.constant 0 : i32
      %dma_start3A_17 = arith.constant 0 : i32
      %dma_start3A_18 = tpu.memref_slice %arg16[%dma_start3A_16, %dma_start3A_17] : memref<10112x128xf32, #tpu.memory_space<vmem_shared>> -> memref<10112x128xf32, #tpu.memory_space<vmem_shared>>
      tpu.enqueue_indirect_dma source(%arg15 : memref<16x128xf32, #tpu.memory_space<vmem>>) target(%dma_start3A_18 : memref<10112x128xf32, #tpu.memory_space<vmem_shared>>) offsets(%arg14 : memref<16xi32, #tpu.memory_space<vmem>>) semaphore(%run_scoped3A : memref<!tpu.dma_semaphore, #tpu.memory_space<semaphore_mem>>) {add = true}
      %dma_wait3A_19 = arith.constant 0 : i32
      %dma_wait3A_20 = arith.constant 0 : i32
      %dma_wait3A_21 = tpu.memref_slice %arg16[%dma_wait3A_19, %dma_wait3A_20] : memref<10112x128xf32, #tpu.memory_space<vmem_shared>> -> memref<10112x128xf32, #tpu.memory_space<vmem_shared>>
      tpu.wait_indirect_dma semaphore(%run_scoped3A : memref<!tpu.dma_semaphore, #tpu.memory_space<semaphore_mem>>) src(%arg15 : memref<16x128xf32, #tpu.memory_space<vmem>>) dst(%dma_wait3A_21 : memref<10112x128xf32, #tpu.memory_space<vmem_shared>>)
      tpu.yield
    }) : () -> ()
    %barrier3A_15 = arith.constant 0 : index
    tpu.barrier barrier_id(%barrier3A_15)
    "tpu.region"() ({
      %run_scoped3A = tpu.sem_alloc : memref<!tpu.dma_semaphore, #tpu.memory_space<semaphore_mem>>
      %dma_start3A_16 = arith.constant 0 : i32
      %dma_start3A_17 = tpu.memref_slice %arg6[%arg0, %mul3A_2, %dma_start3A_16] : memref<2x10112x128xf32, #tpu.memory_space<hbm>> -> memref<1x632x128xf32, #tpu.memory_space<hbm>>
      %dma_start3A_18 = tpu.memref_squeeze %dma_start3A_17 : memref<1x632x128xf32, #tpu.memory_space<hbm>> -> memref<632x128xf32, #tpu.memory_space<hbm>>
      %dma_start3A_19 = arith.constant 0 : i32
      %dma_start3A_20 = tpu.memref_slice %arg16[%mul3A_2, %dma_start3A_19] : memref<10112x128xf32, #tpu.memory_space<vmem_shared>> -> memref<632x128xf32, #tpu.memory_space<vmem_shared>>
      tpu.enqueue_dma source(%dma_start3A_20 : memref<632x128xf32, #tpu.memory_space<vmem_shared>>) target(%dma_start3A_18 : memref<632x128xf32, #tpu.memory_space<hbm>>) target_semaphore(%run_scoped3A : memref<!tpu.dma_semaphore, #tpu.memory_space<semaphore_mem>>)
      %dma_wait3A_21 = arith.constant 0 : i32
      %dma_wait3A_22 = tpu.memref_slice %arg6[%arg0, %mul3A_2, %dma_wait3A_21] : memref<2x10112x128xf32, #tpu.memory_space<hbm>> -> memref<1x632x128xf32, #tpu.memory_space<hbm>>
      %dma_wait3A_23 = tpu.memref_squeeze %dma_wait3A_22 : memref<1x632x128xf32, #tpu.memory_space<hbm>> -> memref<632x128xf32, #tpu.memory_space<hbm>>
      %dma_wait3A_24 = arith.constant 0 : i32
      %dma_wait3A_25 = tpu.memref_slice %arg16[%mul3A_2, %dma_wait3A_24] : memref<10112x128xf32, #tpu.memory_space<vmem_shared>> -> memref<632x128xf32, #tpu.memory_space<vmem_shared>>
      tpu.wait_dma2 semaphore(%run_scoped3A : memref<!tpu.dma_semaphore, #tpu.memory_space<semaphore_mem>>) src(%dma_wait3A_25 : memref<632x128xf32, #tpu.memory_space<vmem_shared>>) dst(%dma_wait3A_23 : memref<632x128xf32, #tpu.memory_space<hbm>>)
      tpu.yield
    }) : () -> ()
    return
  }
}

#map = affine_map<(d0, d1) -> (0, 0)>
#map1 = affine_map<(d0, d1) -> (0)>
#map2 = affine_map<(d0, d1) -> (0, 0, 0)>
module attributes {stable_mosaic.version = 14 : i64} {
  func.func @k(%arg0: i32, %arg1: i32, %arg2: memref<10000x128xf32, #tpu.memory_space<hbm>>, %arg3: memref<320000xi32, #tpu.memory_space<hbm>>, %arg4: memref<320000xi32, #tpu.memory_space<hbm>>, %arg5: memref<632x128xf32, #tpu.memory_space<hbm>>, %arg6: memref<2x10112x128xf32, #tpu.memory_space<hbm>>, %arg7: memref<128xi32, #tpu.memory_space<vmem>>, %arg8: memref<128xi32, #tpu.memory_space<vmem>>, %arg9: memref<128xi32, #tpu.memory_space<vmem>>, %arg10: memref<128xi32, #tpu.memory_space<vmem>>, %arg11: memref<128x128xf32, #tpu.memory_space<vmem>>, %arg12: memref<128x128xf32, #tpu.memory_space<vmem>>, %arg13: memref<16xi32, #tpu.memory_space<vmem>>, %arg14: memref<16xi32, #tpu.memory_space<vmem>>, %arg15: memref<16x128xf32, #tpu.memory_space<vmem>>, %arg16: memref<10112x128xf32, #tpu.memory_space<vmem_shared>>, %arg17: memref<!tpu.dma_semaphore, #tpu.memory_space<semaphore_mem>>, %arg18: memref<!tpu.dma_semaphore, #tpu.memory_space<semaphore_mem>>, %arg19: memref<!tpu.dma_semaphore, #tpu.memory_space<semaphore_mem>>, %arg20: memref<!tpu.dma_semaphore, #tpu.memory_space<semaphore_mem>>, %arg21: memref<!tpu.dma_semaphore, #tpu.memory_space<semaphore_mem>>, %arg22: memref<!tpu.dma_semaphore, #tpu.memory_space<semaphore_mem>>) attributes {dimension_semantics = [#tpu.dimension_semantics<core_parallel>, #tpu.dimension_semantics<subcore_parallel>], iteration_bounds = array<i64: 2, 16>, scalar_prefetch = 0 : i64, scratch_operands = 16 : i64, tpu.core_type = #tpu.core_type<sc_vector_subcore>, window_params = [{transform_indices = #map}, {transform_indices = #map1}, {transform_indices = #map1}, {transform_indices = #map}, {transform_indices = #map2}]} {
    %mul3A = arith.constant 16 : i32
    %mul3A_0 = arith.muli %arg0, %mul3A : i32
    %add3A = arith.addi %mul3A_0, %arg1 : i32
    %mul3A_1 = arith.constant 632 : i32
    %mul3A_2 = arith.muli %arg1, %mul3A_1 : i32
    "tpu.region"() ({
      %run_scoped3A = tpu.sem_alloc : memref<!tpu.dma_semaphore, #tpu.memory_space<semaphore_mem>>
      %dma_start3A_16 = arith.constant 0 : i32
      %dma_start3A_17 = tpu.memref_slice %arg16[%mul3A_2, %dma_start3A_16] : memref<10112x128xf32, #tpu.memory_space<vmem_shared>> -> memref<632x128xf32, #tpu.memory_space<vmem_shared>>
      tpu.enqueue_dma source(%arg5 : memref<632x128xf32, #tpu.memory_space<hbm>>) target(%dma_start3A_17 : memref<632x128xf32, #tpu.memory_space<vmem_shared>>) target_semaphore(%run_scoped3A : memref<!tpu.dma_semaphore, #tpu.memory_space<semaphore_mem>>)
      %dma_wait3A_18 = arith.constant 0 : i32
      %dma_wait3A_19 = tpu.memref_slice %arg16[%mul3A_2, %dma_wait3A_18] : memref<10112x128xf32, #tpu.memory_space<vmem_shared>> -> memref<632x128xf32, #tpu.memory_space<vmem_shared>>
      tpu.wait_dma2 semaphore(%run_scoped3A : memref<!tpu.dma_semaphore, #tpu.memory_space<semaphore_mem>>) src(%arg5 : memref<632x128xf32, #tpu.memory_space<hbm>>) dst(%dma_wait3A_19 : memref<632x128xf32, #tpu.memory_space<vmem_shared>>)
      tpu.yield
    }) : () -> ()
    %barrier3A = arith.constant 0 : index
    tpu.barrier barrier_id(%barrier3A)
    %mul3A_3 = arith.constant 10000 : i32
    %mul3A_4 = arith.muli %add3A, %mul3A_3 : i32
    %scan3A = arith.constant 0 : i32
    %scan3A_5 = arith.constant 39 : i32
    %scan3A_6 = arith.addi %scan3A, %scan3A_5 : i32
    %scan3A_7 = arith.constant 1 : i32
    scf.for %scan3A_16 = %scan3A to %scan3A_6 step %scan3A_7  : i32 {
      %mul3A_17 = arith.constant 1 : i32
      %mul3A_18 = arith.muli %scan3A_16, %mul3A_17 : i32
      %add3A_19 = arith.constant 0 : i32
      %add3A_20 = arith.addi %add3A_19, %mul3A_18 : i32
      %mul3A_21 = arith.constant 2 : i32
      %mul3A_22 = arith.muli %mul3A_21, %add3A_20 : i32
      %mul3A_23 = arith.constant 128 : i32
      %mul3A_24 = arith.muli %mul3A_22, %mul3A_23 : i32
      %add3A_25 = arith.addi %mul3A_4, %mul3A_24 : i32
      %add3A_26 = arith.constant 128 : i32
      %add3A_27 = arith.addi %add3A_25, %add3A_26 : i32
      %dma_start3A_28 = tpu.memref_slice %arg3[%add3A_25] : memref<320000xi32, #tpu.memory_space<hbm>> -> memref<128xi32, #tpu.memory_space<hbm>>
      %dma_start3A_29 = tpu.memref_slice %arg3[%add3A_25] : memref<320000xi32, #tpu.memory_space<hbm>> -> memref<128xi32, #tpu.memory_space<hbm>>
      tpu.enqueue_dma source(%dma_start3A_29 : memref<128xi32, #tpu.memory_space<hbm>>) target(%arg7 : memref<128xi32, #tpu.memory_space<vmem>>) target_semaphore(%arg19 : memref<!tpu.dma_semaphore, #tpu.memory_space<semaphore_mem>>)
      %dma_start3A_30 = tpu.memref_slice %arg4[%add3A_25] : memref<320000xi32, #tpu.memory_space<hbm>> -> memref<128xi32, #tpu.memory_space<hbm>>
      %dma_start3A_31 = tpu.memref_slice %arg4[%add3A_25] : memref<320000xi32, #tpu.memory_space<hbm>> -> memref<128xi32, #tpu.memory_space<hbm>>
      tpu.enqueue_dma source(%dma_start3A_31 : memref<128xi32, #tpu.memory_space<hbm>>) target(%arg8 : memref<128xi32, #tpu.memory_space<vmem>>) target_semaphore(%arg20 : memref<!tpu.dma_semaphore, #tpu.memory_space<semaphore_mem>>)
      %dma_start3A_32 = tpu.memref_slice %arg3[%add3A_27] : memref<320000xi32, #tpu.memory_space<hbm>> -> memref<128xi32, #tpu.memory_space<hbm>>
      %dma_start3A_33 = tpu.memref_slice %arg3[%add3A_27] : memref<320000xi32, #tpu.memory_space<hbm>> -> memref<128xi32, #tpu.memory_space<hbm>>
      tpu.enqueue_dma source(%dma_start3A_33 : memref<128xi32, #tpu.memory_space<hbm>>) target(%arg9 : memref<128xi32, #tpu.memory_space<vmem>>) target_semaphore(%arg21 : memref<!tpu.dma_semaphore, #tpu.memory_space<semaphore_mem>>)
      %dma_start3A_34 = tpu.memref_slice %arg4[%add3A_27] : memref<320000xi32, #tpu.memory_space<hbm>> -> memref<128xi32, #tpu.memory_space<hbm>>
      %dma_start3A_35 = tpu.memref_slice %arg4[%add3A_27] : memref<320000xi32, #tpu.memory_space<hbm>> -> memref<128xi32, #tpu.memory_space<hbm>>
      tpu.enqueue_dma source(%dma_start3A_35 : memref<128xi32, #tpu.memory_space<hbm>>) target(%arg10 : memref<128xi32, #tpu.memory_space<vmem>>) target_semaphore(%arg22 : memref<!tpu.dma_semaphore, #tpu.memory_space<semaphore_mem>>)
      %dma_wait3A_36 = tpu.memref_slice %arg3[%add3A_25] : memref<320000xi32, #tpu.memory_space<hbm>> -> memref<128xi32, #tpu.memory_space<hbm>>
      %dma_wait3A_37 = tpu.memref_slice %arg3[%add3A_25] : memref<320000xi32, #tpu.memory_space<hbm>> -> memref<128xi32, #tpu.memory_space<hbm>>
      tpu.wait_dma2 semaphore(%arg19 : memref<!tpu.dma_semaphore, #tpu.memory_space<semaphore_mem>>) src(%dma_wait3A_37 : memref<128xi32, #tpu.memory_space<hbm>>) dst(%arg7 : memref<128xi32, #tpu.memory_space<vmem>>)
      %dma_start3A_38 = arith.constant 0 : i32
      %dma_start3A_39 = arith.constant 0 : i32
      %dma_start3A_40 = tpu.memref_slice %arg2[%dma_start3A_38, %dma_start3A_39] : memref<10000x128xf32, #tpu.memory_space<hbm>> -> memref<10000x128xf32, #tpu.memory_space<hbm>>
      tpu.enqueue_indirect_dma source(%dma_start3A_40 : memref<10000x128xf32, #tpu.memory_space<hbm>>) target(%arg11 : memref<128x128xf32, #tpu.memory_space<vmem>>) offsets(%arg7 : memref<128xi32, #tpu.memory_space<vmem>>) semaphore(%arg17 : memref<!tpu.dma_semaphore, #tpu.memory_space<semaphore_mem>>)
      %dma_wait3A_41 = tpu.memref_slice %arg3[%add3A_27] : memref<320000xi32, #tpu.memory_space<hbm>> -> memref<128xi32, #tpu.memory_space<hbm>>
      %dma_wait3A_42 = tpu.memref_slice %arg3[%add3A_27] : memref<320000xi32, #tpu.memory_space<hbm>> -> memref<128xi32, #tpu.memory_space<hbm>>
      tpu.wait_dma2 semaphore(%arg21 : memref<!tpu.dma_semaphore, #tpu.memory_space<semaphore_mem>>) src(%dma_wait3A_42 : memref<128xi32, #tpu.memory_space<hbm>>) dst(%arg9 : memref<128xi32, #tpu.memory_space<vmem>>)
      %dma_start3A_43 = arith.constant 0 : i32
      %dma_start3A_44 = arith.constant 0 : i32
      %dma_start3A_45 = tpu.memref_slice %arg2[%dma_start3A_43, %dma_start3A_44] : memref<10000x128xf32, #tpu.memory_space<hbm>> -> memref<10000x128xf32, #tpu.memory_space<hbm>>
      tpu.enqueue_indirect_dma source(%dma_start3A_45 : memref<10000x128xf32, #tpu.memory_space<hbm>>) target(%arg12 : memref<128x128xf32, #tpu.memory_space<vmem>>) offsets(%arg9 : memref<128xi32, #tpu.memory_space<vmem>>) semaphore(%arg18 : memref<!tpu.dma_semaphore, #tpu.memory_space<semaphore_mem>>)
      %dma_wait3A_46 = arith.constant 0 : i32
      %dma_wait3A_47 = arith.constant 0 : i32
      %dma_wait3A_48 = tpu.memref_slice %arg2[%dma_wait3A_46, %dma_wait3A_47] : memref<10000x128xf32, #tpu.memory_space<hbm>> -> memref<10000x128xf32, #tpu.memory_space<hbm>>
      tpu.wait_indirect_dma semaphore(%arg17 : memref<!tpu.dma_semaphore, #tpu.memory_space<semaphore_mem>>) src(%dma_wait3A_48 : memref<10000x128xf32, #tpu.memory_space<hbm>>) dst(%arg11 : memref<128x128xf32, #tpu.memory_space<vmem>>)
      %dma_wait3A_49 = tpu.memref_slice %arg4[%add3A_25] : memref<320000xi32, #tpu.memory_space<hbm>> -> memref<128xi32, #tpu.memory_space<hbm>>
      %dma_wait3A_50 = tpu.memref_slice %arg4[%add3A_25] : memref<320000xi32, #tpu.memory_space<hbm>> -> memref<128xi32, #tpu.memory_space<hbm>>
      tpu.wait_dma2 semaphore(%arg20 : memref<!tpu.dma_semaphore, #tpu.memory_space<semaphore_mem>>) src(%dma_wait3A_50 : memref<128xi32, #tpu.memory_space<hbm>>) dst(%arg8 : memref<128xi32, #tpu.memory_space<vmem>>)
      "tpu.region"() ({
        %run_scoped3A = tpu.sem_alloc : memref<!tpu.dma_semaphore, #tpu.memory_space<semaphore_mem>>
        %dma_start3A_56 = arith.constant 0 : i32
        %dma_start3A_57 = arith.constant 0 : i32
        %dma_start3A_58 = tpu.memref_slice %arg16[%dma_start3A_56, %dma_start3A_57] : memref<10112x128xf32, #tpu.memory_space<vmem_shared>> -> memref<10112x128xf32, #tpu.memory_space<vmem_shared>>
        tpu.enqueue_indirect_dma source(%arg11 : memref<128x128xf32, #tpu.memory_space<vmem>>) target(%dma_start3A_58 : memref<10112x128xf32, #tpu.memory_space<vmem_shared>>) offsets(%arg8 : memref<128xi32, #tpu.memory_space<vmem>>) semaphore(%run_scoped3A : memref<!tpu.dma_semaphore, #tpu.memory_space<semaphore_mem>>) {add = true}
        %dma_wait3A_59 = arith.constant 0 : i32
        %dma_wait3A_60 = arith.constant 0 : i32
        %dma_wait3A_61 = tpu.memref_slice %arg16[%dma_wait3A_59, %dma_wait3A_60] : memref<10112x128xf32, #tpu.memory_space<vmem_shared>> -> memref<10112x128xf32, #tpu.memory_space<vmem_shared>>
        tpu.wait_indirect_dma semaphore(%run_scoped3A : memref<!tpu.dma_semaphore, #tpu.memory_space<semaphore_mem>>) src(%arg11 : memref<128x128xf32, #tpu.memory_space<vmem>>) dst(%dma_wait3A_61 : memref<10112x128xf32, #tpu.memory_space<vmem_shared>>)
        tpu.yield
      }) : () -> ()
      %dma_wait3A_51 = arith.constant 0 : i32
      %dma_wait3A_52 = arith.constant 0 : i32
      %dma_wait3A_53 = tpu.memref_slice %arg2[%dma_wait3A_51, %dma_wait3A_52] : memref<10000x128xf32, #tpu.memory_space<hbm>> -> memref<10000x128xf32, #tpu.memory_space<hbm>>
      tpu.wait_indirect_dma semaphore(%arg18 : memref<!tpu.dma_semaphore, #tpu.memory_space<semaphore_mem>>) src(%dma_wait3A_53 : memref<10000x128xf32, #tpu.memory_space<hbm>>) dst(%arg12 : memref<128x128xf32, #tpu.memory_space<vmem>>)
      %dma_wait3A_54 = tpu.memref_slice %arg4[%add3A_27] : memref<320000xi32, #tpu.memory_space<hbm>> -> memref<128xi32, #tpu.memory_space<hbm>>
      %dma_wait3A_55 = tpu.memref_slice %arg4[%add3A_27] : memref<320000xi32, #tpu.memory_space<hbm>> -> memref<128xi32, #tpu.memory_space<hbm>>
      tpu.wait_dma2 semaphore(%arg22 : memref<!tpu.dma_semaphore, #tpu.memory_space<semaphore_mem>>) src(%dma_wait3A_55 : memref<128xi32, #tpu.memory_space<hbm>>) dst(%arg10 : memref<128xi32, #tpu.memory_space<vmem>>)
      "tpu.region"() ({
        %run_scoped3A = tpu.sem_alloc : memref<!tpu.dma_semaphore, #tpu.memory_space<semaphore_mem>>
        %dma_start3A_56 = arith.constant 0 : i32
        %dma_start3A_57 = arith.constant 0 : i32
        %dma_start3A_58 = tpu.memref_slice %arg16[%dma_start3A_56, %dma_start3A_57] : memref<10112x128xf32, #tpu.memory_space<vmem_shared>> -> memref<10112x128xf32, #tpu.memory_space<vmem_shared>>
        tpu.enqueue_indirect_dma source(%arg12 : memref<128x128xf32, #tpu.memory_space<vmem>>) target(%dma_start3A_58 : memref<10112x128xf32, #tpu.memory_space<vmem_shared>>) offsets(%arg10 : memref<128xi32, #tpu.memory_space<vmem>>) semaphore(%run_scoped3A : memref<!tpu.dma_semaphore, #tpu.memory_space<semaphore_mem>>) {add = true}
        %dma_wait3A_59 = arith.constant 0 : i32
        %dma_wait3A_60 = arith.constant 0 : i32
        %dma_wait3A_61 = tpu.memref_slice %arg16[%dma_wait3A_59, %dma_wait3A_60] : memref<10112x128xf32, #tpu.memory_space<vmem_shared>> -> memref<10112x128xf32, #tpu.memory_space<vmem_shared>>
        tpu.wait_indirect_dma semaphore(%run_scoped3A : memref<!tpu.dma_semaphore, #tpu.memory_space<semaphore_mem>>) src(%arg12 : memref<128x128xf32, #tpu.memory_space<vmem>>) dst(%dma_wait3A_61 : memref<10112x128xf32, #tpu.memory_space<vmem_shared>>)
        tpu.yield
      }) : () -> ()
    }
    %scan3A_8 = arith.constant 39 : i32
    %add3A_9 = arith.constant 9984 : i32
    %add3A_10 = arith.addi %mul3A_4, %add3A_9 : i32
    "tpu.region"() ({
      %run_scoped3A = tpu.sem_alloc : memref<!tpu.dma_semaphore, #tpu.memory_space<semaphore_mem>>
      %dma_start3A_16 = tpu.memref_slice %arg3[%add3A_10] : memref<320000xi32, #tpu.memory_space<hbm>> -> memref<16xi32, #tpu.memory_space<hbm>>
      %dma_start3A_17 = tpu.memref_slice %arg3[%add3A_10] : memref<320000xi32, #tpu.memory_space<hbm>> -> memref<16xi32, #tpu.memory_space<hbm>>
      tpu.enqueue_dma source(%dma_start3A_17 : memref<16xi32, #tpu.memory_space<hbm>>) target(%arg13 : memref<16xi32, #tpu.memory_space<vmem>>) target_semaphore(%run_scoped3A : memref<!tpu.dma_semaphore, #tpu.memory_space<semaphore_mem>>)
      %dma_wait3A_18 = tpu.memref_slice %arg3[%add3A_10] : memref<320000xi32, #tpu.memory_space<hbm>> -> memref<16xi32, #tpu.memory_space<hbm>>
      %dma_wait3A_19 = tpu.memref_slice %arg3[%add3A_10] : memref<320000xi32, #tpu.memory_space<hbm>> -> memref<16xi32, #tpu.memory_space<hbm>>
      tpu.wait_dma2 semaphore(%run_scoped3A : memref<!tpu.dma_semaphore, #tpu.memory_space<semaphore_mem>>) src(%dma_wait3A_19 : memref<16xi32, #tpu.memory_space<hbm>>) dst(%arg13 : memref<16xi32, #tpu.memory_space<vmem>>)
      tpu.yield
    }) : () -> ()
    "tpu.region"() ({
      %run_scoped3A = tpu.sem_alloc : memref<!tpu.dma_semaphore, #tpu.memory_space<semaphore_mem>>
      %dma_start3A_16 = tpu.memref_slice %arg4[%add3A_10] : memref<320000xi32, #tpu.memory_space<hbm>> -> memref<16xi32, #tpu.memory_space<hbm>>
      %dma_start3A_17 = tpu.memref_slice %arg4[%add3A_10] : memref<320000xi32, #tpu.memory_space<hbm>> -> memref<16xi32, #tpu.memory_space<hbm>>
      tpu.enqueue_dma source(%dma_start3A_17 : memref<16xi32, #tpu.memory_space<hbm>>) target(%arg14 : memref<16xi32, #tpu.memory_space<vmem>>) target_semaphore(%run_scoped3A : memref<!tpu.dma_semaphore, #tpu.memory_space<semaphore_mem>>)
      %dma_wait3A_18 = tpu.memref_slice %arg4[%add3A_10] : memref<320000xi32, #tpu.memory_space<hbm>> -> memref<16xi32, #tpu.memory_space<hbm>>
      %dma_wait3A_19 = tpu.memref_slice %arg4[%add3A_10] : memref<320000xi32, #tpu.memory_space<hbm>> -> memref<16xi32, #tpu.memory_space<hbm>>
      tpu.wait_dma2 semaphore(%run_scoped3A : memref<!tpu.dma_semaphore, #tpu.memory_space<semaphore_mem>>) src(%dma_wait3A_19 : memref<16xi32, #tpu.memory_space<hbm>>) dst(%arg14 : memref<16xi32, #tpu.memory_space<vmem>>)
      tpu.yield
    }) : () -> ()
    %dma_start3A = arith.constant 0 : i32
    %dma_start3A_11 = arith.constant 0 : i32
    %dma_start3A_12 = tpu.memref_slice %arg2[%dma_start3A, %dma_start3A_11] : memref<10000x128xf32, #tpu.memory_space<hbm>> -> memref<10000x128xf32, #tpu.memory_space<hbm>>
    tpu.enqueue_indirect_dma source(%dma_start3A_12 : memref<10000x128xf32, #tpu.memory_space<hbm>>) target(%arg15 : memref<16x128xf32, #tpu.memory_space<vmem>>) offsets(%arg13 : memref<16xi32, #tpu.memory_space<vmem>>) semaphore(%arg17 : memref<!tpu.dma_semaphore, #tpu.memory_space<semaphore_mem>>)
    %dma_wait3A = arith.constant 0 : i32
    %dma_wait3A_13 = arith.constant 0 : i32
    %dma_wait3A_14 = tpu.memref_slice %arg2[%dma_wait3A, %dma_wait3A_13] : memref<10000x128xf32, #tpu.memory_space<hbm>> -> memref<10000x128xf32, #tpu.memory_space<hbm>>
    tpu.wait_indirect_dma semaphore(%arg17 : memref<!tpu.dma_semaphore, #tpu.memory_space<semaphore_mem>>) src(%dma_wait3A_14 : memref<10000x128xf32, #tpu.memory_space<hbm>>) dst(%arg15 : memref<16x128xf32, #tpu.memory_space<vmem>>)
    "tpu.region"() ({
      %run_scoped3A = tpu.sem_alloc : memref<!tpu.dma_semaphore, #tpu.memory_space<semaphore_mem>>
      %dma_start3A_16 = arith.constant 0 : i32
      %dma_start3A_17 = arith.constant 0 : i32
      %dma_start3A_18 = tpu.memref_slice %arg16[%dma_start3A_16, %dma_start3A_17] : memref<10112x128xf32, #tpu.memory_space<vmem_shared>> -> memref<10112x128xf32, #tpu.memory_space<vmem_shared>>
      tpu.enqueue_indirect_dma source(%arg15 : memref<16x128xf32, #tpu.memory_space<vmem>>) target(%dma_start3A_18 : memref<10112x128xf32, #tpu.memory_space<vmem_shared>>) offsets(%arg14 : memref<16xi32, #tpu.memory_space<vmem>>) semaphore(%run_scoped3A : memref<!tpu.dma_semaphore, #tpu.memory_space<semaphore_mem>>) {add = true}
      %dma_wait3A_19 = arith.constant 0 : i32
      %dma_wait3A_20 = arith.constant 0 : i32
      %dma_wait3A_21 = tpu.memref_slice %arg16[%dma_wait3A_19, %dma_wait3A_20] : memref<10112x128xf32, #tpu.memory_space<vmem_shared>> -> memref<10112x128xf32, #tpu.memory_space<vmem_shared>>
      tpu.wait_indirect_dma semaphore(%run_scoped3A : memref<!tpu.dma_semaphore, #tpu.memory_space<semaphore_mem>>) src(%arg15 : memref<16x128xf32, #tpu.memory_space<vmem>>) dst(%dma_wait3A_21 : memref<10112x128xf32, #tpu.memory_space<vmem_shared>>)
      tpu.yield
    }) : () -> ()
    %barrier3A_15 = arith.constant 0 : index
    tpu.barrier barrier_id(%barrier3A_15)
    "tpu.region"() ({
      %run_scoped3A = tpu.sem_alloc : memref<!tpu.dma_semaphore, #tpu.memory_space<semaphore_mem>>
      %dma_start3A_16 = arith.constant 0 : i32
      %dma_start3A_17 = tpu.memref_slice %arg6[%arg0, %mul3A_2, %dma_start3A_16] : memref<2x10112x128xf32, #tpu.memory_space<hbm>> -> memref<1x632x128xf32, #tpu.memory_space<hbm>>
      %dma_start3A_18 = tpu.memref_squeeze %dma_start3A_17 : memref<1x632x128xf32, #tpu.memory_space<hbm>> -> memref<632x128xf32, #tpu.memory_space<hbm>>
      %dma_start3A_19 = arith.constant 0 : i32
      %dma_start3A_20 = tpu.memref_slice %arg16[%mul3A_2, %dma_start3A_19] : memref<10112x128xf32, #tpu.memory_space<vmem_shared>> -> memref<632x128xf32, #tpu.memory_space<vmem_shared>>
      tpu.enqueue_dma source(%dma_start3A_20 : memref<632x128xf32, #tpu.memory_space<vmem_shared>>) target(%dma_start3A_18 : memref<632x128xf32, #tpu.memory_space<hbm>>) target_semaphore(%run_scoped3A : memref<!tpu.dma_semaphore, #tpu.memory_space<semaphore_mem>>)
      %dma_wait3A_21 = arith.constant 0 : i32
      %dma_wait3A_22 = tpu.memref_slice %arg6[%arg0, %mul3A_2, %dma_wait3A_21] : memref<2x10112x128xf32, #tpu.memory_space<hbm>> -> memref<1x632x128xf32, #tpu.memory_space<hbm>>
      %dma_wait3A_23 = tpu.memref_squeeze %dma_wait3A_22 : memref<1x632x128xf32, #tpu.memory_space<hbm>> -> memref<632x128xf32, #tpu.memory_space<hbm>>
      %dma_wait3A_24 = arith.constant 0 : i32
      %dma_wait3A_25 = tpu.memref_slice %arg16[%mul3A_2, %dma_wait3A_24] : memref<10112x128xf32, #tpu.memory_space<vmem_shared>> -> memref<632x128xf32, #tpu.memory_space<vmem_shared>>
      tpu.wait_dma2 semaphore(%run_scoped3A : memref<!tpu.dma_semaphore, #tpu.memory_space<semaphore_mem>>) src(%dma_wait3A_25 : memref<632x128xf32, #tpu.memory_space<vmem_shared>>) dst(%dma_wait3A_23 : memref<632x128xf32, #tpu.memory_space<hbm>>)
      tpu.yield
    }) : () -> ()
    return
  }
}

#map = affine_map<(d0, d1) -> (0, 0)>
#map1 = affine_map<(d0, d1) -> (0)>
#map2 = affine_map<(d0, d1) -> (0, 0, 0)>
module attributes {stable_mosaic.version = 14 : i64} {
  func.func @k(%arg0: i32, %arg1: i32, %arg2: memref<10112x128xf32, #tpu.memory_space<hbm>>, %arg3: memref<320000xi32, #tpu.memory_space<hbm>>, %arg4: memref<320000xi32, #tpu.memory_space<hbm>>, %arg5: memref<632x128xf32, #tpu.memory_space<hbm>>, %arg6: memref<2x10112x128xf32, #tpu.memory_space<hbm>>, %arg7: memref<128xi32, #tpu.memory_space<vmem>>, %arg8: memref<128xi32, #tpu.memory_space<vmem>>, %arg9: memref<128xi32, #tpu.memory_space<vmem>>, %arg10: memref<128xi32, #tpu.memory_space<vmem>>, %arg11: memref<128x128xf32, #tpu.memory_space<vmem>>, %arg12: memref<128x128xf32, #tpu.memory_space<vmem>>, %arg13: memref<16xi32, #tpu.memory_space<vmem>>, %arg14: memref<16xi32, #tpu.memory_space<vmem>>, %arg15: memref<16x128xf32, #tpu.memory_space<vmem>>, %arg16: memref<10112x128xf32, #tpu.memory_space<vmem_shared>>, %arg17: memref<!tpu.dma_semaphore, #tpu.memory_space<semaphore_mem>>, %arg18: memref<!tpu.dma_semaphore, #tpu.memory_space<semaphore_mem>>, %arg19: memref<!tpu.dma_semaphore, #tpu.memory_space<semaphore_mem>>, %arg20: memref<!tpu.dma_semaphore, #tpu.memory_space<semaphore_mem>>, %arg21: memref<!tpu.dma_semaphore, #tpu.memory_space<semaphore_mem>>, %arg22: memref<!tpu.dma_semaphore, #tpu.memory_space<semaphore_mem>>) attributes {dimension_semantics = [#tpu.dimension_semantics<core_parallel>, #tpu.dimension_semantics<subcore_parallel>], iteration_bounds = array<i64: 2, 16>, scalar_prefetch = 0 : i64, scratch_operands = 16 : i64, tpu.core_type = #tpu.core_type<sc_vector_subcore>, window_params = [{transform_indices = #map}, {transform_indices = #map1}, {transform_indices = #map1}, {transform_indices = #map}, {transform_indices = #map2}]} {
    %mul3A = arith.constant 16 : i32
    %mul3A_0 = arith.muli %arg0, %mul3A : i32
    %add3A = arith.addi %mul3A_0, %arg1 : i32
    %mul3A_1 = arith.constant 632 : i32
    %mul3A_2 = arith.muli %arg1, %mul3A_1 : i32
    "tpu.region"() ({
      %run_scoped3A = tpu.sem_alloc : memref<!tpu.dma_semaphore, #tpu.memory_space<semaphore_mem>>
      %dma_start3A_16 = arith.constant 0 : i32
      %dma_start3A_17 = tpu.memref_slice %arg16[%mul3A_2, %dma_start3A_16] : memref<10112x128xf32, #tpu.memory_space<vmem_shared>> -> memref<632x128xf32, #tpu.memory_space<vmem_shared>>
      tpu.enqueue_dma source(%arg5 : memref<632x128xf32, #tpu.memory_space<hbm>>) target(%dma_start3A_17 : memref<632x128xf32, #tpu.memory_space<vmem_shared>>) target_semaphore(%run_scoped3A : memref<!tpu.dma_semaphore, #tpu.memory_space<semaphore_mem>>)
      %dma_wait3A_18 = arith.constant 0 : i32
      %dma_wait3A_19 = tpu.memref_slice %arg16[%mul3A_2, %dma_wait3A_18] : memref<10112x128xf32, #tpu.memory_space<vmem_shared>> -> memref<632x128xf32, #tpu.memory_space<vmem_shared>>
      tpu.wait_dma2 semaphore(%run_scoped3A : memref<!tpu.dma_semaphore, #tpu.memory_space<semaphore_mem>>) src(%arg5 : memref<632x128xf32, #tpu.memory_space<hbm>>) dst(%dma_wait3A_19 : memref<632x128xf32, #tpu.memory_space<vmem_shared>>)
      tpu.yield
    }) : () -> ()
    %barrier3A = arith.constant 0 : index
    tpu.barrier barrier_id(%barrier3A)
    %mul3A_3 = arith.constant 10000 : i32
    %mul3A_4 = arith.muli %add3A, %mul3A_3 : i32
    %scan3A = arith.constant 0 : i32
    %scan3A_5 = arith.constant 39 : i32
    %scan3A_6 = arith.addi %scan3A, %scan3A_5 : i32
    %scan3A_7 = arith.constant 1 : i32
    scf.for %scan3A_16 = %scan3A to %scan3A_6 step %scan3A_7  : i32 {
      %mul3A_17 = arith.constant 1 : i32
      %mul3A_18 = arith.muli %scan3A_16, %mul3A_17 : i32
      %add3A_19 = arith.constant 0 : i32
      %add3A_20 = arith.addi %add3A_19, %mul3A_18 : i32
      %mul3A_21 = arith.constant 2 : i32
      %mul3A_22 = arith.muli %mul3A_21, %add3A_20 : i32
      %mul3A_23 = arith.constant 128 : i32
      %mul3A_24 = arith.muli %mul3A_22, %mul3A_23 : i32
      %add3A_25 = arith.addi %mul3A_4, %mul3A_24 : i32
      %add3A_26 = arith.constant 128 : i32
      %add3A_27 = arith.addi %add3A_25, %add3A_26 : i32
      %dma_start3A_28 = tpu.memref_slice %arg3[%add3A_25] : memref<320000xi32, #tpu.memory_space<hbm>> -> memref<128xi32, #tpu.memory_space<hbm>>
      %dma_start3A_29 = tpu.memref_slice %arg3[%add3A_25] : memref<320000xi32, #tpu.memory_space<hbm>> -> memref<128xi32, #tpu.memory_space<hbm>>
      tpu.enqueue_dma source(%dma_start3A_29 : memref<128xi32, #tpu.memory_space<hbm>>) target(%arg7 : memref<128xi32, #tpu.memory_space<vmem>>) target_semaphore(%arg19 : memref<!tpu.dma_semaphore, #tpu.memory_space<semaphore_mem>>)
      %dma_start3A_30 = tpu.memref_slice %arg4[%add3A_25] : memref<320000xi32, #tpu.memory_space<hbm>> -> memref<128xi32, #tpu.memory_space<hbm>>
      %dma_start3A_31 = tpu.memref_slice %arg4[%add3A_25] : memref<320000xi32, #tpu.memory_space<hbm>> -> memref<128xi32, #tpu.memory_space<hbm>>
      tpu.enqueue_dma source(%dma_start3A_31 : memref<128xi32, #tpu.memory_space<hbm>>) target(%arg8 : memref<128xi32, #tpu.memory_space<vmem>>) target_semaphore(%arg20 : memref<!tpu.dma_semaphore, #tpu.memory_space<semaphore_mem>>)
      %dma_start3A_32 = tpu.memref_slice %arg3[%add3A_27] : memref<320000xi32, #tpu.memory_space<hbm>> -> memref<128xi32, #tpu.memory_space<hbm>>
      %dma_start3A_33 = tpu.memref_slice %arg3[%add3A_27] : memref<320000xi32, #tpu.memory_space<hbm>> -> memref<128xi32, #tpu.memory_space<hbm>>
      tpu.enqueue_dma source(%dma_start3A_33 : memref<128xi32, #tpu.memory_space<hbm>>) target(%arg9 : memref<128xi32, #tpu.memory_space<vmem>>) target_semaphore(%arg21 : memref<!tpu.dma_semaphore, #tpu.memory_space<semaphore_mem>>)
      %dma_start3A_34 = tpu.memref_slice %arg4[%add3A_27] : memref<320000xi32, #tpu.memory_space<hbm>> -> memref<128xi32, #tpu.memory_space<hbm>>
      %dma_start3A_35 = tpu.memref_slice %arg4[%add3A_27] : memref<320000xi32, #tpu.memory_space<hbm>> -> memref<128xi32, #tpu.memory_space<hbm>>
      tpu.enqueue_dma source(%dma_start3A_35 : memref<128xi32, #tpu.memory_space<hbm>>) target(%arg10 : memref<128xi32, #tpu.memory_space<vmem>>) target_semaphore(%arg22 : memref<!tpu.dma_semaphore, #tpu.memory_space<semaphore_mem>>)
      %dma_wait3A_36 = tpu.memref_slice %arg3[%add3A_25] : memref<320000xi32, #tpu.memory_space<hbm>> -> memref<128xi32, #tpu.memory_space<hbm>>
      %dma_wait3A_37 = tpu.memref_slice %arg3[%add3A_25] : memref<320000xi32, #tpu.memory_space<hbm>> -> memref<128xi32, #tpu.memory_space<hbm>>
      tpu.wait_dma2 semaphore(%arg19 : memref<!tpu.dma_semaphore, #tpu.memory_space<semaphore_mem>>) src(%dma_wait3A_37 : memref<128xi32, #tpu.memory_space<hbm>>) dst(%arg7 : memref<128xi32, #tpu.memory_space<vmem>>)
      %dma_start3A_38 = arith.constant 0 : i32
      %dma_start3A_39 = arith.constant 0 : i32
      %dma_start3A_40 = tpu.memref_slice %arg2[%dma_start3A_38, %dma_start3A_39] : memref<10112x128xf32, #tpu.memory_space<hbm>> -> memref<10112x128xf32, #tpu.memory_space<hbm>>
      tpu.enqueue_indirect_dma source(%dma_start3A_40 : memref<10112x128xf32, #tpu.memory_space<hbm>>) target(%arg11 : memref<128x128xf32, #tpu.memory_space<vmem>>) offsets(%arg7 : memref<128xi32, #tpu.memory_space<vmem>>) semaphore(%arg17 : memref<!tpu.dma_semaphore, #tpu.memory_space<semaphore_mem>>)
      %dma_wait3A_41 = tpu.memref_slice %arg3[%add3A_27] : memref<320000xi32, #tpu.memory_space<hbm>> -> memref<128xi32, #tpu.memory_space<hbm>>
      %dma_wait3A_42 = tpu.memref_slice %arg3[%add3A_27] : memref<320000xi32, #tpu.memory_space<hbm>> -> memref<128xi32, #tpu.memory_space<hbm>>
      tpu.wait_dma2 semaphore(%arg21 : memref<!tpu.dma_semaphore, #tpu.memory_space<semaphore_mem>>) src(%dma_wait3A_42 : memref<128xi32, #tpu.memory_space<hbm>>) dst(%arg9 : memref<128xi32, #tpu.memory_space<vmem>>)
      %dma_start3A_43 = arith.constant 0 : i32
      %dma_start3A_44 = arith.constant 0 : i32
      %dma_start3A_45 = tpu.memref_slice %arg2[%dma_start3A_43, %dma_start3A_44] : memref<10112x128xf32, #tpu.memory_space<hbm>> -> memref<10112x128xf32, #tpu.memory_space<hbm>>
      tpu.enqueue_indirect_dma source(%dma_start3A_45 : memref<10112x128xf32, #tpu.memory_space<hbm>>) target(%arg12 : memref<128x128xf32, #tpu.memory_space<vmem>>) offsets(%arg9 : memref<128xi32, #tpu.memory_space<vmem>>) semaphore(%arg18 : memref<!tpu.dma_semaphore, #tpu.memory_space<semaphore_mem>>)
      %dma_wait3A_46 = arith.constant 0 : i32
      %dma_wait3A_47 = arith.constant 0 : i32
      %dma_wait3A_48 = tpu.memref_slice %arg2[%dma_wait3A_46, %dma_wait3A_47] : memref<10112x128xf32, #tpu.memory_space<hbm>> -> memref<10112x128xf32, #tpu.memory_space<hbm>>
      tpu.wait_indirect_dma semaphore(%arg17 : memref<!tpu.dma_semaphore, #tpu.memory_space<semaphore_mem>>) src(%dma_wait3A_48 : memref<10112x128xf32, #tpu.memory_space<hbm>>) dst(%arg11 : memref<128x128xf32, #tpu.memory_space<vmem>>)
      %dma_wait3A_49 = tpu.memref_slice %arg4[%add3A_25] : memref<320000xi32, #tpu.memory_space<hbm>> -> memref<128xi32, #tpu.memory_space<hbm>>
      %dma_wait3A_50 = tpu.memref_slice %arg4[%add3A_25] : memref<320000xi32, #tpu.memory_space<hbm>> -> memref<128xi32, #tpu.memory_space<hbm>>
      tpu.wait_dma2 semaphore(%arg20 : memref<!tpu.dma_semaphore, #tpu.memory_space<semaphore_mem>>) src(%dma_wait3A_50 : memref<128xi32, #tpu.memory_space<hbm>>) dst(%arg8 : memref<128xi32, #tpu.memory_space<vmem>>)
      "tpu.region"() ({
        %run_scoped3A = tpu.sem_alloc : memref<!tpu.dma_semaphore, #tpu.memory_space<semaphore_mem>>
        %dma_start3A_56 = arith.constant 0 : i32
        %dma_start3A_57 = arith.constant 0 : i32
        %dma_start3A_58 = tpu.memref_slice %arg16[%dma_start3A_56, %dma_start3A_57] : memref<10112x128xf32, #tpu.memory_space<vmem_shared>> -> memref<10112x128xf32, #tpu.memory_space<vmem_shared>>
        tpu.enqueue_indirect_dma source(%arg11 : memref<128x128xf32, #tpu.memory_space<vmem>>) target(%dma_start3A_58 : memref<10112x128xf32, #tpu.memory_space<vmem_shared>>) offsets(%arg8 : memref<128xi32, #tpu.memory_space<vmem>>) semaphore(%run_scoped3A : memref<!tpu.dma_semaphore, #tpu.memory_space<semaphore_mem>>) {add = true}
        %dma_wait3A_59 = arith.constant 0 : i32
        %dma_wait3A_60 = arith.constant 0 : i32
        %dma_wait3A_61 = tpu.memref_slice %arg16[%dma_wait3A_59, %dma_wait3A_60] : memref<10112x128xf32, #tpu.memory_space<vmem_shared>> -> memref<10112x128xf32, #tpu.memory_space<vmem_shared>>
        tpu.wait_indirect_dma semaphore(%run_scoped3A : memref<!tpu.dma_semaphore, #tpu.memory_space<semaphore_mem>>) src(%arg11 : memref<128x128xf32, #tpu.memory_space<vmem>>) dst(%dma_wait3A_61 : memref<10112x128xf32, #tpu.memory_space<vmem_shared>>)
        tpu.yield
      }) : () -> ()
      %dma_wait3A_51 = arith.constant 0 : i32
      %dma_wait3A_52 = arith.constant 0 : i32
      %dma_wait3A_53 = tpu.memref_slice %arg2[%dma_wait3A_51, %dma_wait3A_52] : memref<10112x128xf32, #tpu.memory_space<hbm>> -> memref<10112x128xf32, #tpu.memory_space<hbm>>
      tpu.wait_indirect_dma semaphore(%arg18 : memref<!tpu.dma_semaphore, #tpu.memory_space<semaphore_mem>>) src(%dma_wait3A_53 : memref<10112x128xf32, #tpu.memory_space<hbm>>) dst(%arg12 : memref<128x128xf32, #tpu.memory_space<vmem>>)
      %dma_wait3A_54 = tpu.memref_slice %arg4[%add3A_27] : memref<320000xi32, #tpu.memory_space<hbm>> -> memref<128xi32, #tpu.memory_space<hbm>>
      %dma_wait3A_55 = tpu.memref_slice %arg4[%add3A_27] : memref<320000xi32, #tpu.memory_space<hbm>> -> memref<128xi32, #tpu.memory_space<hbm>>
      tpu.wait_dma2 semaphore(%arg22 : memref<!tpu.dma_semaphore, #tpu.memory_space<semaphore_mem>>) src(%dma_wait3A_55 : memref<128xi32, #tpu.memory_space<hbm>>) dst(%arg10 : memref<128xi32, #tpu.memory_space<vmem>>)
      "tpu.region"() ({
        %run_scoped3A = tpu.sem_alloc : memref<!tpu.dma_semaphore, #tpu.memory_space<semaphore_mem>>
        %dma_start3A_56 = arith.constant 0 : i32
        %dma_start3A_57 = arith.constant 0 : i32
        %dma_start3A_58 = tpu.memref_slice %arg16[%dma_start3A_56, %dma_start3A_57] : memref<10112x128xf32, #tpu.memory_space<vmem_shared>> -> memref<10112x128xf32, #tpu.memory_space<vmem_shared>>
        tpu.enqueue_indirect_dma source(%arg12 : memref<128x128xf32, #tpu.memory_space<vmem>>) target(%dma_start3A_58 : memref<10112x128xf32, #tpu.memory_space<vmem_shared>>) offsets(%arg10 : memref<128xi32, #tpu.memory_space<vmem>>) semaphore(%run_scoped3A : memref<!tpu.dma_semaphore, #tpu.memory_space<semaphore_mem>>) {add = true}
        %dma_wait3A_59 = arith.constant 0 : i32
        %dma_wait3A_60 = arith.constant 0 : i32
        %dma_wait3A_61 = tpu.memref_slice %arg16[%dma_wait3A_59, %dma_wait3A_60] : memref<10112x128xf32, #tpu.memory_space<vmem_shared>> -> memref<10112x128xf32, #tpu.memory_space<vmem_shared>>
        tpu.wait_indirect_dma semaphore(%run_scoped3A : memref<!tpu.dma_semaphore, #tpu.memory_space<semaphore_mem>>) src(%arg12 : memref<128x128xf32, #tpu.memory_space<vmem>>) dst(%dma_wait3A_61 : memref<10112x128xf32, #tpu.memory_space<vmem_shared>>)
        tpu.yield
      }) : () -> ()
    }
    %scan3A_8 = arith.constant 39 : i32
    %add3A_9 = arith.constant 9984 : i32
    %add3A_10 = arith.addi %mul3A_4, %add3A_9 : i32
    "tpu.region"() ({
      %run_scoped3A = tpu.sem_alloc : memref<!tpu.dma_semaphore, #tpu.memory_space<semaphore_mem>>
      %dma_start3A_16 = tpu.memref_slice %arg3[%add3A_10] : memref<320000xi32, #tpu.memory_space<hbm>> -> memref<16xi32, #tpu.memory_space<hbm>>
      %dma_start3A_17 = tpu.memref_slice %arg3[%add3A_10] : memref<320000xi32, #tpu.memory_space<hbm>> -> memref<16xi32, #tpu.memory_space<hbm>>
      tpu.enqueue_dma source(%dma_start3A_17 : memref<16xi32, #tpu.memory_space<hbm>>) target(%arg13 : memref<16xi32, #tpu.memory_space<vmem>>) target_semaphore(%run_scoped3A : memref<!tpu.dma_semaphore, #tpu.memory_space<semaphore_mem>>)
      %dma_wait3A_18 = tpu.memref_slice %arg3[%add3A_10] : memref<320000xi32, #tpu.memory_space<hbm>> -> memref<16xi32, #tpu.memory_space<hbm>>
      %dma_wait3A_19 = tpu.memref_slice %arg3[%add3A_10] : memref<320000xi32, #tpu.memory_space<hbm>> -> memref<16xi32, #tpu.memory_space<hbm>>
      tpu.wait_dma2 semaphore(%run_scoped3A : memref<!tpu.dma_semaphore, #tpu.memory_space<semaphore_mem>>) src(%dma_wait3A_19 : memref<16xi32, #tpu.memory_space<hbm>>) dst(%arg13 : memref<16xi32, #tpu.memory_space<vmem>>)
      tpu.yield
    }) : () -> ()
    "tpu.region"() ({
      %run_scoped3A = tpu.sem_alloc : memref<!tpu.dma_semaphore, #tpu.memory_space<semaphore_mem>>
      %dma_start3A_16 = tpu.memref_slice %arg4[%add3A_10] : memref<320000xi32, #tpu.memory_space<hbm>> -> memref<16xi32, #tpu.memory_space<hbm>>
      %dma_start3A_17 = tpu.memref_slice %arg4[%add3A_10] : memref<320000xi32, #tpu.memory_space<hbm>> -> memref<16xi32, #tpu.memory_space<hbm>>
      tpu.enqueue_dma source(%dma_start3A_17 : memref<16xi32, #tpu.memory_space<hbm>>) target(%arg14 : memref<16xi32, #tpu.memory_space<vmem>>) target_semaphore(%run_scoped3A : memref<!tpu.dma_semaphore, #tpu.memory_space<semaphore_mem>>)
      %dma_wait3A_18 = tpu.memref_slice %arg4[%add3A_10] : memref<320000xi32, #tpu.memory_space<hbm>> -> memref<16xi32, #tpu.memory_space<hbm>>
      %dma_wait3A_19 = tpu.memref_slice %arg4[%add3A_10] : memref<320000xi32, #tpu.memory_space<hbm>> -> memref<16xi32, #tpu.memory_space<hbm>>
      tpu.wait_dma2 semaphore(%run_scoped3A : memref<!tpu.dma_semaphore, #tpu.memory_space<semaphore_mem>>) src(%dma_wait3A_19 : memref<16xi32, #tpu.memory_space<hbm>>) dst(%arg14 : memref<16xi32, #tpu.memory_space<vmem>>)
      tpu.yield
    }) : () -> ()
    %dma_start3A = arith.constant 0 : i32
    %dma_start3A_11 = arith.constant 0 : i32
    %dma_start3A_12 = tpu.memref_slice %arg2[%dma_start3A, %dma_start3A_11] : memref<10112x128xf32, #tpu.memory_space<hbm>> -> memref<10112x128xf32, #tpu.memory_space<hbm>>
    tpu.enqueue_indirect_dma source(%dma_start3A_12 : memref<10112x128xf32, #tpu.memory_space<hbm>>) target(%arg15 : memref<16x128xf32, #tpu.memory_space<vmem>>) offsets(%arg13 : memref<16xi32, #tpu.memory_space<vmem>>) semaphore(%arg17 : memref<!tpu.dma_semaphore, #tpu.memory_space<semaphore_mem>>)
    %dma_wait3A = arith.constant 0 : i32
    %dma_wait3A_13 = arith.constant 0 : i32
    %dma_wait3A_14 = tpu.memref_slice %arg2[%dma_wait3A, %dma_wait3A_13] : memref<10112x128xf32, #tpu.memory_space<hbm>> -> memref<10112x128xf32, #tpu.memory_space<hbm>>
    tpu.wait_indirect_dma semaphore(%arg17 : memref<!tpu.dma_semaphore, #tpu.memory_space<semaphore_mem>>) src(%dma_wait3A_14 : memref<10112x128xf32, #tpu.memory_space<hbm>>) dst(%arg15 : memref<16x128xf32, #tpu.memory_space<vmem>>)
    "tpu.region"() ({
      %run_scoped3A = tpu.sem_alloc : memref<!tpu.dma_semaphore, #tpu.memory_space<semaphore_mem>>
      %dma_start3A_16 = arith.constant 0 : i32
      %dma_start3A_17 = arith.constant 0 : i32
      %dma_start3A_18 = tpu.memref_slice %arg16[%dma_start3A_16, %dma_start3A_17] : memref<10112x128xf32, #tpu.memory_space<vmem_shared>> -> memref<10112x128xf32, #tpu.memory_space<vmem_shared>>
      tpu.enqueue_indirect_dma source(%arg15 : memref<16x128xf32, #tpu.memory_space<vmem>>) target(%dma_start3A_18 : memref<10112x128xf32, #tpu.memory_space<vmem_shared>>) offsets(%arg14 : memref<16xi32, #tpu.memory_space<vmem>>) semaphore(%run_scoped3A : memref<!tpu.dma_semaphore, #tpu.memory_space<semaphore_mem>>) {add = true}
      %dma_wait3A_19 = arith.constant 0 : i32
      %dma_wait3A_20 = arith.constant 0 : i32
      %dma_wait3A_21 = tpu.memref_slice %arg16[%dma_wait3A_19, %dma_wait3A_20] : memref<10112x128xf32, #tpu.memory_space<vmem_shared>> -> memref<10112x128xf32, #tpu.memory_space<vmem_shared>>
      tpu.wait_indirect_dma semaphore(%run_scoped3A : memref<!tpu.dma_semaphore, #tpu.memory_space<semaphore_mem>>) src(%arg15 : memref<16x128xf32, #tpu.memory_space<vmem>>) dst(%dma_wait3A_21 : memref<10112x128xf32, #tpu.memory_space<vmem_shared>>)
      tpu.yield
    }) : () -> ()
    %barrier3A_15 = arith.constant 0 : index
    tpu.barrier barrier_id(%barrier3A_15)
    "tpu.region"() ({
      %run_scoped3A = tpu.sem_alloc : memref<!tpu.dma_semaphore, #tpu.memory_space<semaphore_mem>>
      %dma_start3A_16 = arith.constant 0 : i32
      %dma_start3A_17 = tpu.memref_slice %arg6[%arg0, %mul3A_2, %dma_start3A_16] : memref<2x10112x128xf32, #tpu.memory_space<hbm>> -> memref<1x632x128xf32, #tpu.memory_space<hbm>>
      %dma_start3A_18 = tpu.memref_squeeze %dma_start3A_17 : memref<1x632x128xf32, #tpu.memory_space<hbm>> -> memref<632x128xf32, #tpu.memory_space<hbm>>
      %dma_start3A_19 = arith.constant 0 : i32
      %dma_start3A_20 = tpu.memref_slice %arg16[%mul3A_2, %dma_start3A_19] : memref<10112x128xf32, #tpu.memory_space<vmem_shared>> -> memref<632x128xf32, #tpu.memory_space<vmem_shared>>
      tpu.enqueue_dma source(%dma_start3A_20 : memref<632x128xf32, #tpu.memory_space<vmem_shared>>) target(%dma_start3A_18 : memref<632x128xf32, #tpu.memory_space<hbm>>) target_semaphore(%run_scoped3A : memref<!tpu.dma_semaphore, #tpu.memory_space<semaphore_mem>>)
      %dma_wait3A_21 = arith.constant 0 : i32
      %dma_wait3A_22 = tpu.memref_slice %arg6[%arg0, %mul3A_2, %dma_wait3A_21] : memref<2x10112x128xf32, #tpu.memory_space<hbm>> -> memref<1x632x128xf32, #tpu.memory_space<hbm>>
      %dma_wait3A_23 = tpu.memref_squeeze %dma_wait3A_22 : memref<1x632x128xf32, #tpu.memory_space<hbm>> -> memref<632x128xf32, #tpu.memory_space<hbm>>
      %dma_wait3A_24 = arith.constant 0 : i32
      %dma_wait3A_25 = tpu.memref_slice %arg16[%mul3A_2, %dma_wait3A_24] : memref<10112x128xf32, #tpu.memory_space<vmem_shared>> -> memref<632x128xf32, #tpu.memory_space<vmem_shared>>
      tpu.wait_dma2 semaphore(%run_scoped3A : memref<!tpu.dma_semaphore, #tpu.memory_space<semaphore_mem>>) src(%dma_wait3A_25 : memref<632x128xf32, #tpu.memory_space<vmem_shared>>) dst(%dma_wait3A_23 : memref<632x128xf32, #tpu.memory_space<hbm>>)
      tpu.yield
    }) : () -> ()
    return
  }
}

#map = affine_map<(d0, d1) -> (0, 0)>
#map1 = affine_map<(d0, d1) -> (0)>
#map2 = affine_map<(d0, d1) -> (0, 0, 0)>
module attributes {stable_mosaic.version = 14 : i64} {
  func.func @k(%arg0: i32, %arg1: i32, %arg2: memref<10112x128xf32, #tpu.memory_space<hbm>>, %arg3: memref<320000xi32, #tpu.memory_space<hbm>>, %arg4: memref<320000xi32, #tpu.memory_space<hbm>>, %arg5: memref<632x128xf32, #tpu.memory_space<hbm>>, %arg6: memref<2x10112x128xf32, #tpu.memory_space<hbm>>, %arg7: memref<128xi32, #tpu.memory_space<vmem>>, %arg8: memref<128xi32, #tpu.memory_space<vmem>>, %arg9: memref<128xi32, #tpu.memory_space<vmem>>, %arg10: memref<128xi32, #tpu.memory_space<vmem>>, %arg11: memref<128x128xf32, #tpu.memory_space<vmem>>, %arg12: memref<128x128xf32, #tpu.memory_space<vmem>>, %arg13: memref<16xi32, #tpu.memory_space<vmem>>, %arg14: memref<16xi32, #tpu.memory_space<vmem>>, %arg15: memref<16x128xf32, #tpu.memory_space<vmem>>, %arg16: memref<10112x128xf32, #tpu.memory_space<vmem_shared>>, %arg17: memref<!tpu.dma_semaphore, #tpu.memory_space<semaphore_mem>>, %arg18: memref<!tpu.dma_semaphore, #tpu.memory_space<semaphore_mem>>, %arg19: memref<!tpu.dma_semaphore, #tpu.memory_space<semaphore_mem>>, %arg20: memref<!tpu.dma_semaphore, #tpu.memory_space<semaphore_mem>>, %arg21: memref<!tpu.dma_semaphore, #tpu.memory_space<semaphore_mem>>, %arg22: memref<!tpu.dma_semaphore, #tpu.memory_space<semaphore_mem>>) attributes {dimension_semantics = [#tpu.dimension_semantics<core_parallel>, #tpu.dimension_semantics<subcore_parallel>], iteration_bounds = array<i64: 2, 16>, scalar_prefetch = 0 : i64, scratch_operands = 16 : i64, tpu.core_type = #tpu.core_type<sc_vector_subcore>, window_params = [{transform_indices = #map}, {transform_indices = #map1}, {transform_indices = #map1}, {transform_indices = #map}, {transform_indices = #map2}]} {
    %mul3A = arith.constant 16 : i32
    %mul3A_0 = arith.muli %arg0, %mul3A : i32
    %add3A = arith.addi %mul3A_0, %arg1 : i32
    %mul3A_1 = arith.constant 632 : i32
    %mul3A_2 = arith.muli %arg1, %mul3A_1 : i32
    "tpu.region"() ({
      %run_scoped3A = tpu.sem_alloc : memref<!tpu.dma_semaphore, #tpu.memory_space<semaphore_mem>>
      %dma_start3A_16 = arith.constant 0 : i32
      %dma_start3A_17 = tpu.memref_slice %arg16[%mul3A_2, %dma_start3A_16] : memref<10112x128xf32, #tpu.memory_space<vmem_shared>> -> memref<632x128xf32, #tpu.memory_space<vmem_shared>>
      tpu.enqueue_dma source(%arg5 : memref<632x128xf32, #tpu.memory_space<hbm>>) target(%dma_start3A_17 : memref<632x128xf32, #tpu.memory_space<vmem_shared>>) target_semaphore(%run_scoped3A : memref<!tpu.dma_semaphore, #tpu.memory_space<semaphore_mem>>)
      %dma_wait3A_18 = arith.constant 0 : i32
      %dma_wait3A_19 = tpu.memref_slice %arg16[%mul3A_2, %dma_wait3A_18] : memref<10112x128xf32, #tpu.memory_space<vmem_shared>> -> memref<632x128xf32, #tpu.memory_space<vmem_shared>>
      tpu.wait_dma2 semaphore(%run_scoped3A : memref<!tpu.dma_semaphore, #tpu.memory_space<semaphore_mem>>) src(%arg5 : memref<632x128xf32, #tpu.memory_space<hbm>>) dst(%dma_wait3A_19 : memref<632x128xf32, #tpu.memory_space<vmem_shared>>)
      tpu.yield
    }) : () -> ()
    %barrier3A = arith.constant 0 : index
    tpu.barrier barrier_id(%barrier3A)
    %mul3A_3 = arith.constant 10000 : i32
    %mul3A_4 = arith.muli %add3A, %mul3A_3 : i32
    %scan3A = arith.constant 0 : i32
    %scan3A_5 = arith.constant 39 : i32
    %scan3A_6 = arith.addi %scan3A, %scan3A_5 : i32
    %scan3A_7 = arith.constant 1 : i32
    scf.for %scan3A_16 = %scan3A to %scan3A_6 step %scan3A_7  : i32 {
      %mul3A_17 = arith.constant 1 : i32
      %mul3A_18 = arith.muli %scan3A_16, %mul3A_17 : i32
      %add3A_19 = arith.constant 0 : i32
      %add3A_20 = arith.addi %add3A_19, %mul3A_18 : i32
      %mul3A_21 = arith.constant 2 : i32
      %mul3A_22 = arith.muli %mul3A_21, %add3A_20 : i32
      %mul3A_23 = arith.constant 128 : i32
      %mul3A_24 = arith.muli %mul3A_22, %mul3A_23 : i32
      %add3A_25 = arith.addi %mul3A_4, %mul3A_24 : i32
      %add3A_26 = arith.constant 128 : i32
      %add3A_27 = arith.addi %add3A_25, %add3A_26 : i32
      %dma_start3A_28 = tpu.memref_slice %arg3[%add3A_25] : memref<320000xi32, #tpu.memory_space<hbm>> -> memref<128xi32, #tpu.memory_space<hbm>>
      %dma_start3A_29 = tpu.memref_slice %arg3[%add3A_25] : memref<320000xi32, #tpu.memory_space<hbm>> -> memref<128xi32, #tpu.memory_space<hbm>>
      tpu.enqueue_dma source(%dma_start3A_29 : memref<128xi32, #tpu.memory_space<hbm>>) target(%arg7 : memref<128xi32, #tpu.memory_space<vmem>>) target_semaphore(%arg19 : memref<!tpu.dma_semaphore, #tpu.memory_space<semaphore_mem>>)
      %dma_start3A_30 = tpu.memref_slice %arg4[%add3A_25] : memref<320000xi32, #tpu.memory_space<hbm>> -> memref<128xi32, #tpu.memory_space<hbm>>
      %dma_start3A_31 = tpu.memref_slice %arg4[%add3A_25] : memref<320000xi32, #tpu.memory_space<hbm>> -> memref<128xi32, #tpu.memory_space<hbm>>
      tpu.enqueue_dma source(%dma_start3A_31 : memref<128xi32, #tpu.memory_space<hbm>>) target(%arg8 : memref<128xi32, #tpu.memory_space<vmem>>) target_semaphore(%arg20 : memref<!tpu.dma_semaphore, #tpu.memory_space<semaphore_mem>>)
      %dma_start3A_32 = tpu.memref_slice %arg3[%add3A_27] : memref<320000xi32, #tpu.memory_space<hbm>> -> memref<128xi32, #tpu.memory_space<hbm>>
      %dma_start3A_33 = tpu.memref_slice %arg3[%add3A_27] : memref<320000xi32, #tpu.memory_space<hbm>> -> memref<128xi32, #tpu.memory_space<hbm>>
      tpu.enqueue_dma source(%dma_start3A_33 : memref<128xi32, #tpu.memory_space<hbm>>) target(%arg9 : memref<128xi32, #tpu.memory_space<vmem>>) target_semaphore(%arg21 : memref<!tpu.dma_semaphore, #tpu.memory_space<semaphore_mem>>)
      %dma_start3A_34 = tpu.memref_slice %arg4[%add3A_27] : memref<320000xi32, #tpu.memory_space<hbm>> -> memref<128xi32, #tpu.memory_space<hbm>>
      %dma_start3A_35 = tpu.memref_slice %arg4[%add3A_27] : memref<320000xi32, #tpu.memory_space<hbm>> -> memref<128xi32, #tpu.memory_space<hbm>>
      tpu.enqueue_dma source(%dma_start3A_35 : memref<128xi32, #tpu.memory_space<hbm>>) target(%arg10 : memref<128xi32, #tpu.memory_space<vmem>>) target_semaphore(%arg22 : memref<!tpu.dma_semaphore, #tpu.memory_space<semaphore_mem>>)
      %dma_wait3A_36 = tpu.memref_slice %arg3[%add3A_25] : memref<320000xi32, #tpu.memory_space<hbm>> -> memref<128xi32, #tpu.memory_space<hbm>>
      %dma_wait3A_37 = tpu.memref_slice %arg3[%add3A_25] : memref<320000xi32, #tpu.memory_space<hbm>> -> memref<128xi32, #tpu.memory_space<hbm>>
      tpu.wait_dma2 semaphore(%arg19 : memref<!tpu.dma_semaphore, #tpu.memory_space<semaphore_mem>>) src(%dma_wait3A_37 : memref<128xi32, #tpu.memory_space<hbm>>) dst(%arg7 : memref<128xi32, #tpu.memory_space<vmem>>)
      %dma_start3A_38 = arith.constant 0 : i32
      %dma_start3A_39 = arith.constant 0 : i32
      %dma_start3A_40 = tpu.memref_slice %arg2[%dma_start3A_38, %dma_start3A_39] : memref<10112x128xf32, #tpu.memory_space<hbm>> -> memref<10112x128xf32, #tpu.memory_space<hbm>>
      tpu.enqueue_indirect_dma source(%dma_start3A_40 : memref<10112x128xf32, #tpu.memory_space<hbm>>) target(%arg11 : memref<128x128xf32, #tpu.memory_space<vmem>>) offsets(%arg7 : memref<128xi32, #tpu.memory_space<vmem>>) semaphore(%arg17 : memref<!tpu.dma_semaphore, #tpu.memory_space<semaphore_mem>>)
      %dma_wait3A_41 = tpu.memref_slice %arg3[%add3A_27] : memref<320000xi32, #tpu.memory_space<hbm>> -> memref<128xi32, #tpu.memory_space<hbm>>
      %dma_wait3A_42 = tpu.memref_slice %arg3[%add3A_27] : memref<320000xi32, #tpu.memory_space<hbm>> -> memref<128xi32, #tpu.memory_space<hbm>>
      tpu.wait_dma2 semaphore(%arg21 : memref<!tpu.dma_semaphore, #tpu.memory_space<semaphore_mem>>) src(%dma_wait3A_42 : memref<128xi32, #tpu.memory_space<hbm>>) dst(%arg9 : memref<128xi32, #tpu.memory_space<vmem>>)
      %dma_start3A_43 = arith.constant 0 : i32
      %dma_start3A_44 = arith.constant 0 : i32
      %dma_start3A_45 = tpu.memref_slice %arg2[%dma_start3A_43, %dma_start3A_44] : memref<10112x128xf32, #tpu.memory_space<hbm>> -> memref<10112x128xf32, #tpu.memory_space<hbm>>
      tpu.enqueue_indirect_dma source(%dma_start3A_45 : memref<10112x128xf32, #tpu.memory_space<hbm>>) target(%arg12 : memref<128x128xf32, #tpu.memory_space<vmem>>) offsets(%arg9 : memref<128xi32, #tpu.memory_space<vmem>>) semaphore(%arg18 : memref<!tpu.dma_semaphore, #tpu.memory_space<semaphore_mem>>)
      %dma_wait3A_46 = arith.constant 0 : i32
      %dma_wait3A_47 = arith.constant 0 : i32
      %dma_wait3A_48 = tpu.memref_slice %arg2[%dma_wait3A_46, %dma_wait3A_47] : memref<10112x128xf32, #tpu.memory_space<hbm>> -> memref<10112x128xf32, #tpu.memory_space<hbm>>
      tpu.wait_indirect_dma semaphore(%arg17 : memref<!tpu.dma_semaphore, #tpu.memory_space<semaphore_mem>>) src(%dma_wait3A_48 : memref<10112x128xf32, #tpu.memory_space<hbm>>) dst(%arg11 : memref<128x128xf32, #tpu.memory_space<vmem>>)
      %dma_wait3A_49 = tpu.memref_slice %arg4[%add3A_25] : memref<320000xi32, #tpu.memory_space<hbm>> -> memref<128xi32, #tpu.memory_space<hbm>>
      %dma_wait3A_50 = tpu.memref_slice %arg4[%add3A_25] : memref<320000xi32, #tpu.memory_space<hbm>> -> memref<128xi32, #tpu.memory_space<hbm>>
      tpu.wait_dma2 semaphore(%arg20 : memref<!tpu.dma_semaphore, #tpu.memory_space<semaphore_mem>>) src(%dma_wait3A_50 : memref<128xi32, #tpu.memory_space<hbm>>) dst(%arg8 : memref<128xi32, #tpu.memory_space<vmem>>)
      "tpu.region"() ({
        %run_scoped3A = tpu.sem_alloc : memref<!tpu.dma_semaphore, #tpu.memory_space<semaphore_mem>>
        %dma_start3A_56 = arith.constant 0 : i32
        %dma_start3A_57 = arith.constant 0 : i32
        %dma_start3A_58 = tpu.memref_slice %arg16[%dma_start3A_56, %dma_start3A_57] : memref<10112x128xf32, #tpu.memory_space<vmem_shared>> -> memref<10112x128xf32, #tpu.memory_space<vmem_shared>>
        tpu.enqueue_indirect_dma source(%arg11 : memref<128x128xf32, #tpu.memory_space<vmem>>) target(%dma_start3A_58 : memref<10112x128xf32, #tpu.memory_space<vmem_shared>>) offsets(%arg8 : memref<128xi32, #tpu.memory_space<vmem>>) semaphore(%run_scoped3A : memref<!tpu.dma_semaphore, #tpu.memory_space<semaphore_mem>>) {add = true}
        %dma_wait3A_59 = arith.constant 0 : i32
        %dma_wait3A_60 = arith.constant 0 : i32
        %dma_wait3A_61 = tpu.memref_slice %arg16[%dma_wait3A_59, %dma_wait3A_60] : memref<10112x128xf32, #tpu.memory_space<vmem_shared>> -> memref<10112x128xf32, #tpu.memory_space<vmem_shared>>
        tpu.wait_indirect_dma semaphore(%run_scoped3A : memref<!tpu.dma_semaphore, #tpu.memory_space<semaphore_mem>>) src(%arg11 : memref<128x128xf32, #tpu.memory_space<vmem>>) dst(%dma_wait3A_61 : memref<10112x128xf32, #tpu.memory_space<vmem_shared>>)
        tpu.yield
      }) : () -> ()
      %dma_wait3A_51 = arith.constant 0 : i32
      %dma_wait3A_52 = arith.constant 0 : i32
      %dma_wait3A_53 = tpu.memref_slice %arg2[%dma_wait3A_51, %dma_wait3A_52] : memref<10112x128xf32, #tpu.memory_space<hbm>> -> memref<10112x128xf32, #tpu.memory_space<hbm>>
      tpu.wait_indirect_dma semaphore(%arg18 : memref<!tpu.dma_semaphore, #tpu.memory_space<semaphore_mem>>) src(%dma_wait3A_53 : memref<10112x128xf32, #tpu.memory_space<hbm>>) dst(%arg12 : memref<128x128xf32, #tpu.memory_space<vmem>>)
      %dma_wait3A_54 = tpu.memref_slice %arg4[%add3A_27] : memref<320000xi32, #tpu.memory_space<hbm>> -> memref<128xi32, #tpu.memory_space<hbm>>
      %dma_wait3A_55 = tpu.memref_slice %arg4[%add3A_27] : memref<320000xi32, #tpu.memory_space<hbm>> -> memref<128xi32, #tpu.memory_space<hbm>>
      tpu.wait_dma2 semaphore(%arg22 : memref<!tpu.dma_semaphore, #tpu.memory_space<semaphore_mem>>) src(%dma_wait3A_55 : memref<128xi32, #tpu.memory_space<hbm>>) dst(%arg10 : memref<128xi32, #tpu.memory_space<vmem>>)
      "tpu.region"() ({
        %run_scoped3A = tpu.sem_alloc : memref<!tpu.dma_semaphore, #tpu.memory_space<semaphore_mem>>
        %dma_start3A_56 = arith.constant 0 : i32
        %dma_start3A_57 = arith.constant 0 : i32
        %dma_start3A_58 = tpu.memref_slice %arg16[%dma_start3A_56, %dma_start3A_57] : memref<10112x128xf32, #tpu.memory_space<vmem_shared>> -> memref<10112x128xf32, #tpu.memory_space<vmem_shared>>
        tpu.enqueue_indirect_dma source(%arg12 : memref<128x128xf32, #tpu.memory_space<vmem>>) target(%dma_start3A_58 : memref<10112x128xf32, #tpu.memory_space<vmem_shared>>) offsets(%arg10 : memref<128xi32, #tpu.memory_space<vmem>>) semaphore(%run_scoped3A : memref<!tpu.dma_semaphore, #tpu.memory_space<semaphore_mem>>) {add = true}
        %dma_wait3A_59 = arith.constant 0 : i32
        %dma_wait3A_60 = arith.constant 0 : i32
        %dma_wait3A_61 = tpu.memref_slice %arg16[%dma_wait3A_59, %dma_wait3A_60] : memref<10112x128xf32, #tpu.memory_space<vmem_shared>> -> memref<10112x128xf32, #tpu.memory_space<vmem_shared>>
        tpu.wait_indirect_dma semaphore(%run_scoped3A : memref<!tpu.dma_semaphore, #tpu.memory_space<semaphore_mem>>) src(%arg12 : memref<128x128xf32, #tpu.memory_space<vmem>>) dst(%dma_wait3A_61 : memref<10112x128xf32, #tpu.memory_space<vmem_shared>>)
        tpu.yield
      }) : () -> ()
    }
    %scan3A_8 = arith.constant 39 : i32
    %add3A_9 = arith.constant 9984 : i32
    %add3A_10 = arith.addi %mul3A_4, %add3A_9 : i32
    "tpu.region"() ({
      %run_scoped3A = tpu.sem_alloc : memref<!tpu.dma_semaphore, #tpu.memory_space<semaphore_mem>>
      %dma_start3A_16 = tpu.memref_slice %arg3[%add3A_10] : memref<320000xi32, #tpu.memory_space<hbm>> -> memref<16xi32, #tpu.memory_space<hbm>>
      %dma_start3A_17 = tpu.memref_slice %arg3[%add3A_10] : memref<320000xi32, #tpu.memory_space<hbm>> -> memref<16xi32, #tpu.memory_space<hbm>>
      tpu.enqueue_dma source(%dma_start3A_17 : memref<16xi32, #tpu.memory_space<hbm>>) target(%arg13 : memref<16xi32, #tpu.memory_space<vmem>>) target_semaphore(%run_scoped3A : memref<!tpu.dma_semaphore, #tpu.memory_space<semaphore_mem>>)
      %dma_wait3A_18 = tpu.memref_slice %arg3[%add3A_10] : memref<320000xi32, #tpu.memory_space<hbm>> -> memref<16xi32, #tpu.memory_space<hbm>>
      %dma_wait3A_19 = tpu.memref_slice %arg3[%add3A_10] : memref<320000xi32, #tpu.memory_space<hbm>> -> memref<16xi32, #tpu.memory_space<hbm>>
      tpu.wait_dma2 semaphore(%run_scoped3A : memref<!tpu.dma_semaphore, #tpu.memory_space<semaphore_mem>>) src(%dma_wait3A_19 : memref<16xi32, #tpu.memory_space<hbm>>) dst(%arg13 : memref<16xi32, #tpu.memory_space<vmem>>)
      tpu.yield
    }) : () -> ()
    "tpu.region"() ({
      %run_scoped3A = tpu.sem_alloc : memref<!tpu.dma_semaphore, #tpu.memory_space<semaphore_mem>>
      %dma_start3A_16 = tpu.memref_slice %arg4[%add3A_10] : memref<320000xi32, #tpu.memory_space<hbm>> -> memref<16xi32, #tpu.memory_space<hbm>>
      %dma_start3A_17 = tpu.memref_slice %arg4[%add3A_10] : memref<320000xi32, #tpu.memory_space<hbm>> -> memref<16xi32, #tpu.memory_space<hbm>>
      tpu.enqueue_dma source(%dma_start3A_17 : memref<16xi32, #tpu.memory_space<hbm>>) target(%arg14 : memref<16xi32, #tpu.memory_space<vmem>>) target_semaphore(%run_scoped3A : memref<!tpu.dma_semaphore, #tpu.memory_space<semaphore_mem>>)
      %dma_wait3A_18 = tpu.memref_slice %arg4[%add3A_10] : memref<320000xi32, #tpu.memory_space<hbm>> -> memref<16xi32, #tpu.memory_space<hbm>>
      %dma_wait3A_19 = tpu.memref_slice %arg4[%add3A_10] : memref<320000xi32, #tpu.memory_space<hbm>> -> memref<16xi32, #tpu.memory_space<hbm>>
      tpu.wait_dma2 semaphore(%run_scoped3A : memref<!tpu.dma_semaphore, #tpu.memory_space<semaphore_mem>>) src(%dma_wait3A_19 : memref<16xi32, #tpu.memory_space<hbm>>) dst(%arg14 : memref<16xi32, #tpu.memory_space<vmem>>)
      tpu.yield
    }) : () -> ()
    %dma_start3A = arith.constant 0 : i32
    %dma_start3A_11 = arith.constant 0 : i32
    %dma_start3A_12 = tpu.memref_slice %arg2[%dma_start3A, %dma_start3A_11] : memref<10112x128xf32, #tpu.memory_space<hbm>> -> memref<10112x128xf32, #tpu.memory_space<hbm>>
    tpu.enqueue_indirect_dma source(%dma_start3A_12 : memref<10112x128xf32, #tpu.memory_space<hbm>>) target(%arg15 : memref<16x128xf32, #tpu.memory_space<vmem>>) offsets(%arg13 : memref<16xi32, #tpu.memory_space<vmem>>) semaphore(%arg17 : memref<!tpu.dma_semaphore, #tpu.memory_space<semaphore_mem>>)
    %dma_wait3A = arith.constant 0 : i32
    %dma_wait3A_13 = arith.constant 0 : i32
    %dma_wait3A_14 = tpu.memref_slice %arg2[%dma_wait3A, %dma_wait3A_13] : memref<10112x128xf32, #tpu.memory_space<hbm>> -> memref<10112x128xf32, #tpu.memory_space<hbm>>
    tpu.wait_indirect_dma semaphore(%arg17 : memref<!tpu.dma_semaphore, #tpu.memory_space<semaphore_mem>>) src(%dma_wait3A_14 : memref<10112x128xf32, #tpu.memory_space<hbm>>) dst(%arg15 : memref<16x128xf32, #tpu.memory_space<vmem>>)
    "tpu.region"() ({
      %run_scoped3A = tpu.sem_alloc : memref<!tpu.dma_semaphore, #tpu.memory_space<semaphore_mem>>
      %dma_start3A_16 = arith.constant 0 : i32
      %dma_start3A_17 = arith.constant 0 : i32
      %dma_start3A_18 = tpu.memref_slice %arg16[%dma_start3A_16, %dma_start3A_17] : memref<10112x128xf32, #tpu.memory_space<vmem_shared>> -> memref<10112x128xf32, #tpu.memory_space<vmem_shared>>
      tpu.enqueue_indirect_dma source(%arg15 : memref<16x128xf32, #tpu.memory_space<vmem>>) target(%dma_start3A_18 : memref<10112x128xf32, #tpu.memory_space<vmem_shared>>) offsets(%arg14 : memref<16xi32, #tpu.memory_space<vmem>>) semaphore(%run_scoped3A : memref<!tpu.dma_semaphore, #tpu.memory_space<semaphore_mem>>) {add = true}
      %dma_wait3A_19 = arith.constant 0 : i32
      %dma_wait3A_20 = arith.constant 0 : i32
      %dma_wait3A_21 = tpu.memref_slice %arg16[%dma_wait3A_19, %dma_wait3A_20] : memref<10112x128xf32, #tpu.memory_space<vmem_shared>> -> memref<10112x128xf32, #tpu.memory_space<vmem_shared>>
      tpu.wait_indirect_dma semaphore(%run_scoped3A : memref<!tpu.dma_semaphore, #tpu.memory_space<semaphore_mem>>) src(%arg15 : memref<16x128xf32, #tpu.memory_space<vmem>>) dst(%dma_wait3A_21 : memref<10112x128xf32, #tpu.memory_space<vmem_shared>>)
      tpu.yield
    }) : () -> ()
    %barrier3A_15 = arith.constant 0 : index
    tpu.barrier barrier_id(%barrier3A_15)
    "tpu.region"() ({
      %run_scoped3A = tpu.sem_alloc : memref<!tpu.dma_semaphore, #tpu.memory_space<semaphore_mem>>
      %dma_start3A_16 = arith.constant 0 : i32
      %dma_start3A_17 = tpu.memref_slice %arg6[%arg0, %mul3A_2, %dma_start3A_16] : memref<2x10112x128xf32, #tpu.memory_space<hbm>> -> memref<1x632x128xf32, #tpu.memory_space<hbm>>
      %dma_start3A_18 = tpu.memref_squeeze %dma_start3A_17 : memref<1x632x128xf32, #tpu.memory_space<hbm>> -> memref<632x128xf32, #tpu.memory_space<hbm>>
      %dma_start3A_19 = arith.constant 0 : i32
      %dma_start3A_20 = tpu.memref_slice %arg16[%mul3A_2, %dma_start3A_19] : memref<10112x128xf32, #tpu.memory_space<vmem_shared>> -> memref<632x128xf32, #tpu.memory_space<vmem_shared>>
      tpu.enqueue_dma source(%dma_start3A_20 : memref<632x128xf32, #tpu.memory_space<vmem_shared>>) target(%dma_start3A_18 : memref<632x128xf32, #tpu.memory_space<hbm>>) target_semaphore(%run_scoped3A : memref<!tpu.dma_semaphore, #tpu.memory_space<semaphore_mem>>)
      %dma_wait3A_21 = arith.constant 0 : i32
      %dma_wait3A_22 = tpu.memref_slice %arg6[%arg0, %mul3A_2, %dma_wait3A_21] : memref<2x10112x128xf32, #tpu.memory_space<hbm>> -> memref<1x632x128xf32, #tpu.memory_space<hbm>>
      %dma_wait3A_23 = tpu.memref_squeeze %dma_wait3A_22 : memref<1x632x128xf32, #tpu.memory_space<hbm>> -> memref<632x128xf32, #tpu.memory_space<hbm>>
      %dma_wait3A_24 = arith.constant 0 : i32
      %dma_wait3A_25 = tpu.memref_slice %arg16[%mul3A_2, %dma_wait3A_24] : memref<10112x128xf32, #tpu.memory_space<vmem_shared>> -> memref<632x128xf32, #tpu.memory_space<vmem_shared>>
      tpu.wait_dma2 semaphore(%run_scoped3A : memref<!tpu.dma_semaphore, #tpu.memory_space<semaphore_mem>>) src(%dma_wait3A_25 : memref<632x128xf32, #tpu.memory_space<vmem_shared>>) dst(%dma_wait3A_23 : memref<632x128xf32, #tpu.memory_space<hbm>>)
      tpu.yield
    }) : () -> ()
    return
  }
}

module attributes {stable_mosaic.version = 14 : i64} {
  func.func @body(%arg0: i32, %arg1: memref<400x128xf32, #tpu.memory_space<vmem>>, %arg2: memref<128x128xf32, #tpu.memory_space<vmem>>, %arg3: memref<1x128xf32, #tpu.memory_space<vmem>>, %arg4: memref<400x128xf32, #tpu.memory_space<vmem>>) attributes {dimension_semantics = [#tpu.dimension_semantics<arbitrary>], iteration_bounds = array<i64: 25>, scalar_prefetch = 0 : i64, scratch_operands = 0 : i64, tpu.core_type = #tpu.core_type<tc>, window_params = [{transform_indices = @transform_0, window_bounds = array<i64: 400, 128>}, {pipeline_mode = #tpu.pipeline_mode<synchronous>, transform_indices = @transform_1, window_bounds = array<i64: 128, 128>}, {pipeline_mode = #tpu.pipeline_mode<synchronous>, transform_indices = @transform_2, window_bounds = array<i64: 1, 128>}, {transform_indices = @transform_3, window_bounds = array<i64: 400, 128>}]} {
    %get3A = arith.constant 0 : index
    %get3A_0 = arith.constant 0 : index
    %get3A_1 = vector.load %arg1[%get3A, %get3A_0] : memref<400x128xf32, #tpu.memory_space<vmem>>, vector<400x128xf32>
    %get3A_2 = arith.constant 0 : index
    %get3A_3 = arith.constant 0 : index
    %get3A_4 = vector.load %arg2[%get3A_2, %get3A_3] : memref<128x128xf32, #tpu.memory_space<vmem>>, vector<128x128xf32>
    %dot_general3A = arith.constant dense<0.000000e+00> : vector<400x128xf32>
    %dot_general3A_5 = tpu.matmul %get3A_1, %get3A_4, %dot_general3A {dimension_numbers = #tpu.dot_dimension_numbers<[1], [0], [0], [1], [0, 0, 1, 1], [], []>, precision = #tpu.contract_precision<fp32>, transpose_lhs_hint = false} : vector<400x128xf32>, vector<128x128xf32>, vector<400x128xf32> -> vector<400x128xf32>
    %get3A_6 = arith.constant 0 : index
    %get3A_7 = arith.constant 0 : index
    %get3A_8 = vector.load %arg3[%get3A_6, %get3A_7] : memref<1x128xf32, #tpu.memory_space<vmem>>, vector<1x128xf32>
    %add3A = vector.broadcast %get3A_8 : vector<1x128xf32> to vector<400x128xf32>
    %add3A_9 = arith.addf %dot_general3A_5, %add3A : vector<400x128xf32>
    %max3A = arith.constant 0.000000e+00 : f32
    %max3A_10 = vector.broadcast %max3A : f32 to vector<400x128xf32>
    %max3A_11 = arith.maximumf %add3A_9, %max3A_10 : vector<400x128xf32>
    %swap3A = arith.constant 0 : index
    %swap3A_12 = arith.constant 0 : index
    %swap3A_13 = vector.load %arg4[%swap3A, %swap3A_12] : memref<400x128xf32, #tpu.memory_space<vmem>>, vector<400x128xf32>
    tpu.vector_store %arg4[%swap3A, %swap3A_12], %max3A_11 {strides = array<i32>} : memref<400x128xf32, #tpu.memory_space<vmem>>, vector<400x128xf32>,
    return
  }
  func.func @transform_0(%arg0: i32) -> (i32, i32) {
    %c0_i32 = arith.constant 0 : i32
    %c0_i32_0 = arith.constant 0 : i32
    return %arg0, %c0_i32 : i32, i32
  }
  func.func @transform_1(%arg0: i32) -> (i32, i32) {
    %c0_i32 = arith.constant 0 : i32
    %c0_i32_0 = arith.constant 0 : i32
    %c0_i32_1 = arith.constant 0 : i32
    return %c0_i32, %c0_i32_0 : i32, i32
  }
  func.func @transform_2(%arg0: i32) -> (i32, i32) {
    %c0_i32 = arith.constant 0 : i32
    %c0_i32_0 = arith.constant 0 : i32
    %c0_i32_1 = arith.constant 0 : i32
    return %c0_i32, %c0_i32_0 : i32, i32
  }
  func.func @transform_3(%arg0: i32) -> (i32, i32) {
    %c0_i32 = arith.constant 0 : i32
    %c0_i32_0 = arith.constant 0 : i32
    return %arg0, %c0_i32 : i32, i32
  }
}

module attributes {stable_mosaic.version = 14 : i64} {
  func.func @body(%arg0: i32, %arg1: memref<2x400x128xf32, #tpu.memory_space<vmem>>, %arg2: memref<400x128xf32, #tpu.memory_space<vmem>>, %arg3: memref<400x128xf32, #tpu.memory_space<vmem>>, %arg4: memref<400x128xf32, #tpu.memory_space<vmem>>) attributes {dimension_semantics = [#tpu.dimension_semantics<arbitrary>], iteration_bounds = array<i64: 25>, scalar_prefetch = 0 : i64, scratch_operands = 0 : i64, tpu.core_type = #tpu.core_type<tc>, window_params = [{transform_indices = @transform_0, window_bounds = array<i64: 2, 400, 128>}, {transform_indices = @transform_1, window_bounds = array<i64: 400, 128>}, {transform_indices = @transform_2, window_bounds = array<i64: 400, 128>}, {transform_indices = @transform_3, window_bounds = array<i64: 400, 128>}]} {
    %get3A = arith.constant 0 : index
    %get3A_0 = arith.constant 0 : index
    %get3A_1 = arith.constant 0 : index
    %get3A_2 = vector.load %arg1[%get3A, %get3A_0, %get3A_1] : memref<2x400x128xf32, #tpu.memory_space<vmem>>, vector<1x400x1xf32>
    %get3A_3 = vector.shape_cast %get3A_2 : vector<1x400x1xf32> to vector<400x1xf32>
    %get3A_4 = arith.constant 1 : index
    %get3A_5 = arith.constant 0 : index
    %get3A_6 = arith.constant 0 : index
    %get3A_7 = vector.load %arg1[%get3A_4, %get3A_5, %get3A_6] : memref<2x400x128xf32, #tpu.memory_space<vmem>>, vector<1x400x1xf32>
    %get3A_8 = vector.shape_cast %get3A_7 : vector<1x400x1xf32> to vector<400x1xf32>
    %add3A = arith.addf %get3A_3, %get3A_8 : vector<400x1xf32>
    %gt3A = arith.constant 0.000000e+00 : f32
    %gt3A_9 = vector.broadcast %gt3A : f32 to vector<400x1xf32>
    %gt3A_10 = arith.cmpf ogt, %add3A, %gt3A_9 : vector<400x1xf32>
    %rsqrt3A = math.rsqrt %add3A : vector<400x1xf32>
    %jit3A = arith.constant 0.000000e+00 : f32
    %broadcast_in_dim3A = vector.broadcast %jit3A : f32 to vector<400x1xf32>
    %select_n3A = arith.select %gt3A_10, %rsqrt3A, %broadcast_in_dim3A : vector<400x1xi1>, vector<400x1xf32>
    %broadcast_in_dim3A_11 = vector.shape_cast %select_n3A : vector<400x1xf32> to vector<400x1xf32>
    %broadcast_in_dim3A_12 = vector.broadcast %broadcast_in_dim3A_11 : vector<400x1xf32> to vector<400x128xf32>
    %swap3A = arith.constant 0 : index
    %swap3A_13 = arith.constant 0 : index
    %swap3A_14 = vector.load %arg3[%swap3A, %swap3A_13] : memref<400x128xf32, #tpu.memory_space<vmem>>, vector<400x128xf32>
    tpu.vector_store %arg3[%swap3A, %swap3A_13], %broadcast_in_dim3A_12 {strides = array<i32>} : memref<400x128xf32, #tpu.memory_space<vmem>>, vector<400x128xf32>,
    %get3A_15 = arith.constant 0 : index
    %get3A_16 = arith.constant 0 : index
    %get3A_17 = vector.load %arg2[%get3A_15, %get3A_16] : memref<400x128xf32, #tpu.memory_space<vmem>>, vector<400x128xf32>
    %mul3A = arith.mulf %broadcast_in_dim3A_12, %get3A_17 : vector<400x128xf32>
    %swap3A_18 = arith.constant 0 : index
    %swap3A_19 = arith.constant 0 : index
    %swap3A_20 = vector.load %arg4[%swap3A_18, %swap3A_19] : memref<400x128xf32, #tpu.memory_space<vmem>>, vector<400x128xf32>
    tpu.vector_store %arg4[%swap3A_18, %swap3A_19], %mul3A {strides = array<i32>} : memref<400x128xf32, #tpu.memory_space<vmem>>, vector<400x128xf32>,
    return
  }
  func.func @transform_0(%arg0: i32) -> (i32, i32, i32) {
    %c0_i32 = arith.constant 0 : i32
    %c0_i32_0 = arith.constant 0 : i32
    %c0_i32_1 = arith.constant 0 : i32
    return %c0_i32, %arg0, %c0_i32_0 : i32, i32, i32
  }
  func.func @transform_1(%arg0: i32) -> (i32, i32) {
    %c0_i32 = arith.constant 0 : i32
    %c0_i32_0 = arith.constant 0 : i32
    return %arg0, %c0_i32 : i32, i32
  }
  func.func @transform_2(%arg0: i32) -> (i32, i32) {
    %c0_i32 = arith.constant 0 : i32
    %c0_i32_0 = arith.constant 0 : i32
    return %arg0, %c0_i32 : i32, i32
  }
  func.func @transform_3(%arg0: i32) -> (i32, i32) {
    %c0_i32 = arith.constant 0 : i32
    %c0_i32_0 = arith.constant 0 : i32
    return %arg0, %c0_i32 : i32, i32
  }
}

module attributes {stable_mosaic.version = 14 : i64} {
  func.func @body(%arg0: i32, %arg1: memref<2x400x128xf32, #tpu.memory_space<vmem>>, %arg2: memref<400x128xf32, #tpu.memory_space<vmem>>, %arg3: memref<400x128xf32, #tpu.memory_space<vmem>>) attributes {dimension_semantics = [#tpu.dimension_semantics<arbitrary>], iteration_bounds = array<i64: 25>, scalar_prefetch = 0 : i64, scratch_operands = 0 : i64, tpu.core_type = #tpu.core_type<tc>, window_params = [{transform_indices = @transform_0, window_bounds = array<i64: 2, 400, 128>}, {transform_indices = @transform_1, window_bounds = array<i64: 400, 128>}, {transform_indices = @transform_2, window_bounds = array<i64: 400, 128>}]} {
    %get3A = arith.constant 0 : index
    %get3A_0 = arith.constant 0 : index
    %get3A_1 = vector.load %arg2[%get3A, %get3A_0] : memref<400x128xf32, #tpu.memory_space<vmem>>, vector<400x128xf32>
    %mul3A = arith.mulf %get3A_1, %get3A_1 : vector<400x128xf32>
    %get3A_2 = arith.constant 0 : index
    %get3A_3 = arith.constant 0 : index
    %get3A_4 = arith.constant 0 : index
    %get3A_5 = vector.load %arg1[%get3A_2, %get3A_3, %get3A_4] : memref<2x400x128xf32, #tpu.memory_space<vmem>>, vector<1x400x128xf32>
    %get3A_6 = vector.shape_cast %get3A_5 : vector<1x400x128xf32> to vector<400x128xf32>
    %get3A_7 = arith.constant 1 : index
    %get3A_8 = arith.constant 0 : index
    %get3A_9 = arith.constant 0 : index
    %get3A_10 = vector.load %arg1[%get3A_7, %get3A_8, %get3A_9] : memref<2x400x128xf32, #tpu.memory_space<vmem>>, vector<1x400x128xf32>
    %get3A_11 = vector.shape_cast %get3A_10 : vector<1x400x128xf32> to vector<400x128xf32>
    %add3A = arith.addf %get3A_6, %get3A_11 : vector<400x128xf32>
    %mul3A_12 = arith.mulf %mul3A, %add3A : vector<400x128xf32>
    %swap3A = arith.constant 0 : index
    %swap3A_13 = arith.constant 0 : index
    %swap3A_14 = vector.load %arg3[%swap3A, %swap3A_13] : memref<400x128xf32, #tpu.memory_space<vmem>>, vector<400x128xf32>
    tpu.vector_store %arg3[%swap3A, %swap3A_13], %mul3A_12 {strides = array<i32>} : memref<400x128xf32, #tpu.memory_space<vmem>>, vector<400x128xf32>,
    return
  }
  func.func @transform_0(%arg0: i32) -> (i32, i32, i32) {
    %c0_i32 = arith.constant 0 : i32
    %c0_i32_0 = arith.constant 0 : i32
    %c0_i32_1 = arith.constant 0 : i32
    return %c0_i32, %arg0, %c0_i32_0 : i32, i32, i32
  }
  func.func @transform_1(%arg0: i32) -> (i32, i32) {
    %c0_i32 = arith.constant 0 : i32
    %c0_i32_0 = arith.constant 0 : i32
    return %arg0, %c0_i32 : i32, i32
  }
  func.func @transform_2(%arg0: i32) -> (i32, i32) {
    %c0_i32 = arith.constant 0 : i32
    %c0_i32_0 = arith.constant 0 : i32
    return %arg0, %c0_i32 : i32, i32
  }
}

module attributes {stable_mosaic.version = 14 : i64} {
  func.func @body(%arg0: i32, %arg1: memref<400x128xf32, #tpu.memory_space<vmem>>, %arg2: memref<1x128xf32, #tpu.memory_space<vmem>>, %arg3: memref<1x128xf32, #tpu.memory_space<vmem>>, %arg4: memref<1x128xf32, #tpu.memory_space<vmem>>, %arg5: memref<1x128xf32, #tpu.memory_space<vmem>>, %arg6: memref<400x128xf32, #tpu.memory_space<vmem>>, %arg7: memref<400x128xf32, #tpu.memory_space<vmem>>, %arg8: memref<400x128xf32, #tpu.memory_space<vmem>>) attributes {dimension_semantics = [#tpu.dimension_semantics<arbitrary>], iteration_bounds = array<i64: 25>, scalar_prefetch = 0 : i64, scratch_operands = 0 : i64, tpu.core_type = #tpu.core_type<tc>, window_params = [{transform_indices = @transform_0, window_bounds = array<i64: 400, 128>}, {pipeline_mode = #tpu.pipeline_mode<synchronous>, transform_indices = @transform_1, window_bounds = array<i64: 1, 128>}, {pipeline_mode = #tpu.pipeline_mode<synchronous>, transform_indices = @transform_2, window_bounds = array<i64: 1, 128>}, {pipeline_mode = #tpu.pipeline_mode<synchronous>, transform_indices = @transform_3, window_bounds = array<i64: 1, 128>}, {pipeline_mode = #tpu.pipeline_mode<synchronous>, transform_indices = @transform_4, window_bounds = array<i64: 1, 128>}, {transform_indices = @transform_5, window_bounds = array<i64: 400, 128>}, {transform_indices = @transform_6, window_bounds = array<i64: 400, 128>}, {transform_indices = @transform_7, window_bounds = array<i64: 400, 128>}]} {
    %get3A = arith.constant 0 : index
    %get3A_0 = arith.constant 0 : index
    %get3A_1 = vector.load %arg2[%get3A, %get3A_0] : memref<1x128xf32, #tpu.memory_space<vmem>>, vector<1x128xf32>
    %mul3A = arith.constant 9.99999974E-5 : f32
    %mul3A_2 = vector.broadcast %mul3A : f32 to vector<1x128xf32>
    %mul3A_3 = arith.mulf %get3A_1, %mul3A_2 : vector<1x128xf32>
    %get3A_4 = arith.constant 0 : index
    %get3A_5 = arith.constant 0 : index
    %get3A_6 = vector.load %arg3[%get3A_4, %get3A_5] : memref<1x128xf32, #tpu.memory_space<vmem>>, vector<1x128xf32>
    %mul3A_7 = arith.constant 9.99999974E-5 : f32
    %mul3A_8 = vector.broadcast %mul3A_7 : f32 to vector<1x128xf32>
    %mul3A_9 = arith.mulf %get3A_6, %mul3A_8 : vector<1x128xf32>
    %mul3A_10 = arith.mulf %mul3A_3, %mul3A_3 : vector<1x128xf32>
    %sub3A = arith.subf %mul3A_9, %mul3A_10 : vector<1x128xf32>
    %get3A_11 = arith.constant 0 : index
    %get3A_12 = arith.constant 0 : index
    %get3A_13 = vector.load %arg1[%get3A_11, %get3A_12] : memref<400x128xf32, #tpu.memory_space<vmem>>, vector<400x128xf32>
    %sub3A_14 = vector.broadcast %mul3A_3 : vector<1x128xf32> to vector<400x128xf32>
    %sub3A_15 = arith.subf %get3A_13, %sub3A_14 : vector<400x128xf32>
    %add3A = arith.constant 9.99999974E-6 : f32
    %add3A_16 = vector.broadcast %add3A : f32 to vector<1x128xf32>
    %add3A_17 = arith.addf %sub3A, %add3A_16 : vector<1x128xf32>
    %rsqrt3A = math.rsqrt %add3A_17 : vector<1x128xf32>
    %mul3A_18 = vector.broadcast %rsqrt3A : vector<1x128xf32> to vector<400x128xf32>
    %mul3A_19 = arith.mulf %sub3A_15, %mul3A_18 : vector<400x128xf32>
    %get3A_20 = arith.constant 0 : index
    %get3A_21 = arith.constant 0 : index
    %get3A_22 = vector.load %arg4[%get3A_20, %get3A_21] : memref<1x128xf32, #tpu.memory_space<vmem>>, vector<1x128xf32>
    %mul3A_23 = vector.broadcast %get3A_22 : vector<1x128xf32> to vector<400x128xf32>
    %mul3A_24 = arith.mulf %mul3A_19, %mul3A_23 : vector<400x128xf32>
    %get3A_25 = arith.constant 0 : index
    %get3A_26 = arith.constant 0 : index
    %get3A_27 = vector.load %arg5[%get3A_25, %get3A_26] : memref<1x128xf32, #tpu.memory_space<vmem>>, vector<1x128xf32>
    %add3A_28 = vector.broadcast %get3A_27 : vector<1x128xf32> to vector<400x128xf32>
    %add3A_29 = arith.addf %mul3A_24, %add3A_28 : vector<400x128xf32>
    %max3A = arith.constant 0.000000e+00 : f32
    %max3A_30 = vector.broadcast %max3A : f32 to vector<400x128xf32>
    %max3A_31 = arith.maximumf %add3A_29, %max3A_30 : vector<400x128xf32>
    %swap3A = arith.constant 0 : index
    %swap3A_32 = arith.constant 0 : index
    %swap3A_33 = vector.load %arg7[%swap3A, %swap3A_32] : memref<400x128xf32, #tpu.memory_space<vmem>>, vector<400x128xf32>
    tpu.vector_store %arg7[%swap3A, %swap3A_32], %max3A_31 {strides = array<i32>} : memref<400x128xf32, #tpu.memory_space<vmem>>, vector<400x128xf32>,
    %get3A_34 = arith.constant 0 : index
    %get3A_35 = arith.constant 0 : index
    %get3A_36 = vector.load %arg6[%get3A_34, %get3A_35] : memref<400x128xf32, #tpu.memory_space<vmem>>, vector<400x128xf32>
    %mul3A_37 = arith.mulf %get3A_36, %max3A_31 : vector<400x128xf32>
    %swap3A_38 = arith.constant 0 : index
    %swap3A_39 = arith.constant 0 : index
    %swap3A_40 = vector.load %arg8[%swap3A_38, %swap3A_39] : memref<400x128xf32, #tpu.memory_space<vmem>>, vector<400x128xf32>
    tpu.vector_store %arg8[%swap3A_38, %swap3A_39], %mul3A_37 {strides = array<i32>} : memref<400x128xf32, #tpu.memory_space<vmem>>, vector<400x128xf32>,
    return
  }
  func.func @transform_0(%arg0: i32) -> (i32, i32) {
    %c0_i32 = arith.constant 0 : i32
    %c0_i32_0 = arith.constant 0 : i32
    return %arg0, %c0_i32 : i32, i32
  }
  func.func @transform_1(%arg0: i32) -> (i32, i32) {
    %c0_i32 = arith.constant 0 : i32
    %c0_i32_0 = arith.constant 0 : i32
    %c0_i32_1 = arith.constant 0 : i32
    return %c0_i32, %c0_i32_0 : i32, i32
  }
  func.func @transform_2(%arg0: i32) -> (i32, i32) {
    %c0_i32 = arith.constant 0 : i32
    %c0_i32_0 = arith.constant 0 : i32
    %c0_i32_1 = arith.constant 0 : i32
    return %c0_i32, %c0_i32_0 : i32, i32
  }
  func.func @transform_3(%arg0: i32) -> (i32, i32) {
    %c0_i32 = arith.constant 0 : i32
    %c0_i32_0 = arith.constant 0 : i32
    %c0_i32_1 = arith.constant 0 : i32
    return %c0_i32, %c0_i32_0 : i32, i32
  }
  func.func @transform_4(%arg0: i32) -> (i32, i32) {
    %c0_i32 = arith.constant 0 : i32
    %c0_i32_0 = arith.constant 0 : i32
    %c0_i32_1 = arith.constant 0 : i32
    return %c0_i32, %c0_i32_0 : i32, i32
  }
  func.func @transform_5(%arg0: i32) -> (i32, i32) {
    %c0_i32 = arith.constant 0 : i32
    %c0_i32_0 = arith.constant 0 : i32
    return %arg0, %c0_i32 : i32, i32
  }
  func.func @transform_6(%arg0: i32) -> (i32, i32) {
    %c0_i32 = arith.constant 0 : i32
    %c0_i32_0 = arith.constant 0 : i32
    return %arg0, %c0_i32 : i32, i32
  }
  func.func @transform_7(%arg0: i32) -> (i32, i32) {
    %c0_i32 = arith.constant 0 : i32
    %c0_i32_0 = arith.constant 0 : i32
    return %arg0, %c0_i32 : i32, i32
  }
}

module attributes {stable_mosaic.version = 14 : i64} {
  func.func @body(%arg0: i32, %arg1: memref<400x128xf32, #tpu.memory_space<vmem>>, %arg2: memref<2x400x128xf32, #tpu.memory_space<vmem>>, %arg3: memref<2x400x128xf32, #tpu.memory_space<vmem>>, %arg4: memref<2x400x128xf32, #tpu.memory_space<vmem>>, %arg5: memref<400x128xf32, #tpu.memory_space<vmem>>, %arg6: memref<4x128x128xf32, #tpu.memory_space<vmem>>, %arg7: memref<1x128xf32, #tpu.memory_space<vmem>>, %arg8: memref<400x128xf32, #tpu.memory_space<vmem>>, %arg9: memref<1x128xf32, #tpu.memory_space<vmem>>, %arg10: memref<1x128xf32, #tpu.memory_space<vmem>>, %arg11: memref<1x128xf32, #tpu.memory_space<vmem>>, %arg12: memref<1x128xf32, #tpu.memory_space<vmem>>) attributes {dimension_semantics = [#tpu.dimension_semantics<arbitrary>], iteration_bounds = array<i64: 25>, scalar_prefetch = 0 : i64, scratch_operands = 2 : i64, tpu.core_type = #tpu.core_type<tc>, window_params = [{transform_indices = @transform_0, window_bounds = array<i64: 400, 128>}, {transform_indices = @transform_1, window_bounds = array<i64: 2, 400, 128>}, {transform_indices = @transform_2, window_bounds = array<i64: 2, 400, 128>}, {transform_indices = @transform_3, window_bounds = array<i64: 2, 400, 128>}, {transform_indices = @transform_4, window_bounds = array<i64: 400, 128>}, {pipeline_mode = #tpu.pipeline_mode<synchronous>, transform_indices = @transform_5, window_bounds = array<i64: 4, 128, 128>}, {pipeline_mode = #tpu.pipeline_mode<synchronous>, transform_indices = @transform_6, window_bounds = array<i64: 1, 128>}, {transform_indices = @transform_7, window_bounds = array<i64: 400, 128>}, {pipeline_mode = #tpu.pipeline_mode<synchronous>, transform_indices = @transform_8, window_bounds = array<i64: 1, 128>}, {pipeline_mode = #tpu.pipeline_mode<synchronous>, transform_indices = @transform_9, window_bounds = array<i64: 1, 128>}]} {
    %eq3A = arith.constant 0 : i32
    %eq3A_0 = arith.cmpi eq, %arg0, %eq3A : i32
    %convert_element_type3A = arith.extui %eq3A_0 : i1 to i32
    %cond3A = arith.constant 0 : i32
    %cond3A_1 = arith.cmpi ne, %convert_element_type3A, %cond3A : i32
    scf.if %cond3A_1 {
      %broadcast_in_dim3A_102 = arith.constant 0.000000e+00 : f32
      %broadcast_in_dim3A_103 = vector.broadcast %broadcast_in_dim3A_102 : f32 to vector<1x128xf32>
      %swap3A_104 = arith.constant 0 : index
      %swap3A_105 = arith.constant 0 : index
      %swap3A_106 = vector.load %arg11[%swap3A_104, %swap3A_105] : memref<1x128xf32, #tpu.memory_space<vmem>>, vector<1x128xf32>
      tpu.vector_store %arg11[%swap3A_104, %swap3A_105], %broadcast_in_dim3A_103 {strides = array<i32>} : memref<1x128xf32, #tpu.memory_space<vmem>>, vector<1x128xf32>,
      %broadcast_in_dim3A_107 = arith.constant 0.000000e+00 : f32
      %broadcast_in_dim3A_108 = vector.broadcast %broadcast_in_dim3A_107 : f32 to vector<1x128xf32>
      %swap3A_109 = arith.constant 0 : index
      %swap3A_110 = arith.constant 0 : index
      %swap3A_111 = vector.load %arg12[%swap3A_109, %swap3A_110] : memref<1x128xf32, #tpu.memory_space<vmem>>, vector<1x128xf32>
      tpu.vector_store %arg12[%swap3A_109, %swap3A_110], %broadcast_in_dim3A_108 {strides = array<i32>} : memref<1x128xf32, #tpu.memory_space<vmem>>, vector<1x128xf32>,
    } else {
    }
    %get3A = arith.constant 0 : index
    %get3A_2 = arith.constant 0 : index
    %get3A_3 = vector.load %arg5[%get3A, %get3A_2] : memref<400x128xf32, #tpu.memory_space<vmem>>, vector<400x128xf32>
    %get3A_4 = arith.constant 0 : index
    %get3A_5 = arith.constant 0 : index
    %get3A_6 = arith.constant 0 : index
    %get3A_7 = vector.load %arg2[%get3A_4, %get3A_5, %get3A_6] : memref<2x400x128xf32, #tpu.memory_space<vmem>>, vector<1x400x128xf32>
    %get3A_8 = vector.shape_cast %get3A_7 : vector<1x400x128xf32> to vector<400x128xf32>
    %get3A_9 = arith.constant 1 : index
    %get3A_10 = arith.constant 0 : index
    %get3A_11 = arith.constant 0 : index
    %get3A_12 = vector.load %arg2[%get3A_9, %get3A_10, %get3A_11] : memref<2x400x128xf32, #tpu.memory_space<vmem>>, vector<1x400x128xf32>
    %get3A_13 = vector.shape_cast %get3A_12 : vector<1x400x128xf32> to vector<400x128xf32>
    %add3A = arith.addf %get3A_8, %get3A_13 : vector<400x128xf32>
    %mul3A = arith.mulf %get3A_3, %add3A : vector<400x128xf32>
    %get3A_14 = arith.constant 0 : index
    %get3A_15 = arith.constant 0 : index
    %get3A_16 = arith.constant 0 : index
    %get3A_17 = vector.load %arg3[%get3A_14, %get3A_15, %get3A_16] : memref<2x400x128xf32, #tpu.memory_space<vmem>>, vector<1x400x128xf32>
    %get3A_18 = vector.shape_cast %get3A_17 : vector<1x400x128xf32> to vector<400x128xf32>
    %get3A_19 = arith.constant 1 : index
    %get3A_20 = arith.constant 0 : index
    %get3A_21 = arith.constant 0 : index
    %get3A_22 = vector.load %arg3[%get3A_19, %get3A_20, %get3A_21] : memref<2x400x128xf32, #tpu.memory_space<vmem>>, vector<1x400x128xf32>
    %get3A_23 = vector.shape_cast %get3A_22 : vector<1x400x128xf32> to vector<400x128xf32>
    %add3A_24 = arith.addf %get3A_18, %get3A_23 : vector<400x128xf32>
    %mul3A_25 = arith.mulf %get3A_3, %add3A_24 : vector<400x128xf32>
    %get3A_26 = arith.constant 0 : index
    %get3A_27 = arith.constant 0 : index
    %get3A_28 = arith.constant 0 : index
    %get3A_29 = vector.load %arg4[%get3A_26, %get3A_27, %get3A_28] : memref<2x400x128xf32, #tpu.memory_space<vmem>>, vector<1x400x128xf32>
    %get3A_30 = vector.shape_cast %get3A_29 : vector<1x400x128xf32> to vector<400x128xf32>
    %get3A_31 = arith.constant 1 : index
    %get3A_32 = arith.constant 0 : index
    %get3A_33 = arith.constant 0 : index
    %get3A_34 = vector.load %arg4[%get3A_31, %get3A_32, %get3A_33] : memref<2x400x128xf32, #tpu.memory_space<vmem>>, vector<1x400x128xf32>
    %get3A_35 = vector.shape_cast %get3A_34 : vector<1x400x128xf32> to vector<400x128xf32>
    %add3A_36 = arith.addf %get3A_30, %get3A_35 : vector<400x128xf32>
    %mul3A_37 = arith.mulf %get3A_3, %add3A_36 : vector<400x128xf32>
    %get3A_38 = arith.constant 0 : index
    %get3A_39 = arith.constant 0 : index
    %get3A_40 = vector.load %arg1[%get3A_38, %get3A_39] : memref<400x128xf32, #tpu.memory_space<vmem>>, vector<400x128xf32>
    %get3A_41 = arith.constant 0 : index
    %get3A_42 = arith.constant 0 : index
    %get3A_43 = arith.constant 0 : index
    %get3A_44 = vector.load %arg6[%get3A_41, %get3A_42, %get3A_43] : memref<4x128x128xf32, #tpu.memory_space<vmem>>, vector<1x128x128xf32>
    %get3A_45 = vector.shape_cast %get3A_44 : vector<1x128x128xf32> to vector<128x128xf32>
    %dot_general3A = arith.constant dense<0.000000e+00> : vector<400x128xf32>
    %dot_general3A_46 = tpu.matmul %get3A_40, %get3A_45, %dot_general3A {dimension_numbers = #tpu.dot_dimension_numbers<[1], [0], [0], [1], [0, 0, 1, 1], [], []>, precision = #tpu.contract_precision<fp32>, transpose_lhs_hint = false} : vector<400x128xf32>, vector<128x128xf32>, vector<400x128xf32> -> vector<400x128xf32>
    %get3A_47 = arith.constant 1 : index
    %get3A_48 = arith.constant 0 : index
    %get3A_49 = arith.constant 0 : index
    %get3A_50 = vector.load %arg6[%get3A_47, %get3A_48, %get3A_49] : memref<4x128x128xf32, #tpu.memory_space<vmem>>, vector<1x128x128xf32>
    %get3A_51 = vector.shape_cast %get3A_50 : vector<1x128x128xf32> to vector<128x128xf32>
    %dot_general3A_52 = arith.constant dense<0.000000e+00> : vector<400x128xf32>
    %dot_general3A_53 = tpu.matmul %mul3A, %get3A_51, %dot_general3A_52 {dimension_numbers = #tpu.dot_dimension_numbers<[1], [0], [0], [1], [0, 0, 1, 1], [], []>, precision = #tpu.contract_precision<fp32>, transpose_lhs_hint = false} : vector<400x128xf32>, vector<128x128xf32>, vector<400x128xf32> -> vector<400x128xf32>
    %add3A_54 = arith.addf %dot_general3A_46, %dot_general3A_53 : vector<400x128xf32>
    %get3A_55 = arith.constant 2 : index
    %get3A_56 = arith.constant 0 : index
    %get3A_57 = arith.constant 0 : index
    %get3A_58 = vector.load %arg6[%get3A_55, %get3A_56, %get3A_57] : memref<4x128x128xf32, #tpu.memory_space<vmem>>, vector<1x128x128xf32>
    %get3A_59 = vector.shape_cast %get3A_58 : vector<1x128x128xf32> to vector<128x128xf32>
    %dot_general3A_60 = arith.constant dense<0.000000e+00> : vector<400x128xf32>
    %dot_general3A_61 = tpu.matmul %mul3A_25, %get3A_59, %dot_general3A_60 {dimension_numbers = #tpu.dot_dimension_numbers<[1], [0], [0], [1], [0, 0, 1, 1], [], []>, precision = #tpu.contract_precision<fp32>, transpose_lhs_hint = false} : vector<400x128xf32>, vector<128x128xf32>, vector<400x128xf32> -> vector<400x128xf32>
    %add3A_62 = arith.addf %add3A_54, %dot_general3A_61 : vector<400x128xf32>
    %get3A_63 = arith.constant 3 : index
    %get3A_64 = arith.constant 0 : index
    %get3A_65 = arith.constant 0 : index
    %get3A_66 = vector.load %arg6[%get3A_63, %get3A_64, %get3A_65] : memref<4x128x128xf32, #tpu.memory_space<vmem>>, vector<1x128x128xf32>
    %get3A_67 = vector.shape_cast %get3A_66 : vector<1x128x128xf32> to vector<128x128xf32>
    %dot_general3A_68 = arith.constant dense<0.000000e+00> : vector<400x128xf32>
    %dot_general3A_69 = tpu.matmul %mul3A_37, %get3A_67, %dot_general3A_68 {dimension_numbers = #tpu.dot_dimension_numbers<[1], [0], [0], [1], [0, 0, 1, 1], [], []>, precision = #tpu.contract_precision<fp32>, transpose_lhs_hint = false} : vector<400x128xf32>, vector<128x128xf32>, vector<400x128xf32> -> vector<400x128xf32>
    %add3A_70 = arith.addf %add3A_62, %dot_general3A_69 : vector<400x128xf32>
    %get3A_71 = arith.constant 0 : index
    %get3A_72 = arith.constant 0 : index
    %get3A_73 = vector.load %arg7[%get3A_71, %get3A_72] : memref<1x128xf32, #tpu.memory_space<vmem>>, vector<1x128xf32>
    %add3A_74 = vector.broadcast %get3A_73 : vector<1x128xf32> to vector<400x128xf32>
    %add3A_75 = arith.addf %add3A_70, %add3A_74 : vector<400x128xf32>
    %swap3A = arith.constant 0 : index
    %swap3A_76 = arith.constant 0 : index
    %swap3A_77 = vector.load %arg8[%swap3A, %swap3A_76] : memref<400x128xf32, #tpu.memory_space<vmem>>, vector<400x128xf32>
    tpu.vector_store %arg8[%swap3A, %swap3A_76], %add3A_75 {strides = array<i32>} : memref<400x128xf32, #tpu.memory_space<vmem>>, vector<400x128xf32>,
    %get3A_78 = arith.constant 0 : index
    %get3A_79 = arith.constant 0 : index
    %get3A_80 = vector.load %arg11[%get3A_78, %get3A_79] : memref<1x128xf32, #tpu.memory_space<vmem>>, vector<1x128xf32>
    %reduce_sum3A = arith.constant dense<0.000000e+00> : vector<128xf32>
    %reduce_sum3A_81 = vector.multi_reduction <add>, %add3A_75, %reduce_sum3A [0] : vector<400x128xf32> to vector<128xf32>
    %broadcast_in_dim3A = vector.shape_cast %reduce_sum3A_81 : vector<128xf32> to vector<1x128xf32>
    %add3A_82 = arith.addf %get3A_80, %broadcast_in_dim3A : vector<1x128xf32>
    %swap3A_83 = arith.constant 0 : index
    %swap3A_84 = arith.constant 0 : index
    %swap3A_85 = vector.load %arg11[%swap3A_83, %swap3A_84] : memref<1x128xf32, #tpu.memory_space<vmem>>, vector<1x128xf32>
    tpu.vector_store %arg11[%swap3A_83, %swap3A_84], %add3A_82 {strides = array<i32>} : memref<1x128xf32, #tpu.memory_space<vmem>>, vector<1x128xf32>,
    %get3A_86 = arith.constant 0 : index
    %get3A_87 = arith.constant 0 : index
    %get3A_88 = vector.load %arg12[%get3A_86, %get3A_87] : memref<1x128xf32, #tpu.memory_space<vmem>>, vector<1x128xf32>
    %mul3A_89 = arith.mulf %add3A_75, %add3A_75 : vector<400x128xf32>
    %reduce_sum3A_90 = arith.constant dense<0.000000e+00> : vector<128xf32>
    %reduce_sum3A_91 = vector.multi_reduction <add>, %mul3A_89, %reduce_sum3A_90 [0] : vector<400x128xf32> to vector<128xf32>
    %broadcast_in_dim3A_92 = vector.shape_cast %reduce_sum3A_91 : vector<128xf32> to vector<1x128xf32>
    %add3A_93 = arith.addf %get3A_88, %broadcast_in_dim3A_92 : vector<1x128xf32>
    %swap3A_94 = arith.constant 0 : index
    %swap3A_95 = arith.constant 0 : index
    %swap3A_96 = vector.load %arg12[%swap3A_94, %swap3A_95] : memref<1x128xf32, #tpu.memory_space<vmem>>, vector<1x128xf32>
    tpu.vector_store %arg12[%swap3A_94, %swap3A_95], %add3A_93 {strides = array<i32>} : memref<1x128xf32, #tpu.memory_space<vmem>>, vector<1x128xf32>,
    %eq3A_97 = arith.constant 24 : i32
    %eq3A_98 = arith.cmpi eq, %arg0, %eq3A_97 : i32
    %convert_element_type3A_99 = arith.extui %eq3A_98 : i1 to i32
    %cond3A_100 = arith.constant 0 : i32
    %cond3A_101 = arith.cmpi ne, %convert_element_type3A_99, %cond3A_100 : i32
    scf.if %cond3A_101 {
      %get3A_102 = arith.constant 0 : index
      %get3A_103 = arith.constant 0 : index
      %get3A_104 = vector.load %arg11[%get3A_102, %get3A_103] : memref<1x128xf32, #tpu.memory_space<vmem>>, vector<1x128xf32>
      %swap3A_105 = arith.constant 0 : index
      %swap3A_106 = arith.constant 0 : index
      %swap3A_107 = vector.load %arg9[%swap3A_105, %swap3A_106] : memref<1x128xf32, #tpu.memory_space<vmem>>, vector<1x128xf32>
      tpu.vector_store %arg9[%swap3A_105, %swap3A_106], %get3A_104 {strides = array<i32>} : memref<1x128xf32, #tpu.memory_space<vmem>>, vector<1x128xf32>,
      %get3A_108 = arith.constant 0 : index
      %get3A_109 = arith.constant 0 : index
      %get3A_110 = vector.load %arg12[%get3A_108, %get3A_109] : memref<1x128xf32, #tpu.memory_space<vmem>>, vector<1x128xf32>
      %swap3A_111 = arith.constant 0 : index
      %swap3A_112 = arith.constant 0 : index
      %swap3A_113 = vector.load %arg10[%swap3A_111, %swap3A_112] : memref<1x128xf32, #tpu.memory_space<vmem>>, vector<1x128xf32>
      tpu.vector_store %arg10[%swap3A_111, %swap3A_112], %get3A_110 {strides = array<i32>} : memref<1x128xf32, #tpu.memory_space<vmem>>, vector<1x128xf32>,
    } else {
    }
    return
  }
  func.func @transform_0(%arg0: i32) -> (i32, i32) {
    %c0_i32 = arith.constant 0 : i32
    %c0_i32_0 = arith.constant 0 : i32
    return %arg0, %c0_i32 : i32, i32
  }
  func.func @transform_1(%arg0: i32) -> (i32, i32, i32) {
    %c0_i32 = arith.constant 0 : i32
    %c0_i32_0 = arith.constant 0 : i32
    %c0_i32_1 = arith.constant 0 : i32
    return %c0_i32, %arg0, %c0_i32_0 : i32, i32, i32
  }
  func.func @transform_2(%arg0: i32) -> (i32, i32, i32) {
    %c0_i32 = arith.constant 0 : i32
    %c0_i32_0 = arith.constant 0 : i32
    %c0_i32_1 = arith.constant 0 : i32
    return %c0_i32, %arg0, %c0_i32_0 : i32, i32, i32
  }
  func.func @transform_3(%arg0: i32) -> (i32, i32, i32) {
    %c0_i32 = arith.constant 0 : i32
    %c0_i32_0 = arith.constant 0 : i32
    %c0_i32_1 = arith.constant 0 : i32
    return %c0_i32, %arg0, %c0_i32_0 : i32, i32, i32
  }
  func.func @transform_4(%arg0: i32) -> (i32, i32) {
    %c0_i32 = arith.constant 0 : i32
    %c0_i32_0 = arith.constant 0 : i32
    return %arg0, %c0_i32 : i32, i32
  }
  func.func @transform_5(%arg0: i32) -> (i32, i32, i32) {
    %c0_i32 = arith.constant 0 : i32
    %c0_i32_0 = arith.constant 0 : i32
    %c0_i32_1 = arith.constant 0 : i32
    %c0_i32_2 = arith.constant 0 : i32
    return %c0_i32, %c0_i32_0, %c0_i32_1 : i32, i32, i32
  }
  func.func @transform_6(%arg0: i32) -> (i32, i32) {
    %c0_i32 = arith.constant 0 : i32
    %c0_i32_0 = arith.constant 0 : i32
    %c0_i32_1 = arith.constant 0 : i32
    return %c0_i32, %c0_i32_0 : i32, i32
  }
  func.func @transform_7(%arg0: i32) -> (i32, i32) {
    %c0_i32 = arith.constant 0 : i32
    %c0_i32_0 = arith.constant 0 : i32
    return %arg0, %c0_i32 : i32, i32
  }
  func.func @transform_8(%arg0: i32) -> (i32, i32) {
    %c0_i32 = arith.constant 0 : i32
    %c0_i32_0 = arith.constant 0 : i32
    %c0_i32_1 = arith.constant 0 : i32
    return %c0_i32, %c0_i32_0 : i32, i32
  }
  func.func @transform_9(%arg0: i32) -> (i32, i32) {
    %c0_i32 = arith.constant 0 : i32
    %c0_i32_0 = arith.constant 0 : i32
    %c0_i32_1 = arith.constant 0 : i32
    return %c0_i32, %c0_i32_0 : i32, i32
  }
}

module attributes {stable_mosaic.version = 14 : i64} {
  func.func @body(%arg0: i32, %arg1: memref<400x128xf32, #tpu.memory_space<vmem>>, %arg2: memref<1x128xf32, #tpu.memory_space<vmem>>, %arg3: memref<1x128xf32, #tpu.memory_space<vmem>>, %arg4: memref<1x128xf32, #tpu.memory_space<vmem>>, %arg5: memref<1x128xf32, #tpu.memory_space<vmem>>, %arg6: memref<400x128xf32, #tpu.memory_space<vmem>>, %arg7: memref<400x128xf32, #tpu.memory_space<vmem>>) attributes {dimension_semantics = [#tpu.dimension_semantics<arbitrary>], iteration_bounds = array<i64: 25>, scalar_prefetch = 0 : i64, scratch_operands = 0 : i64, tpu.core_type = #tpu.core_type<tc>, window_params = [{transform_indices = @transform_0, window_bounds = array<i64: 400, 128>}, {pipeline_mode = #tpu.pipeline_mode<synchronous>, transform_indices = @transform_1, window_bounds = array<i64: 1, 128>}, {pipeline_mode = #tpu.pipeline_mode<synchronous>, transform_indices = @transform_2, window_bounds = array<i64: 1, 128>}, {pipeline_mode = #tpu.pipeline_mode<synchronous>, transform_indices = @transform_3, window_bounds = array<i64: 1, 128>}, {pipeline_mode = #tpu.pipeline_mode<synchronous>, transform_indices = @transform_4, window_bounds = array<i64: 1, 128>}, {transform_indices = @transform_5, window_bounds = array<i64: 400, 128>}, {transform_indices = @transform_6, window_bounds = array<i64: 400, 128>}]} {
    %get3A = arith.constant 0 : index
    %get3A_0 = arith.constant 0 : index
    %get3A_1 = vector.load %arg2[%get3A, %get3A_0] : memref<1x128xf32, #tpu.memory_space<vmem>>, vector<1x128xf32>
    %mul3A = arith.constant 9.99999974E-5 : f32
    %mul3A_2 = vector.broadcast %mul3A : f32 to vector<1x128xf32>
    %mul3A_3 = arith.mulf %get3A_1, %mul3A_2 : vector<1x128xf32>
    %get3A_4 = arith.constant 0 : index
    %get3A_5 = arith.constant 0 : index
    %get3A_6 = vector.load %arg3[%get3A_4, %get3A_5] : memref<1x128xf32, #tpu.memory_space<vmem>>, vector<1x128xf32>
    %mul3A_7 = arith.constant 9.99999974E-5 : f32
    %mul3A_8 = vector.broadcast %mul3A_7 : f32 to vector<1x128xf32>
    %mul3A_9 = arith.mulf %get3A_6, %mul3A_8 : vector<1x128xf32>
    %mul3A_10 = arith.mulf %mul3A_3, %mul3A_3 : vector<1x128xf32>
    %sub3A = arith.subf %mul3A_9, %mul3A_10 : vector<1x128xf32>
    %get3A_11 = arith.constant 0 : index
    %get3A_12 = arith.constant 0 : index
    %get3A_13 = vector.load %arg1[%get3A_11, %get3A_12] : memref<400x128xf32, #tpu.memory_space<vmem>>, vector<400x128xf32>
    %sub3A_14 = vector.broadcast %mul3A_3 : vector<1x128xf32> to vector<400x128xf32>
    %sub3A_15 = arith.subf %get3A_13, %sub3A_14 : vector<400x128xf32>
    %add3A = arith.constant 9.99999974E-6 : f32
    %add3A_16 = vector.broadcast %add3A : f32 to vector<1x128xf32>
    %add3A_17 = arith.addf %sub3A, %add3A_16 : vector<1x128xf32>
    %rsqrt3A = math.rsqrt %add3A_17 : vector<1x128xf32>
    %mul3A_18 = vector.broadcast %rsqrt3A : vector<1x128xf32> to vector<400x128xf32>
    %mul3A_19 = arith.mulf %sub3A_15, %mul3A_18 : vector<400x128xf32>
    %get3A_20 = arith.constant 0 : index
    %get3A_21 = arith.constant 0 : index
    %get3A_22 = vector.load %arg4[%get3A_20, %get3A_21] : memref<1x128xf32, #tpu.memory_space<vmem>>, vector<1x128xf32>
    %mul3A_23 = vector.broadcast %get3A_22 : vector<1x128xf32> to vector<400x128xf32>
    %mul3A_24 = arith.mulf %mul3A_19, %mul3A_23 : vector<400x128xf32>
    %get3A_25 = arith.constant 0 : index
    %get3A_26 = arith.constant 0 : index
    %get3A_27 = vector.load %arg5[%get3A_25, %get3A_26] : memref<1x128xf32, #tpu.memory_space<vmem>>, vector<1x128xf32>
    %add3A_28 = vector.broadcast %get3A_27 : vector<1x128xf32> to vector<400x128xf32>
    %add3A_29 = arith.addf %mul3A_24, %add3A_28 : vector<400x128xf32>
    %max3A = arith.constant 0.000000e+00 : f32
    %max3A_30 = vector.broadcast %max3A : f32 to vector<400x128xf32>
    %max3A_31 = arith.maximumf %add3A_29, %max3A_30 : vector<400x128xf32>
    %swap3A = arith.constant 0 : index
    %swap3A_32 = arith.constant 0 : index
    %swap3A_33 = vector.load %arg7[%swap3A, %swap3A_32] : memref<400x128xf32, #tpu.memory_space<vmem>>, vector<400x128xf32>
    tpu.vector_store %arg7[%swap3A, %swap3A_32], %max3A_31 {strides = array<i32>} : memref<400x128xf32, #tpu.memory_space<vmem>>, vector<400x128xf32>,
    return
  }
  func.func @transform_0(%arg0: i32) -> (i32, i32) {
    %c0_i32 = arith.constant 0 : i32
    %c0_i32_0 = arith.constant 0 : i32
    return %arg0, %c0_i32 : i32, i32
  }
  func.func @transform_1(%arg0: i32) -> (i32, i32) {
    %c0_i32 = arith.constant 0 : i32
    %c0_i32_0 = arith.constant 0 : i32
    %c0_i32_1 = arith.constant 0 : i32
    return %c0_i32, %c0_i32_0 : i32, i32
  }
  func.func @transform_2(%arg0: i32) -> (i32, i32) {
    %c0_i32 = arith.constant 0 : i32
    %c0_i32_0 = arith.constant 0 : i32
    %c0_i32_1 = arith.constant 0 : i32
    return %c0_i32, %c0_i32_0 : i32, i32
  }
  func.func @transform_3(%arg0: i32) -> (i32, i32) {
    %c0_i32 = arith.constant 0 : i32
    %c0_i32_0 = arith.constant 0 : i32
    %c0_i32_1 = arith.constant 0 : i32
    return %c0_i32, %c0_i32_0 : i32, i32
  }
  func.func @transform_4(%arg0: i32) -> (i32, i32) {
    %c0_i32 = arith.constant 0 : i32
    %c0_i32_0 = arith.constant 0 : i32
    %c0_i32_1 = arith.constant 0 : i32
    return %c0_i32, %c0_i32_0 : i32, i32
  }
  func.func @transform_5(%arg0: i32) -> (i32, i32) {
    %c0_i32 = arith.constant 0 : i32
    %c0_i32_0 = arith.constant 0 : i32
    return %arg0, %c0_i32 : i32, i32
  }
  func.func @transform_6(%arg0: i32) -> (i32, i32) {
    %c0_i32 = arith.constant 0 : i32
    %c0_i32_0 = arith.constant 0 : i32
    return %arg0, %c0_i32 : i32, i32
  }
}

module attributes {stable_mosaic.version = 14 : i64} {
  func.func @body(%arg0: i32, %arg1: memref<400x128xf32, #tpu.memory_space<vmem>>, %arg2: memref<1x1x400xi32, #tpu.memory_space<vmem>>, %arg3: memref<64x128xf32, #tpu.memory_space<vmem>>, %arg4: memref<64x128xf32, #tpu.memory_space<vmem>>, %arg5: memref<64x128xf32, #tpu.memory_space<vmem>>, %arg6: memref<64x128xf32, #tpu.memory_space<vmem>>) attributes {dimension_semantics = [#tpu.dimension_semantics<arbitrary>], iteration_bounds = array<i64: 25>, scalar_prefetch = 0 : i64, scratch_operands = 2 : i64, tpu.core_type = #tpu.core_type<tc>, window_params = [{transform_indices = @transform_0, window_bounds = array<i64: 400, 128>}, {transform_indices = @transform_1, window_bounds = array<i64: 1, 1, 400>}, {pipeline_mode = #tpu.pipeline_mode<synchronous>, transform_indices = @transform_2, window_bounds = array<i64: 64, 128>}, {pipeline_mode = #tpu.pipeline_mode<synchronous>, transform_indices = @transform_3, window_bounds = array<i64: 64, 128>}]} {
    %eq3A = arith.constant 0 : i32
    %eq3A_0 = arith.cmpi eq, %arg0, %eq3A : i32
    %convert_element_type3A = arith.extui %eq3A_0 : i1 to i32
    %cond3A = arith.constant 0 : i32
    %cond3A_1 = arith.cmpi ne, %convert_element_type3A, %cond3A : i32
    scf.if %cond3A_1 {
      %broadcast_in_dim3A_35 = arith.constant 0.000000e+00 : f32
      %broadcast_in_dim3A_36 = vector.broadcast %broadcast_in_dim3A_35 : f32 to vector<64x128xf32>
      %swap3A_37 = arith.constant 0 : index
      %swap3A_38 = arith.constant 0 : index
      %swap3A_39 = vector.load %arg5[%swap3A_37, %swap3A_38] : memref<64x128xf32, #tpu.memory_space<vmem>>, vector<64x128xf32>
      tpu.vector_store %arg5[%swap3A_37, %swap3A_38], %broadcast_in_dim3A_36 {strides = array<i32>} : memref<64x128xf32, #tpu.memory_space<vmem>>, vector<64x128xf32>,
      %broadcast_in_dim3A_40 = arith.constant 0.000000e+00 : f32
      %broadcast_in_dim3A_41 = vector.broadcast %broadcast_in_dim3A_40 : f32 to vector<64x128xf32>
      %swap3A_42 = arith.constant 0 : index
      %swap3A_43 = arith.constant 0 : index
      %swap3A_44 = vector.load %arg6[%swap3A_42, %swap3A_43] : memref<64x128xf32, #tpu.memory_space<vmem>>, vector<64x128xf32>
      tpu.vector_store %arg6[%swap3A_42, %swap3A_43], %broadcast_in_dim3A_41 {strides = array<i32>} : memref<64x128xf32, #tpu.memory_space<vmem>>, vector<64x128xf32>,
    } else {
    }
    %get3A = arith.constant 0 : index
    %get3A_2 = arith.constant 0 : index
    %get3A_3 = arith.constant 0 : index
    %get3A_4 = vector.load %arg2[%get3A, %get3A_2, %get3A_3] : memref<1x1x400xi32, #tpu.memory_space<vmem>>, vector<1x1x400xi32>
    %get3A_5 = vector.shape_cast %get3A_4 : vector<1x1x400xi32> to vector<400xi32>
    %iota3A = tpu.iota {dimensions = array<i32: 1>} : vector<400x64xi32>
    %broadcast_in_dim3A = vector.shape_cast %get3A_5 : vector<400xi32> to vector<400x1xi32>
    %eq3A_6 = vector.broadcast %broadcast_in_dim3A : vector<400x1xi32> to vector<400x64xi32>
    %eq3A_7 = arith.cmpi eq, %eq3A_6, %iota3A : vector<400x64xi32>
    %convert_element_type3A_8 = arith.extui %eq3A_7 : vector<400x64xi1> to vector<400x64xi32>
    %convert_element_type3A_9 = arith.sitofp %convert_element_type3A_8 : vector<400x64xi32> to vector<400x64xf32>
    %broadcast_in_dim3A_10 = arith.constant 1.000000e+00 : f32
    %broadcast_in_dim3A_11 = vector.broadcast %broadcast_in_dim3A_10 : f32 to vector<400x128xf32>
    %dot_general3A = arith.constant dense<0.000000e+00> : vector<64x128xf32>
    %dot_general3A_12 = tpu.matmul %convert_element_type3A_9, %broadcast_in_dim3A_11, %dot_general3A {dimension_numbers = #tpu.dot_dimension_numbers<[0], [0], [1], [1], [0, 1, 1, 1], [], []>, precision = #tpu.contract_precision<fp32>, transpose_lhs_hint = false} : vector<400x64xf32>, vector<400x128xf32>, vector<64x128xf32> -> vector<64x128xf32>
    %get3A_13 = arith.constant 0 : index
    %get3A_14 = arith.constant 0 : index
    %get3A_15 = vector.load %arg1[%get3A_13, %get3A_14] : memref<400x128xf32, #tpu.memory_space<vmem>>, vector<400x128xf32>
    %dot_general3A_16 = arith.constant dense<0.000000e+00> : vector<64x128xf32>
    %dot_general3A_17 = tpu.matmul %convert_element_type3A_9, %get3A_15, %dot_general3A_16 {dimension_numbers = #tpu.dot_dimension_numbers<[0], [0], [1], [1], [0, 1, 1, 1], [], []>, precision = #tpu.contract_precision<fp32>, transpose_lhs_hint = false} : vector<400x64xf32>, vector<400x128xf32>, vector<64x128xf32> -> vector<64x128xf32>
    %get3A_18 = arith.constant 0 : index
    %get3A_19 = arith.constant 0 : index
    %get3A_20 = vector.load %arg5[%get3A_18, %get3A_19] : memref<64x128xf32, #tpu.memory_space<vmem>>, vector<64x128xf32>
    %add3A = arith.addf %get3A_20, %dot_general3A_17 : vector<64x128xf32>
    %swap3A = arith.constant 0 : index
    %swap3A_21 = arith.constant 0 : index
    %swap3A_22 = vector.load %arg5[%swap3A, %swap3A_21] : memref<64x128xf32, #tpu.memory_space<vmem>>, vector<64x128xf32>
    tpu.vector_store %arg5[%swap3A, %swap3A_21], %add3A {strides = array<i32>} : memref<64x128xf32, #tpu.memory_space<vmem>>, vector<64x128xf32>,
    %get3A_23 = arith.constant 0 : index
    %get3A_24 = arith.constant 0 : index
    %get3A_25 = vector.load %arg6[%get3A_23, %get3A_24] : memref<64x128xf32, #tpu.memory_space<vmem>>, vector<64x128xf32>
    %add3A_26 = arith.addf %get3A_25, %dot_general3A_12 : vector<64x128xf32>
    %swap3A_27 = arith.constant 0 : index
    %swap3A_28 = arith.constant 0 : index
    %swap3A_29 = vector.load %arg6[%swap3A_27, %swap3A_28] : memref<64x128xf32, #tpu.memory_space<vmem>>, vector<64x128xf32>
    tpu.vector_store %arg6[%swap3A_27, %swap3A_28], %add3A_26 {strides = array<i32>} : memref<64x128xf32, #tpu.memory_space<vmem>>, vector<64x128xf32>,
    %eq3A_30 = arith.constant 24 : i32
    %eq3A_31 = arith.cmpi eq, %arg0, %eq3A_30 : i32
    %convert_element_type3A_32 = arith.extui %eq3A_31 : i1 to i32
    %cond3A_33 = arith.constant 0 : i32
    %cond3A_34 = arith.cmpi ne, %convert_element_type3A_32, %cond3A_33 : i32
    scf.if %cond3A_34 {
      %get3A_35 = arith.constant 0 : index
      %get3A_36 = arith.constant 0 : index
      %get3A_37 = vector.load %arg5[%get3A_35, %get3A_36] : memref<64x128xf32, #tpu.memory_space<vmem>>, vector<64x128xf32>
      %swap3A_38 = arith.constant 0 : index
      %swap3A_39 = arith.constant 0 : index
      %swap3A_40 = vector.load %arg3[%swap3A_38, %swap3A_39] : memref<64x128xf32, #tpu.memory_space<vmem>>, vector<64x128xf32>
      tpu.vector_store %arg3[%swap3A_38, %swap3A_39], %get3A_37 {strides = array<i32>} : memref<64x128xf32, #tpu.memory_space<vmem>>, vector<64x128xf32>,
      %get3A_41 = arith.constant 0 : index
      %get3A_42 = arith.constant 0 : index
      %get3A_43 = vector.load %arg6[%get3A_41, %get3A_42] : memref<64x128xf32, #tpu.memory_space<vmem>>, vector<64x128xf32>
      %swap3A_44 = arith.constant 0 : index
      %swap3A_45 = arith.constant 0 : index
      %swap3A_46 = vector.load %arg4[%swap3A_44, %swap3A_45] : memref<64x128xf32, #tpu.memory_space<vmem>>, vector<64x128xf32>
      tpu.vector_store %arg4[%swap3A_44, %swap3A_45], %get3A_43 {strides = array<i32>} : memref<64x128xf32, #tpu.memory_space<vmem>>, vector<64x128xf32>,
    } else {
    }
    return
  }
  func.func @transform_0(%arg0: i32) -> (i32, i32) {
    %c0_i32 = arith.constant 0 : i32
    %c0_i32_0 = arith.constant 0 : i32
    return %arg0, %c0_i32 : i32, i32
  }
  func.func @transform_1(%arg0: i32) -> (i32, i32, i32) {
    %c0_i32 = arith.constant 0 : i32
    %c0_i32_0 = arith.constant 0 : i32
    %c0_i32_1 = arith.constant 0 : i32
    return %arg0, %c0_i32, %c0_i32_0 : i32, i32, i32
  }
  func.func @transform_2(%arg0: i32) -> (i32, i32) {
    %c0_i32 = arith.constant 0 : i32
    %c0_i32_0 = arith.constant 0 : i32
    %c0_i32_1 = arith.constant 0 : i32
    return %c0_i32, %c0_i32_0 : i32, i32
  }
  func.func @transform_3(%arg0: i32) -> (i32, i32) {
    %c0_i32 = arith.constant 0 : i32
    %c0_i32_0 = arith.constant 0 : i32
    %c0_i32_1 = arith.constant 0 : i32
    return %c0_i32, %c0_i32_0 : i32, i32
  }
}

module attributes {stable_mosaic.version = 14 : i64} {
  func.func @body(%arg0: memref<64x128xf32, #tpu.memory_space<vmem>>, %arg1: memref<64x128xf32, #tpu.memory_space<vmem>>, %arg2: memref<64x16xf32, #tpu.memory_space<vmem>>, %arg3: memref<16x128xf32, #tpu.memory_space<vmem>>, %arg4: memref<1x128xf32, #tpu.memory_space<vmem>>, %arg5: memref<128x128xf32, #tpu.memory_space<vmem>>, %arg6: memref<128x128xf32, #tpu.memory_space<vmem>>, %arg7: memref<128x128xf32, #tpu.memory_space<vmem>>, %arg8: memref<1x128xf32, #tpu.memory_space<vmem>>, %arg9: memref<128x64xf32, #tpu.memory_space<vmem>>, %arg10: memref<1x64xf32, #tpu.memory_space<vmem>>, %arg11: memref<64x128xf32, #tpu.memory_space<vmem>>, %arg12: memref<64x128xf32, #tpu.memory_space<vmem>>) attributes {dimension_semantics = [], scalar_prefetch = 0 : i64, scratch_operands = 0 : i64, tpu.core_type = #tpu.core_type<tc>} {
    %get3A = arith.constant 0 : index
    %get3A_0 = arith.constant 0 : index
    %get3A_1 = vector.load %arg0[%get3A, %get3A_0] : memref<64x128xf32, #tpu.memory_space<vmem>>, vector<64x128xf32>
    %get3A_2 = arith.constant 0 : index
    %get3A_3 = arith.constant 0 : index
    %get3A_4 = vector.load %arg1[%get3A_2, %get3A_3] : memref<64x128xf32, #tpu.memory_space<vmem>>, vector<64x128xf32>
    %max3A = arith.constant 1.000000e+00 : f32
    %max3A_5 = vector.broadcast %max3A : f32 to vector<64x128xf32>
    %max3A_6 = arith.maximumf %get3A_4, %max3A_5 : vector<64x128xf32>
    %div3A = arith.divf %get3A_1, %max3A_6 : vector<64x128xf32>
    %get3A_7 = arith.constant 0 : index
    %get3A_8 = arith.constant 0 : index
    %get3A_9 = vector.load %arg2[%get3A_7, %get3A_8] : memref<64x16xf32, #tpu.memory_space<vmem>>, vector<64x16xf32>
    %get3A_10 = arith.constant 0 : index
    %get3A_11 = arith.constant 0 : index
    %get3A_12 = vector.load %arg3[%get3A_10, %get3A_11] : memref<16x128xf32, #tpu.memory_space<vmem>>, vector<16x128xf32>
    %dot_general3A = arith.constant dense<0.000000e+00> : vector<64x128xf32>
    %dot_general3A_13 = tpu.matmul %get3A_9, %get3A_12, %dot_general3A {dimension_numbers = #tpu.dot_dimension_numbers<[1], [0], [0], [1], [0, 0, 1, 1], [], []>, precision = #tpu.contract_precision<fp32>, transpose_lhs_hint = false} : vector<64x16xf32>, vector<16x128xf32>, vector<64x128xf32> -> vector<64x128xf32>
    %get3A_14 = arith.constant 0 : index
    %get3A_15 = arith.constant 0 : index
    %get3A_16 = vector.load %arg4[%get3A_14, %get3A_15] : memref<1x128xf32, #tpu.memory_space<vmem>>, vector<1x128xf32>
    %add3A = vector.broadcast %get3A_16 : vector<1x128xf32> to vector<64x128xf32>
    %add3A_17 = arith.addf %dot_general3A_13, %add3A : vector<64x128xf32>
    %max3A_18 = arith.constant 0.000000e+00 : f32
    %max3A_19 = vector.broadcast %max3A_18 : f32 to vector<64x128xf32>
    %max3A_20 = arith.maximumf %add3A_17, %max3A_19 : vector<64x128xf32>
    %get3A_21 = arith.constant 0 : index
    %get3A_22 = arith.constant 0 : index
    %get3A_23 = vector.load %arg5[%get3A_21, %get3A_22] : memref<128x128xf32, #tpu.memory_space<vmem>>, vector<128x128xf32>
    %dot_general3A_24 = arith.constant dense<0.000000e+00> : vector<64x128xf32>
    %dot_general3A_25 = tpu.matmul %div3A, %get3A_23, %dot_general3A_24 {dimension_numbers = #tpu.dot_dimension_numbers<[1], [0], [0], [1], [0, 0, 1, 1], [], []>, precision = #tpu.contract_precision<fp32>, transpose_lhs_hint = false} : vector<64x128xf32>, vector<128x128xf32>, vector<64x128xf32> -> vector<64x128xf32>
    %get3A_26 = arith.constant 0 : index
    %get3A_27 = arith.constant 0 : index
    %get3A_28 = vector.load %arg6[%get3A_26, %get3A_27] : memref<128x128xf32, #tpu.memory_space<vmem>>, vector<128x128xf32>
    %dot_general3A_29 = arith.constant dense<0.000000e+00> : vector<64x128xf32>
    %dot_general3A_30 = tpu.matmul %get3A_1, %get3A_28, %dot_general3A_29 {dimension_numbers = #tpu.dot_dimension_numbers<[1], [0], [0], [1], [0, 0, 1, 1], [], []>, precision = #tpu.contract_precision<fp32>, transpose_lhs_hint = false} : vector<64x128xf32>, vector<128x128xf32>, vector<64x128xf32> -> vector<64x128xf32>
    %add3A_31 = arith.addf %dot_general3A_25, %dot_general3A_30 : vector<64x128xf32>
    %get3A_32 = arith.constant 0 : index
    %get3A_33 = arith.constant 0 : index
    %get3A_34 = vector.load %arg7[%get3A_32, %get3A_33] : memref<128x128xf32, #tpu.memory_space<vmem>>, vector<128x128xf32>
    %dot_general3A_35 = arith.constant dense<0.000000e+00> : vector<64x128xf32>
    %dot_general3A_36 = tpu.matmul %max3A_20, %get3A_34, %dot_general3A_35 {dimension_numbers = #tpu.dot_dimension_numbers<[1], [0], [0], [1], [0, 0, 1, 1], [], []>, precision = #tpu.contract_precision<fp32>, transpose_lhs_hint = false} : vector<64x128xf32>, vector<128x128xf32>, vector<64x128xf32> -> vector<64x128xf32>
    %add3A_37 = arith.addf %add3A_31, %dot_general3A_36 : vector<64x128xf32>
    %get3A_38 = arith.constant 0 : index
    %get3A_39 = arith.constant 0 : index
    %get3A_40 = vector.load %arg8[%get3A_38, %get3A_39] : memref<1x128xf32, #tpu.memory_space<vmem>>, vector<1x128xf32>
    %add3A_41 = vector.broadcast %get3A_40 : vector<1x128xf32> to vector<64x128xf32>
    %add3A_42 = arith.addf %add3A_37, %add3A_41 : vector<64x128xf32>
    %max3A_43 = arith.constant 0.000000e+00 : f32
    %max3A_44 = vector.broadcast %max3A_43 : f32 to vector<64x128xf32>
    %max3A_45 = arith.maximumf %add3A_42, %max3A_44 : vector<64x128xf32>
    %get3A_46 = arith.constant 0 : index
    %get3A_47 = arith.constant 0 : index
    %get3A_48 = vector.load %arg9[%get3A_46, %get3A_47] : memref<128x64xf32, #tpu.memory_space<vmem>>, vector<128x64xf32>
    %dot_general3A_49 = arith.constant dense<0.000000e+00> : vector<64x64xf32>
    %dot_general3A_50 = tpu.matmul %max3A_45, %get3A_48, %dot_general3A_49 {dimension_numbers = #tpu.dot_dimension_numbers<[1], [0], [0], [1], [0, 0, 1, 1], [], []>, precision = #tpu.contract_precision<fp32>, transpose_lhs_hint = false} : vector<64x128xf32>, vector<128x64xf32>, vector<64x64xf32> -> vector<64x64xf32>
    %get3A_51 = arith.constant 0 : index
    %get3A_52 = arith.constant 0 : index
    %get3A_53 = vector.load %arg10[%get3A_51, %get3A_52] : memref<1x64xf32, #tpu.memory_space<vmem>>, vector<1x64xf32>
    %add3A_54 = vector.broadcast %get3A_53 : vector<1x64xf32> to vector<64x64xf32>
    %add3A_55 = arith.addf %dot_general3A_50, %add3A_54 : vector<64x64xf32>
    %max3A_56 = arith.constant 0.000000e+00 : f32
    %max3A_57 = vector.broadcast %max3A_56 : f32 to vector<64x64xf32>
    %max3A_58 = arith.maximumf %add3A_55, %max3A_57 : vector<64x64xf32>
    %get3A_59 = arith.constant 0 : index
    %get3A_60 = arith.constant 0 : index
    %get3A_61 = vector.load %arg11[%get3A_59, %get3A_60] : memref<64x128xf32, #tpu.memory_space<vmem>>, vector<64x128xf32>
    %dot_general3A_62 = arith.constant dense<0.000000e+00> : vector<64x128xf32>
    %dot_general3A_63 = tpu.matmul %max3A_58, %get3A_61, %dot_general3A_62 {dimension_numbers = #tpu.dot_dimension_numbers<[1], [0], [0], [1], [0, 0, 1, 1], [], []>, precision = #tpu.contract_precision<fp32>, transpose_lhs_hint = false} : vector<64x64xf32>, vector<64x128xf32>, vector<64x128xf32> -> vector<64x128xf32>
    %swap3A = arith.constant 0 : index
    %swap3A_64 = arith.constant 0 : index
    %swap3A_65 = vector.load %arg12[%swap3A, %swap3A_64] : memref<64x128xf32, #tpu.memory_space<vmem>>, vector<64x128xf32>
    tpu.vector_store %arg12[%swap3A, %swap3A_64], %dot_general3A_63 {strides = array<i32>} : memref<64x128xf32, #tpu.memory_space<vmem>>, vector<64x128xf32>,
    return
  }
}

</mosaic_0001>

<sc_bundles>
// kernel: kernel.28.cloned.1.call-start
scs
__scs_entry_jumppad:
0x0: {  	(pc) =	sbr.rel $0x88, $3  }
0x1: {  	(tag) =	ssettag $0x0;
	lr =	simm.s32 $0x1  }
0x2: {  	[smem:$0x3F87] =	sst lr;
	_ =	strace $0xD0000000  }
0x3: {  	_ = 	snop  }
0x4: {  	_ = 	snop  }
0x5: {  	_ = 	snop  }
0x6: {  	_ = 	snop  }
0x7: {  	_ = 	snop  }
__scs_overlays_trampoline_lowered:
0x8: {  	[smem:$0x3F96] =	sst s0  }
0x9: {  	[smem:$0x3F97] =	sst s1  }
0xa: {  	[smem:$0x3F98] =	sst s2  }
0xb: {  	[smem:$0x3F99] =	sst s3  }
0xc: {  	[smem:$0x3F9A] =	sst s4  }
0xd: {  	[smem:$0x3F9B] =	sst s5  }
0xe: {  	[smem:$0x3F9C] =	sst s6  }
0xf: {  	[smem:$0x3F9D] =	sst s7  }
0x10: {  	[smem:$0x3F9E] =	sst s8  }
0x11: {  	[smem:$0x3F9F] =	sst s9;
	s0 =	simm.s32 @!p0 $0x0  }
0x12: {  	s1 =	sld [smem:$0x3F85];
	s0 =	simm.s32 @p0 $0x1  }
0x13: {  	[smem:$0x3FA0] =	sst s0;
	s0 =	simm.s32 @!p1 $0x0  }
0x14: {  	s2 =	sld [smem:$0x3F84];
	s0 =	simm.s32 @p1 $0x1  }
0x15: {  	[smem:$0x3FA1] =	sst s0;
	s0 =	simm.s32 @!p2 $0x0  }
0x16: {  	s3 =	sld [smem:$0x3FDB];
	s0 =	simm.s32 @p2 $0x1  }
0x17: {  	s4 =	simm.s32 $0x1BF5;
	[smem:$0x3FA3] =	sst s0  }
0x18: {  	s0 =	sld [smem:$0x3F86];
	_ =	swait.ge [sflag:s4], $0x0  }
0x19: {  	s7 =	sld [smem:$0x3F87]  }
0x1a: {  	s8 =	sadd.s32 $0xFFFFE003, lr  }
0x1b: {  	s9 =	sadd.s32 $0xFFFFFEF7, lr;
	s5 =	simm.s32 $0xFFFFFFFF;
	p2 =	slt.u32 s8, $0xFFFFF086  }
0x1c: {  	p1 =	slt.u32 s9, $0xF7A;
	s5 =	simm.s32 @!p2 $0x0  }
0x1d: {  	s5 =	simm.s32 @p1 $0x1;
	p0 =	seq.s32 s7, s2  }
0x1e: {  	s7 =	smul.u32 @!p0 $0xF7A, s2;
	p2 =	seq.s32 @!p0 s5, $0x0  }
0x1f: {  	s9 =	smul.u32 $0xF7A, s1;
	s8 =	simm.s32 @!p0 $0x1BF5;
	p2 =	por !p2, p0  }
0x20: {  	[sflag:s8] =	ssyncset.s32 @!p0 $0xFFFFF086;
	s6 =	sadd.s32 @!p0 s3, s7;
	s7 =	simm.s32 @!p0 $0x108  }
0x21: {  	s3 =	sadd.s32 s3, s9;
	s6 =	sadd.s32 @!p0 $0x88, s6;
	s7 =	simm.s32 @p2 $0x1082  }
0x22: {  	[simem:s7], [sflag:s8] =	dma.local @!p0 [hbm:s6], $0xF7A  }
0x23: {  	s9 =	sor.u32 $0xD0000000, s2;
	s6 =	simm.s32 $0x108;
	_ =	swait.ge @!p0 [sflag:s8], $0x0  }
0x24: {  	s3 =	sadd.s32 $0x88, s3;
	s6 =	simm.s32 @!p1 $0x1082;
	[sflag:s4] =	ssyncset.s32 $0xFFFFF086  }
0x25: {  	[simem:s6], [sflag:s4] =	dma.local [hbm:s3], $0xF7A  }
0x26: {  	[smem:$0x3F87] =	sst s1;
	(tag) =	ssettag s2;
	_ =	strace s9  }
0x27: {  	s1 =	sld [smem:$0x3F97]  }
0x28: {  	s2 =	sld [smem:$0x3F98]  }
0x29: {  	s4 =	sld [smem:$0x3F9A]  }
0x2a: {  	p0 =	seq.s32 s5, $0x0;
	s5 =	sld [smem:$0x3F9B]  }
0x2b: {  	s6 =	sld [smem:$0x3F9C]  }
0x2c: {  	s7 =	sld [smem:$0x3F9D]  }
0x2d: {  	s3 =	simm.s32 $0x108;
	s8 =	sld [smem:$0x3F9E]  }
0x2e: {  	s3 =	simm.s32 @!p0 $0x1082;
	s9 =	sld [smem:$0x3F9F]  }
0x2f: {  	lr =	sadd.s32 s0, s3;
	s0 =	sld [smem:$0x3F96]  }
0x30: {  	s3 =	sld [smem:$0x3F99]  }
0x31: {  	[smem:$0x3FA2] =	sst s10  }
0x32: {  	s10 =	sld [smem:$0x3FA0];
	_ =	sdelay $0x3  }
0x33: {  	p0 =	seq.s32 s10, $0x1;
	s10 =	sld [smem:$0x3FA2];
	_ =	sdelay $0x3  }
0x34: {  	[smem:$0x3FA2] =	sst s10  }
0x35: {  	s10 =	sld [smem:$0x3FA1];
	_ =	sdelay $0x3  }
0x36: {  	p1 =	seq.s32 s10, $0x1;
	s10 =	sld [smem:$0x3FA2];
	_ =	sdelay $0x3  }
0x37: {  	[smem:$0x3FA2] =	sst s10  }
0x38: {  	s10 =	sld [smem:$0x3FA3]  }
0x39: {  	_ = 	snop;
	(pc) =	sbr.ind lr, $3  }
0x3a: {  	_ = 	snop  }
0x3b: {  	_ = 	snop  }
0x3c: {  	p2 =	seq.s32 s10, $0x1;
	s10 =	sld [smem:$0x3FA2]  }
0x3d: {  	_ =	shalt  }
0x3e: {  	_ =	shalt  }
0x3f: {  	_ =	shalt  }
0x40: {  	_ =	shalt  }
0x41: {  	_ =	shalt  }
0x42: {  	_ =	shalt  }
0x43: {  	_ =	shalt  }
0x44: {  	_ =	shalt  }
0x45: {  	_ =	shalt  }
0x46: {  	_ =	shalt  }
0x47: {  	_ =	shalt  }
0x48: {  	_ =	shalt  }
0x49: {  	_ =	shalt  }
0x4a: {  	_ =	shalt  }
0x4b: {  	_ =	shalt  }
0x4c: {  	_ =	shalt  }
0x4d: {  	_ =	shalt  }
0x4e: {  	_ =	shalt  }
0x4f: {  	_ =	shalt  }
0x50: {  	_ =	shalt  }
0x51: {  	_ =	shalt  }
0x52: {  	_ =	shalt  }
0x53: {  	_ =	shalt  }
0x54: {  	_ =	shalt  }
0x55: {  	_ =	shalt  }
0x56: {  	_ =	shalt  }
0x57: {  	_ =	shalt  }
0x58: {  	_ =	shalt  }
0x59: {  	_ =	shalt  }
0x5a: {  	_ =	shalt  }
0x5b: {  	_ =	shalt  }
0x5c: {  	_ =	shalt  }
0x5d: {  	_ =	shalt  }
0x5e: {  	_ =	shalt  }
0x5f: {  	_ =	shalt  }
0x60: {  	_ =	shalt  }
0x61: {  	_ =	shalt  }
0x62: {  	_ =	shalt  }
0x63: {  	_ =	shalt  }
0x64: {  	_ =	shalt  }
0x65: {  	_ =	shalt  }
0x66: {  	_ =	shalt  }
0x67: {  	_ =	shalt  }
0x68: {  	_ =	shalt  }
0x69: {  	_ =	shalt  }
0x6a: {  	_ =	shalt  }
0x6b: {  	_ =	shalt  }
0x6c: {  	_ =	shalt  }
0x6d: {  	_ =	shalt  }
0x6e: {  	_ =	shalt  }
0x6f: {  	_ =	shalt  }
0x70: {  	_ =	shalt  }
0x71: {  	_ =	shalt  }
0x72: {  	_ =	shalt  }
0x73: {  	_ =	shalt  }
0x74: {  	_ =	shalt  }
0x75: {  	_ =	shalt  }
0x76: {  	_ =	shalt  }
0x77: {  	_ =	shalt  }
0x78: {  	_ =	shalt  }
0x79: {  	_ =	shalt  }
0x7a: {  	_ =	shalt  }
0x7b: {  	_ =	shalt  }
0x7c: {  	_ =	shalt  }
0x7d: {  	_ =	shalt  }
0x7e: {  	_ =	shalt  }
0x7f: {  	_ =	shalt  }
0x80: {  	_ =	shalt  }
0x81: {  	_ =	shalt  }
0x82: {  	_ =	shalt  }
0x83: {  	_ =	shalt  }
0x84: {  	_ =	shalt  }
0x85: {  	_ =	shalt  }
0x86: {  	_ =	shalt  }
0x87: {  	_ =	shalt  }
.Lfunc_end0:
.L_simem_size_0:
called_computation_lowered:
.L_overlay_start_0:
0x88: {  	s2 =	sld [smem:$0x3FD9]  }
0x89: {  	s3 =	sld [smem:$0x3FFE];
	_ =	sdelay $0x1  }
0x8a: {  	s1 =	srdreg.scid  }
0x8b: {  	s0 =	sand.u32 $0x1, s1  }
0x8c: {  	s16 =	sshll.u32 s0, $0xA;
	s2 =	sadd.s32 s3, s2  }
0x8d: {  	s2 =	sadd.s32 s2, s16  }
0x8e: {  	[smem:$0x3FAE] =	sst s2  }
0x8f: {  	_ = 	snop  }
0x90: {  	(tm) =	ssettm $0x1  }
0x91: {  	s17 =	sld [smem:$0x3FFB];
	_ =	sdelay $0x3  }
0x92: {  	_ =	strace s17  }
0x93: {  	s2 =	sld [smem:$0x3FFC];
	_ =	sdelay $0x3  }
0x94: {  	_ =	strace s2  }
0x95: {  	s2 =	sld [smem:$0x3FFD];
	_ =	sdelay $0x3  }
0x96: {  	_ =	strace s2  }
0x97: {  	_ =	strace $0x8FFFFFFF  }
0x98: {  	s18 =	sld [smem:$0x3FDB];
	_ =	sdelay $0x1  }
0x99: {  	s19 =	simm.s32 $_scs_section_size  }
0x9a: {  	s4 =	simm.s32 $_size__tile_overlayer_lowered;
	s5 =	simm.s32 $_tile_overlayer_lowered  }
0x9b: {  	s22 =	simm.s32 $0x1BFF;
	s21 =	sshll.u32 s5, $0x1;
	s2 =	sadd.s32 s19, s18  }
0x9c: {  	s6 =	simm.s32 $0x0;
	s20 =	sshll.u32 s4, $0x1;
	s4 =	sadd.s32 s21, s2  }
0x9d: {  	[timem:s6], [sflag:s22] =	dma.local [hbm:s4], s20  }
0x9e: {  	_ =	swait.ge [sflag:s22], s20  }
0x9f: {  	s3 =	ssub.s32 $0x0, s20;
	[sflag:s22] =	ssyncset.done $0x0  }
0xa0: {  	[sflag:s22] =	ssyncadd.s32 s3;
	_ =	sdelay $0x1  }
0xa1: {  	s23 =	simm.s32 $0x1B8B  }
0xa2: {  	_ =	swait.ge [sflag:s23], $0x1  }
0xa3: {  	[sflag:s23] =	ssyncset.done $0x0  }
0xa4: {  	s25 =	simm.s32 $0x1B8E;
	s24 =	sld [smem:$0x3FFE];
	[sflag:s23] =	ssyncadd.s32 $0xFFFFFFFF  }
0xa5: {  	s26 =	simm.s32 $execute0_lowered;
	[smem:$0x3FD2] =	sst s25  }
0xa6: {  	s4 =	sshll.u32 s26, $0x1;
	_ =	strace $0x80000046;
	[dreg:$0x1] =	wrdreg $0xFFFFFFFF  }
0xa7: {  	s28 =	simm.s32 $_size_execute0_lowered;
	s2 =	sadd.s32 s2, s4;
	[dreg:$0x0] =	wrdreg $0x0  }
0xa8: {  	s4 =	sshll.u32 s28, $0x1;
	[dreg:$0x2] =	wrdreg s2  }
0xa9: {  	[dreg:$0x3] =	wrdreg s4  }
0xaa: {  	[dreg:$0x4] =	wrdreg $0xC0  }
0xab: {  	_ =	task [dreg:s6], $0x5FFFF  }
0xac: {  	[dreg:$0x1] =	wrdreg $0xFFFFFFFF  }
0xad: {  	[dreg:$0x0] =	wrdreg $0x60  }
0xae: {  	[dreg:$0x2] =	wrdreg s24  }
0xaf: {  	[dreg:$0x3] =	wrdreg $0x41000  }
0xb0: {  	[dreg:$0x4] =	wrdreg $0x9  }
0xb1: {  	_ =	task.clear_ibuf [dreg:s6], $0x5FFFF;
	_ =	strace $0x90000046  }
0xb2: {  	s29 =	simm.s32 $0x9;
	_ =	strace $0x80000048  }
0xb3: {  	_ =	swait.ge [sflag:s29], $0x1  }
0xb4: {  	[sflag:s29] =	ssyncadd.s32 $0xFFFFFFFF  }
0xb5: {  	_ =	strace $0x90000048  }
0xb6: {  	_ =	sfence  }
0xb7: {  	s30 =	sld [smem:$0x0];
	_ =	sdelay $0x2  }
0xb8: {  	s31 =	sshll.u32 s1, $0xD;
	s1 =	sshrl.u32 s1, $0x2  }
0xb9: {  	s3 =	sand.u32 $0x4000, s31;
	s1 =	sadd.s32 s1, s30  }
0xba: {  	s0 =	sor.u32 s3, s0;
	s1 =	sshll.u32 s1, $0x11  }
0xbb: {  	s0 =	sor.u32 s1, s0  }
0xbc: {  	s0 =	sadd.s32 $0x8F2B, s0  }
0xbd: {  	[sflag:s0] =	ssyncadd.remote.s32 $0x1  }
0xbe: {  	_ =	sfence.sel $0xFFFF  }
0xbf: {  	[dreg:$0x0] =	wrdreg $0xFFFFFFFF;
	(pc) =	sbr.abs _section_cstart, $3  }
0xc0: {  	[dreg:$0x1] =	wrdreg $0xFFFFFFFF  }
0xc1: {  	_ =	task.clear_ibuf [dreg:s6], $0x2FFFF;
	_ =	strace $0x9FFFFFFF  }
0xc2: {  	(tm) =	ssettm $0x7FFFFFFF  }
0xc3: {  	_ =	shalt  }
tec
execute0_lowered:
.L_overlay_start_1:
0x0: {  	(tag) =	ssettag $0x1  }
0x1: {  	s6 =	rddreg [dreg:$0x0]  }
0x2: {  	s1 =	rddreg [dreg:$0x1];
	s2 =	srdreg.scid  }
0x3: {  	s0 =	rddreg [dreg:$0x2];
	s7 =	sand.u32 $0x1, s2  }
0x4: {  	s3 =	simm.s32 $0x0;
	s2 =	stileid.u32;
	s5 =	smul.u32 $0x13C000, s7  }
0x5: {  	s15 =	simm.s32 $0x10;
	s16 =	simm.s32 $0x0;
	s8 =	smul.u32 $0x13C00, s2  }
0x6: {  	[smem:$0x7FF] =	sst s3;
	s9 =	sadd.s32 $0x11C00, s6;
	s11 =	smul.u32 $0x4F000, s2  }
0x7: {  	s10 =	sshll.u32 s7, $0x4;
	s28 =	ssub.s32 $0x2, s7;
	s7 =	smul.u32 $0x27100, s7  }
0x8: {  	s4 =	sadd.s32 $0x1BA00, s6;
	_ =	strace $0x80000047;
	s13 =	smul.u32 $0x2710, s2  }
0x9: {  	s31 =	sshll.u32 s2, $0x6;
	s10 =	sor.u32 s2, s10;
	s12 =	sshrl.u32 s28, $0x1  }
0xa: {  	s8 =	sadd.s32 s8, s5;
	s5 =	sadd.s32 $0x1C200, s6;
	s10 =	smul.u32 $0x2710, s10  }
0xb: {  	s12 =	ssub.s32 s28, s12;
	s29 =	sshrl.u32 s11, $0x2;
	s30 =	sadd.s32 s13, s7  }
0xc: {  	s11 =	simm.s32 $0x1;
	s8 =	sshrl.u32 s8, $0x3;
	s14 =	sadd.s32 s29, s1  }
0xd: {  	s8 =	sadd.s32 s8, s6;
	s10 =	sshrl.u32 s10, $0x3;
	s13 =	sshrl.u32 s14, $0x3  }
0xe: {  	s14 =	simm.s32 $0x80;
	s10 =	sadd.s32 s9, s10;
	s7 =	sadd.s32 $0x1EA00, s8  }
0xf: {  	s8 =	smax.u32 s12, $0x1;
	s6 =	sadd.s32 $0x4E0, s10;
	s10 =	sshrl.u32 s30, $0x3  }
0x10: {  	s12 =	sor.u32 $0x1C01, s31;
	s9 =	sadd.s32 s10, s9;
	s10 =	simm.s32 $0x100  }
.LBB2_1:
0x11: {  	[tilespmem:s10], [sflag:$0x1] =	stream.linear.gather [hbm4b:s4+s3], $0x4000, $0x38;
	[tilespmem:$0x17D00] =	vst v63  }
0x12: {  	_ =	swait.ge [sflag:s11], $0x4000  }
0x13: {  	[sflag:s11] =	ssyncset.done $0x0  }
0x14: {  	[sflag:s11] =	ssyncadd.s32 $0xFFFFC000  }
0x15: {  	[spmem:s13], [sflag:s12] =	dma.local [hbm:s5], $0x2780  }
0x16: {  	_ =	swait.ge [sflag:s11], $0x2780  }
0x17: {  	[sflag:s11] =	ssyncset.done $0x0  }
0x18: {  	[sflag:s11] =	ssyncadd.s32 $0xFFFFD880  }
0x19: {  	s17 =	sadd.s32 $0x0, s9;
	[bflag:$0x0] =	sbarrier.arrive $0xFFFF  }
0x1a: {  	[tilespmem:s3], [sflag:$0x1] =	stream.linear.gather [hbm4b:s17+s3], $0x80, $0x38;
	[tilespmem:$0x17D00] =	vst v63  }
0x1b: {  	_ =	swait.ge [sflag:s11], $0x80  }
0x1c: {  	[sflag:s11] =	ssyncset.done $0x0  }
0x1d: {  	[sflag:s11] =	ssyncadd.s32 $0xFFFFFF80  }
0x1e: {  	[spmem:s1] =	stream.indirect.scatter.add.f32 [tilespmem:s10], [sflag:$0x1], $0x80, s3, s14, $0xb8;
	[tilespmem:$0x17D00] =	vst v63  }
0x1f: {  	_ =	swait.ge [sflag:s11], $0x4000  }
0x20: {  	s18 =	simm.s32 $0x20;
	s17 =	simm.s32 $0x10;
	[sflag:s11] =	ssyncset.done $0x0  }
.LBB2_2:
0x21: {  	s19 =	sadd.s32 s17, s9  }
0x22: {  	[sflag:s11] =	ssyncadd.s32 $0xFFFFC000;
	s17 =	smov.u32 s18;
	s20 =	sadd.s32 $0x10, s18  }
0x23: {  	[tilespmem:s3], [sflag:$0x1] =	stream.linear.gather [hbm4b:s19+s3], $0x80, $0x38;
	[tilespmem:$0x17D00] =	vst v63  }
0x24: {  	p0 =	sne.s32 s18, $0x4D0;
	_ =	swait.ge [sflag:s11], $0x80  }
.Ltmp0:
0x25: {  	[sflag:s11] =	ssyncset.done $0x0;
	(pc) =	sbr.rel @p0 .LBB2_2-.Ltmp0, $4  }
0x26: {  	[sflag:s11] =	ssyncadd.s32 $0xFFFFFF80  }
0x27: {  	[spmem:s1] =	stream.indirect.scatter.add.f32 [tilespmem:s10], [sflag:$0x1], $0x80, s3, s14, $0xb8;
	[tilespmem:$0x17D00] =	vst v63  }
0x28: {  	_ =	swait.ge [sflag:s11], $0x4000  }
0x29: {  	s18 =	smov.u32 s20;
	[sflag:s11] =	ssyncset.done $0x0  }
0x2a: {  	s17 =	sadd.s32 s17, s9;
	[sflag:s11] =	ssyncadd.s32 $0xFFFFC000  }
0x2b: {  	[tilespmem:s3], [sflag:$0x1] =	stream.linear.gather [hbm4b:s17+s3], $0x80, $0x38;
	[tilespmem:$0x17D00] =	vst v63  }
0x2c: {  	_ =	swait.ge [sflag:s11], $0x80  }
0x2d: {  	[sflag:s11] =	ssyncset.done $0x0  }
0x2e: {  	[sflag:s11] =	ssyncadd.s32 $0xFFFFFF80  }
0x2f: {  	[spmem:s1] =	stream.indirect.scatter.add.f32 [tilespmem:s10], [sflag:$0x1], $0x80, s3, s14, $0xb8;
	[tilespmem:$0x17D00] =	vst v63  }
0x30: {  	_ =	swait.ge [sflag:s11], $0x4000  }
0x31: {  	[sflag:s11] =	ssyncset.done $0x0  }
0x32: {  	[sflag:s11] =	ssyncadd.s32 $0xFFFFC000  }
0x33: {  	[tilespmem:s14], [sflag:$0x1] =	stream.linear.gather [hbm4b:s6+s3], $0x10, $0x38;
	[tilespmem:$0x17D00] =	vst v63  }
0x34: {  	_ =	swait.ge [sflag:s11], $0x10  }
0x35: {  	[sflag:s11] =	ssyncset.done $0x0  }
0x36: {  	[sflag:s11] =	ssyncadd.s32 $0xFFFFFFF0  }
0x37: {  	[spmem:s1] =	stream.indirect.scatter.add.f32 [tilespmem:s10], [sflag:$0x1], $0x80, s14, s15, $0xb8;
	[tilespmem:$0x17D00] =	vst v63  }
0x38: {  	_ =	swait.ge [sflag:s11], $0x800  }
0x39: {  	s16 =	sadd.s32 $0x1, s16;
	[sflag:s11] =	ssyncset.done $0x0  }
0x3a: {  	p0 =	sne.s32 s16, s8;
	[sflag:s11] =	ssyncadd.s32 $0xFFFFF800  }
.Ltmp1:
0x3b: {  	[bflag:$0x0] =	sbarrier.arrive $0xFFFF;
	(pc) =	sbr.rel @p0 .LBB2_1-.Ltmp1, $4  }
0x3c: {  	[hbm:s7], [sflag:s12] =	dma.local [spmem:s13], $0x2780  }
0x3d: {  	_ =	swait.ge [sflag:s11], $0x2780  }
0x3e: {  	[sflag:s11] =	ssyncset.done $0x0  }
0x3f: {  	[sflag:s11] =	ssyncadd.s32 $0xFFFFD880  }
0x40: {  	_ =	sfence.sel $0x180000  }
0x41: {  	[bflag:$0x0] =	sbarrier.arrive $0xFFFF  }
0x42: {  	p0 =	sne.s32 s2, $0x0;
	_ =	strace $0x90000047  }
0x43: {  	s0 =	sadd.s32 @!p0 $0x100000, s0;
	[bflag:$0x2] =	sbarrier.arrive $0xFFFF  }
0x44: {  	[sflag:s0] =	ssyncadd.tile.s32 @!p0 $0x1;
	_ =	shalt  }
.Lfunc_end2:
_tile_overlayer_lowered:
.L_overlay_start_2:
0x45: {  	(tag) =	ssettag $0x2  }
0x46: {  	s0 =	rddreg [dreg:$0x0];
	s2 =	stileid.u32  }
0x47: {  	s1 =	rddreg [dreg:$0x1];
	p0 =	sne.s32 s2, $0x0  }
0x48: {  	s3 =	rddreg [dreg:$0x2];
	[bflag:$0x3] =	sbarrier.arrive $0xFFFF;
	s2 =	simm.s32 @!p0 $0x1C01  }
0x49: {  	[timem:s3], [sflag:s2] =	dma.local @!p0 [hbm:s0], s1  }
0x4a: {  	s0 =	simm.s32 @!p0 $0x1  }
0x4b: {  	_ =	swait.ge @!p0 [sflag:s0], s1  }
0x4c: {  	s1 =	ssub.s32 @!p0 $0x0, s1;
	[sflag:s0] =	ssyncset.done @!p0 $0x0  }
0x4d: {  	[sflag:s0] =	ssyncadd.s32 @!p0 s1  }
0x4e: {  	[bflag:$0x3] =	sbarrier.arrive $0xFFFF  }
0x4f: {  	_ =	shalt  }

// kernel: kernel.31.cloned.1.call-start
scs
__scs_entry_jumppad:
0x0: {  	(pc) =	sbr.rel $0x88, $3  }
0x1: {  	(tag) =	ssettag $0x0;
	lr =	simm.s32 $0x1  }
0x2: {  	[smem:$0x3F87] =	sst lr;
	_ =	strace $0xD0000000  }
0x3: {  	_ = 	snop  }
0x4: {  	_ = 	snop  }
0x5: {  	_ = 	snop  }
0x6: {  	_ = 	snop  }
0x7: {  	_ = 	snop  }
__scs_overlays_trampoline_lowered:
0x8: {  	[smem:$0x3F96] =	sst s0  }
0x9: {  	[smem:$0x3F97] =	sst s1  }
0xa: {  	[smem:$0x3F98] =	sst s2  }
0xb: {  	[smem:$0x3F99] =	sst s3  }
0xc: {  	[smem:$0x3F9A] =	sst s4  }
0xd: {  	[smem:$0x3F9B] =	sst s5  }
0xe: {  	[smem:$0x3F9C] =	sst s6  }
0xf: {  	[smem:$0x3F9D] =	sst s7  }
0x10: {  	[smem:$0x3F9E] =	sst s8  }
0x11: {  	[smem:$0x3F9F] =	sst s9;
	s0 =	simm.s32 @!p0 $0x0  }
0x12: {  	s1 =	sld [smem:$0x3F85];
	s0 =	simm.s32 @p0 $0x1  }
0x13: {  	[smem:$0x3FA0] =	sst s0;
	s0 =	simm.s32 @!p1 $0x0  }
0x14: {  	s2 =	sld [smem:$0x3F84];
	s0 =	simm.s32 @p1 $0x1  }
0x15: {  	[smem:$0x3FA1] =	sst s0;
	s0 =	simm.s32 @!p2 $0x0  }
0x16: {  	s3 =	sld [smem:$0x3FDB];
	s0 =	simm.s32 @p2 $0x1  }
0x17: {  	s4 =	simm.s32 $0x1BF5;
	[smem:$0x3FA3] =	sst s0  }
0x18: {  	s0 =	sld [smem:$0x3F86];
	_ =	swait.ge [sflag:s4], $0x0  }
0x19: {  	s7 =	sld [smem:$0x3F87]  }
0x1a: {  	s8 =	sadd.s32 $0xFFFFE003, lr  }
0x1b: {  	s9 =	sadd.s32 $0xFFFFFEF7, lr;
	s5 =	simm.s32 $0xFFFFFFFF;
	p2 =	slt.u32 s8, $0xFFFFF086  }
0x1c: {  	p1 =	slt.u32 s9, $0xF7A;
	s5 =	simm.s32 @!p2 $0x0  }
0x1d: {  	s5 =	simm.s32 @p1 $0x1;
	p0 =	seq.s32 s7, s2  }
0x1e: {  	s7 =	smul.u32 @!p0 $0xF7A, s2;
	p2 =	seq.s32 @!p0 s5, $0x0  }
0x1f: {  	s9 =	smul.u32 $0xF7A, s1;
	s8 =	simm.s32 @!p0 $0x1BF5;
	p2 =	por !p2, p0  }
0x20: {  	[sflag:s8] =	ssyncset.s32 @!p0 $0xFFFFF086;
	s6 =	sadd.s32 @!p0 s3, s7;
	s7 =	simm.s32 @!p0 $0x108  }
0x21: {  	s3 =	sadd.s32 s3, s9;
	s6 =	sadd.s32 @!p0 $0x88, s6;
	s7 =	simm.s32 @p2 $0x1082  }
0x22: {  	[simem:s7], [sflag:s8] =	dma.local @!p0 [hbm:s6], $0xF7A  }
0x23: {  	s9 =	sor.u32 $0xD0000000, s2;
	s6 =	simm.s32 $0x108;
	_ =	swait.ge @!p0 [sflag:s8], $0x0  }
0x24: {  	s3 =	sadd.s32 $0x88, s3;
	s6 =	simm.s32 @!p1 $0x1082;
	[sflag:s4] =	ssyncset.s32 $0xFFFFF086  }
0x25: {  	[simem:s6], [sflag:s4] =	dma.local [hbm:s3], $0xF7A  }
0x26: {  	[smem:$0x3F87] =	sst s1;
	(tag) =	ssettag s2;
	_ =	strace s9  }
0x27: {  	s1 =	sld [smem:$0x3F97]  }
0x28: {  	s2 =	sld [smem:$0x3F98]  }
0x29: {  	s4 =	sld [smem:$0x3F9A]  }
0x2a: {  	p0 =	seq.s32 s5, $0x0;
	s5 =	sld [smem:$0x3F9B]  }
0x2b: {  	s6 =	sld [smem:$0x3F9C]  }
0x2c: {  	s7 =	sld [smem:$0x3F9D]  }
0x2d: {  	s3 =	simm.s32 $0x108;
	s8 =	sld [smem:$0x3F9E]  }
0x2e: {  	s3 =	simm.s32 @!p0 $0x1082;
	s9 =	sld [smem:$0x3F9F]  }
0x2f: {  	lr =	sadd.s32 s0, s3;
	s0 =	sld [smem:$0x3F96]  }
0x30: {  	s3 =	sld [smem:$0x3F99]  }
0x31: {  	[smem:$0x3FA2] =	sst s10  }
0x32: {  	s10 =	sld [smem:$0x3FA0];
	_ =	sdelay $0x3  }
0x33: {  	p0 =	seq.s32 s10, $0x1;
	s10 =	sld [smem:$0x3FA2];
	_ =	sdelay $0x3  }
0x34: {  	[smem:$0x3FA2] =	sst s10  }
0x35: {  	s10 =	sld [smem:$0x3FA1];
	_ =	sdelay $0x3  }
0x36: {  	p1 =	seq.s32 s10, $0x1;
	s10 =	sld [smem:$0x3FA2];
	_ =	sdelay $0x3  }
0x37: {  	[smem:$0x3FA2] =	sst s10  }
0x38: {  	s10 =	sld [smem:$0x3FA3]  }
0x39: {  	_ = 	snop;
	(pc) =	sbr.ind lr, $3  }
0x3a: {  	_ = 	snop  }
0x3b: {  	_ = 	snop  }
0x3c: {  	p2 =	seq.s32 s10, $0x1;
	s10 =	sld [smem:$0x3FA2]  }
0x3d: {  	_ =	shalt  }
0x3e: {  	_ =	shalt  }
0x3f: {  	_ =	shalt  }
0x40: {  	_ =	shalt  }
0x41: {  	_ =	shalt  }
0x42: {  	_ =	shalt  }
0x43: {  	_ =	shalt  }
0x44: {  	_ =	shalt  }
0x45: {  	_ =	shalt  }
0x46: {  	_ =	shalt  }
0x47: {  	_ =	shalt  }
0x48: {  	_ =	shalt  }
0x49: {  	_ =	shalt  }
0x4a: {  	_ =	shalt  }
0x4b: {  	_ =	shalt  }
0x4c: {  	_ =	shalt  }
0x4d: {  	_ =	shalt  }
0x4e: {  	_ =	shalt  }
0x4f: {  	_ =	shalt  }
0x50: {  	_ =	shalt  }
0x51: {  	_ =	shalt  }
0x52: {  	_ =	shalt  }
0x53: {  	_ =	shalt  }
0x54: {  	_ =	shalt  }
0x55: {  	_ =	shalt  }
0x56: {  	_ =	shalt  }
0x57: {  	_ =	shalt  }
0x58: {  	_ =	shalt  }
0x59: {  	_ =	shalt  }
0x5a: {  	_ =	shalt  }
0x5b: {  	_ =	shalt  }
0x5c: {  	_ =	shalt  }
0x5d: {  	_ =	shalt  }
0x5e: {  	_ =	shalt  }
0x5f: {  	_ =	shalt  }
0x60: {  	_ =	shalt  }
0x61: {  	_ =	shalt  }
0x62: {  	_ =	shalt  }
0x63: {  	_ =	shalt  }
0x64: {  	_ =	shalt  }
0x65: {  	_ =	shalt  }
0x66: {  	_ =	shalt  }
0x67: {  	_ =	shalt  }
0x68: {  	_ =	shalt  }
0x69: {  	_ =	shalt  }
0x6a: {  	_ =	shalt  }
0x6b: {  	_ =	shalt  }
0x6c: {  	_ =	shalt  }
0x6d: {  	_ =	shalt  }
0x6e: {  	_ =	shalt  }
0x6f: {  	_ =	shalt  }
0x70: {  	_ =	shalt  }
0x71: {  	_ =	shalt  }
0x72: {  	_ =	shalt  }
0x73: {  	_ =	shalt  }
0x74: {  	_ =	shalt  }
0x75: {  	_ =	shalt  }
0x76: {  	_ =	shalt  }
0x77: {  	_ =	shalt  }
0x78: {  	_ =	shalt  }
0x79: {  	_ =	shalt  }
0x7a: {  	_ =	shalt  }
0x7b: {  	_ =	shalt  }
0x7c: {  	_ =	shalt  }
0x7d: {  	_ =	shalt  }
0x7e: {  	_ =	shalt  }
0x7f: {  	_ =	shalt  }
0x80: {  	_ =	shalt  }
0x81: {  	_ =	shalt  }
0x82: {  	_ =	shalt  }
0x83: {  	_ =	shalt  }
0x84: {  	_ =	shalt  }
0x85: {  	_ =	shalt  }
0x86: {  	_ =	shalt  }
0x87: {  	_ =	shalt  }
.Lfunc_end0:
.L_simem_size_0:
called_computation.1_lowered:
.L_overlay_start_0:
0x88: {  	s2 =	sld [smem:$0x3FD9]  }
0x89: {  	s3 =	sld [smem:$0x3FFE];
	_ =	sdelay $0x1  }
0x8a: {  	s1 =	srdreg.scid  }
0x8b: {  	s0 =	sand.u32 $0x1, s1  }
0x8c: {  	s16 =	sshll.u32 s0, $0xA;
	s2 =	sadd.s32 s3, s2  }
0x8d: {  	s2 =	sadd.s32 s2, s16  }
0x8e: {  	[smem:$0x3FAE] =	sst s2  }
0x8f: {  	_ = 	snop  }
0x90: {  	(tm) =	ssettm $0x1  }
0x91: {  	s17 =	sld [smem:$0x3FFB];
	_ =	sdelay $0x3  }
0x92: {  	_ =	strace s17  }
0x93: {  	s2 =	sld [smem:$0x3FFC];
	_ =	sdelay $0x3  }
0x94: {  	_ =	strace s2  }
0x95: {  	s2 =	sld [smem:$0x3FFD];
	_ =	sdelay $0x3  }
0x96: {  	_ =	strace s2  }
0x97: {  	_ =	strace $0x8FFFFFFF  }
0x98: {  	s18 =	sld [smem:$0x3FDB];
	_ =	sdelay $0x1  }
0x99: {  	s19 =	simm.s32 $_scs_section_size  }
0x9a: {  	s4 =	simm.s32 $_size__tile_overlayer_lowered;
	s5 =	simm.s32 $_tile_overlayer_lowered  }
0x9b: {  	s22 =	simm.s32 $0x1BFF;
	s21 =	sshll.u32 s5, $0x1;
	s2 =	sadd.s32 s19, s18  }
0x9c: {  	s6 =	simm.s32 $0x0;
	s20 =	sshll.u32 s4, $0x1;
	s4 =	sadd.s32 s21, s2  }
0x9d: {  	[timem:s6], [sflag:s22] =	dma.local [hbm:s4], s20  }
0x9e: {  	_ =	swait.ge [sflag:s22], s20  }
0x9f: {  	s3 =	ssub.s32 $0x0, s20;
	[sflag:s22] =	ssyncset.done $0x0  }
0xa0: {  	[sflag:s22] =	ssyncadd.s32 s3;
	_ =	sdelay $0x1  }
0xa1: {  	s23 =	simm.s32 $0x1B8B  }
0xa2: {  	_ =	swait.ge [sflag:s23], $0x1  }
0xa3: {  	[sflag:s23] =	ssyncset.done $0x0  }
0xa4: {  	s25 =	simm.s32 $0x1B8E;
	s24 =	sld [smem:$0x3FFE];
	[sflag:s23] =	ssyncadd.s32 $0xFFFFFFFF  }
0xa5: {  	s26 =	simm.s32 $execute0_lowered;
	[smem:$0x3FD2] =	sst s25  }
0xa6: {  	s4 =	sshll.u32 s26, $0x1;
	_ =	strace $0x80000049;
	[dreg:$0x1] =	wrdreg $0xFFFFFFFF  }
0xa7: {  	s28 =	simm.s32 $_size_execute0_lowered;
	s2 =	sadd.s32 s2, s4;
	[dreg:$0x0] =	wrdreg $0x0  }
0xa8: {  	s4 =	sshll.u32 s28, $0x1;
	[dreg:$0x2] =	wrdreg s2  }
0xa9: {  	[dreg:$0x3] =	wrdreg s4  }
0xaa: {  	[dreg:$0x4] =	wrdreg $0xC0  }
0xab: {  	_ =	task [dreg:s6], $0x5FFFF  }
0xac: {  	[dreg:$0x1] =	wrdreg $0xFFFFFFFF  }
0xad: {  	[dreg:$0x0] =	wrdreg $0x60  }
0xae: {  	[dreg:$0x2] =	wrdreg s24  }
0xaf: {  	[dreg:$0x3] =	wrdreg $0x8B000  }
0xb0: {  	[dreg:$0x4] =	wrdreg $0x9  }
0xb1: {  	_ =	task.clear_ibuf [dreg:s6], $0x5FFFF;
	_ =	strace $0x90000049  }
0xb2: {  	s29 =	simm.s32 $0x9;
	_ =	strace $0x8000004B  }
0xb3: {  	_ =	swait.ge [sflag:s29], $0x1  }
0xb4: {  	[sflag:s29] =	ssyncadd.s32 $0xFFFFFFFF  }
0xb5: {  	_ =	strace $0x9000004B  }
0xb6: {  	_ =	sfence  }
0xb7: {  	s30 =	sld [smem:$0x0];
	_ =	sdelay $0x2  }
0xb8: {  	s31 =	sshll.u32 s1, $0xD;
	s1 =	sshrl.u32 s1, $0x2  }
0xb9: {  	s3 =	sand.u32 $0x4000, s31;
	s1 =	sadd.s32 s1, s30  }
0xba: {  	s0 =	sor.u32 s3, s0;
	s1 =	sshll.u32 s1, $0x11  }
0xbb: {  	s0 =	sor.u32 s1, s0  }
0xbc: {  	s0 =	sadd.s32 $0x8F2B, s0  }
0xbd: {  	[sflag:s0] =	ssyncadd.remote.s32 $0x1  }
0xbe: {  	_ =	sfence.sel $0xFFFF  }
0xbf: {  	[dreg:$0x0] =	wrdreg $0xFFFFFFFF;
	(pc) =	sbr.abs _section_cstart, $3  }
0xc0: {  	[dreg:$0x1] =	wrdreg $0xFFFFFFFF  }
0xc1: {  	_ =	task.clear_ibuf [dreg:s6], $0x2FFFF;
	_ =	strace $0x9FFFFFFF  }
0xc2: {  	(tm) =	ssettm $0x7FFFFFFF  }
0xc3: {  	_ =	shalt  }
tec
execute0_lowered:
.L_overlay_start_1:
0x0: {  	(tag) =	ssettag $0x1  }
0x1: {  	s0 =	rddreg [dreg:$0x0]  }
0x2: {  	s1 =	rddreg [dreg:$0x1];
	s2 =	srdreg.scid;
	s3 =	simm.s32 $0x0  }
0x3: {  	s12 =	stileid.u32;
	s16 =	simm.s32 $0x7;
	s17 =	simm.s32 $0x80  }
0x4: {  	s18 =	simm.s32 $0x100;
	s28 =	simm.s32 $0x6;
	s29 =	simm.s32 $0x8200  }
0x5: {  	s30 =	simm.s32 $0x8280;
	s31 =	simm.s32 $0x10;
	s2 =	sand.u32 $0x1, s2  }
0x6: {  	[smem:$0x7FF] =	sst s3;
	s6 =	smul.u32 $0x13C00, s12;
	s4 =	sadd.s32 $0x1EA00, s0  }
0x7: {  	s7 =	sadd.s32 $0x7E00, s0;
	s8 =	sadd.s32 $0x11C00, s0;
	s10 =	smul.u32 $0x4F000, s12  }
0x8: {  	s19 =	sadd.s32 $0x1C200, s0;
	s23 =	sshll.u32 s12, $0x6;
	s5 =	smul.u32 $0x13C000, s2  }
0x9: {  	_ =	strace $0x8000004A;
	[dreg:$0x3] =	wrdreg s19;
	s20 =	sshll.u32 s2, $0x4  }
0xa: {  	s9 =	ssub.s32 $0x2, s2;
	s2 =	smul.u32 $0x27100, s2;
	s19 =	simm.s32 $0x180  }
0xb: {  	s21 =	sshrl.u32 s9, $0x1;
	s22 =	sshrl.u32 s10, $0x2;
	s5 =	sadd.s32 s6, s5  }
0xc: {  	s6 =	sor.u32 s12, s20;
	s12 =	smul.u32 $0x2710, s12;
	s15 =	sadd.s32 s22, s1  }
0xd: {  	s20 =	simm.s32 $0x3;
	s22 =	simm.s32 $0x5;
	s5 =	sshrl.u32 s5, $0x3  }
0xe: {  	s6 =	smul.u32 $0x2710, s6;
	s15 =	sshrl.u32 s15, $0x3;
	s0 =	sadd.s32 s5, s0  }
0xf: {  	s5 =	ssub.s32 s9, s21;
	s2 =	sadd.s32 s12, s2;
	s21 =	simm.s32 $0x200  }
0x10: {  	s11 =	sshrl.u32 s6, $0x3;
	s6 =	sor.u32 $0x1C07, s23;
	s0 =	sadd.s32 $0x45C00, s0  }
0x11: {  	s26 =	sshrl.u32 s2, $0x3;
	s2 =	sadd.s32 $0x80, s2;
	s5 =	smax.u32 s5, $0x1  }
0x12: {  	s23 =	simm.s32 $0x4200;
	s24 =	sadd.s32 $0x4E0, s11;
	[dreg:$0x6] =	wrdreg s0  }
0x13: {  	[dreg:$0x7] =	wrdreg s5;
	s11 =	sadd.s32 s26, s8;
	s2 =	sshrl.u32 s2, $0x3  }
0x14: {  	s12 =	sadd.s32 s26, s7;
	s26 =	simm.s32 $0x2;
	s0 =	simm.s32 $0x8300  }
0x15: {  	s25 =	sadd.s32 s7, s24;
	s9 =	sadd.s32 s8, s24;
	s13 =	sadd.s32 s2, s8  }
0x16: {  	s14 =	sadd.s32 s2, s7;
	s24 =	simm.s32 $0x1;
	[dreg:$0x4] =	wrdreg s25  }
0x17: {  	s2 =	simm.s32 $0x0;
	[dreg:$0x5] =	wrdreg s9;
	s25 =	simm.s32 $0x4  }
.LBB2_1:
0x18: {  	s5 =	rddreg [dreg:$0x3]  }
0x19: {  	[spmem:s15], [sflag:s6] =	dma.local [hbm:s5], $0x2780  }
0x1a: {  	_ =	swait.ge [sflag:s16], $0x2780  }
0x1b: {  	[sflag:s16] =	ssyncset.done $0x0  }
0x1c: {  	[sflag:s16] =	ssyncadd.s32 $0xFFFFD880  }
0x1d: {  	s7 =	sadd.s32 $0x0, s12;
	[bflag:$0x0] =	sbarrier.arrive $0xFFFF  }
0x1e: {  	[tilespmem:s3], [sflag:$0x3] =	stream.linear.gather [hbm4b:s7+s3], $0x80, $0x38;
	[tilespmem:$0x1C700] =	vst v63  }
0x1f: {  	s8 =	sadd.s32 $0x0, s11  }
0x20: {  	[tilespmem:s17], [sflag:$0x4] =	stream.linear.gather [hbm4b:s8+s3], $0x80, $0x38;
	[tilespmem:$0x1C700] =	vst v63  }
0x21: {  	s9 =	sadd.s32 $0x0, s14  }
0x22: {  	[tilespmem:s18], [sflag:$0x5] =	stream.linear.gather [hbm4b:s9+s3], $0x80, $0x38;
	[tilespmem:$0x1C700] =	vst v63  }
0x23: {  	s10 =	sadd.s32 $0x0, s13  }
0x24: {  	[tilespmem:s19], [sflag:$0x6] =	stream.linear.gather [hbm4b:s10+s3], $0x80, $0x38;
	[tilespmem:$0x1C700] =	vst v63  }
0x25: {  	_ =	swait.ge [sflag:s20], $0x80  }
0x26: {  	[sflag:s20] =	ssyncset.done $0x0  }
0x27: {  	[sflag:s20] =	ssyncadd.s32 $0xFFFFFF80  }
0x28: {  	[tilespmem:s21], [sflag:$0x1] =	stream.indirect.gather [hbm4b:s4+s17], $0x80, s3, s17, $0xb8;
	[tilespmem:$0x1C700] =	vst v63  }
0x29: {  	_ =	swait.ge [sflag:s22], $0x80  }
0x2a: {  	[sflag:s22] =	ssyncset.done $0x0  }
0x2b: {  	[sflag:s22] =	ssyncadd.s32 $0xFFFFFF80  }
0x2c: {  	[tilespmem:s23], [sflag:$0x2] =	stream.indirect.gather [hbm4b:s4+s17], $0x80, s18, s17, $0xb8;
	[tilespmem:$0x1C700] =	vst v63  }
0x2d: {  	_ =	swait.ge [sflag:s24], $0x4000  }
0x2e: {  	[sflag:s24] =	ssyncset.done $0x0  }
0x2f: {  	[sflag:s24] =	ssyncadd.s32 $0xFFFFC000  }
0x30: {  	_ =	swait.ge [sflag:s25], $0x80  }
0x31: {  	[sflag:s25] =	ssyncset.done $0x0  }
0x32: {  	[sflag:s25] =	ssyncadd.s32 $0xFFFFFF80  }
0x33: {  	[spmem:s1] =	stream.indirect.scatter.add.f32 [tilespmem:s21], [sflag:$0x7], $0x80, s17, s17, $0xb8;
	[tilespmem:$0x1C700] =	vst v63  }
0x34: {  	_ =	swait.ge [sflag:s16], $0x4000  }
0x35: {  	[sflag:s16] =	ssyncset.done $0x0  }
0x36: {  	[sflag:s16] =	ssyncadd.s32 $0xFFFFC000  }
0x37: {  	_ =	swait.ge [sflag:s26], $0x4000  }
0x38: {  	[sflag:s26] =	ssyncset.done $0x0  }
0x39: {  	[sflag:s26] =	ssyncadd.s32 $0xFFFFC000  }
0x3a: {  	_ =	swait.ge [sflag:s28], $0x80  }
0x3b: {  	[sflag:s28] =	ssyncset.done $0x0  }
0x3c: {  	[sflag:s28] =	ssyncadd.s32 $0xFFFFFF80  }
0x3d: {  	[spmem:s1] =	stream.indirect.scatter.add.f32 [tilespmem:s23], [sflag:$0x7], $0x80, s19, s17, $0xb8;
	[tilespmem:$0x1C700] =	vst v63  }
0x3e: {  	_ =	swait.ge [sflag:s16], $0x4000  }
0x3f: {  	s5 =	simm.s32 $0x20;
	s7 =	simm.s32 $0x40;
	[sflag:s16] =	ssyncset.done $0x0  }
.LBB2_2:
0x40: {  	s9 =	sadd.s32 s5, s12  }
0x41: {  	[sflag:s16] =	ssyncadd.s32 $0xFFFFC000;
	s10 =	smov.u32 s7;
	s8 =	sadd.s32 $0x20, s7  }
0x42: {  	[tilespmem:s3], [sflag:$0x3] =	stream.linear.gather [hbm4b:s9+s3], $0x80, $0x38;
	[tilespmem:$0x1C700] =	vst v63  }
0x43: {  	p0 =	sne.s32 s7, $0x4C0;
	s7 =	sadd.s32 s5, s11  }
0x44: {  	[tilespmem:s17], [sflag:$0x4] =	stream.linear.gather [hbm4b:s7+s3], $0x80, $0x38;
	[tilespmem:$0x1C700] =	vst v63  }
0x45: {  	s7 =	sadd.s32 s5, s14  }
0x46: {  	[tilespmem:s18], [sflag:$0x5] =	stream.linear.gather [hbm4b:s7+s3], $0x80, $0x38;
	[tilespmem:$0x1C700] =	vst v63  }
0x47: {  	s7 =	sadd.s32 s5, s13;
	s5 =	smov.u32 s10  }
0x48: {  	[tilespmem:s19], [sflag:$0x6] =	stream.linear.gather [hbm4b:s7+s3], $0x80, $0x38;
	[tilespmem:$0x1C700] =	vst v63  }
0x49: {  	_ =	swait.ge [sflag:s20], $0x80  }
0x4a: {  	[sflag:s20] =	ssyncset.done $0x0  }
0x4b: {  	[sflag:s20] =	ssyncadd.s32 $0xFFFFFF80  }
0x4c: {  	[tilespmem:s21], [sflag:$0x1] =	stream.indirect.gather [hbm4b:s4+s17], $0x80, s3, s17, $0xb8;
	[tilespmem:$0x1C700] =	vst v63  }
0x4d: {  	_ =	swait.ge [sflag:s22], $0x80  }
0x4e: {  	[sflag:s22] =	ssyncset.done $0x0  }
0x4f: {  	[sflag:s22] =	ssyncadd.s32 $0xFFFFFF80  }
0x50: {  	[tilespmem:s23], [sflag:$0x2] =	stream.indirect.gather [hbm4b:s4+s17], $0x80, s18, s17, $0xb8;
	[tilespmem:$0x1C700] =	vst v63  }
0x51: {  	_ =	swait.ge [sflag:s24], $0x4000  }
0x52: {  	[sflag:s24] =	ssyncset.done $0x0  }
0x53: {  	[sflag:s24] =	ssyncadd.s32 $0xFFFFC000  }
0x54: {  	_ =	swait.ge [sflag:s25], $0x80  }
0x55: {  	[sflag:s25] =	ssyncset.done $0x0  }
0x56: {  	[sflag:s25] =	ssyncadd.s32 $0xFFFFFF80  }
0x57: {  	[spmem:s1] =	stream.indirect.scatter.add.f32 [tilespmem:s21], [sflag:$0x7], $0x80, s17, s17, $0xb8;
	[tilespmem:$0x1C700] =	vst v63  }
0x58: {  	_ =	swait.ge [sflag:s16], $0x4000  }
0x59: {  	[sflag:s16] =	ssyncset.done $0x0  }
0x5a: {  	[sflag:s16] =	ssyncadd.s32 $0xFFFFC000  }
0x5b: {  	_ =	swait.ge [sflag:s26], $0x4000  }
0x5c: {  	[sflag:s26] =	ssyncset.done $0x0  }
0x5d: {  	[sflag:s26] =	ssyncadd.s32 $0xFFFFC000  }
0x5e: {  	_ =	swait.ge [sflag:s28], $0x80  }
.Ltmp0:
0x5f: {  	[sflag:s28] =	ssyncset.done $0x0;
	(pc) =	sbr.rel @p0 .LBB2_2-.Ltmp0, $4  }
0x60: {  	[sflag:s28] =	ssyncadd.s32 $0xFFFFFF80  }
0x61: {  	[spmem:s1] =	stream.indirect.scatter.add.f32 [tilespmem:s23], [sflag:$0x7], $0x80, s19, s17, $0xb8;
	[tilespmem:$0x1C700] =	vst v63  }
0x62: {  	_ =	swait.ge [sflag:s16], $0x4000  }
0x63: {  	s7 =	smov.u32 s8;
	[sflag:s16] =	ssyncset.done $0x0  }
0x64: {  	s7 =	sadd.s32 s5, s12;
	[sflag:s16] =	ssyncadd.s32 $0xFFFFC000  }
0x65: {  	[tilespmem:s3], [sflag:$0x3] =	stream.linear.gather [hbm4b:s7+s3], $0x80, $0x38;
	[tilespmem:$0x1C700] =	vst v63  }
0x66: {  	s8 =	sadd.s32 s5, s11  }
0x67: {  	[tilespmem:s17], [sflag:$0x4] =	stream.linear.gather [hbm4b:s8+s3], $0x80, $0x38;
	[tilespmem:$0x1C700] =	vst v63  }
0x68: {  	s9 =	sadd.s32 s5, s14  }
0x69: {  	[tilespmem:s18], [sflag:$0x5] =	stream.linear.gather [hbm4b:s9+s3], $0x80, $0x38;
	[tilespmem:$0x1C700] =	vst v63  }
0x6a: {  	s10 =	sadd.s32 s5, s13  }
0x6b: {  	[tilespmem:s19], [sflag:$0x6] =	stream.linear.gather [hbm4b:s10+s3], $0x80, $0x38;
	[tilespmem:$0x1C700] =	vst v63  }
0x6c: {  	_ =	swait.ge [sflag:s20], $0x80  }
0x6d: {  	[sflag:s20] =	ssyncset.done $0x0  }
0x6e: {  	[sflag:s20] =	ssyncadd.s32 $0xFFFFFF80  }
0x6f: {  	[tilespmem:s21], [sflag:$0x1] =	stream.indirect.gather [hbm4b:s4+s17], $0x80, s3, s17, $0xb8;
	[tilespmem:$0x1C700] =	vst v63  }
0x70: {  	_ =	swait.ge [sflag:s22], $0x80  }
0x71: {  	[sflag:s22] =	ssyncset.done $0x0  }
0x72: {  	[sflag:s22] =	ssyncadd.s32 $0xFFFFFF80  }
0x73: {  	[tilespmem:s23], [sflag:$0x2] =	stream.indirect.gather [hbm4b:s4+s17], $0x80, s18, s17, $0xb8;
	[tilespmem:$0x1C700] =	vst v63  }
0x74: {  	_ =	swait.ge [sflag:s24], $0x4000  }
0x75: {  	[sflag:s24] =	ssyncset.done $0x0  }
0x76: {  	[sflag:s24] =	ssyncadd.s32 $0xFFFFC000  }
0x77: {  	_ =	swait.ge [sflag:s25], $0x80  }
0x78: {  	[sflag:s25] =	ssyncset.done $0x0  }
0x79: {  	[sflag:s25] =	ssyncadd.s32 $0xFFFFFF80  }
0x7a: {  	[spmem:s1] =	stream.indirect.scatter.add.f32 [tilespmem:s21], [sflag:$0x7], $0x80, s17, s17, $0xb8;
	[tilespmem:$0x1C700] =	vst v63  }
0x7b: {  	_ =	swait.ge [sflag:s16], $0x4000  }
0x7c: {  	[sflag:s16] =	ssyncset.done $0x0  }
0x7d: {  	[sflag:s16] =	ssyncadd.s32 $0xFFFFC000  }
0x7e: {  	_ =	swait.ge [sflag:s26], $0x4000  }
0x7f: {  	[sflag:s26] =	ssyncset.done $0x0  }
0x80: {  	[sflag:s26] =	ssyncadd.s32 $0xFFFFC000  }
0x81: {  	_ =	swait.ge [sflag:s28], $0x80  }
0x82: {  	[sflag:s28] =	ssyncset.done $0x0  }
0x83: {  	[sflag:s28] =	ssyncadd.s32 $0xFFFFFF80  }
0x84: {  	[spmem:s1] =	stream.indirect.scatter.add.f32 [tilespmem:s23], [sflag:$0x7], $0x80, s19, s17, $0xb8;
	[tilespmem:$0x1C700] =	vst v63  }
0x85: {  	_ =	swait.ge [sflag:s16], $0x4000  }
0x86: {  	[sflag:s16] =	ssyncset.done $0x0  }
0x87: {  	s7 =	rddreg [dreg:$0x4];
	[sflag:s16] =	ssyncadd.s32 $0xFFFFC000  }
0x88: {  	[tilespmem:s29], [sflag:$0x7] =	stream.linear.gather [hbm4b:s7+s3], $0x10, $0x38;
	[tilespmem:$0x1C700] =	vst v63  }
0x89: {  	_ =	swait.ge [sflag:s16], $0x10  }
0x8a: {  	[sflag:s16] =	ssyncset.done $0x0  }
0x8b: {  	s8 =	rddreg [dreg:$0x5];
	[sflag:s16] =	ssyncadd.s32 $0xFFFFFFF0  }
0x8c: {  	[tilespmem:s30], [sflag:$0x7] =	stream.linear.gather [hbm4b:s8+s3], $0x10, $0x38;
	[tilespmem:$0x1C700] =	vst v63  }
0x8d: {  	_ =	swait.ge [sflag:s16], $0x10  }
0x8e: {  	[sflag:s16] =	ssyncset.done $0x0  }
0x8f: {  	[sflag:s16] =	ssyncadd.s32 $0xFFFFFFF0  }
0x90: {  	[tilespmem:s0], [sflag:$0x1] =	stream.indirect.gather [hbm4b:s4+s31], $0x80, s29, s31, $0xb8;
	[tilespmem:$0x1C700] =	vst v63  }
0x91: {  	_ =	swait.ge [sflag:s24], $0x800  }
0x92: {  	[sflag:s24] =	ssyncset.done $0x0  }
0x93: {  	[sflag:s24] =	ssyncadd.s32 $0xFFFFF800  }
0x94: {  	[spmem:s1] =	stream.indirect.scatter.add.f32 [tilespmem:s0], [sflag:$0x7], $0x80, s30, s31, $0xb8;
	[tilespmem:$0x1C700] =	vst v63  }
0x95: {  	_ =	swait.ge [sflag:s16], $0x800  }
0x96: {  	[sflag:s16] =	ssyncset.done $0x0  }
0x97: {  	[sflag:s16] =	ssyncadd.s32 $0xFFFFF800  }
0x98: {  	[bflag:$0x0] =	sbarrier.arrive $0xFFFF  }
0x99: {  	s9 =	rddreg [dreg:$0x6]  }
0x9a: {  	[hbm:s9], [sflag:s6] =	dma.local [spmem:s15], $0x2780  }
0x9b: {  	_ =	swait.ge [sflag:s16], $0x2780  }
0x9c: {  	s2 =	sadd.s32 $0x1, s2;
	s10 =	rddreg [dreg:$0x7]  }
0x9d: {  	p0 =	sne.s32 s2, s10  }
.Ltmp1:
0x9e: {  	_ = 	snop;
	(pc) =	sbr.rel @p0 .LBB2_1-.Ltmp1, $3  }
0x9f: {  	_ =	sdelay $0x1  }
0xa0: {  	[sflag:s16] =	ssyncset.done $0x0  }
0xa1: {  	[sflag:s16] =	ssyncadd.s32 $0xFFFFD880  }
0xa2: {  	_ =	sfence.sel $0x180000  }
0xa3: {  	[bflag:$0x0] =	sbarrier.arrive $0xFFFF  }
0xa4: {  	_ =	strace $0x9000004A  }
0xa5: {  	s0 =	stileid.u32;
	[bflag:$0x2] =	sbarrier.arrive $0xFFFF  }
0xa6: {  	p0 =	sne.s32 s0, $0x0;
	s0 =	rddreg [dreg:$0x2]  }
0xa7: {  	s0 =	sadd.s32 @!p0 $0x100000, s0  }
0xa8: {  	[sflag:s0] =	ssyncadd.tile.s32 @!p0 $0x1;
	_ =	shalt  }
.Lfunc_end2:
_tile_overlayer_lowered:
.L_overlay_start_2:
0xa9: {  	(tag) =	ssettag $0x2  }
0xaa: {  	s0 =	rddreg [dreg:$0x0];
	s2 =	stileid.u32  }
0xab: {  	s1 =	rddreg [dreg:$0x1];
	p0 =	sne.s32 s2, $0x0  }
0xac: {  	s3 =	rddreg [dreg:$0x2];
	[bflag:$0x3] =	sbarrier.arrive $0xFFFF;
	s2 =	simm.s32 @!p0 $0x1C07  }
0xad: {  	[timem:s3], [sflag:s2] =	dma.local @!p0 [hbm:s0], s1  }
0xae: {  	s0 =	simm.s32 @!p0 $0x7  }
0xaf: {  	_ =	swait.ge @!p0 [sflag:s0], s1  }
0xb0: {  	s1 =	ssub.s32 @!p0 $0x0, s1;
	[sflag:s0] =	ssyncset.done @!p0 $0x0  }
0xb1: {  	[sflag:s0] =	ssyncadd.s32 @!p0 s1  }
0xb2: {  	[bflag:$0x3] =	sbarrier.arrive $0xFFFF  }
0xb3: {  	_ =	shalt  }

// kernel: kernel.34.cloned.1.call-start
scs
__scs_entry_jumppad:
0x0: {  	(pc) =	sbr.rel $0x88, $3  }
0x1: {  	(tag) =	ssettag $0x0;
	lr =	simm.s32 $0x1  }
0x2: {  	[smem:$0x3F87] =	sst lr;
	_ =	strace $0xD0000000  }
0x3: {  	_ = 	snop  }
0x4: {  	_ = 	snop  }
0x5: {  	_ = 	snop  }
0x6: {  	_ = 	snop  }
0x7: {  	_ = 	snop  }
__scs_overlays_trampoline_lowered:
0x8: {  	[smem:$0x3F96] =	sst s0  }
0x9: {  	[smem:$0x3F97] =	sst s1  }
0xa: {  	[smem:$0x3F98] =	sst s2  }
0xb: {  	[smem:$0x3F99] =	sst s3  }
0xc: {  	[smem:$0x3F9A] =	sst s4  }
0xd: {  	[smem:$0x3F9B] =	sst s5  }
0xe: {  	[smem:$0x3F9C] =	sst s6  }
0xf: {  	[smem:$0x3F9D] =	sst s7  }
0x10: {  	[smem:$0x3F9E] =	sst s8  }
0x11: {  	[smem:$0x3F9F] =	sst s9;
	s0 =	simm.s32 @!p0 $0x0  }
0x12: {  	s1 =	sld [smem:$0x3F85];
	s0 =	simm.s32 @p0 $0x1  }
0x13: {  	[smem:$0x3FA0] =	sst s0;
	s0 =	simm.s32 @!p1 $0x0  }
0x14: {  	s2 =	sld [smem:$0x3F84];
	s0 =	simm.s32 @p1 $0x1  }
0x15: {  	[smem:$0x3FA1] =	sst s0;
	s0 =	simm.s32 @!p2 $0x0  }
0x16: {  	s3 =	sld [smem:$0x3FDB];
	s0 =	simm.s32 @p2 $0x1  }
0x17: {  	s4 =	simm.s32 $0x1BF5;
	[smem:$0x3FA3] =	sst s0  }
0x18: {  	s0 =	sld [smem:$0x3F86];
	_ =	swait.ge [sflag:s4], $0x0  }
0x19: {  	s7 =	sld [smem:$0x3F87]  }
0x1a: {  	s8 =	sadd.s32 $0xFFFFE003, lr  }
0x1b: {  	s9 =	sadd.s32 $0xFFFFFEF7, lr;
	s5 =	simm.s32 $0xFFFFFFFF;
	p2 =	slt.u32 s8, $0xFFFFF086  }
0x1c: {  	p1 =	slt.u32 s9, $0xF7A;
	s5 =	simm.s32 @!p2 $0x0  }
0x1d: {  	s5 =	simm.s32 @p1 $0x1;
	p0 =	seq.s32 s7, s2  }
0x1e: {  	s7 =	smul.u32 @!p0 $0xF7A, s2;
	p2 =	seq.s32 @!p0 s5, $0x0  }
0x1f: {  	s9 =	smul.u32 $0xF7A, s1;
	s8 =	simm.s32 @!p0 $0x1BF5;
	p2 =	por !p2, p0  }
0x20: {  	[sflag:s8] =	ssyncset.s32 @!p0 $0xFFFFF086;
	s6 =	sadd.s32 @!p0 s3, s7;
	s7 =	simm.s32 @!p0 $0x108  }
0x21: {  	s3 =	sadd.s32 s3, s9;
	s6 =	sadd.s32 @!p0 $0x88, s6;
	s7 =	simm.s32 @p2 $0x1082  }
0x22: {  	[simem:s7], [sflag:s8] =	dma.local @!p0 [hbm:s6], $0xF7A  }
0x23: {  	s9 =	sor.u32 $0xD0000000, s2;
	s6 =	simm.s32 $0x108;
	_ =	swait.ge @!p0 [sflag:s8], $0x0  }
0x24: {  	s3 =	sadd.s32 $0x88, s3;
	s6 =	simm.s32 @!p1 $0x1082;
	[sflag:s4] =	ssyncset.s32 $0xFFFFF086  }
0x25: {  	[simem:s6], [sflag:s4] =	dma.local [hbm:s3], $0xF7A  }
0x26: {  	[smem:$0x3F87] =	sst s1;
	(tag) =	ssettag s2;
	_ =	strace s9  }
0x27: {  	s1 =	sld [smem:$0x3F97]  }
0x28: {  	s2 =	sld [smem:$0x3F98]  }
0x29: {  	s4 =	sld [smem:$0x3F9A]  }
0x2a: {  	p0 =	seq.s32 s5, $0x0;
	s5 =	sld [smem:$0x3F9B]  }
0x2b: {  	s6 =	sld [smem:$0x3F9C]  }
0x2c: {  	s7 =	sld [smem:$0x3F9D]  }
0x2d: {  	s3 =	simm.s32 $0x108;
	s8 =	sld [smem:$0x3F9E]  }
0x2e: {  	s3 =	simm.s32 @!p0 $0x1082;
	s9 =	sld [smem:$0x3F9F]  }
0x2f: {  	lr =	sadd.s32 s0, s3;
	s0 =	sld [smem:$0x3F96]  }
0x30: {  	s3 =	sld [smem:$0x3F99]  }
0x31: {  	[smem:$0x3FA2] =	sst s10  }
0x32: {  	s10 =	sld [smem:$0x3FA0];
	_ =	sdelay $0x3  }
0x33: {  	p0 =	seq.s32 s10, $0x1;
	s10 =	sld [smem:$0x3FA2];
	_ =	sdelay $0x3  }
0x34: {  	[smem:$0x3FA2] =	sst s10  }
0x35: {  	s10 =	sld [smem:$0x3FA1];
	_ =	sdelay $0x3  }
0x36: {  	p1 =	seq.s32 s10, $0x1;
	s10 =	sld [smem:$0x3FA2];
	_ =	sdelay $0x3  }
0x37: {  	[smem:$0x3FA2] =	sst s10  }
0x38: {  	s10 =	sld [smem:$0x3FA3]  }
0x39: {  	_ = 	snop;
	(pc) =	sbr.ind lr, $3  }
0x3a: {  	_ = 	snop  }
0x3b: {  	_ = 	snop  }
0x3c: {  	p2 =	seq.s32 s10, $0x1;
	s10 =	sld [smem:$0x3FA2]  }
0x3d: {  	_ =	shalt  }
0x3e: {  	_ =	shalt  }
0x3f: {  	_ =	shalt  }
0x40: {  	_ =	shalt  }
0x41: {  	_ =	shalt  }
0x42: {  	_ =	shalt  }
0x43: {  	_ =	shalt  }
0x44: {  	_ =	shalt  }
0x45: {  	_ =	shalt  }
0x46: {  	_ =	shalt  }
0x47: {  	_ =	shalt  }
0x48: {  	_ =	shalt  }
0x49: {  	_ =	shalt  }
0x4a: {  	_ =	shalt  }
0x4b: {  	_ =	shalt  }
0x4c: {  	_ =	shalt  }
0x4d: {  	_ =	shalt  }
0x4e: {  	_ =	shalt  }
0x4f: {  	_ =	shalt  }
0x50: {  	_ =	shalt  }
0x51: {  	_ =	shalt  }
0x52: {  	_ =	shalt  }
0x53: {  	_ =	shalt  }
0x54: {  	_ =	shalt  }
0x55: {  	_ =	shalt  }
0x56: {  	_ =	shalt  }
0x57: {  	_ =	shalt  }
0x58: {  	_ =	shalt  }
0x59: {  	_ =	shalt  }
0x5a: {  	_ =	shalt  }
0x5b: {  	_ =	shalt  }
0x5c: {  	_ =	shalt  }
0x5d: {  	_ =	shalt  }
0x5e: {  	_ =	shalt  }
0x5f: {  	_ =	shalt  }
0x60: {  	_ =	shalt  }
0x61: {  	_ =	shalt  }
0x62: {  	_ =	shalt  }
0x63: {  	_ =	shalt  }
0x64: {  	_ =	shalt  }
0x65: {  	_ =	shalt  }
0x66: {  	_ =	shalt  }
0x67: {  	_ =	shalt  }
0x68: {  	_ =	shalt  }
0x69: {  	_ =	shalt  }
0x6a: {  	_ =	shalt  }
0x6b: {  	_ =	shalt  }
0x6c: {  	_ =	shalt  }
0x6d: {  	_ =	shalt  }
0x6e: {  	_ =	shalt  }
0x6f: {  	_ =	shalt  }
0x70: {  	_ =	shalt  }
0x71: {  	_ =	shalt  }
0x72: {  	_ =	shalt  }
0x73: {  	_ =	shalt  }
0x74: {  	_ =	shalt  }
0x75: {  	_ =	shalt  }
0x76: {  	_ =	shalt  }
0x77: {  	_ =	shalt  }
0x78: {  	_ =	shalt  }
0x79: {  	_ =	shalt  }
0x7a: {  	_ =	shalt  }
0x7b: {  	_ =	shalt  }
0x7c: {  	_ =	shalt  }
0x7d: {  	_ =	shalt  }
0x7e: {  	_ =	shalt  }
0x7f: {  	_ =	shalt  }
0x80: {  	_ =	shalt  }
0x81: {  	_ =	shalt  }
0x82: {  	_ =	shalt  }
0x83: {  	_ =	shalt  }
0x84: {  	_ =	shalt  }
0x85: {  	_ =	shalt  }
0x86: {  	_ =	shalt  }
0x87: {  	_ =	shalt  }
.Lfunc_end0:
.L_simem_size_0:
called_computation.2_lowered:
.L_overlay_start_0:
0x88: {  	s2 =	sld [smem:$0x3FD9]  }
0x89: {  	s3 =	sld [smem:$0x3FFE];
	_ =	sdelay $0x1  }
0x8a: {  	s1 =	srdreg.scid  }
0x8b: {  	s0 =	sand.u32 $0x1, s1  }
0x8c: {  	s16 =	sshll.u32 s0, $0xA;
	s2 =	sadd.s32 s3, s2  }
0x8d: {  	s2 =	sadd.s32 s2, s16  }
0x8e: {  	[smem:$0x3FAE] =	sst s2  }
0x8f: {  	_ = 	snop  }
0x90: {  	(tm) =	ssettm $0x1  }
0x91: {  	s17 =	sld [smem:$0x3FFB];
	_ =	sdelay $0x3  }
0x92: {  	_ =	strace s17  }
0x93: {  	s2 =	sld [smem:$0x3FFC];
	_ =	sdelay $0x3  }
0x94: {  	_ =	strace s2  }
0x95: {  	s2 =	sld [smem:$0x3FFD];
	_ =	sdelay $0x3  }
0x96: {  	_ =	strace s2  }
0x97: {  	_ =	strace $0x8FFFFFFF  }
0x98: {  	s18 =	sld [smem:$0x3FDB];
	_ =	sdelay $0x1  }
0x99: {  	s19 =	simm.s32 $_scs_section_size  }
0x9a: {  	s4 =	simm.s32 $_size__tile_overlayer_lowered;
	s5 =	simm.s32 $_tile_overlayer_lowered  }
0x9b: {  	s22 =	simm.s32 $0x1BFF;
	s21 =	sshll.u32 s5, $0x1;
	s2 =	sadd.s32 s19, s18  }
0x9c: {  	s6 =	simm.s32 $0x0;
	s20 =	sshll.u32 s4, $0x1;
	s4 =	sadd.s32 s21, s2  }
0x9d: {  	[timem:s6], [sflag:s22] =	dma.local [hbm:s4], s20  }
0x9e: {  	_ =	swait.ge [sflag:s22], s20  }
0x9f: {  	s3 =	ssub.s32 $0x0, s20;
	[sflag:s22] =	ssyncset.done $0x0  }
0xa0: {  	[sflag:s22] =	ssyncadd.s32 s3;
	_ =	sdelay $0x1  }
0xa1: {  	s23 =	simm.s32 $0x1B8B  }
0xa2: {  	_ =	swait.ge [sflag:s23], $0x1  }
0xa3: {  	[sflag:s23] =	ssyncset.done $0x0  }
0xa4: {  	s25 =	simm.s32 $0x1B8E;
	s24 =	sld [smem:$0x3FFE];
	[sflag:s23] =	ssyncadd.s32 $0xFFFFFFFF  }
0xa5: {  	s26 =	simm.s32 $execute0_lowered;
	[smem:$0x3FD2] =	sst s25  }
0xa6: {  	s4 =	sshll.u32 s26, $0x1;
	_ =	strace $0x8000004C;
	[dreg:$0x1] =	wrdreg $0xFFFFFFFF  }
0xa7: {  	s28 =	simm.s32 $_size_execute0_lowered;
	s2 =	sadd.s32 s2, s4;
	[dreg:$0x0] =	wrdreg $0x0  }
0xa8: {  	s4 =	sshll.u32 s28, $0x1;
	[dreg:$0x2] =	wrdreg s2  }
0xa9: {  	[dreg:$0x3] =	wrdreg s4  }
0xaa: {  	[dreg:$0x4] =	wrdreg $0xC0  }
0xab: {  	_ =	task [dreg:s6], $0x5FFFF  }
0xac: {  	[dreg:$0x1] =	wrdreg $0xFFFFFFFF  }
0xad: {  	[dreg:$0x0] =	wrdreg $0x60  }
0xae: {  	[dreg:$0x2] =	wrdreg s24  }
0xaf: {  	[dreg:$0x3] =	wrdreg $0x8B000  }
0xb0: {  	[dreg:$0x4] =	wrdreg $0x9  }
0xb1: {  	_ =	task.clear_ibuf [dreg:s6], $0x5FFFF;
	_ =	strace $0x9000004C  }
0xb2: {  	s29 =	simm.s32 $0x9;
	_ =	strace $0x8000004E  }
0xb3: {  	_ =	swait.ge [sflag:s29], $0x1  }
0xb4: {  	[sflag:s29] =	ssyncadd.s32 $0xFFFFFFFF  }
0xb5: {  	_ =	strace $0x9000004E  }
0xb6: {  	_ =	sfence  }
0xb7: {  	s30 =	sld [smem:$0x0];
	_ =	sdelay $0x2  }
0xb8: {  	s31 =	sshll.u32 s1, $0xD;
	s1 =	sshrl.u32 s1, $0x2  }
0xb9: {  	s3 =	sand.u32 $0x4000, s31;
	s1 =	sadd.s32 s1, s30  }
0xba: {  	s0 =	sor.u32 s3, s0;
	s1 =	sshll.u32 s1, $0x11  }
0xbb: {  	s0 =	sor.u32 s1, s0  }
0xbc: {  	s0 =	sadd.s32 $0x8F2B, s0  }
0xbd: {  	[sflag:s0] =	ssyncadd.remote.s32 $0x1  }
0xbe: {  	_ =	sfence.sel $0xFFFF  }
0xbf: {  	[dreg:$0x0] =	wrdreg $0xFFFFFFFF;
	(pc) =	sbr.abs _section_cstart, $3  }
0xc0: {  	[dreg:$0x1] =	wrdreg $0xFFFFFFFF  }
0xc1: {  	_ =	task.clear_ibuf [dreg:s6], $0x2FFFF;
	_ =	strace $0x9FFFFFFF  }
0xc2: {  	(tm) =	ssettm $0x7FFFFFFF  }
0xc3: {  	_ =	shalt  }
tec
execute0_lowered:
.L_overlay_start_1:
0x0: {  	(tag) =	ssettag $0x1  }
0x1: {  	s0 =	rddreg [dreg:$0x0]  }
0x2: {  	s1 =	rddreg [dreg:$0x1];
	s2 =	srdreg.scid;
	s3 =	simm.s32 $0x0  }
0x3: {  	s12 =	stileid.u32;
	s16 =	simm.s32 $0x7;
	s17 =	simm.s32 $0x80  }
0x4: {  	s18 =	simm.s32 $0x100;
	s28 =	simm.s32 $0x6;
	s29 =	simm.s32 $0x8200  }
0x5: {  	s30 =	simm.s32 $0x8280;
	s31 =	simm.s32 $0x10;
	s2 =	sand.u32 $0x1, s2  }
0x6: {  	[smem:$0x7FF] =	sst s3;
	s6 =	smul.u32 $0x13C00, s12;
	s4 =	sadd.s32 $0x94C00, s0  }
0x7: {  	s7 =	sadd.s32 $0x7E00, s0;
	s8 =	sadd.s32 $0x11C00, s0;
	s10 =	smul.u32 $0x4F000, s12  }
0x8: {  	s19 =	sadd.s32 $0x1C200, s0;
	s23 =	sshll.u32 s12, $0x6;
	s5 =	smul.u32 $0x13C000, s2  }
0x9: {  	_ =	strace $0x8000004D;
	[dreg:$0x3] =	wrdreg s19;
	s20 =	sshll.u32 s2, $0x4  }
0xa: {  	s9 =	ssub.s32 $0x2, s2;
	s2 =	smul.u32 $0x27100, s2;
	s19 =	simm.s32 $0x180  }
0xb: {  	s21 =	sshrl.u32 s9, $0x1;
	s22 =	sshrl.u32 s10, $0x2;
	s5 =	sadd.s32 s6, s5  }
0xc: {  	s6 =	sor.u32 s12, s20;
	s12 =	smul.u32 $0x2710, s12;
	s15 =	sadd.s32 s22, s1  }
0xd: {  	s20 =	simm.s32 $0x3;
	s22 =	simm.s32 $0x5;
	s5 =	sshrl.u32 s5, $0x3  }
0xe: {  	s6 =	smul.u32 $0x2710, s6;
	s15 =	sshrl.u32 s15, $0x3;
	s0 =	sadd.s32 s5, s0  }
0xf: {  	s5 =	ssub.s32 s9, s21;
	s2 =	sadd.s32 s12, s2;
	s21 =	simm.s32 $0x200  }
0x10: {  	s11 =	sshrl.u32 s6, $0x3;
	s6 =	sor.u32 $0x1C07, s23;
	s0 =	sadd.s32 $0xBC400, s0  }
0x11: {  	s26 =	sshrl.u32 s2, $0x3;
	s2 =	sadd.s32 $0x80, s2;
	s5 =	smax.u32 s5, $0x1  }
0x12: {  	s23 =	simm.s32 $0x4200;
	s24 =	sadd.s32 $0x4E0, s11;
	[dreg:$0x6] =	wrdreg s0  }
0x13: {  	[dreg:$0x7] =	wrdreg s5;
	s11 =	sadd.s32 s26, s8;
	s2 =	sshrl.u32 s2, $0x3  }
0x14: {  	s12 =	sadd.s32 s26, s7;
	s26 =	simm.s32 $0x2;
	s0 =	simm.s32 $0x8300  }
0x15: {  	s25 =	sadd.s32 s7, s24;
	s9 =	sadd.s32 s8, s24;
	s13 =	sadd.s32 s2, s8  }
0x16: {  	s14 =	sadd.s32 s2, s7;
	s24 =	simm.s32 $0x1;
	[dreg:$0x4] =	wrdreg s25  }
0x17: {  	s2 =	simm.s32 $0x0;
	[dreg:$0x5] =	wrdreg s9;
	s25 =	simm.s32 $0x4  }
.LBB2_1:
0x18: {  	s5 =	rddreg [dreg:$0x3]  }
0x19: {  	[spmem:s15], [sflag:s6] =	dma.local [hbm:s5], $0x2780  }
0x1a: {  	_ =	swait.ge [sflag:s16], $0x2780  }
0x1b: {  	[sflag:s16] =	ssyncset.done $0x0  }
0x1c: {  	[sflag:s16] =	ssyncadd.s32 $0xFFFFD880  }
0x1d: {  	s7 =	sadd.s32 $0x0, s12;
	[bflag:$0x0] =	sbarrier.arrive $0xFFFF  }
0x1e: {  	[tilespmem:s3], [sflag:$0x3] =	stream.linear.gather [hbm4b:s7+s3], $0x80, $0x38;
	[tilespmem:$0x1C700] =	vst v63  }
0x1f: {  	s8 =	sadd.s32 $0x0, s11  }
0x20: {  	[tilespmem:s17], [sflag:$0x4] =	stream.linear.gather [hbm4b:s8+s3], $0x80, $0x38;
	[tilespmem:$0x1C700] =	vst v63  }
0x21: {  	s9 =	sadd.s32 $0x0, s14  }
0x22: {  	[tilespmem:s18], [sflag:$0x5] =	stream.linear.gather [hbm4b:s9+s3], $0x80, $0x38;
	[tilespmem:$0x1C700] =	vst v63  }
0x23: {  	s10 =	sadd.s32 $0x0, s13  }
0x24: {  	[tilespmem:s19], [sflag:$0x6] =	stream.linear.gather [hbm4b:s10+s3], $0x80, $0x38;
	[tilespmem:$0x1C700] =	vst v63  }
0x25: {  	_ =	swait.ge [sflag:s20], $0x80  }
0x26: {  	[sflag:s20] =	ssyncset.done $0x0  }
0x27: {  	[sflag:s20] =	ssyncadd.s32 $0xFFFFFF80  }
0x28: {  	[tilespmem:s21], [sflag:$0x1] =	stream.indirect.gather [hbm4b:s4+s17], $0x80, s3, s17, $0xb8;
	[tilespmem:$0x1C700] =	vst v63  }
0x29: {  	_ =	swait.ge [sflag:s22], $0x80  }
0x2a: {  	[sflag:s22] =	ssyncset.done $0x0  }
0x2b: {  	[sflag:s22] =	ssyncadd.s32 $0xFFFFFF80  }
0x2c: {  	[tilespmem:s23], [sflag:$0x2] =	stream.indirect.gather [hbm4b:s4+s17], $0x80, s18, s17, $0xb8;
	[tilespmem:$0x1C700] =	vst v63  }
0x2d: {  	_ =	swait.ge [sflag:s24], $0x4000  }
0x2e: {  	[sflag:s24] =	ssyncset.done $0x0  }
0x2f: {  	[sflag:s24] =	ssyncadd.s32 $0xFFFFC000  }
0x30: {  	_ =	swait.ge [sflag:s25], $0x80  }
0x31: {  	[sflag:s25] =	ssyncset.done $0x0  }
0x32: {  	[sflag:s25] =	ssyncadd.s32 $0xFFFFFF80  }
0x33: {  	[spmem:s1] =	stream.indirect.scatter.add.f32 [tilespmem:s21], [sflag:$0x7], $0x80, s17, s17, $0xb8;
	[tilespmem:$0x1C700] =	vst v63  }
0x34: {  	_ =	swait.ge [sflag:s16], $0x4000  }
0x35: {  	[sflag:s16] =	ssyncset.done $0x0  }
0x36: {  	[sflag:s16] =	ssyncadd.s32 $0xFFFFC000  }
0x37: {  	_ =	swait.ge [sflag:s26], $0x4000  }
0x38: {  	[sflag:s26] =	ssyncset.done $0x0  }
0x39: {  	[sflag:s26] =	ssyncadd.s32 $0xFFFFC000  }
0x3a: {  	_ =	swait.ge [sflag:s28], $0x80  }
0x3b: {  	[sflag:s28] =	ssyncset.done $0x0  }
0x3c: {  	[sflag:s28] =	ssyncadd.s32 $0xFFFFFF80  }
0x3d: {  	[spmem:s1] =	stream.indirect.scatter.add.f32 [tilespmem:s23], [sflag:$0x7], $0x80, s19, s17, $0xb8;
	[tilespmem:$0x1C700] =	vst v63  }
0x3e: {  	_ =	swait.ge [sflag:s16], $0x4000  }
0x3f: {  	s5 =	simm.s32 $0x20;
	s7 =	simm.s32 $0x40;
	[sflag:s16] =	ssyncset.done $0x0  }
.LBB2_2:
0x40: {  	s9 =	sadd.s32 s5, s12  }
0x41: {  	[sflag:s16] =	ssyncadd.s32 $0xFFFFC000;
	s10 =	smov.u32 s7;
	s8 =	sadd.s32 $0x20, s7  }
0x42: {  	[tilespmem:s3], [sflag:$0x3] =	stream.linear.gather [hbm4b:s9+s3], $0x80, $0x38;
	[tilespmem:$0x1C700] =	vst v63  }
0x43: {  	p0 =	sne.s32 s7, $0x4C0;
	s7 =	sadd.s32 s5, s11  }
0x44: {  	[tilespmem:s17], [sflag:$0x4] =	stream.linear.gather [hbm4b:s7+s3], $0x80, $0x38;
	[tilespmem:$0x1C700] =	vst v63  }
0x45: {  	s7 =	sadd.s32 s5, s14  }
0x46: {  	[tilespmem:s18], [sflag:$0x5] =	stream.linear.gather [hbm4b:s7+s3], $0x80, $0x38;
	[tilespmem:$0x1C700] =	vst v63  }
0x47: {  	s7 =	sadd.s32 s5, s13;
	s5 =	smov.u32 s10  }
0x48: {  	[tilespmem:s19], [sflag:$0x6] =	stream.linear.gather [hbm4b:s7+s3], $0x80, $0x38;
	[tilespmem:$0x1C700] =	vst v63  }
0x49: {  	_ =	swait.ge [sflag:s20], $0x80  }
0x4a: {  	[sflag:s20] =	ssyncset.done $0x0  }
0x4b: {  	[sflag:s20] =	ssyncadd.s32 $0xFFFFFF80  }
0x4c: {  	[tilespmem:s21], [sflag:$0x1] =	stream.indirect.gather [hbm4b:s4+s17], $0x80, s3, s17, $0xb8;
	[tilespmem:$0x1C700] =	vst v63  }
0x4d: {  	_ =	swait.ge [sflag:s22], $0x80  }
0x4e: {  	[sflag:s22] =	ssyncset.done $0x0  }
0x4f: {  	[sflag:s22] =	ssyncadd.s32 $0xFFFFFF80  }
0x50: {  	[tilespmem:s23], [sflag:$0x2] =	stream.indirect.gather [hbm4b:s4+s17], $0x80, s18, s17, $0xb8;
	[tilespmem:$0x1C700] =	vst v63  }
0x51: {  	_ =	swait.ge [sflag:s24], $0x4000  }
0x52: {  	[sflag:s24] =	ssyncset.done $0x0  }
0x53: {  	[sflag:s24] =	ssyncadd.s32 $0xFFFFC000  }
0x54: {  	_ =	swait.ge [sflag:s25], $0x80  }
0x55: {  	[sflag:s25] =	ssyncset.done $0x0  }
0x56: {  	[sflag:s25] =	ssyncadd.s32 $0xFFFFFF80  }
0x57: {  	[spmem:s1] =	stream.indirect.scatter.add.f32 [tilespmem:s21], [sflag:$0x7], $0x80, s17, s17, $0xb8;
	[tilespmem:$0x1C700] =	vst v63  }
0x58: {  	_ =	swait.ge [sflag:s16], $0x4000  }
0x59: {  	[sflag:s16] =	ssyncset.done $0x0  }
0x5a: {  	[sflag:s16] =	ssyncadd.s32 $0xFFFFC000  }
0x5b: {  	_ =	swait.ge [sflag:s26], $0x4000  }
0x5c: {  	[sflag:s26] =	ssyncset.done $0x0  }
0x5d: {  	[sflag:s26] =	ssyncadd.s32 $0xFFFFC000  }
0x5e: {  	_ =	swait.ge [sflag:s28], $0x80  }
.Ltmp0:
0x5f: {  	[sflag:s28] =	ssyncset.done $0x0;
	(pc) =	sbr.rel @p0 .LBB2_2-.Ltmp0, $4  }
0x60: {  	[sflag:s28] =	ssyncadd.s32 $0xFFFFFF80  }
0x61: {  	[spmem:s1] =	stream.indirect.scatter.add.f32 [tilespmem:s23], [sflag:$0x7], $0x80, s19, s17, $0xb8;
	[tilespmem:$0x1C700] =	vst v63  }
0x62: {  	_ =	swait.ge [sflag:s16], $0x4000  }
0x63: {  	s7 =	smov.u32 s8;
	[sflag:s16] =	ssyncset.done $0x0  }
0x64: {  	s7 =	sadd.s32 s5, s12;
	[sflag:s16] =	ssyncadd.s32 $0xFFFFC000  }
0x65: {  	[tilespmem:s3], [sflag:$0x3] =	stream.linear.gather [hbm4b:s7+s3], $0x80, $0x38;
	[tilespmem:$0x1C700] =	vst v63  }
0x66: {  	s8 =	sadd.s32 s5, s11  }
0x67: {  	[tilespmem:s17], [sflag:$0x4] =	stream.linear.gather [hbm4b:s8+s3], $0x80, $0x38;
	[tilespmem:$0x1C700] =	vst v63  }
0x68: {  	s9 =	sadd.s32 s5, s14  }
0x69: {  	[tilespmem:s18], [sflag:$0x5] =	stream.linear.gather [hbm4b:s9+s3], $0x80, $0x38;
	[tilespmem:$0x1C700] =	vst v63  }
0x6a: {  	s10 =	sadd.s32 s5, s13  }
0x6b: {  	[tilespmem:s19], [sflag:$0x6] =	stream.linear.gather [hbm4b:s10+s3], $0x80, $0x38;
	[tilespmem:$0x1C700] =	vst v63  }
0x6c: {  	_ =	swait.ge [sflag:s20], $0x80  }
0x6d: {  	[sflag:s20] =	ssyncset.done $0x0  }
0x6e: {  	[sflag:s20] =	ssyncadd.s32 $0xFFFFFF80  }
0x6f: {  	[tilespmem:s21], [sflag:$0x1] =	stream.indirect.gather [hbm4b:s4+s17], $0x80, s3, s17, $0xb8;
	[tilespmem:$0x1C700] =	vst v63  }
0x70: {  	_ =	swait.ge [sflag:s22], $0x80  }
0x71: {  	[sflag:s22] =	ssyncset.done $0x0  }
0x72: {  	[sflag:s22] =	ssyncadd.s32 $0xFFFFFF80  }
0x73: {  	[tilespmem:s23], [sflag:$0x2] =	stream.indirect.gather [hbm4b:s4+s17], $0x80, s18, s17, $0xb8;
	[tilespmem:$0x1C700] =	vst v63  }
0x74: {  	_ =	swait.ge [sflag:s24], $0x4000  }
0x75: {  	[sflag:s24] =	ssyncset.done $0x0  }
0x76: {  	[sflag:s24] =	ssyncadd.s32 $0xFFFFC000  }
0x77: {  	_ =	swait.ge [sflag:s25], $0x80  }
0x78: {  	[sflag:s25] =	ssyncset.done $0x0  }
0x79: {  	[sflag:s25] =	ssyncadd.s32 $0xFFFFFF80  }
0x7a: {  	[spmem:s1] =	stream.indirect.scatter.add.f32 [tilespmem:s21], [sflag:$0x7], $0x80, s17, s17, $0xb8;
	[tilespmem:$0x1C700] =	vst v63  }
0x7b: {  	_ =	swait.ge [sflag:s16], $0x4000  }
0x7c: {  	[sflag:s16] =	ssyncset.done $0x0  }
0x7d: {  	[sflag:s16] =	ssyncadd.s32 $0xFFFFC000  }
0x7e: {  	_ =	swait.ge [sflag:s26], $0x4000  }
0x7f: {  	[sflag:s26] =	ssyncset.done $0x0  }
0x80: {  	[sflag:s26] =	ssyncadd.s32 $0xFFFFC000  }
0x81: {  	_ =	swait.ge [sflag:s28], $0x80  }
0x82: {  	[sflag:s28] =	ssyncset.done $0x0  }
0x83: {  	[sflag:s28] =	ssyncadd.s32 $0xFFFFFF80  }
0x84: {  	[spmem:s1] =	stream.indirect.scatter.add.f32 [tilespmem:s23], [sflag:$0x7], $0x80, s19, s17, $0xb8;
	[tilespmem:$0x1C700] =	vst v63  }
0x85: {  	_ =	swait.ge [sflag:s16], $0x4000  }
0x86: {  	[sflag:s16] =	ssyncset.done $0x0  }
0x87: {  	s7 =	rddreg [dreg:$0x4];
	[sflag:s16] =	ssyncadd.s32 $0xFFFFC000  }
0x88: {  	[tilespmem:s29], [sflag:$0x7] =	stream.linear.gather [hbm4b:s7+s3], $0x10, $0x38;
	[tilespmem:$0x1C700] =	vst v63  }
0x89: {  	_ =	swait.ge [sflag:s16], $0x10  }
0x8a: {  	[sflag:s16] =	ssyncset.done $0x0  }
0x8b: {  	s8 =	rddreg [dreg:$0x5];
	[sflag:s16] =	ssyncadd.s32 $0xFFFFFFF0  }
0x8c: {  	[tilespmem:s30], [sflag:$0x7] =	stream.linear.gather [hbm4b:s8+s3], $0x10, $0x38;
	[tilespmem:$0x1C700] =	vst v63  }
0x8d: {  	_ =	swait.ge [sflag:s16], $0x10  }
0x8e: {  	[sflag:s16] =	ssyncset.done $0x0  }
0x8f: {  	[sflag:s16] =	ssyncadd.s32 $0xFFFFFFF0  }
0x90: {  	[tilespmem:s0], [sflag:$0x1] =	stream.indirect.gather [hbm4b:s4+s31], $0x80, s29, s31, $0xb8;
	[tilespmem:$0x1C700] =	vst v63  }
0x91: {  	_ =	swait.ge [sflag:s24], $0x800  }
0x92: {  	[sflag:s24] =	ssyncset.done $0x0  }
0x93: {  	[sflag:s24] =	ssyncadd.s32 $0xFFFFF800  }
0x94: {  	[spmem:s1] =	stream.indirect.scatter.add.f32 [tilespmem:s0], [sflag:$0x7], $0x80, s30, s31, $0xb8;
	[tilespmem:$0x1C700] =	vst v63  }
0x95: {  	_ =	swait.ge [sflag:s16], $0x800  }
0x96: {  	[sflag:s16] =	ssyncset.done $0x0  }
0x97: {  	[sflag:s16] =	ssyncadd.s32 $0xFFFFF800  }
0x98: {  	[bflag:$0x0] =	sbarrier.arrive $0xFFFF  }
0x99: {  	s9 =	rddreg [dreg:$0x6]  }
0x9a: {  	[hbm:s9], [sflag:s6] =	dma.local [spmem:s15], $0x2780  }
0x9b: {  	_ =	swait.ge [sflag:s16], $0x2780  }
0x9c: {  	s2 =	sadd.s32 $0x1, s2;
	s10 =	rddreg [dreg:$0x7]  }
0x9d: {  	p0 =	sne.s32 s2, s10  }
.Ltmp1:
0x9e: {  	_ = 	snop;
	(pc) =	sbr.rel @p0 .LBB2_1-.Ltmp1, $3  }
0x9f: {  	_ =	sdelay $0x1  }
0xa0: {  	[sflag:s16] =	ssyncset.done $0x0  }
0xa1: {  	[sflag:s16] =	ssyncadd.s32 $0xFFFFD880  }
0xa2: {  	_ =	sfence.sel $0x180000  }
0xa3: {  	[bflag:$0x0] =	sbarrier.arrive $0xFFFF  }
0xa4: {  	_ =	strace $0x9000004D  }
0xa5: {  	s0 =	stileid.u32;
	[bflag:$0x2] =	sbarrier.arrive $0xFFFF  }
0xa6: {  	p0 =	sne.s32 s0, $0x0;
	s0 =	rddreg [dreg:$0x2]  }
0xa7: {  	s0 =	sadd.s32 @!p0 $0x100000, s0  }
0xa8: {  	[sflag:s0] =	ssyncadd.tile.s32 @!p0 $0x1;
	_ =	shalt  }
.Lfunc_end2:
_tile_overlayer_lowered:
.L_overlay_start_2:
0xa9: {  	(tag) =	ssettag $0x2  }
0xaa: {  	s0 =	rddreg [dreg:$0x0];
	s2 =	stileid.u32  }
0xab: {  	s1 =	rddreg [dreg:$0x1];
	p0 =	sne.s32 s2, $0x0  }
0xac: {  	s3 =	rddreg [dreg:$0x2];
	[bflag:$0x3] =	sbarrier.arrive $0xFFFF;
	s2 =	simm.s32 @!p0 $0x1C07  }
0xad: {  	[timem:s3], [sflag:s2] =	dma.local @!p0 [hbm:s0], s1  }
0xae: {  	s0 =	simm.s32 @!p0 $0x7  }
0xaf: {  	_ =	swait.ge @!p0 [sflag:s0], s1  }
0xb0: {  	s1 =	ssub.s32 @!p0 $0x0, s1;
	[sflag:s0] =	ssyncset.done @!p0 $0x0  }
0xb1: {  	[sflag:s0] =	ssyncadd.s32 @!p0 s1  }
0xb2: {  	[bflag:$0x3] =	sbarrier.arrive $0xFFFF  }
0xb3: {  	_ =	shalt  }

// kernel: kernel.37.cloned.1.call-start
scs
__scs_entry_jumppad:
0x0: {  	(pc) =	sbr.rel $0x88, $3  }
0x1: {  	(tag) =	ssettag $0x0;
	lr =	simm.s32 $0x1  }
0x2: {  	[smem:$0x3F87] =	sst lr;
	_ =	strace $0xD0000000  }
0x3: {  	_ = 	snop  }
0x4: {  	_ = 	snop  }
0x5: {  	_ = 	snop  }
0x6: {  	_ = 	snop  }
0x7: {  	_ = 	snop  }
__scs_overlays_trampoline_lowered:
0x8: {  	[smem:$0x3F96] =	sst s0  }
0x9: {  	[smem:$0x3F97] =	sst s1  }
0xa: {  	[smem:$0x3F98] =	sst s2  }
0xb: {  	[smem:$0x3F99] =	sst s3  }
0xc: {  	[smem:$0x3F9A] =	sst s4  }
0xd: {  	[smem:$0x3F9B] =	sst s5  }
0xe: {  	[smem:$0x3F9C] =	sst s6  }
0xf: {  	[smem:$0x3F9D] =	sst s7  }
0x10: {  	[smem:$0x3F9E] =	sst s8  }
0x11: {  	[smem:$0x3F9F] =	sst s9;
	s0 =	simm.s32 @!p0 $0x0  }
0x12: {  	s1 =	sld [smem:$0x3F85];
	s0 =	simm.s32 @p0 $0x1  }
0x13: {  	[smem:$0x3FA0] =	sst s0;
	s0 =	simm.s32 @!p1 $0x0  }
0x14: {  	s2 =	sld [smem:$0x3F84];
	s0 =	simm.s32 @p1 $0x1  }
0x15: {  	[smem:$0x3FA1] =	sst s0;
	s0 =	simm.s32 @!p2 $0x0  }
0x16: {  	s3 =	sld [smem:$0x3FDB];
	s0 =	simm.s32 @p2 $0x1  }
0x17: {  	s4 =	simm.s32 $0x1BF5;
	[smem:$0x3FA3] =	sst s0  }
0x18: {  	s0 =	sld [smem:$0x3F86];
	_ =	swait.ge [sflag:s4], $0x0  }
0x19: {  	s7 =	sld [smem:$0x3F87]  }
0x1a: {  	s8 =	sadd.s32 $0xFFFFE003, lr  }
0x1b: {  	s9 =	sadd.s32 $0xFFFFFEF7, lr;
	s5 =	simm.s32 $0xFFFFFFFF;
	p2 =	slt.u32 s8, $0xFFFFF086  }
0x1c: {  	p1 =	slt.u32 s9, $0xF7A;
	s5 =	simm.s32 @!p2 $0x0  }
0x1d: {  	s5 =	simm.s32 @p1 $0x1;
	p0 =	seq.s32 s7, s2  }
0x1e: {  	s7 =	smul.u32 @!p0 $0xF7A, s2;
	p2 =	seq.s32 @!p0 s5, $0x0  }
0x1f: {  	s9 =	smul.u32 $0xF7A, s1;
	s8 =	simm.s32 @!p0 $0x1BF5;
	p2 =	por !p2, p0  }
0x20: {  	[sflag:s8] =	ssyncset.s32 @!p0 $0xFFFFF086;
	s6 =	sadd.s32 @!p0 s3, s7;
	s7 =	simm.s32 @!p0 $0x108  }
0x21: {  	s3 =	sadd.s32 s3, s9;
	s6 =	sadd.s32 @!p0 $0x88, s6;
	s7 =	simm.s32 @p2 $0x1082  }
0x22: {  	[simem:s7], [sflag:s8] =	dma.local @!p0 [hbm:s6], $0xF7A  }
0x23: {  	s9 =	sor.u32 $0xD0000000, s2;
	s6 =	simm.s32 $0x108;
	_ =	swait.ge @!p0 [sflag:s8], $0x0  }
0x24: {  	s3 =	sadd.s32 $0x88, s3;
	s6 =	simm.s32 @!p1 $0x1082;
	[sflag:s4] =	ssyncset.s32 $0xFFFFF086  }
0x25: {  	[simem:s6], [sflag:s4] =	dma.local [hbm:s3], $0xF7A  }
0x26: {  	[smem:$0x3F87] =	sst s1;
	(tag) =	ssettag s2;
	_ =	strace s9  }
0x27: {  	s1 =	sld [smem:$0x3F97]  }
0x28: {  	s2 =	sld [smem:$0x3F98]  }
0x29: {  	s4 =	sld [smem:$0x3F9A]  }
0x2a: {  	p0 =	seq.s32 s5, $0x0;
	s5 =	sld [smem:$0x3F9B]  }
0x2b: {  	s6 =	sld [smem:$0x3F9C]  }
0x2c: {  	s7 =	sld [smem:$0x3F9D]  }
0x2d: {  	s3 =	simm.s32 $0x108;
	s8 =	sld [smem:$0x3F9E]  }
0x2e: {  	s3 =	simm.s32 @!p0 $0x1082;
	s9 =	sld [smem:$0x3F9F]  }
0x2f: {  	lr =	sadd.s32 s0, s3;
	s0 =	sld [smem:$0x3F96]  }
0x30: {  	s3 =	sld [smem:$0x3F99]  }
0x31: {  	[smem:$0x3FA2] =	sst s10  }
0x32: {  	s10 =	sld [smem:$0x3FA0];
	_ =	sdelay $0x3  }
0x33: {  	p0 =	seq.s32 s10, $0x1;
	s10 =	sld [smem:$0x3FA2];
	_ =	sdelay $0x3  }
0x34: {  	[smem:$0x3FA2] =	sst s10  }
0x35: {  	s10 =	sld [smem:$0x3FA1];
	_ =	sdelay $0x3  }
0x36: {  	p1 =	seq.s32 s10, $0x1;
	s10 =	sld [smem:$0x3FA2];
	_ =	sdelay $0x3  }
0x37: {  	[smem:$0x3FA2] =	sst s10  }
0x38: {  	s10 =	sld [smem:$0x3FA3]  }
0x39: {  	_ = 	snop;
	(pc) =	sbr.ind lr, $3  }
0x3a: {  	_ = 	snop  }
0x3b: {  	_ = 	snop  }
0x3c: {  	p2 =	seq.s32 s10, $0x1;
	s10 =	sld [smem:$0x3FA2]  }
0x3d: {  	_ =	shalt  }
0x3e: {  	_ =	shalt  }
0x3f: {  	_ =	shalt  }
0x40: {  	_ =	shalt  }
0x41: {  	_ =	shalt  }
0x42: {  	_ =	shalt  }
0x43: {  	_ =	shalt  }
0x44: {  	_ =	shalt  }
0x45: {  	_ =	shalt  }
0x46: {  	_ =	shalt  }
0x47: {  	_ =	shalt  }
0x48: {  	_ =	shalt  }
0x49: {  	_ =	shalt  }
0x4a: {  	_ =	shalt  }
0x4b: {  	_ =	shalt  }
0x4c: {  	_ =	shalt  }
0x4d: {  	_ =	shalt  }
0x4e: {  	_ =	shalt  }
0x4f: {  	_ =	shalt  }
0x50: {  	_ =	shalt  }
0x51: {  	_ =	shalt  }
0x52: {  	_ =	shalt  }
0x53: {  	_ =	shalt  }
0x54: {  	_ =	shalt  }
0x55: {  	_ =	shalt  }
0x56: {  	_ =	shalt  }
0x57: {  	_ =	shalt  }
0x58: {  	_ =	shalt  }
0x59: {  	_ =	shalt  }
0x5a: {  	_ =	shalt  }
0x5b: {  	_ =	shalt  }
0x5c: {  	_ =	shalt  }
0x5d: {  	_ =	shalt  }
0x5e: {  	_ =	shalt  }
0x5f: {  	_ =	shalt  }
0x60: {  	_ =	shalt  }
0x61: {  	_ =	shalt  }
0x62: {  	_ =	shalt  }
0x63: {  	_ =	shalt  }
0x64: {  	_ =	shalt  }
0x65: {  	_ =	shalt  }
0x66: {  	_ =	shalt  }
0x67: {  	_ =	shalt  }
0x68: {  	_ =	shalt  }
0x69: {  	_ =	shalt  }
0x6a: {  	_ =	shalt  }
0x6b: {  	_ =	shalt  }
0x6c: {  	_ =	shalt  }
0x6d: {  	_ =	shalt  }
0x6e: {  	_ =	shalt  }
0x6f: {  	_ =	shalt  }
0x70: {  	_ =	shalt  }
0x71: {  	_ =	shalt  }
0x72: {  	_ =	shalt  }
0x73: {  	_ =	shalt  }
0x74: {  	_ =	shalt  }
0x75: {  	_ =	shalt  }
0x76: {  	_ =	shalt  }
0x77: {  	_ =	shalt  }
0x78: {  	_ =	shalt  }
0x79: {  	_ =	shalt  }
0x7a: {  	_ =	shalt  }
0x7b: {  	_ =	shalt  }
0x7c: {  	_ =	shalt  }
0x7d: {  	_ =	shalt  }
0x7e: {  	_ =	shalt  }
0x7f: {  	_ =	shalt  }
0x80: {  	_ =	shalt  }
0x81: {  	_ =	shalt  }
0x82: {  	_ =	shalt  }
0x83: {  	_ =	shalt  }
0x84: {  	_ =	shalt  }
0x85: {  	_ =	shalt  }
0x86: {  	_ =	shalt  }
0x87: {  	_ =	shalt  }
.Lfunc_end0:
.L_simem_size_0:
called_computation.3_lowered:
.L_overlay_start_0:
0x88: {  	s2 =	sld [smem:$0x3FD9]  }
0x89: {  	s3 =	sld [smem:$0x3FFE];
	_ =	sdelay $0x1  }
0x8a: {  	s1 =	srdreg.scid  }
0x8b: {  	s0 =	sand.u32 $0x1, s1  }
0x8c: {  	s16 =	sshll.u32 s0, $0xA;
	s2 =	sadd.s32 s3, s2  }
0x8d: {  	s2 =	sadd.s32 s2, s16  }
0x8e: {  	[smem:$0x3FAE] =	sst s2  }
0x8f: {  	_ = 	snop  }
0x90: {  	(tm) =	ssettm $0x1  }
0x91: {  	s17 =	sld [smem:$0x3FFB];
	_ =	sdelay $0x3  }
0x92: {  	_ =	strace s17  }
0x93: {  	s2 =	sld [smem:$0x3FFC];
	_ =	sdelay $0x3  }
0x94: {  	_ =	strace s2  }
0x95: {  	s2 =	sld [smem:$0x3FFD];
	_ =	sdelay $0x3  }
0x96: {  	_ =	strace s2  }
0x97: {  	_ =	strace $0x8FFFFFFF  }
0x98: {  	s18 =	sld [smem:$0x3FDB];
	_ =	sdelay $0x1  }
0x99: {  	s19 =	simm.s32 $_scs_section_size  }
0x9a: {  	s4 =	simm.s32 $_size__tile_overlayer_lowered;
	s5 =	simm.s32 $_tile_overlayer_lowered  }
0x9b: {  	s22 =	simm.s32 $0x1BFF;
	s21 =	sshll.u32 s5, $0x1;
	s2 =	sadd.s32 s19, s18  }
0x9c: {  	s6 =	simm.s32 $0x0;
	s20 =	sshll.u32 s4, $0x1;
	s4 =	sadd.s32 s21, s2  }
0x9d: {  	[timem:s6], [sflag:s22] =	dma.local [hbm:s4], s20  }
0x9e: {  	_ =	swait.ge [sflag:s22], s20  }
0x9f: {  	s3 =	ssub.s32 $0x0, s20;
	[sflag:s22] =	ssyncset.done $0x0  }
0xa0: {  	[sflag:s22] =	ssyncadd.s32 s3;
	_ =	sdelay $0x1  }
0xa1: {  	s23 =	simm.s32 $0x1B8B  }
0xa2: {  	_ =	swait.ge [sflag:s23], $0x1  }
0xa3: {  	[sflag:s23] =	ssyncset.done $0x0  }
0xa4: {  	s25 =	simm.s32 $0x1B8E;
	s24 =	sld [smem:$0x3FFE];
	[sflag:s23] =	ssyncadd.s32 $0xFFFFFFFF  }
0xa5: {  	s26 =	simm.s32 $execute0_lowered;
	[smem:$0x3FD2] =	sst s25  }
0xa6: {  	s4 =	sshll.u32 s26, $0x1;
	_ =	strace $0x8000004F;
	[dreg:$0x1] =	wrdreg $0xFFFFFFFF  }
0xa7: {  	s28 =	simm.s32 $_size_execute0_lowered;
	s2 =	sadd.s32 s2, s4;
	[dreg:$0x0] =	wrdreg $0x0  }
0xa8: {  	s4 =	sshll.u32 s28, $0x1;
	[dreg:$0x2] =	wrdreg s2  }
0xa9: {  	[dreg:$0x3] =	wrdreg s4  }
0xaa: {  	[dreg:$0x4] =	wrdreg $0xC0  }
0xab: {  	_ =	task [dreg:s6], $0x5FFFF  }
0xac: {  	[dreg:$0x1] =	wrdreg $0xFFFFFFFF  }
0xad: {  	[dreg:$0x0] =	wrdreg $0x60  }
0xae: {  	[dreg:$0x2] =	wrdreg s24  }
0xaf: {  	[dreg:$0x3] =	wrdreg $0x8B000  }
0xb0: {  	[dreg:$0x4] =	wrdreg $0x9  }
0xb1: {  	_ =	task.clear_ibuf [dreg:s6], $0x5FFFF;
	_ =	strace $0x9000004F  }
0xb2: {  	s29 =	simm.s32 $0x9;
	_ =	strace $0x80000051  }
0xb3: {  	_ =	swait.ge [sflag:s29], $0x1  }
0xb4: {  	[sflag:s29] =	ssyncadd.s32 $0xFFFFFFFF  }
0xb5: {  	_ =	strace $0x90000051  }
0xb6: {  	_ =	sfence  }
0xb7: {  	s30 =	sld [smem:$0x0];
	_ =	sdelay $0x2  }
0xb8: {  	s31 =	sshll.u32 s1, $0xD;
	s1 =	sshrl.u32 s1, $0x2  }
0xb9: {  	s3 =	sand.u32 $0x4000, s31;
	s1 =	sadd.s32 s1, s30  }
0xba: {  	s0 =	sor.u32 s3, s0;
	s1 =	sshll.u32 s1, $0x11  }
0xbb: {  	s0 =	sor.u32 s1, s0  }
0xbc: {  	s0 =	sadd.s32 $0x8F2B, s0  }
0xbd: {  	[sflag:s0] =	ssyncadd.remote.s32 $0x1  }
0xbe: {  	_ =	sfence.sel $0xFFFF  }
0xbf: {  	[dreg:$0x0] =	wrdreg $0xFFFFFFFF;
	(pc) =	sbr.abs _section_cstart, $3  }
0xc0: {  	[dreg:$0x1] =	wrdreg $0xFFFFFFFF  }
0xc1: {  	_ =	task.clear_ibuf [dreg:s6], $0x2FFFF;
	_ =	strace $0x9FFFFFFF  }
0xc2: {  	(tm) =	ssettm $0x7FFFFFFF  }
0xc3: {  	_ =	shalt  }
tec
execute0_lowered:
.L_overlay_start_1:
0x0: {  	(tag) =	ssettag $0x1  }
0x1: {  	s0 =	rddreg [dreg:$0x0]  }
0x2: {  	s1 =	rddreg [dreg:$0x1];
	s2 =	srdreg.scid;
	s3 =	simm.s32 $0x0  }
0x3: {  	s12 =	stileid.u32;
	s16 =	simm.s32 $0x7;
	s17 =	simm.s32 $0x80  }
0x4: {  	s18 =	simm.s32 $0x100;
	s28 =	simm.s32 $0x6;
	s29 =	simm.s32 $0x8200  }
0x5: {  	s30 =	simm.s32 $0x8280;
	s31 =	simm.s32 $0x10;
	s2 =	sand.u32 $0x1, s2  }
0x6: {  	[smem:$0x7FF] =	sst s3;
	s6 =	smul.u32 $0x13C00, s12;
	s4 =	sadd.s32 $0x94C00, s0  }
0x7: {  	s7 =	sadd.s32 $0x7E00, s0;
	s8 =	sadd.s32 $0x11C00, s0;
	s10 =	smul.u32 $0x4F000, s12  }
0x8: {  	s19 =	sadd.s32 $0x1C200, s0;
	s23 =	sshll.u32 s12, $0x6;
	s5 =	smul.u32 $0x13C000, s2  }
0x9: {  	_ =	strace $0x80000050;
	[dreg:$0x3] =	wrdreg s19;
	s20 =	sshll.u32 s2, $0x4  }
0xa: {  	s9 =	ssub.s32 $0x2, s2;
	s2 =	smul.u32 $0x27100, s2;
	s19 =	simm.s32 $0x180  }
0xb: {  	s21 =	sshrl.u32 s9, $0x1;
	s22 =	sshrl.u32 s10, $0x2;
	s5 =	sadd.s32 s6, s5  }
0xc: {  	s6 =	sor.u32 s12, s20;
	s12 =	smul.u32 $0x2710, s12;
	s15 =	sadd.s32 s22, s1  }
0xd: {  	s20 =	simm.s32 $0x3;
	s22 =	simm.s32 $0x5;
	s5 =	sshrl.u32 s5, $0x3  }
0xe: {  	s6 =	smul.u32 $0x2710, s6;
	s15 =	sshrl.u32 s15, $0x3;
	s0 =	sadd.s32 s5, s0  }
0xf: {  	s5 =	ssub.s32 s9, s21;
	s2 =	sadd.s32 s12, s2;
	s21 =	simm.s32 $0x200  }
0x10: {  	s11 =	sshrl.u32 s6, $0x3;
	s6 =	sor.u32 $0x1C07, s23;
	s0 =	sadd.s32 $0x10B400, s0  }
0x11: {  	s26 =	sshrl.u32 s2, $0x3;
	s2 =	sadd.s32 $0x80, s2;
	s5 =	smax.u32 s5, $0x1  }
0x12: {  	s23 =	simm.s32 $0x4200;
	s24 =	sadd.s32 $0x4E0, s11;
	[dreg:$0x6] =	wrdreg s0  }
0x13: {  	[dreg:$0x7] =	wrdreg s5;
	s11 =	sadd.s32 s26, s8;
	s2 =	sshrl.u32 s2, $0x3  }
0x14: {  	s12 =	sadd.s32 s26, s7;
	s26 =	simm.s32 $0x2;
	s0 =	simm.s32 $0x8300  }
0x15: {  	s25 =	sadd.s32 s7, s24;
	s9 =	sadd.s32 s8, s24;
	s13 =	sadd.s32 s2, s8  }
0x16: {  	s14 =	sadd.s32 s2, s7;
	s24 =	simm.s32 $0x1;
	[dreg:$0x4] =	wrdreg s25  }
0x17: {  	s2 =	simm.s32 $0x0;
	[dreg:$0x5] =	wrdreg s9;
	s25 =	simm.s32 $0x4  }
.LBB2_1:
0x18: {  	s5 =	rddreg [dreg:$0x3]  }
0x19: {  	[spmem:s15], [sflag:s6] =	dma.local [hbm:s5], $0x2780  }
0x1a: {  	_ =	swait.ge [sflag:s16], $0x2780  }
0x1b: {  	[sflag:s16] =	ssyncset.done $0x0  }
0x1c: {  	[sflag:s16] =	ssyncadd.s32 $0xFFFFD880  }
0x1d: {  	s7 =	sadd.s32 $0x0, s12;
	[bflag:$0x0] =	sbarrier.arrive $0xFFFF  }
0x1e: {  	[tilespmem:s3], [sflag:$0x3] =	stream.linear.gather [hbm4b:s7+s3], $0x80, $0x38;
	[tilespmem:$0x1C700] =	vst v63  }
0x1f: {  	s8 =	sadd.s32 $0x0, s11  }
0x20: {  	[tilespmem:s17], [sflag:$0x4] =	stream.linear.gather [hbm4b:s8+s3], $0x80, $0x38;
	[tilespmem:$0x1C700] =	vst v63  }
0x21: {  	s9 =	sadd.s32 $0x0, s14  }
0x22: {  	[tilespmem:s18], [sflag:$0x5] =	stream.linear.gather [hbm4b:s9+s3], $0x80, $0x38;
	[tilespmem:$0x1C700] =	vst v63  }
0x23: {  	s10 =	sadd.s32 $0x0, s13  }
0x24: {  	[tilespmem:s19], [sflag:$0x6] =	stream.linear.gather [hbm4b:s10+s3], $0x80, $0x38;
	[tilespmem:$0x1C700] =	vst v63  }
0x25: {  	_ =	swait.ge [sflag:s20], $0x80  }
0x26: {  	[sflag:s20] =	ssyncset.done $0x0  }
0x27: {  	[sflag:s20] =	ssyncadd.s32 $0xFFFFFF80  }
0x28: {  	[tilespmem:s21], [sflag:$0x1] =	stream.indirect.gather [hbm4b:s4+s17], $0x80, s3, s17, $0xb8;
	[tilespmem:$0x1C700] =	vst v63  }
0x29: {  	_ =	swait.ge [sflag:s22], $0x80  }
0x2a: {  	[sflag:s22] =	ssyncset.done $0x0  }
0x2b: {  	[sflag:s22] =	ssyncadd.s32 $0xFFFFFF80  }
0x2c: {  	[tilespmem:s23], [sflag:$0x2] =	stream.indirect.gather [hbm4b:s4+s17], $0x80, s18, s17, $0xb8;
	[tilespmem:$0x1C700] =	vst v63  }
0x2d: {  	_ =	swait.ge [sflag:s24], $0x4000  }
0x2e: {  	[sflag:s24] =	ssyncset.done $0x0  }
0x2f: {  	[sflag:s24] =	ssyncadd.s32 $0xFFFFC000  }
0x30: {  	_ =	swait.ge [sflag:s25], $0x80  }
0x31: {  	[sflag:s25] =	ssyncset.done $0x0  }
0x32: {  	[sflag:s25] =	ssyncadd.s32 $0xFFFFFF80  }
0x33: {  	[spmem:s1] =	stream.indirect.scatter.add.f32 [tilespmem:s21], [sflag:$0x7], $0x80, s17, s17, $0xb8;
	[tilespmem:$0x1C700] =	vst v63  }
0x34: {  	_ =	swait.ge [sflag:s16], $0x4000  }
0x35: {  	[sflag:s16] =	ssyncset.done $0x0  }
0x36: {  	[sflag:s16] =	ssyncadd.s32 $0xFFFFC000  }
0x37: {  	_ =	swait.ge [sflag:s26], $0x4000  }
0x38: {  	[sflag:s26] =	ssyncset.done $0x0  }
0x39: {  	[sflag:s26] =	ssyncadd.s32 $0xFFFFC000  }
0x3a: {  	_ =	swait.ge [sflag:s28], $0x80  }
0x3b: {  	[sflag:s28] =	ssyncset.done $0x0  }
0x3c: {  	[sflag:s28] =	ssyncadd.s32 $0xFFFFFF80  }
0x3d: {  	[spmem:s1] =	stream.indirect.scatter.add.f32 [tilespmem:s23], [sflag:$0x7], $0x80, s19, s17, $0xb8;
	[tilespmem:$0x1C700] =	vst v63  }
0x3e: {  	_ =	swait.ge [sflag:s16], $0x4000  }
0x3f: {  	s5 =	simm.s32 $0x20;
	s7 =	simm.s32 $0x40;
	[sflag:s16] =	ssyncset.done $0x0  }
.LBB2_2:
0x40: {  	s9 =	sadd.s32 s5, s12  }
0x41: {  	[sflag:s16] =	ssyncadd.s32 $0xFFFFC000;
	s10 =	smov.u32 s7;
	s8 =	sadd.s32 $0x20, s7  }
0x42: {  	[tilespmem:s3], [sflag:$0x3] =	stream.linear.gather [hbm4b:s9+s3], $0x80, $0x38;
	[tilespmem:$0x1C700] =	vst v63  }
0x43: {  	p0 =	sne.s32 s7, $0x4C0;
	s7 =	sadd.s32 s5, s11  }
0x44: {  	[tilespmem:s17], [sflag:$0x4] =	stream.linear.gather [hbm4b:s7+s3], $0x80, $0x38;
	[tilespmem:$0x1C700] =	vst v63  }
0x45: {  	s7 =	sadd.s32 s5, s14  }
0x46: {  	[tilespmem:s18], [sflag:$0x5] =	stream.linear.gather [hbm4b:s7+s3], $0x80, $0x38;
	[tilespmem:$0x1C700] =	vst v63  }
0x47: {  	s7 =	sadd.s32 s5, s13;
	s5 =	smov.u32 s10  }
0x48: {  	[tilespmem:s19], [sflag:$0x6] =	stream.linear.gather [hbm4b:s7+s3], $0x80, $0x38;
	[tilespmem:$0x1C700] =	vst v63  }
0x49: {  	_ =	swait.ge [sflag:s20], $0x80  }
0x4a: {  	[sflag:s20] =	ssyncset.done $0x0  }
0x4b: {  	[sflag:s20] =	ssyncadd.s32 $0xFFFFFF80  }
0x4c: {  	[tilespmem:s21], [sflag:$0x1] =	stream.indirect.gather [hbm4b:s4+s17], $0x80, s3, s17, $0xb8;
	[tilespmem:$0x1C700] =	vst v63  }
0x4d: {  	_ =	swait.ge [sflag:s22], $0x80  }
0x4e: {  	[sflag:s22] =	ssyncset.done $0x0  }
0x4f: {  	[sflag:s22] =	ssyncadd.s32 $0xFFFFFF80  }
0x50: {  	[tilespmem:s23], [sflag:$0x2] =	stream.indirect.gather [hbm4b:s4+s17], $0x80, s18, s17, $0xb8;
	[tilespmem:$0x1C700] =	vst v63  }
0x51: {  	_ =	swait.ge [sflag:s24], $0x4000  }
0x52: {  	[sflag:s24] =	ssyncset.done $0x0  }
0x53: {  	[sflag:s24] =	ssyncadd.s32 $0xFFFFC000  }
0x54: {  	_ =	swait.ge [sflag:s25], $0x80  }
0x55: {  	[sflag:s25] =	ssyncset.done $0x0  }
0x56: {  	[sflag:s25] =	ssyncadd.s32 $0xFFFFFF80  }
0x57: {  	[spmem:s1] =	stream.indirect.scatter.add.f32 [tilespmem:s21], [sflag:$0x7], $0x80, s17, s17, $0xb8;
	[tilespmem:$0x1C700] =	vst v63  }
0x58: {  	_ =	swait.ge [sflag:s16], $0x4000  }
0x59: {  	[sflag:s16] =	ssyncset.done $0x0  }
0x5a: {  	[sflag:s16] =	ssyncadd.s32 $0xFFFFC000  }
0x5b: {  	_ =	swait.ge [sflag:s26], $0x4000  }
0x5c: {  	[sflag:s26] =	ssyncset.done $0x0  }
0x5d: {  	[sflag:s26] =	ssyncadd.s32 $0xFFFFC000  }
0x5e: {  	_ =	swait.ge [sflag:s28], $0x80  }
.Ltmp0:
0x5f: {  	[sflag:s28] =	ssyncset.done $0x0;
	(pc) =	sbr.rel @p0 .LBB2_2-.Ltmp0, $4  }
0x60: {  	[sflag:s28] =	ssyncadd.s32 $0xFFFFFF80  }
0x61: {  	[spmem:s1] =	stream.indirect.scatter.add.f32 [tilespmem:s23], [sflag:$0x7], $0x80, s19, s17, $0xb8;
	[tilespmem:$0x1C700] =	vst v63  }
0x62: {  	_ =	swait.ge [sflag:s16], $0x4000  }
0x63: {  	s7 =	smov.u32 s8;
	[sflag:s16] =	ssyncset.done $0x0  }
0x64: {  	s7 =	sadd.s32 s5, s12;
	[sflag:s16] =	ssyncadd.s32 $0xFFFFC000  }
0x65: {  	[tilespmem:s3], [sflag:$0x3] =	stream.linear.gather [hbm4b:s7+s3], $0x80, $0x38;
	[tilespmem:$0x1C700] =	vst v63  }
0x66: {  	s8 =	sadd.s32 s5, s11  }
0x67: {  	[tilespmem:s17], [sflag:$0x4] =	stream.linear.gather [hbm4b:s8+s3], $0x80, $0x38;
	[tilespmem:$0x1C700] =	vst v63  }
0x68: {  	s9 =	sadd.s32 s5, s14  }
0x69: {  	[tilespmem:s18], [sflag:$0x5] =	stream.linear.gather [hbm4b:s9+s3], $0x80, $0x38;
	[tilespmem:$0x1C700] =	vst v63  }
0x6a: {  	s10 =	sadd.s32 s5, s13  }
0x6b: {  	[tilespmem:s19], [sflag:$0x6] =	stream.linear.gather [hbm4b:s10+s3], $0x80, $0x38;
	[tilespmem:$0x1C700] =	vst v63  }
0x6c: {  	_ =	swait.ge [sflag:s20], $0x80  }
0x6d: {  	[sflag:s20] =	ssyncset.done $0x0  }
0x6e: {  	[sflag:s20] =	ssyncadd.s32 $0xFFFFFF80  }
0x6f: {  	[tilespmem:s21], [sflag:$0x1] =	stream.indirect.gather [hbm4b:s4+s17], $0x80, s3, s17, $0xb8;
	[tilespmem:$0x1C700] =	vst v63  }
0x70: {  	_ =	swait.ge [sflag:s22], $0x80  }
0x71: {  	[sflag:s22] =	ssyncset.done $0x0  }
0x72: {  	[sflag:s22] =	ssyncadd.s32 $0xFFFFFF80  }
0x73: {  	[tilespmem:s23], [sflag:$0x2] =	stream.indirect.gather [hbm4b:s4+s17], $0x80, s18, s17, $0xb8;
	[tilespmem:$0x1C700] =	vst v63  }
0x74: {  	_ =	swait.ge [sflag:s24], $0x4000  }
0x75: {  	[sflag:s24] =	ssyncset.done $0x0  }
0x76: {  	[sflag:s24] =	ssyncadd.s32 $0xFFFFC000  }
0x77: {  	_ =	swait.ge [sflag:s25], $0x80  }
0x78: {  	[sflag:s25] =	ssyncset.done $0x0  }
0x79: {  	[sflag:s25] =	ssyncadd.s32 $0xFFFFFF80  }
0x7a: {  	[spmem:s1] =	stream.indirect.scatter.add.f32 [tilespmem:s21], [sflag:$0x7], $0x80, s17, s17, $0xb8;
	[tilespmem:$0x1C700] =	vst v63  }
0x7b: {  	_ =	swait.ge [sflag:s16], $0x4000  }
0x7c: {  	[sflag:s16] =	ssyncset.done $0x0  }
0x7d: {  	[sflag:s16] =	ssyncadd.s32 $0xFFFFC000  }
0x7e: {  	_ =	swait.ge [sflag:s26], $0x4000  }
0x7f: {  	[sflag:s26] =	ssyncset.done $0x0  }
0x80: {  	[sflag:s26] =	ssyncadd.s32 $0xFFFFC000  }
0x81: {  	_ =	swait.ge [sflag:s28], $0x80  }
0x82: {  	[sflag:s28] =	ssyncset.done $0x0  }
0x83: {  	[sflag:s28] =	ssyncadd.s32 $0xFFFFFF80  }
0x84: {  	[spmem:s1] =	stream.indirect.scatter.add.f32 [tilespmem:s23], [sflag:$0x7], $0x80, s19, s17, $0xb8;
	[tilespmem:$0x1C700] =	vst v63  }
0x85: {  	_ =	swait.ge [sflag:s16], $0x4000  }
0x86: {  	[sflag:s16] =	ssyncset.done $0x0  }
0x87: {  	s7 =	rddreg [dreg:$0x4];
	[sflag:s16] =	ssyncadd.s32 $0xFFFFC000  }
0x88: {  	[tilespmem:s29], [sflag:$0x7] =	stream.linear.gather [hbm4b:s7+s3], $0x10, $0x38;
	[tilespmem:$0x1C700] =	vst v63  }
0x89: {  	_ =	swait.ge [sflag:s16], $0x10  }
0x8a: {  	[sflag:s16] =	ssyncset.done $0x0  }
0x8b: {  	s8 =	rddreg [dreg:$0x5];
	[sflag:s16] =	ssyncadd.s32 $0xFFFFFFF0  }
0x8c: {  	[tilespmem:s30], [sflag:$0x7] =	stream.linear.gather [hbm4b:s8+s3], $0x10, $0x38;
	[tilespmem:$0x1C700] =	vst v63  }
0x8d: {  	_ =	swait.ge [sflag:s16], $0x10  }
0x8e: {  	[sflag:s16] =	ssyncset.done $0x0  }
0x8f: {  	[sflag:s16] =	ssyncadd.s32 $0xFFFFFFF0  }
0x90: {  	[tilespmem:s0], [sflag:$0x1] =	stream.indirect.gather [hbm4b:s4+s31], $0x80, s29, s31, $0xb8;
	[tilespmem:$0x1C700] =	vst v63  }
0x91: {  	_ =	swait.ge [sflag:s24], $0x800  }
0x92: {  	[sflag:s24] =	ssyncset.done $0x0  }
0x93: {  	[sflag:s24] =	ssyncadd.s32 $0xFFFFF800  }
0x94: {  	[spmem:s1] =	stream.indirect.scatter.add.f32 [tilespmem:s0], [sflag:$0x7], $0x80, s30, s31, $0xb8;
	[tilespmem:$0x1C700] =	vst v63  }
0x95: {  	_ =	swait.ge [sflag:s16], $0x800  }
0x96: {  	[sflag:s16] =	ssyncset.done $0x0  }
0x97: {  	[sflag:s16] =	ssyncadd.s32 $0xFFFFF800  }
0x98: {  	[bflag:$0x0] =	sbarrier.arrive $0xFFFF  }
0x99: {  	s9 =	rddreg [dreg:$0x6]  }
0x9a: {  	[hbm:s9], [sflag:s6] =	dma.local [spmem:s15], $0x2780  }
0x9b: {  	_ =	swait.ge [sflag:s16], $0x2780  }
0x9c: {  	s2 =	sadd.s32 $0x1, s2;
	s10 =	rddreg [dreg:$0x7]  }
0x9d: {  	p0 =	sne.s32 s2, s10  }
.Ltmp1:
0x9e: {  	_ = 	snop;
	(pc) =	sbr.rel @p0 .LBB2_1-.Ltmp1, $3  }
0x9f: {  	_ =	sdelay $0x1  }
0xa0: {  	[sflag:s16] =	ssyncset.done $0x0  }
0xa1: {  	[sflag:s16] =	ssyncadd.s32 $0xFFFFD880  }
0xa2: {  	_ =	sfence.sel $0x180000  }
0xa3: {  	[bflag:$0x0] =	sbarrier.arrive $0xFFFF  }
0xa4: {  	_ =	strace $0x90000050  }
0xa5: {  	s0 =	stileid.u32;
	[bflag:$0x2] =	sbarrier.arrive $0xFFFF  }
0xa6: {  	p0 =	sne.s32 s0, $0x0;
	s0 =	rddreg [dreg:$0x2]  }
0xa7: {  	s0 =	sadd.s32 @!p0 $0x100000, s0  }
0xa8: {  	[sflag:s0] =	ssyncadd.tile.s32 @!p0 $0x1;
	_ =	shalt  }
.Lfunc_end2:
_tile_overlayer_lowered:
.L_overlay_start_2:
0xa9: {  	(tag) =	ssettag $0x2  }
0xaa: {  	s0 =	rddreg [dreg:$0x0];
	s2 =	stileid.u32  }
0xab: {  	s1 =	rddreg [dreg:$0x1];
	p0 =	sne.s32 s2, $0x0  }
0xac: {  	s3 =	rddreg [dreg:$0x2];
	[bflag:$0x3] =	sbarrier.arrive $0xFFFF;
	s2 =	simm.s32 @!p0 $0x1C07  }
0xad: {  	[timem:s3], [sflag:s2] =	dma.local @!p0 [hbm:s0], s1  }
0xae: {  	s0 =	simm.s32 @!p0 $0x7  }
0xaf: {  	_ =	swait.ge @!p0 [sflag:s0], s1  }
0xb0: {  	s1 =	ssub.s32 @!p0 $0x0, s1;
	[sflag:s0] =	ssyncset.done @!p0 $0x0  }
0xb1: {  	[sflag:s0] =	ssyncadd.s32 @!p0 s1  }
0xb2: {  	[bflag:$0x3] =	sbarrier.arrive $0xFFFF  }
0xb3: {  	_ =	shalt  }

// kernel: kernel.40.cloned.1.call-start
scs
__scs_entry_jumppad:
0x0: {  	(pc) =	sbr.rel $0x88, $3  }
0x1: {  	(tag) =	ssettag $0x0;
	lr =	simm.s32 $0x1  }
0x2: {  	[smem:$0x3F87] =	sst lr;
	_ =	strace $0xD0000000  }
0x3: {  	_ = 	snop  }
0x4: {  	_ = 	snop  }
0x5: {  	_ = 	snop  }
0x6: {  	_ = 	snop  }
0x7: {  	_ = 	snop  }
__scs_overlays_trampoline_lowered:
0x8: {  	[smem:$0x3F96] =	sst s0  }
0x9: {  	[smem:$0x3F97] =	sst s1  }
0xa: {  	[smem:$0x3F98] =	sst s2  }
0xb: {  	[smem:$0x3F99] =	sst s3  }
0xc: {  	[smem:$0x3F9A] =	sst s4  }
0xd: {  	[smem:$0x3F9B] =	sst s5  }
0xe: {  	[smem:$0x3F9C] =	sst s6  }
0xf: {  	[smem:$0x3F9D] =	sst s7  }
0x10: {  	[smem:$0x3F9E] =	sst s8  }
0x11: {  	[smem:$0x3F9F] =	sst s9;
	s0 =	simm.s32 @!p0 $0x0  }
0x12: {  	s1 =	sld [smem:$0x3F85];
	s0 =	simm.s32 @p0 $0x1  }
0x13: {  	[smem:$0x3FA0] =	sst s0;
	s0 =	simm.s32 @!p1 $0x0  }
0x14: {  	s2 =	sld [smem:$0x3F84];
	s0 =	simm.s32 @p1 $0x1  }
0x15: {  	[smem:$0x3FA1] =	sst s0;
	s0 =	simm.s32 @!p2 $0x0  }
0x16: {  	s3 =	sld [smem:$0x3FDB];
	s0 =	simm.s32 @p2 $0x1  }
0x17: {  	s4 =	simm.s32 $0x1BF5;
	[smem:$0x3FA3] =	sst s0  }
0x18: {  	s0 =	sld [smem:$0x3F86];
	_ =	swait.ge [sflag:s4], $0x0  }
0x19: {  	s7 =	sld [smem:$0x3F87]  }
0x1a: {  	s8 =	sadd.s32 $0xFFFFE003, lr  }
0x1b: {  	s9 =	sadd.s32 $0xFFFFFEF7, lr;
	s5 =	simm.s32 $0xFFFFFFFF;
	p2 =	slt.u32 s8, $0xFFFFF086  }
0x1c: {  	p1 =	slt.u32 s9, $0xF7A;
	s5 =	simm.s32 @!p2 $0x0  }
0x1d: {  	s5 =	simm.s32 @p1 $0x1;
	p0 =	seq.s32 s7, s2  }
0x1e: {  	s7 =	smul.u32 @!p0 $0xF7A, s2;
	p2 =	seq.s32 @!p0 s5, $0x0  }
0x1f: {  	s9 =	smul.u32 $0xF7A, s1;
	s8 =	simm.s32 @!p0 $0x1BF5;
	p2 =	por !p2, p0  }
0x20: {  	[sflag:s8] =	ssyncset.s32 @!p0 $0xFFFFF086;
	s6 =	sadd.s32 @!p0 s3, s7;
	s7 =	simm.s32 @!p0 $0x108  }
0x21: {  	s3 =	sadd.s32 s3, s9;
	s6 =	sadd.s32 @!p0 $0x88, s6;
	s7 =	simm.s32 @p2 $0x1082  }
0x22: {  	[simem:s7], [sflag:s8] =	dma.local @!p0 [hbm:s6], $0xF7A  }
0x23: {  	s9 =	sor.u32 $0xD0000000, s2;
	s6 =	simm.s32 $0x108;
	_ =	swait.ge @!p0 [sflag:s8], $0x0  }
0x24: {  	s3 =	sadd.s32 $0x88, s3;
	s6 =	simm.s32 @!p1 $0x1082;
	[sflag:s4] =	ssyncset.s32 $0xFFFFF086  }
0x25: {  	[simem:s6], [sflag:s4] =	dma.local [hbm:s3], $0xF7A  }
0x26: {  	[smem:$0x3F87] =	sst s1;
	(tag) =	ssettag s2;
	_ =	strace s9  }
0x27: {  	s1 =	sld [smem:$0x3F97]  }
0x28: {  	s2 =	sld [smem:$0x3F98]  }
0x29: {  	s4 =	sld [smem:$0x3F9A]  }
0x2a: {  	p0 =	seq.s32 s5, $0x0;
	s5 =	sld [smem:$0x3F9B]  }
0x2b: {  	s6 =	sld [smem:$0x3F9C]  }
0x2c: {  	s7 =	sld [smem:$0x3F9D]  }
0x2d: {  	s3 =	simm.s32 $0x108;
	s8 =	sld [smem:$0x3F9E]  }
0x2e: {  	s3 =	simm.s32 @!p0 $0x1082;
	s9 =	sld [smem:$0x3F9F]  }
0x2f: {  	lr =	sadd.s32 s0, s3;
	s0 =	sld [smem:$0x3F96]  }
0x30: {  	s3 =	sld [smem:$0x3F99]  }
0x31: {  	[smem:$0x3FA2] =	sst s10  }
0x32: {  	s10 =	sld [smem:$0x3FA0];
	_ =	sdelay $0x3  }
0x33: {  	p0 =	seq.s32 s10, $0x1;
	s10 =	sld [smem:$0x3FA2];
	_ =	sdelay $0x3  }
0x34: {  	[smem:$0x3FA2] =	sst s10  }
0x35: {  	s10 =	sld [smem:$0x3FA1];
	_ =	sdelay $0x3  }
0x36: {  	p1 =	seq.s32 s10, $0x1;
	s10 =	sld [smem:$0x3FA2];
	_ =	sdelay $0x3  }
0x37: {  	[smem:$0x3FA2] =	sst s10  }
0x38: {  	s10 =	sld [smem:$0x3FA3]  }
0x39: {  	_ = 	snop;
	(pc) =	sbr.ind lr, $3  }
0x3a: {  	_ = 	snop  }
0x3b: {  	_ = 	snop  }
0x3c: {  	p2 =	seq.s32 s10, $0x1;
	s10 =	sld [smem:$0x3FA2]  }
0x3d: {  	_ =	shalt  }
0x3e: {  	_ =	shalt  }
0x3f: {  	_ =	shalt  }
0x40: {  	_ =	shalt  }
0x41: {  	_ =	shalt  }
0x42: {  	_ =	shalt  }
0x43: {  	_ =	shalt  }
0x44: {  	_ =	shalt  }
0x45: {  	_ =	shalt  }
0x46: {  	_ =	shalt  }
0x47: {  	_ =	shalt  }
0x48: {  	_ =	shalt  }
0x49: {  	_ =	shalt  }
0x4a: {  	_ =	shalt  }
0x4b: {  	_ =	shalt  }
0x4c: {  	_ =	shalt  }
0x4d: {  	_ =	shalt  }
0x4e: {  	_ =	shalt  }
0x4f: {  	_ =	shalt  }
0x50: {  	_ =	shalt  }
0x51: {  	_ =	shalt  }
0x52: {  	_ =	shalt  }
0x53: {  	_ =	shalt  }
0x54: {  	_ =	shalt  }
0x55: {  	_ =	shalt  }
0x56: {  	_ =	shalt  }
0x57: {  	_ =	shalt  }
0x58: {  	_ =	shalt  }
0x59: {  	_ =	shalt  }
0x5a: {  	_ =	shalt  }
0x5b: {  	_ =	shalt  }
0x5c: {  	_ =	shalt  }
0x5d: {  	_ =	shalt  }
0x5e: {  	_ =	shalt  }
0x5f: {  	_ =	shalt  }
0x60: {  	_ =	shalt  }
0x61: {  	_ =	shalt  }
0x62: {  	_ =	shalt  }
0x63: {  	_ =	shalt  }
0x64: {  	_ =	shalt  }
0x65: {  	_ =	shalt  }
0x66: {  	_ =	shalt  }
0x67: {  	_ =	shalt  }
0x68: {  	_ =	shalt  }
0x69: {  	_ =	shalt  }
0x6a: {  	_ =	shalt  }
0x6b: {  	_ =	shalt  }
0x6c: {  	_ =	shalt  }
0x6d: {  	_ =	shalt  }
0x6e: {  	_ =	shalt  }
0x6f: {  	_ =	shalt  }
0x70: {  	_ =	shalt  }
0x71: {  	_ =	shalt  }
0x72: {  	_ =	shalt  }
0x73: {  	_ =	shalt  }
0x74: {  	_ =	shalt  }
0x75: {  	_ =	shalt  }
0x76: {  	_ =	shalt  }
0x77: {  	_ =	shalt  }
0x78: {  	_ =	shalt  }
0x79: {  	_ =	shalt  }
0x7a: {  	_ =	shalt  }
0x7b: {  	_ =	shalt  }
0x7c: {  	_ =	shalt  }
0x7d: {  	_ =	shalt  }
0x7e: {  	_ =	shalt  }
0x7f: {  	_ =	shalt  }
0x80: {  	_ =	shalt  }
0x81: {  	_ =	shalt  }
0x82: {  	_ =	shalt  }
0x83: {  	_ =	shalt  }
0x84: {  	_ =	shalt  }
0x85: {  	_ =	shalt  }
0x86: {  	_ =	shalt  }
0x87: {  	_ =	shalt  }
.Lfunc_end0:
.L_simem_size_0:
called_computation.4_lowered:
.L_overlay_start_0:
0x88: {  	s2 =	sld [smem:$0x3FD9]  }
0x89: {  	s3 =	sld [smem:$0x3FFE];
	_ =	sdelay $0x1  }
0x8a: {  	s1 =	srdreg.scid  }
0x8b: {  	s0 =	sand.u32 $0x1, s1  }
0x8c: {  	s16 =	sshll.u32 s0, $0xA;
	s2 =	sadd.s32 s3, s2  }
0x8d: {  	s2 =	sadd.s32 s2, s16  }
0x8e: {  	[smem:$0x3FAE] =	sst s2  }
0x8f: {  	_ = 	snop  }
0x90: {  	(tm) =	ssettm $0x1  }
0x91: {  	s17 =	sld [smem:$0x3FFB];
	_ =	sdelay $0x3  }
0x92: {  	_ =	strace s17  }
0x93: {  	s2 =	sld [smem:$0x3FFC];
	_ =	sdelay $0x3  }
0x94: {  	_ =	strace s2  }
0x95: {  	s2 =	sld [smem:$0x3FFD];
	_ =	sdelay $0x3  }
0x96: {  	_ =	strace s2  }
0x97: {  	_ =	strace $0x8FFFFFFF  }
0x98: {  	s18 =	sld [smem:$0x3FDB];
	_ =	sdelay $0x1  }
0x99: {  	s19 =	simm.s32 $_scs_section_size  }
0x9a: {  	s4 =	simm.s32 $_size__tile_overlayer_lowered;
	s5 =	simm.s32 $_tile_overlayer_lowered  }
0x9b: {  	s22 =	simm.s32 $0x1BFF;
	s21 =	sshll.u32 s5, $0x1;
	s2 =	sadd.s32 s19, s18  }
0x9c: {  	s6 =	simm.s32 $0x0;
	s20 =	sshll.u32 s4, $0x1;
	s4 =	sadd.s32 s21, s2  }
0x9d: {  	[timem:s6], [sflag:s22] =	dma.local [hbm:s4], s20  }
0x9e: {  	_ =	swait.ge [sflag:s22], s20  }
0x9f: {  	s3 =	ssub.s32 $0x0, s20;
	[sflag:s22] =	ssyncset.done $0x0  }
0xa0: {  	[sflag:s22] =	ssyncadd.s32 s3;
	_ =	sdelay $0x1  }
0xa1: {  	s23 =	simm.s32 $0x1B8B  }
0xa2: {  	_ =	swait.ge [sflag:s23], $0x1  }
0xa3: {  	[sflag:s23] =	ssyncset.done $0x0  }
0xa4: {  	s25 =	simm.s32 $0x1B8E;
	s24 =	sld [smem:$0x3FFE];
	[sflag:s23] =	ssyncadd.s32 $0xFFFFFFFF  }
0xa5: {  	s26 =	simm.s32 $execute0_lowered;
	[smem:$0x3FD2] =	sst s25  }
0xa6: {  	s4 =	sshll.u32 s26, $0x1;
	_ =	strace $0x80000052;
	[dreg:$0x1] =	wrdreg $0xFFFFFFFF  }
0xa7: {  	s28 =	simm.s32 $_size_execute0_lowered;
	s2 =	sadd.s32 s2, s4;
	[dreg:$0x0] =	wrdreg $0x0  }
0xa8: {  	s4 =	sshll.u32 s28, $0x1;
	[dreg:$0x2] =	wrdreg s2  }
0xa9: {  	[dreg:$0x3] =	wrdreg s4  }
0xaa: {  	[dreg:$0x4] =	wrdreg $0xC0  }
0xab: {  	_ =	task [dreg:s6], $0x5FFFF  }
0xac: {  	[dreg:$0x1] =	wrdreg $0xFFFFFFFF  }
0xad: {  	[dreg:$0x0] =	wrdreg $0x60  }
0xae: {  	[dreg:$0x2] =	wrdreg s24  }
0xaf: {  	[dreg:$0x3] =	wrdreg $0x8B000  }
0xb0: {  	[dreg:$0x4] =	wrdreg $0x9  }
0xb1: {  	_ =	task.clear_ibuf [dreg:s6], $0x5FFFF;
	_ =	strace $0x90000052  }
0xb2: {  	s29 =	simm.s32 $0x9;
	_ =	strace $0x80000054  }
0xb3: {  	_ =	swait.ge [sflag:s29], $0x1  }
0xb4: {  	[sflag:s29] =	ssyncadd.s32 $0xFFFFFFFF  }
0xb5: {  	_ =	strace $0x90000054  }
0xb6: {  	_ =	sfence  }
0xb7: {  	s30 =	sld [smem:$0x0];
	_ =	sdelay $0x2  }
0xb8: {  	s31 =	sshll.u32 s1, $0xD;
	s1 =	sshrl.u32 s1, $0x2  }
0xb9: {  	s3 =	sand.u32 $0x4000, s31;
	s1 =	sadd.s32 s1, s30  }
0xba: {  	s0 =	sor.u32 s3, s0;
	s1 =	sshll.u32 s1, $0x11  }
0xbb: {  	s0 =	sor.u32 s1, s0  }
0xbc: {  	s0 =	sadd.s32 $0x8F2B, s0  }
0xbd: {  	[sflag:s0] =	ssyncadd.remote.s32 $0x1  }
0xbe: {  	_ =	sfence.sel $0xFFFF  }
0xbf: {  	[dreg:$0x0] =	wrdreg $0xFFFFFFFF;
	(pc) =	sbr.abs _section_cstart, $3  }
0xc0: {  	[dreg:$0x1] =	wrdreg $0xFFFFFFFF  }
0xc1: {  	_ =	task.clear_ibuf [dreg:s6], $0x2FFFF;
	_ =	strace $0x9FFFFFFF  }
0xc2: {  	(tm) =	ssettm $0x7FFFFFFF  }
0xc3: {  	_ =	shalt  }
tec
execute0_lowered:
.L_overlay_start_1:
0x0: {  	(tag) =	ssettag $0x1  }
0x1: {  	s0 =	rddreg [dreg:$0x0]  }
0x2: {  	s1 =	rddreg [dreg:$0x1];
	s2 =	srdreg.scid;
	s3 =	simm.s32 $0x0  }
0x3: {  	s12 =	stileid.u32;
	s16 =	simm.s32 $0x7;
	s17 =	simm.s32 $0x80  }
0x4: {  	s18 =	simm.s32 $0x100;
	s28 =	simm.s32 $0x6;
	s29 =	simm.s32 $0x8200  }
0x5: {  	s30 =	simm.s32 $0x8280;
	s31 =	simm.s32 $0x10;
	s2 =	sand.u32 $0x1, s2  }
0x6: {  	[smem:$0x7FF] =	sst s3;
	s6 =	smul.u32 $0x13C00, s12;
	s4 =	sadd.s32 $0x1EA00, s0  }
0x7: {  	s7 =	sadd.s32 $0x7E00, s0;
	s8 =	sadd.s32 $0x11C00, s0;
	s10 =	smul.u32 $0x4F000, s12  }
0x8: {  	s19 =	sadd.s32 $0x1C200, s0;
	s23 =	sshll.u32 s12, $0x6;
	s5 =	smul.u32 $0x13C000, s2  }
0x9: {  	_ =	strace $0x80000053;
	[dreg:$0x3] =	wrdreg s19;
	s20 =	sshll.u32 s2, $0x4  }
0xa: {  	s9 =	ssub.s32 $0x2, s2;
	s2 =	smul.u32 $0x27100, s2;
	s19 =	simm.s32 $0x180  }
0xb: {  	s21 =	sshrl.u32 s9, $0x1;
	s22 =	sshrl.u32 s10, $0x2;
	s5 =	sadd.s32 s6, s5  }
0xc: {  	s6 =	sor.u32 s12, s20;
	s12 =	smul.u32 $0x2710, s12;
	s15 =	sadd.s32 s22, s1  }
0xd: {  	s20 =	simm.s32 $0x3;
	s22 =	simm.s32 $0x5;
	s5 =	sshrl.u32 s5, $0x3  }
0xe: {  	s6 =	smul.u32 $0x2710, s6;
	s15 =	sshrl.u32 s15, $0x3;
	s0 =	sadd.s32 s5, s0  }
0xf: {  	s5 =	ssub.s32 s9, s21;
	s2 =	sadd.s32 s12, s2;
	s21 =	simm.s32 $0x200  }
0x10: {  	s11 =	sshrl.u32 s6, $0x3;
	s6 =	sor.u32 $0x1C07, s23;
	s0 =	sadd.s32 $0x45C00, s0  }
0x11: {  	s26 =	sshrl.u32 s2, $0x3;
	s2 =	sadd.s32 $0x80, s2;
	s5 =	smax.u32 s5, $0x1  }
0x12: {  	s23 =	simm.s32 $0x4200;
	s24 =	sadd.s32 $0x4E0, s11;
	[dreg:$0x6] =	wrdreg s0  }
0x13: {  	[dreg:$0x7] =	wrdreg s5;
	s11 =	sadd.s32 s26, s8;
	s2 =	sshrl.u32 s2, $0x3  }
0x14: {  	s12 =	sadd.s32 s26, s7;
	s26 =	simm.s32 $0x2;
	s0 =	simm.s32 $0x8300  }
0x15: {  	s25 =	sadd.s32 s7, s24;
	s9 =	sadd.s32 s8, s24;
	s13 =	sadd.s32 s2, s8  }
0x16: {  	s14 =	sadd.s32 s2, s7;
	s24 =	simm.s32 $0x1;
	[dreg:$0x4] =	wrdreg s25  }
0x17: {  	s2 =	simm.s32 $0x0;
	[dreg:$0x5] =	wrdreg s9;
	s25 =	simm.s32 $0x4  }
.LBB2_1:
0x18: {  	s5 =	rddreg [dreg:$0x3]  }
0x19: {  	[spmem:s15], [sflag:s6] =	dma.local [hbm:s5], $0x2780  }
0x1a: {  	_ =	swait.ge [sflag:s16], $0x2780  }
0x1b: {  	[sflag:s16] =	ssyncset.done $0x0  }
0x1c: {  	[sflag:s16] =	ssyncadd.s32 $0xFFFFD880  }
0x1d: {  	s7 =	sadd.s32 $0x0, s12;
	[bflag:$0x0] =	sbarrier.arrive $0xFFFF  }
0x1e: {  	[tilespmem:s3], [sflag:$0x3] =	stream.linear.gather [hbm4b:s7+s3], $0x80, $0x38;
	[tilespmem:$0x1C700] =	vst v63  }
0x1f: {  	s8 =	sadd.s32 $0x0, s11  }
0x20: {  	[tilespmem:s17], [sflag:$0x4] =	stream.linear.gather [hbm4b:s8+s3], $0x80, $0x38;
	[tilespmem:$0x1C700] =	vst v63  }
0x21: {  	s9 =	sadd.s32 $0x0, s14  }
0x22: {  	[tilespmem:s18], [sflag:$0x5] =	stream.linear.gather [hbm4b:s9+s3], $0x80, $0x38;
	[tilespmem:$0x1C700] =	vst v63  }
0x23: {  	s10 =	sadd.s32 $0x0, s13  }
0x24: {  	[tilespmem:s19], [sflag:$0x6] =	stream.linear.gather [hbm4b:s10+s3], $0x80, $0x38;
	[tilespmem:$0x1C700] =	vst v63  }
0x25: {  	_ =	swait.ge [sflag:s20], $0x80  }
0x26: {  	[sflag:s20] =	ssyncset.done $0x0  }
0x27: {  	[sflag:s20] =	ssyncadd.s32 $0xFFFFFF80  }
0x28: {  	[tilespmem:s21], [sflag:$0x1] =	stream.indirect.gather [hbm4b:s4+s17], $0x80, s3, s17, $0xb8;
	[tilespmem:$0x1C700] =	vst v63  }
0x29: {  	_ =	swait.ge [sflag:s22], $0x80  }
0x2a: {  	[sflag:s22] =	ssyncset.done $0x0  }
0x2b: {  	[sflag:s22] =	ssyncadd.s32 $0xFFFFFF80  }
0x2c: {  	[tilespmem:s23], [sflag:$0x2] =	stream.indirect.gather [hbm4b:s4+s17], $0x80, s18, s17, $0xb8;
	[tilespmem:$0x1C700] =	vst v63  }
0x2d: {  	_ =	swait.ge [sflag:s24], $0x4000  }
0x2e: {  	[sflag:s24] =	ssyncset.done $0x0  }
0x2f: {  	[sflag:s24] =	ssyncadd.s32 $0xFFFFC000  }
0x30: {  	_ =	swait.ge [sflag:s25], $0x80  }
0x31: {  	[sflag:s25] =	ssyncset.done $0x0  }
0x32: {  	[sflag:s25] =	ssyncadd.s32 $0xFFFFFF80  }
0x33: {  	[spmem:s1] =	stream.indirect.scatter.add.f32 [tilespmem:s21], [sflag:$0x7], $0x80, s17, s17, $0xb8;
	[tilespmem:$0x1C700] =	vst v63  }
0x34: {  	_ =	swait.ge [sflag:s16], $0x4000  }
0x35: {  	[sflag:s16] =	ssyncset.done $0x0  }
0x36: {  	[sflag:s16] =	ssyncadd.s32 $0xFFFFC000  }
0x37: {  	_ =	swait.ge [sflag:s26], $0x4000  }
0x38: {  	[sflag:s26] =	ssyncset.done $0x0  }
0x39: {  	[sflag:s26] =	ssyncadd.s32 $0xFFFFC000  }
0x3a: {  	_ =	swait.ge [sflag:s28], $0x80  }
0x3b: {  	[sflag:s28] =	ssyncset.done $0x0  }
0x3c: {  	[sflag:s28] =	ssyncadd.s32 $0xFFFFFF80  }
0x3d: {  	[spmem:s1] =	stream.indirect.scatter.add.f32 [tilespmem:s23], [sflag:$0x7], $0x80, s19, s17, $0xb8;
	[tilespmem:$0x1C700] =	vst v63  }
0x3e: {  	_ =	swait.ge [sflag:s16], $0x4000  }
0x3f: {  	s5 =	simm.s32 $0x20;
	s7 =	simm.s32 $0x40;
	[sflag:s16] =	ssyncset.done $0x0  }
.LBB2_2:
0x40: {  	s9 =	sadd.s32 s5, s12  }
0x41: {  	[sflag:s16] =	ssyncadd.s32 $0xFFFFC000;
	s10 =	smov.u32 s7;
	s8 =	sadd.s32 $0x20, s7  }
0x42: {  	[tilespmem:s3], [sflag:$0x3] =	stream.linear.gather [hbm4b:s9+s3], $0x80, $0x38;
	[tilespmem:$0x1C700] =	vst v63  }
0x43: {  	p0 =	sne.s32 s7, $0x4C0;
	s7 =	sadd.s32 s5, s11  }
0x44: {  	[tilespmem:s17], [sflag:$0x4] =	stream.linear.gather [hbm4b:s7+s3], $0x80, $0x38;
	[tilespmem:$0x1C700] =	vst v63  }
0x45: {  	s7 =	sadd.s32 s5, s14  }
0x46: {  	[tilespmem:s18], [sflag:$0x5] =	stream.linear.gather [hbm4b:s7+s3], $0x80, $0x38;
	[tilespmem:$0x1C700] =	vst v63  }
0x47: {  	s7 =	sadd.s32 s5, s13;
	s5 =	smov.u32 s10  }
0x48: {  	[tilespmem:s19], [sflag:$0x6] =	stream.linear.gather [hbm4b:s7+s3], $0x80, $0x38;
	[tilespmem:$0x1C700] =	vst v63  }
0x49: {  	_ =	swait.ge [sflag:s20], $0x80  }
0x4a: {  	[sflag:s20] =	ssyncset.done $0x0  }
0x4b: {  	[sflag:s20] =	ssyncadd.s32 $0xFFFFFF80  }
0x4c: {  	[tilespmem:s21], [sflag:$0x1] =	stream.indirect.gather [hbm4b:s4+s17], $0x80, s3, s17, $0xb8;
	[tilespmem:$0x1C700] =	vst v63  }
0x4d: {  	_ =	swait.ge [sflag:s22], $0x80  }
0x4e: {  	[sflag:s22] =	ssyncset.done $0x0  }
0x4f: {  	[sflag:s22] =	ssyncadd.s32 $0xFFFFFF80  }
0x50: {  	[tilespmem:s23], [sflag:$0x2] =	stream.indirect.gather [hbm4b:s4+s17], $0x80, s18, s17, $0xb8;
	[tilespmem:$0x1C700] =	vst v63  }
0x51: {  	_ =	swait.ge [sflag:s24], $0x4000  }
0x52: {  	[sflag:s24] =	ssyncset.done $0x0  }
0x53: {  	[sflag:s24] =	ssyncadd.s32 $0xFFFFC000  }
0x54: {  	_ =	swait.ge [sflag:s25], $0x80  }
0x55: {  	[sflag:s25] =	ssyncset.done $0x0  }
0x56: {  	[sflag:s25] =	ssyncadd.s32 $0xFFFFFF80  }
0x57: {  	[spmem:s1] =	stream.indirect.scatter.add.f32 [tilespmem:s21], [sflag:$0x7], $0x80, s17, s17, $0xb8;
	[tilespmem:$0x1C700] =	vst v63  }
0x58: {  	_ =	swait.ge [sflag:s16], $0x4000  }
0x59: {  	[sflag:s16] =	ssyncset.done $0x0  }
0x5a: {  	[sflag:s16] =	ssyncadd.s32 $0xFFFFC000  }
0x5b: {  	_ =	swait.ge [sflag:s26], $0x4000  }
0x5c: {  	[sflag:s26] =	ssyncset.done $0x0  }
0x5d: {  	[sflag:s26] =	ssyncadd.s32 $0xFFFFC000  }
0x5e: {  	_ =	swait.ge [sflag:s28], $0x80  }
.Ltmp0:
0x5f: {  	[sflag:s28] =	ssyncset.done $0x0;
	(pc) =	sbr.rel @p0 .LBB2_2-.Ltmp0, $4  }
0x60: {  	[sflag:s28] =	ssyncadd.s32 $0xFFFFFF80  }
0x61: {  	[spmem:s1] =	stream.indirect.scatter.add.f32 [tilespmem:s23], [sflag:$0x7], $0x80, s19, s17, $0xb8;
	[tilespmem:$0x1C700] =	vst v63  }
0x62: {  	_ =	swait.ge [sflag:s16], $0x4000  }
0x63: {  	s7 =	smov.u32 s8;
	[sflag:s16] =	ssyncset.done $0x0  }
0x64: {  	s7 =	sadd.s32 s5, s12;
	[sflag:s16] =	ssyncadd.s32 $0xFFFFC000  }
0x65: {  	[tilespmem:s3], [sflag:$0x3] =	stream.linear.gather [hbm4b:s7+s3], $0x80, $0x38;
	[tilespmem:$0x1C700] =	vst v63  }
0x66: {  	s8 =	sadd.s32 s5, s11  }
0x67: {  	[tilespmem:s17], [sflag:$0x4] =	stream.linear.gather [hbm4b:s8+s3], $0x80, $0x38;
	[tilespmem:$0x1C700] =	vst v63  }
0x68: {  	s9 =	sadd.s32 s5, s14  }
0x69: {  	[tilespmem:s18], [sflag:$0x5] =	stream.linear.gather [hbm4b:s9+s3], $0x80, $0x38;
	[tilespmem:$0x1C700] =	vst v63  }
0x6a: {  	s10 =	sadd.s32 s5, s13  }
0x6b: {  	[tilespmem:s19], [sflag:$0x6] =	stream.linear.gather [hbm4b:s10+s3], $0x80, $0x38;
	[tilespmem:$0x1C700] =	vst v63  }
0x6c: {  	_ =	swait.ge [sflag:s20], $0x80  }
0x6d: {  	[sflag:s20] =	ssyncset.done $0x0  }
0x6e: {  	[sflag:s20] =	ssyncadd.s32 $0xFFFFFF80  }
0x6f: {  	[tilespmem:s21], [sflag:$0x1] =	stream.indirect.gather [hbm4b:s4+s17], $0x80, s3, s17, $0xb8;
	[tilespmem:$0x1C700] =	vst v63  }
0x70: {  	_ =	swait.ge [sflag:s22], $0x80  }
0x71: {  	[sflag:s22] =	ssyncset.done $0x0  }
0x72: {  	[sflag:s22] =	ssyncadd.s32 $0xFFFFFF80  }
0x73: {  	[tilespmem:s23], [sflag:$0x2] =	stream.indirect.gather [hbm4b:s4+s17], $0x80, s18, s17, $0xb8;
	[tilespmem:$0x1C700] =	vst v63  }
0x74: {  	_ =	swait.ge [sflag:s24], $0x4000  }
0x75: {  	[sflag:s24] =	ssyncset.done $0x0  }
0x76: {  	[sflag:s24] =	ssyncadd.s32 $0xFFFFC000  }
0x77: {  	_ =	swait.ge [sflag:s25], $0x80  }
0x78: {  	[sflag:s25] =	ssyncset.done $0x0  }
0x79: {  	[sflag:s25] =	ssyncadd.s32 $0xFFFFFF80  }
0x7a: {  	[spmem:s1] =	stream.indirect.scatter.add.f32 [tilespmem:s21], [sflag:$0x7], $0x80, s17, s17, $0xb8;
	[tilespmem:$0x1C700] =	vst v63  }
0x7b: {  	_ =	swait.ge [sflag:s16], $0x4000  }
0x7c: {  	[sflag:s16] =	ssyncset.done $0x0  }
0x7d: {  	[sflag:s16] =	ssyncadd.s32 $0xFFFFC000  }
0x7e: {  	_ =	swait.ge [sflag:s26], $0x4000  }
0x7f: {  	[sflag:s26] =	ssyncset.done $0x0  }
0x80: {  	[sflag:s26] =	ssyncadd.s32 $0xFFFFC000  }
0x81: {  	_ =	swait.ge [sflag:s28], $0x80  }
0x82: {  	[sflag:s28] =	ssyncset.done $0x0  }
0x83: {  	[sflag:s28] =	ssyncadd.s32 $0xFFFFFF80  }
0x84: {  	[spmem:s1] =	stream.indirect.scatter.add.f32 [tilespmem:s23], [sflag:$0x7], $0x80, s19, s17, $0xb8;
	[tilespmem:$0x1C700] =	vst v63  }
0x85: {  	_ =	swait.ge [sflag:s16], $0x4000  }
0x86: {  	[sflag:s16] =	ssyncset.done $0x0  }
0x87: {  	s7 =	rddreg [dreg:$0x4];
	[sflag:s16] =	ssyncadd.s32 $0xFFFFC000  }
0x88: {  	[tilespmem:s29], [sflag:$0x7] =	stream.linear.gather [hbm4b:s7+s3], $0x10, $0x38;
	[tilespmem:$0x1C700] =	vst v63  }
0x89: {  	_ =	swait.ge [sflag:s16], $0x10  }
0x8a: {  	[sflag:s16] =	ssyncset.done $0x0  }
0x8b: {  	s8 =	rddreg [dreg:$0x5];
	[sflag:s16] =	ssyncadd.s32 $0xFFFFFFF0  }
0x8c: {  	[tilespmem:s30], [sflag:$0x7] =	stream.linear.gather [hbm4b:s8+s3], $0x10, $0x38;
	[tilespmem:$0x1C700] =	vst v63  }
0x8d: {  	_ =	swait.ge [sflag:s16], $0x10  }
0x8e: {  	[sflag:s16] =	ssyncset.done $0x0  }
0x8f: {  	[sflag:s16] =	ssyncadd.s32 $0xFFFFFFF0  }
0x90: {  	[tilespmem:s0], [sflag:$0x1] =	stream.indirect.gather [hbm4b:s4+s31], $0x80, s29, s31, $0xb8;
	[tilespmem:$0x1C700] =	vst v63  }
0x91: {  	_ =	swait.ge [sflag:s24], $0x800  }
0x92: {  	[sflag:s24] =	ssyncset.done $0x0  }
0x93: {  	[sflag:s24] =	ssyncadd.s32 $0xFFFFF800  }
0x94: {  	[spmem:s1] =	stream.indirect.scatter.add.f32 [tilespmem:s0], [sflag:$0x7], $0x80, s30, s31, $0xb8;
	[tilespmem:$0x1C700] =	vst v63  }
0x95: {  	_ =	swait.ge [sflag:s16], $0x800  }
0x96: {  	[sflag:s16] =	ssyncset.done $0x0  }
0x97: {  	[sflag:s16] =	ssyncadd.s32 $0xFFFFF800  }
0x98: {  	[bflag:$0x0] =	sbarrier.arrive $0xFFFF  }
0x99: {  	s9 =	rddreg [dreg:$0x6]  }
0x9a: {  	[hbm:s9], [sflag:s6] =	dma.local [spmem:s15], $0x2780  }
0x9b: {  	_ =	swait.ge [sflag:s16], $0x2780  }
0x9c: {  	s2 =	sadd.s32 $0x1, s2;
	s10 =	rddreg [dreg:$0x7]  }
0x9d: {  	p0 =	sne.s32 s2, s10  }
.Ltmp1:
0x9e: {  	_ = 	snop;
	(pc) =	sbr.rel @p0 .LBB2_1-.Ltmp1, $3  }
0x9f: {  	_ =	sdelay $0x1  }
0xa0: {  	[sflag:s16] =	ssyncset.done $0x0  }
0xa1: {  	[sflag:s16] =	ssyncadd.s32 $0xFFFFD880  }
0xa2: {  	_ =	sfence.sel $0x180000  }
0xa3: {  	[bflag:$0x0] =	sbarrier.arrive $0xFFFF  }
0xa4: {  	_ =	strace $0x90000053  }
0xa5: {  	s0 =	stileid.u32;
	[bflag:$0x2] =	sbarrier.arrive $0xFFFF  }
0xa6: {  	p0 =	sne.s32 s0, $0x0;
	s0 =	rddreg [dreg:$0x2]  }
0xa7: {  	s0 =	sadd.s32 @!p0 $0x100000, s0  }
0xa8: {  	[sflag:s0] =	ssyncadd.tile.s32 @!p0 $0x1;
	_ =	shalt  }
.Lfunc_end2:
_tile_overlayer_lowered:
.L_overlay_start_2:
0xa9: {  	(tag) =	ssettag $0x2  }
0xaa: {  	s0 =	rddreg [dreg:$0x0];
	s2 =	stileid.u32  }
0xab: {  	s1 =	rddreg [dreg:$0x1];
	p0 =	sne.s32 s2, $0x0  }
0xac: {  	s3 =	rddreg [dreg:$0x2];
	[bflag:$0x3] =	sbarrier.arrive $0xFFFF;
	s2 =	simm.s32 @!p0 $0x1C07  }
0xad: {  	[timem:s3], [sflag:s2] =	dma.local @!p0 [hbm:s0], s1  }
0xae: {  	s0 =	simm.s32 @!p0 $0x7  }
0xaf: {  	_ =	swait.ge @!p0 [sflag:s0], s1  }
0xb0: {  	s1 =	ssub.s32 @!p0 $0x0, s1;
	[sflag:s0] =	ssyncset.done @!p0 $0x0  }
0xb1: {  	[sflag:s0] =	ssyncadd.s32 @!p0 s1  }
0xb2: {  	[bflag:$0x3] =	sbarrier.arrive $0xFFFF  }
0xb3: {  	_ =	shalt  }

// kernel: kernel.43.cloned.1.call-start
scs
__scs_entry_jumppad:
0x0: {  	(pc) =	sbr.rel $0x88, $3  }
0x1: {  	(tag) =	ssettag $0x0;
	lr =	simm.s32 $0x1  }
0x2: {  	[smem:$0x3F87] =	sst lr;
	_ =	strace $0xD0000000  }
0x3: {  	_ = 	snop  }
0x4: {  	_ = 	snop  }
0x5: {  	_ = 	snop  }
0x6: {  	_ = 	snop  }
0x7: {  	_ = 	snop  }
__scs_overlays_trampoline_lowered:
0x8: {  	[smem:$0x3F96] =	sst s0  }
0x9: {  	[smem:$0x3F97] =	sst s1  }
0xa: {  	[smem:$0x3F98] =	sst s2  }
0xb: {  	[smem:$0x3F99] =	sst s3  }
0xc: {  	[smem:$0x3F9A] =	sst s4  }
0xd: {  	[smem:$0x3F9B] =	sst s5  }
0xe: {  	[smem:$0x3F9C] =	sst s6  }
0xf: {  	[smem:$0x3F9D] =	sst s7  }
0x10: {  	[smem:$0x3F9E] =	sst s8  }
0x11: {  	[smem:$0x3F9F] =	sst s9;
	s0 =	simm.s32 @!p0 $0x0  }
0x12: {  	s1 =	sld [smem:$0x3F85];
	s0 =	simm.s32 @p0 $0x1  }
0x13: {  	[smem:$0x3FA0] =	sst s0;
	s0 =	simm.s32 @!p1 $0x0  }
0x14: {  	s2 =	sld [smem:$0x3F84];
	s0 =	simm.s32 @p1 $0x1  }
0x15: {  	[smem:$0x3FA1] =	sst s0;
	s0 =	simm.s32 @!p2 $0x0  }
0x16: {  	s3 =	sld [smem:$0x3FDB];
	s0 =	simm.s32 @p2 $0x1  }
0x17: {  	s4 =	simm.s32 $0x1BF5;
	[smem:$0x3FA3] =	sst s0  }
0x18: {  	s0 =	sld [smem:$0x3F86];
	_ =	swait.ge [sflag:s4], $0x0  }
0x19: {  	s7 =	sld [smem:$0x3F87]  }
0x1a: {  	s8 =	sadd.s32 $0xFFFFE003, lr  }
0x1b: {  	s9 =	sadd.s32 $0xFFFFFEF7, lr;
	s5 =	simm.s32 $0xFFFFFFFF;
	p2 =	slt.u32 s8, $0xFFFFF086  }
0x1c: {  	p1 =	slt.u32 s9, $0xF7A;
	s5 =	simm.s32 @!p2 $0x0  }
0x1d: {  	s5 =	simm.s32 @p1 $0x1;
	p0 =	seq.s32 s7, s2  }
0x1e: {  	s7 =	smul.u32 @!p0 $0xF7A, s2;
	p2 =	seq.s32 @!p0 s5, $0x0  }
0x1f: {  	s9 =	smul.u32 $0xF7A, s1;
	s8 =	simm.s32 @!p0 $0x1BF5;
	p2 =	por !p2, p0  }
0x20: {  	[sflag:s8] =	ssyncset.s32 @!p0 $0xFFFFF086;
	s6 =	sadd.s32 @!p0 s3, s7;
	s7 =	simm.s32 @!p0 $0x108  }
0x21: {  	s3 =	sadd.s32 s3, s9;
	s6 =	sadd.s32 @!p0 $0x88, s6;
	s7 =	simm.s32 @p2 $0x1082  }
0x22: {  	[simem:s7], [sflag:s8] =	dma.local @!p0 [hbm:s6], $0xF7A  }
0x23: {  	s9 =	sor.u32 $0xD0000000, s2;
	s6 =	simm.s32 $0x108;
	_ =	swait.ge @!p0 [sflag:s8], $0x0  }
0x24: {  	s3 =	sadd.s32 $0x88, s3;
	s6 =	simm.s32 @!p1 $0x1082;
	[sflag:s4] =	ssyncset.s32 $0xFFFFF086  }
0x25: {  	[simem:s6], [sflag:s4] =	dma.local [hbm:s3], $0xF7A  }
0x26: {  	[smem:$0x3F87] =	sst s1;
	(tag) =	ssettag s2;
	_ =	strace s9  }
0x27: {  	s1 =	sld [smem:$0x3F97]  }
0x28: {  	s2 =	sld [smem:$0x3F98]  }
0x29: {  	s4 =	sld [smem:$0x3F9A]  }
0x2a: {  	p0 =	seq.s32 s5, $0x0;
	s5 =	sld [smem:$0x3F9B]  }
0x2b: {  	s6 =	sld [smem:$0x3F9C]  }
0x2c: {  	s7 =	sld [smem:$0x3F9D]  }
0x2d: {  	s3 =	simm.s32 $0x108;
	s8 =	sld [smem:$0x3F9E]  }
0x2e: {  	s3 =	simm.s32 @!p0 $0x1082;
	s9 =	sld [smem:$0x3F9F]  }
0x2f: {  	lr =	sadd.s32 s0, s3;
	s0 =	sld [smem:$0x3F96]  }
0x30: {  	s3 =	sld [smem:$0x3F99]  }
0x31: {  	[smem:$0x3FA2] =	sst s10  }
0x32: {  	s10 =	sld [smem:$0x3FA0];
	_ =	sdelay $0x3  }
0x33: {  	p0 =	seq.s32 s10, $0x1;
	s10 =	sld [smem:$0x3FA2];
	_ =	sdelay $0x3  }
0x34: {  	[smem:$0x3FA2] =	sst s10  }
0x35: {  	s10 =	sld [smem:$0x3FA1];
	_ =	sdelay $0x3  }
0x36: {  	p1 =	seq.s32 s10, $0x1;
	s10 =	sld [smem:$0x3FA2];
	_ =	sdelay $0x3  }
0x37: {  	[smem:$0x3FA2] =	sst s10  }
0x38: {  	s10 =	sld [smem:$0x3FA3]  }
0x39: {  	_ = 	snop;
	(pc) =	sbr.ind lr, $3  }
0x3a: {  	_ = 	snop  }
0x3b: {  	_ = 	snop  }
0x3c: {  	p2 =	seq.s32 s10, $0x1;
	s10 =	sld [smem:$0x3FA2]  }
0x3d: {  	_ =	shalt  }
0x3e: {  	_ =	shalt  }
0x3f: {  	_ =	shalt  }
0x40: {  	_ =	shalt  }
0x41: {  	_ =	shalt  }
0x42: {  	_ =	shalt  }
0x43: {  	_ =	shalt  }
0x44: {  	_ =	shalt  }
0x45: {  	_ =	shalt  }
0x46: {  	_ =	shalt  }
0x47: {  	_ =	shalt  }
0x48: {  	_ =	shalt  }
0x49: {  	_ =	shalt  }
0x4a: {  	_ =	shalt  }
0x4b: {  	_ =	shalt  }
0x4c: {  	_ =	shalt  }
0x4d: {  	_ =	shalt  }
0x4e: {  	_ =	shalt  }
0x4f: {  	_ =	shalt  }
0x50: {  	_ =	shalt  }
0x51: {  	_ =	shalt  }
0x52: {  	_ =	shalt  }
0x53: {  	_ =	shalt  }
0x54: {  	_ =	shalt  }
0x55: {  	_ =	shalt  }
0x56: {  	_ =	shalt  }
0x57: {  	_ =	shalt  }
0x58: {  	_ =	shalt  }
0x59: {  	_ =	shalt  }
0x5a: {  	_ =	shalt  }
0x5b: {  	_ =	shalt  }
0x5c: {  	_ =	shalt  }
0x5d: {  	_ =	shalt  }
0x5e: {  	_ =	shalt  }
0x5f: {  	_ =	shalt  }
0x60: {  	_ =	shalt  }
0x61: {  	_ =	shalt  }
0x62: {  	_ =	shalt  }
0x63: {  	_ =	shalt  }
0x64: {  	_ =	shalt  }
0x65: {  	_ =	shalt  }
0x66: {  	_ =	shalt  }
0x67: {  	_ =	shalt  }
0x68: {  	_ =	shalt  }
0x69: {  	_ =	shalt  }
0x6a: {  	_ =	shalt  }
0x6b: {  	_ =	shalt  }
0x6c: {  	_ =	shalt  }
0x6d: {  	_ =	shalt  }
0x6e: {  	_ =	shalt  }
0x6f: {  	_ =	shalt  }
0x70: {  	_ =	shalt  }
0x71: {  	_ =	shalt  }
0x72: {  	_ =	shalt  }
0x73: {  	_ =	shalt  }
0x74: {  	_ =	shalt  }
0x75: {  	_ =	shalt  }
0x76: {  	_ =	shalt  }
0x77: {  	_ =	shalt  }
0x78: {  	_ =	shalt  }
0x79: {  	_ =	shalt  }
0x7a: {  	_ =	shalt  }
0x7b: {  	_ =	shalt  }
0x7c: {  	_ =	shalt  }
0x7d: {  	_ =	shalt  }
0x7e: {  	_ =	shalt  }
0x7f: {  	_ =	shalt  }
0x80: {  	_ =	shalt  }
0x81: {  	_ =	shalt  }
0x82: {  	_ =	shalt  }
0x83: {  	_ =	shalt  }
0x84: {  	_ =	shalt  }
0x85: {  	_ =	shalt  }
0x86: {  	_ =	shalt  }
0x87: {  	_ =	shalt  }
.Lfunc_end0:
.L_simem_size_0:
called_computation.5_lowered:
.L_overlay_start_0:
0x88: {  	s2 =	sld [smem:$0x3FD9]  }
0x89: {  	s3 =	sld [smem:$0x3FFE];
	_ =	sdelay $0x1  }
0x8a: {  	s1 =	srdreg.scid  }
0x8b: {  	s0 =	sand.u32 $0x1, s1  }
0x8c: {  	s16 =	sshll.u32 s0, $0xA;
	s2 =	sadd.s32 s3, s2  }
0x8d: {  	s2 =	sadd.s32 s2, s16  }
0x8e: {  	[smem:$0x3FAE] =	sst s2  }
0x8f: {  	_ = 	snop  }
0x90: {  	(tm) =	ssettm $0x1  }
0x91: {  	s17 =	sld [smem:$0x3FFB];
	_ =	sdelay $0x3  }
0x92: {  	_ =	strace s17  }
0x93: {  	s2 =	sld [smem:$0x3FFC];
	_ =	sdelay $0x3  }
0x94: {  	_ =	strace s2  }
0x95: {  	s2 =	sld [smem:$0x3FFD];
	_ =	sdelay $0x3  }
0x96: {  	_ =	strace s2  }
0x97: {  	_ =	strace $0x8FFFFFFF  }
0x98: {  	s18 =	sld [smem:$0x3FDB];
	_ =	sdelay $0x1  }
0x99: {  	s19 =	simm.s32 $_scs_section_size  }
0x9a: {  	s4 =	simm.s32 $_size__tile_overlayer_lowered;
	s5 =	simm.s32 $_tile_overlayer_lowered  }
0x9b: {  	s22 =	simm.s32 $0x1BFF;
	s21 =	sshll.u32 s5, $0x1;
	s2 =	sadd.s32 s19, s18  }
0x9c: {  	s6 =	simm.s32 $0x0;
	s20 =	sshll.u32 s4, $0x1;
	s4 =	sadd.s32 s21, s2  }
0x9d: {  	[timem:s6], [sflag:s22] =	dma.local [hbm:s4], s20  }
0x9e: {  	_ =	swait.ge [sflag:s22], s20  }
0x9f: {  	s3 =	ssub.s32 $0x0, s20;
	[sflag:s22] =	ssyncset.done $0x0  }
0xa0: {  	[sflag:s22] =	ssyncadd.s32 s3;
	_ =	sdelay $0x1  }
0xa1: {  	s23 =	simm.s32 $0x1B8B  }
0xa2: {  	_ =	swait.ge [sflag:s23], $0x1  }
0xa3: {  	[sflag:s23] =	ssyncset.done $0x0  }
0xa4: {  	s25 =	simm.s32 $0x1B8E;
	s24 =	sld [smem:$0x3FFE];
	[sflag:s23] =	ssyncadd.s32 $0xFFFFFFFF  }
0xa5: {  	s26 =	simm.s32 $execute0_lowered;
	[smem:$0x3FD2] =	sst s25  }
0xa6: {  	s4 =	sshll.u32 s26, $0x1;
	_ =	strace $0x80000055;
	[dreg:$0x1] =	wrdreg $0xFFFFFFFF  }
0xa7: {  	s28 =	simm.s32 $_size_execute0_lowered;
	s2 =	sadd.s32 s2, s4;
	[dreg:$0x0] =	wrdreg $0x0  }
0xa8: {  	s4 =	sshll.u32 s28, $0x1;
	[dreg:$0x2] =	wrdreg s2  }
0xa9: {  	[dreg:$0x3] =	wrdreg s4  }
0xaa: {  	[dreg:$0x4] =	wrdreg $0xC0  }
0xab: {  	_ =	task [dreg:s6], $0x5FFFF  }
0xac: {  	[dreg:$0x1] =	wrdreg $0xFFFFFFFF  }
0xad: {  	[dreg:$0x0] =	wrdreg $0x60  }
0xae: {  	[dreg:$0x2] =	wrdreg s24  }
0xaf: {  	[dreg:$0x3] =	wrdreg $0x8B000  }
0xb0: {  	[dreg:$0x4] =	wrdreg $0x9  }
0xb1: {  	_ =	task.clear_ibuf [dreg:s6], $0x5FFFF;
	_ =	strace $0x90000055  }
0xb2: {  	s29 =	simm.s32 $0x9;
	_ =	strace $0x80000057  }
0xb3: {  	_ =	swait.ge [sflag:s29], $0x1  }
0xb4: {  	[sflag:s29] =	ssyncadd.s32 $0xFFFFFFFF  }
0xb5: {  	_ =	strace $0x90000057  }
0xb6: {  	_ =	sfence  }
0xb7: {  	s30 =	sld [smem:$0x0];
	_ =	sdelay $0x2  }
0xb8: {  	s31 =	sshll.u32 s1, $0xD;
	s1 =	sshrl.u32 s1, $0x2  }
0xb9: {  	s3 =	sand.u32 $0x4000, s31;
	s1 =	sadd.s32 s1, s30  }
0xba: {  	s0 =	sor.u32 s3, s0;
	s1 =	sshll.u32 s1, $0x11  }
0xbb: {  	s0 =	sor.u32 s1, s0  }
0xbc: {  	s0 =	sadd.s32 $0x8F2B, s0  }
0xbd: {  	[sflag:s0] =	ssyncadd.remote.s32 $0x1  }
0xbe: {  	_ =	sfence.sel $0xFFFF  }
0xbf: {  	[dreg:$0x0] =	wrdreg $0xFFFFFFFF;
	(pc) =	sbr.abs _section_cstart, $3  }
0xc0: {  	[dreg:$0x1] =	wrdreg $0xFFFFFFFF  }
0xc1: {  	_ =	task.clear_ibuf [dreg:s6], $0x2FFFF;
	_ =	strace $0x9FFFFFFF  }
0xc2: {  	(tm) =	ssettm $0x7FFFFFFF  }
0xc3: {  	_ =	shalt  }
tec
execute0_lowered:
.L_overlay_start_1:
0x0: {  	(tag) =	ssettag $0x1  }
0x1: {  	s0 =	rddreg [dreg:$0x0]  }
0x2: {  	s1 =	rddreg [dreg:$0x1];
	s2 =	srdreg.scid;
	s3 =	simm.s32 $0x0  }
0x3: {  	s12 =	stileid.u32;
	s16 =	simm.s32 $0x7;
	s17 =	simm.s32 $0x80  }
0x4: {  	s18 =	simm.s32 $0x100;
	s28 =	simm.s32 $0x6;
	s29 =	simm.s32 $0x8200  }
0x5: {  	s30 =	simm.s32 $0x8280;
	s31 =	simm.s32 $0x10;
	s2 =	sand.u32 $0x1, s2  }
0x6: {  	[smem:$0x7FF] =	sst s3;
	s6 =	smul.u32 $0x13C00, s12;
	s4 =	sadd.s32 $0x94C00, s0  }
0x7: {  	s7 =	sadd.s32 $0x7E00, s0;
	s8 =	sadd.s32 $0x11C00, s0;
	s10 =	smul.u32 $0x4F000, s12  }
0x8: {  	s19 =	sadd.s32 $0x1C200, s0;
	s23 =	sshll.u32 s12, $0x6;
	s5 =	smul.u32 $0x13C000, s2  }
0x9: {  	_ =	strace $0x80000056;
	[dreg:$0x3] =	wrdreg s19;
	s20 =	sshll.u32 s2, $0x4  }
0xa: {  	s9 =	ssub.s32 $0x2, s2;
	s2 =	smul.u32 $0x27100, s2;
	s19 =	simm.s32 $0x180  }
0xb: {  	s21 =	sshrl.u32 s9, $0x1;
	s22 =	sshrl.u32 s10, $0x2;
	s5 =	sadd.s32 s6, s5  }
0xc: {  	s6 =	sor.u32 s12, s20;
	s12 =	smul.u32 $0x2710, s12;
	s15 =	sadd.s32 s22, s1  }
0xd: {  	s20 =	simm.s32 $0x3;
	s22 =	simm.s32 $0x5;
	s5 =	sshrl.u32 s5, $0x3  }
0xe: {  	s6 =	smul.u32 $0x2710, s6;
	s15 =	sshrl.u32 s15, $0x3;
	s0 =	sadd.s32 s5, s0  }
0xf: {  	s5 =	ssub.s32 s9, s21;
	s2 =	sadd.s32 s12, s2;
	s21 =	simm.s32 $0x200  }
0x10: {  	s11 =	sshrl.u32 s6, $0x3;
	s6 =	sor.u32 $0x1C07, s23;
	s0 =	sadd.s32 $0xBC400, s0  }
0x11: {  	s26 =	sshrl.u32 s2, $0x3;
	s2 =	sadd.s32 $0x80, s2;
	s5 =	smax.u32 s5, $0x1  }
0x12: {  	s23 =	simm.s32 $0x4200;
	s24 =	sadd.s32 $0x4E0, s11;
	[dreg:$0x6] =	wrdreg s0  }
0x13: {  	[dreg:$0x7] =	wrdreg s5;
	s11 =	sadd.s32 s26, s8;
	s2 =	sshrl.u32 s2, $0x3  }
0x14: {  	s12 =	sadd.s32 s26, s7;
	s26 =	simm.s32 $0x2;
	s0 =	simm.s32 $0x8300  }
0x15: {  	s25 =	sadd.s32 s7, s24;
	s9 =	sadd.s32 s8, s24;
	s13 =	sadd.s32 s2, s8  }
0x16: {  	s14 =	sadd.s32 s2, s7;
	s24 =	simm.s32 $0x1;
	[dreg:$0x4] =	wrdreg s25  }
0x17: {  	s2 =	simm.s32 $0x0;
	[dreg:$0x5] =	wrdreg s9;
	s25 =	simm.s32 $0x4  }
.LBB2_1:
0x18: {  	s5 =	rddreg [dreg:$0x3]  }
0x19: {  	[spmem:s15], [sflag:s6] =	dma.local [hbm:s5], $0x2780  }
0x1a: {  	_ =	swait.ge [sflag:s16], $0x2780  }
0x1b: {  	[sflag:s16] =	ssyncset.done $0x0  }
0x1c: {  	[sflag:s16] =	ssyncadd.s32 $0xFFFFD880  }
0x1d: {  	s7 =	sadd.s32 $0x0, s12;
	[bflag:$0x0] =	sbarrier.arrive $0xFFFF  }
0x1e: {  	[tilespmem:s3], [sflag:$0x3] =	stream.linear.gather [hbm4b:s7+s3], $0x80, $0x38;
	[tilespmem:$0x1C700] =	vst v63  }
0x1f: {  	s8 =	sadd.s32 $0x0, s11  }
0x20: {  	[tilespmem:s17], [sflag:$0x4] =	stream.linear.gather [hbm4b:s8+s3], $0x80, $0x38;
	[tilespmem:$0x1C700] =	vst v63  }
0x21: {  	s9 =	sadd.s32 $0x0, s14  }
0x22: {  	[tilespmem:s18], [sflag:$0x5] =	stream.linear.gather [hbm4b:s9+s3], $0x80, $0x38;
	[tilespmem:$0x1C700] =	vst v63  }
0x23: {  	s10 =	sadd.s32 $0x0, s13  }
0x24: {  	[tilespmem:s19], [sflag:$0x6] =	stream.linear.gather [hbm4b:s10+s3], $0x80, $0x38;
	[tilespmem:$0x1C700] =	vst v63  }
0x25: {  	_ =	swait.ge [sflag:s20], $0x80  }
0x26: {  	[sflag:s20] =	ssyncset.done $0x0  }
0x27: {  	[sflag:s20] =	ssyncadd.s32 $0xFFFFFF80  }
0x28: {  	[tilespmem:s21], [sflag:$0x1] =	stream.indirect.gather [hbm4b:s4+s17], $0x80, s3, s17, $0xb8;
	[tilespmem:$0x1C700] =	vst v63  }
0x29: {  	_ =	swait.ge [sflag:s22], $0x80  }
0x2a: {  	[sflag:s22] =	ssyncset.done $0x0  }
0x2b: {  	[sflag:s22] =	ssyncadd.s32 $0xFFFFFF80  }
0x2c: {  	[tilespmem:s23], [sflag:$0x2] =	stream.indirect.gather [hbm4b:s4+s17], $0x80, s18, s17, $0xb8;
	[tilespmem:$0x1C700] =	vst v63  }
0x2d: {  	_ =	swait.ge [sflag:s24], $0x4000  }
0x2e: {  	[sflag:s24] =	ssyncset.done $0x0  }
0x2f: {  	[sflag:s24] =	ssyncadd.s32 $0xFFFFC000  }
0x30: {  	_ =	swait.ge [sflag:s25], $0x80  }
0x31: {  	[sflag:s25] =	ssyncset.done $0x0  }
0x32: {  	[sflag:s25] =	ssyncadd.s32 $0xFFFFFF80  }
0x33: {  	[spmem:s1] =	stream.indirect.scatter.add.f32 [tilespmem:s21], [sflag:$0x7], $0x80, s17, s17, $0xb8;
	[tilespmem:$0x1C700] =	vst v63  }
0x34: {  	_ =	swait.ge [sflag:s16], $0x4000  }
0x35: {  	[sflag:s16] =	ssyncset.done $0x0  }
0x36: {  	[sflag:s16] =	ssyncadd.s32 $0xFFFFC000  }
0x37: {  	_ =	swait.ge [sflag:s26], $0x4000  }
0x38: {  	[sflag:s26] =	ssyncset.done $0x0  }
0x39: {  	[sflag:s26] =	ssyncadd.s32 $0xFFFFC000  }
0x3a: {  	_ =	swait.ge [sflag:s28], $0x80  }
0x3b: {  	[sflag:s28] =	ssyncset.done $0x0  }
0x3c: {  	[sflag:s28] =	ssyncadd.s32 $0xFFFFFF80  }
0x3d: {  	[spmem:s1] =	stream.indirect.scatter.add.f32 [tilespmem:s23], [sflag:$0x7], $0x80, s19, s17, $0xb8;
	[tilespmem:$0x1C700] =	vst v63  }
0x3e: {  	_ =	swait.ge [sflag:s16], $0x4000  }
0x3f: {  	s5 =	simm.s32 $0x20;
	s7 =	simm.s32 $0x40;
	[sflag:s16] =	ssyncset.done $0x0  }
.LBB2_2:
0x40: {  	s9 =	sadd.s32 s5, s12  }
0x41: {  	[sflag:s16] =	ssyncadd.s32 $0xFFFFC000;
	s10 =	smov.u32 s7;
	s8 =	sadd.s32 $0x20, s7  }
0x42: {  	[tilespmem:s3], [sflag:$0x3] =	stream.linear.gather [hbm4b:s9+s3], $0x80, $0x38;
	[tilespmem:$0x1C700] =	vst v63  }
0x43: {  	p0 =	sne.s32 s7, $0x4C0;
	s7 =	sadd.s32 s5, s11  }
0x44: {  	[tilespmem:s17], [sflag:$0x4] =	stream.linear.gather [hbm4b:s7+s3], $0x80, $0x38;
	[tilespmem:$0x1C700] =	vst v63  }
0x45: {  	s7 =	sadd.s32 s5, s14  }
0x46: {  	[tilespmem:s18], [sflag:$0x5] =	stream.linear.gather [hbm4b:s7+s3], $0x80, $0x38;
	[tilespmem:$0x1C700] =	vst v63  }
0x47: {  	s7 =	sadd.s32 s5, s13;
	s5 =	smov.u32 s10  }
0x48: {  	[tilespmem:s19], [sflag:$0x6] =	stream.linear.gather [hbm4b:s7+s3], $0x80, $0x38;
	[tilespmem:$0x1C700] =	vst v63  }
0x49: {  	_ =	swait.ge [sflag:s20], $0x80  }
0x4a: {  	[sflag:s20] =	ssyncset.done $0x0  }
0x4b: {  	[sflag:s20] =	ssyncadd.s32 $0xFFFFFF80  }
0x4c: {  	[tilespmem:s21], [sflag:$0x1] =	stream.indirect.gather [hbm4b:s4+s17], $0x80, s3, s17, $0xb8;
	[tilespmem:$0x1C700] =	vst v63  }
0x4d: {  	_ =	swait.ge [sflag:s22], $0x80  }
0x4e: {  	[sflag:s22] =	ssyncset.done $0x0  }
0x4f: {  	[sflag:s22] =	ssyncadd.s32 $0xFFFFFF80  }
0x50: {  	[tilespmem:s23], [sflag:$0x2] =	stream.indirect.gather [hbm4b:s4+s17], $0x80, s18, s17, $0xb8;
	[tilespmem:$0x1C700] =	vst v63  }
0x51: {  	_ =	swait.ge [sflag:s24], $0x4000  }
0x52: {  	[sflag:s24] =	ssyncset.done $0x0  }
0x53: {  	[sflag:s24] =	ssyncadd.s32 $0xFFFFC000  }
0x54: {  	_ =	swait.ge [sflag:s25], $0x80  }
0x55: {  	[sflag:s25] =	ssyncset.done $0x0  }
0x56: {  	[sflag:s25] =	ssyncadd.s32 $0xFFFFFF80  }
0x57: {  	[spmem:s1] =	stream.indirect.scatter.add.f32 [tilespmem:s21], [sflag:$0x7], $0x80, s17, s17, $0xb8;
	[tilespmem:$0x1C700] =	vst v63  }
0x58: {  	_ =	swait.ge [sflag:s16], $0x4000  }
0x59: {  	[sflag:s16] =	ssyncset.done $0x0  }
0x5a: {  	[sflag:s16] =	ssyncadd.s32 $0xFFFFC000  }
0x5b: {  	_ =	swait.ge [sflag:s26], $0x4000  }
0x5c: {  	[sflag:s26] =	ssyncset.done $0x0  }
0x5d: {  	[sflag:s26] =	ssyncadd.s32 $0xFFFFC000  }
0x5e: {  	_ =	swait.ge [sflag:s28], $0x80  }
.Ltmp0:
0x5f: {  	[sflag:s28] =	ssyncset.done $0x0;
	(pc) =	sbr.rel @p0 .LBB2_2-.Ltmp0, $4  }
0x60: {  	[sflag:s28] =	ssyncadd.s32 $0xFFFFFF80  }
0x61: {  	[spmem:s1] =	stream.indirect.scatter.add.f32 [tilespmem:s23], [sflag:$0x7], $0x80, s19, s17, $0xb8;
	[tilespmem:$0x1C700] =	vst v63  }
0x62: {  	_ =	swait.ge [sflag:s16], $0x4000  }
0x63: {  	s7 =	smov.u32 s8;
	[sflag:s16] =	ssyncset.done $0x0  }
0x64: {  	s7 =	sadd.s32 s5, s12;
	[sflag:s16] =	ssyncadd.s32 $0xFFFFC000  }
0x65: {  	[tilespmem:s3], [sflag:$0x3] =	stream.linear.gather [hbm4b:s7+s3], $0x80, $0x38;
	[tilespmem:$0x1C700] =	vst v63  }
0x66: {  	s8 =	sadd.s32 s5, s11  }
0x67: {  	[tilespmem:s17], [sflag:$0x4] =	stream.linear.gather [hbm4b:s8+s3], $0x80, $0x38;
	[tilespmem:$0x1C700] =	vst v63  }
0x68: {  	s9 =	sadd.s32 s5, s14  }
0x69: {  	[tilespmem:s18], [sflag:$0x5] =	stream.linear.gather [hbm4b:s9+s3], $0x80, $0x38;
	[tilespmem:$0x1C700] =	vst v63  }
0x6a: {  	s10 =	sadd.s32 s5, s13  }
0x6b: {  	[tilespmem:s19], [sflag:$0x6] =	stream.linear.gather [hbm4b:s10+s3], $0x80, $0x38;
	[tilespmem:$0x1C700] =	vst v63  }
0x6c: {  	_ =	swait.ge [sflag:s20], $0x80  }
0x6d: {  	[sflag:s20] =	ssyncset.done $0x0  }
0x6e: {  	[sflag:s20] =	ssyncadd.s32 $0xFFFFFF80  }
0x6f: {  	[tilespmem:s21], [sflag:$0x1] =	stream.indirect.gather [hbm4b:s4+s17], $0x80, s3, s17, $0xb8;
	[tilespmem:$0x1C700] =	vst v63  }
0x70: {  	_ =	swait.ge [sflag:s22], $0x80  }
0x71: {  	[sflag:s22] =	ssyncset.done $0x0  }
0x72: {  	[sflag:s22] =	ssyncadd.s32 $0xFFFFFF80  }
0x73: {  	[tilespmem:s23], [sflag:$0x2] =	stream.indirect.gather [hbm4b:s4+s17], $0x80, s18, s17, $0xb8;
	[tilespmem:$0x1C700] =	vst v63  }
0x74: {  	_ =	swait.ge [sflag:s24], $0x4000  }
0x75: {  	[sflag:s24] =	ssyncset.done $0x0  }
0x76: {  	[sflag:s24] =	ssyncadd.s32 $0xFFFFC000  }
0x77: {  	_ =	swait.ge [sflag:s25], $0x80  }
0x78: {  	[sflag:s25] =	ssyncset.done $0x0  }
0x79: {  	[sflag:s25] =	ssyncadd.s32 $0xFFFFFF80  }
0x7a: {  	[spmem:s1] =	stream.indirect.scatter.add.f32 [tilespmem:s21], [sflag:$0x7], $0x80, s17, s17, $0xb8;
	[tilespmem:$0x1C700] =	vst v63  }
0x7b: {  	_ =	swait.ge [sflag:s16], $0x4000  }
0x7c: {  	[sflag:s16] =	ssyncset.done $0x0  }
0x7d: {  	[sflag:s16] =	ssyncadd.s32 $0xFFFFC000  }
0x7e: {  	_ =	swait.ge [sflag:s26], $0x4000  }
0x7f: {  	[sflag:s26] =	ssyncset.done $0x0  }
0x80: {  	[sflag:s26] =	ssyncadd.s32 $0xFFFFC000  }
0x81: {  	_ =	swait.ge [sflag:s28], $0x80  }
0x82: {  	[sflag:s28] =	ssyncset.done $0x0  }
0x83: {  	[sflag:s28] =	ssyncadd.s32 $0xFFFFFF80  }
0x84: {  	[spmem:s1] =	stream.indirect.scatter.add.f32 [tilespmem:s23], [sflag:$0x7], $0x80, s19, s17, $0xb8;
	[tilespmem:$0x1C700] =	vst v63  }
0x85: {  	_ =	swait.ge [sflag:s16], $0x4000  }
0x86: {  	[sflag:s16] =	ssyncset.done $0x0  }
0x87: {  	s7 =	rddreg [dreg:$0x4];
	[sflag:s16] =	ssyncadd.s32 $0xFFFFC000  }
0x88: {  	[tilespmem:s29], [sflag:$0x7] =	stream.linear.gather [hbm4b:s7+s3], $0x10, $0x38;
	[tilespmem:$0x1C700] =	vst v63  }
0x89: {  	_ =	swait.ge [sflag:s16], $0x10  }
0x8a: {  	[sflag:s16] =	ssyncset.done $0x0  }
0x8b: {  	s8 =	rddreg [dreg:$0x5];
	[sflag:s16] =	ssyncadd.s32 $0xFFFFFFF0  }
0x8c: {  	[tilespmem:s30], [sflag:$0x7] =	stream.linear.gather [hbm4b:s8+s3], $0x10, $0x38;
	[tilespmem:$0x1C700] =	vst v63  }
0x8d: {  	_ =	swait.ge [sflag:s16], $0x10  }
0x8e: {  	[sflag:s16] =	ssyncset.done $0x0  }
0x8f: {  	[sflag:s16] =	ssyncadd.s32 $0xFFFFFFF0  }
0x90: {  	[tilespmem:s0], [sflag:$0x1] =	stream.indirect.gather [hbm4b:s4+s31], $0x80, s29, s31, $0xb8;
	[tilespmem:$0x1C700] =	vst v63  }
0x91: {  	_ =	swait.ge [sflag:s24], $0x800  }
0x92: {  	[sflag:s24] =	ssyncset.done $0x0  }
0x93: {  	[sflag:s24] =	ssyncadd.s32 $0xFFFFF800  }
0x94: {  	[spmem:s1] =	stream.indirect.scatter.add.f32 [tilespmem:s0], [sflag:$0x7], $0x80, s30, s31, $0xb8;
	[tilespmem:$0x1C700] =	vst v63  }
0x95: {  	_ =	swait.ge [sflag:s16], $0x800  }
0x96: {  	[sflag:s16] =	ssyncset.done $0x0  }
0x97: {  	[sflag:s16] =	ssyncadd.s32 $0xFFFFF800  }
0x98: {  	[bflag:$0x0] =	sbarrier.arrive $0xFFFF  }
0x99: {  	s9 =	rddreg [dreg:$0x6]  }
0x9a: {  	[hbm:s9], [sflag:s6] =	dma.local [spmem:s15], $0x2780  }
0x9b: {  	_ =	swait.ge [sflag:s16], $0x2780  }
0x9c: {  	s2 =	sadd.s32 $0x1, s2;
	s10 =	rddreg [dreg:$0x7]  }
0x9d: {  	p0 =	sne.s32 s2, s10  }
.Ltmp1:
0x9e: {  	_ = 	snop;
	(pc) =	sbr.rel @p0 .LBB2_1-.Ltmp1, $3  }
0x9f: {  	_ =	sdelay $0x1  }
0xa0: {  	[sflag:s16] =	ssyncset.done $0x0  }
0xa1: {  	[sflag:s16] =	ssyncadd.s32 $0xFFFFD880  }
0xa2: {  	_ =	sfence.sel $0x180000  }
0xa3: {  	[bflag:$0x0] =	sbarrier.arrive $0xFFFF  }
0xa4: {  	_ =	strace $0x90000056  }
0xa5: {  	s0 =	stileid.u32;
	[bflag:$0x2] =	sbarrier.arrive $0xFFFF  }
0xa6: {  	p0 =	sne.s32 s0, $0x0;
	s0 =	rddreg [dreg:$0x2]  }
0xa7: {  	s0 =	sadd.s32 @!p0 $0x100000, s0  }
0xa8: {  	[sflag:s0] =	ssyncadd.tile.s32 @!p0 $0x1;
	_ =	shalt  }
.Lfunc_end2:
_tile_overlayer_lowered:
.L_overlay_start_2:
0xa9: {  	(tag) =	ssettag $0x2  }
0xaa: {  	s0 =	rddreg [dreg:$0x0];
	s2 =	stileid.u32  }
0xab: {  	s1 =	rddreg [dreg:$0x1];
	p0 =	sne.s32 s2, $0x0  }
0xac: {  	s3 =	rddreg [dreg:$0x2];
	[bflag:$0x3] =	sbarrier.arrive $0xFFFF;
	s2 =	simm.s32 @!p0 $0x1C07  }
0xad: {  	[timem:s3], [sflag:s2] =	dma.local @!p0 [hbm:s0], s1  }
0xae: {  	s0 =	simm.s32 @!p0 $0x7  }
0xaf: {  	_ =	swait.ge @!p0 [sflag:s0], s1  }
0xb0: {  	s1 =	ssub.s32 @!p0 $0x0, s1;
	[sflag:s0] =	ssyncset.done @!p0 $0x0  }
0xb1: {  	[sflag:s0] =	ssyncadd.s32 @!p0 s1  }
0xb2: {  	[bflag:$0x3] =	sbarrier.arrive $0xFFFF  }
0xb3: {  	_ =	shalt  }

// kernel: kernel.46.cloned.1.call-start
scs
__scs_entry_jumppad:
0x0: {  	(pc) =	sbr.rel $0x88, $3  }
0x1: {  	(tag) =	ssettag $0x0;
	lr =	simm.s32 $0x1  }
0x2: {  	[smem:$0x3F87] =	sst lr;
	_ =	strace $0xD0000000  }
0x3: {  	_ = 	snop  }
0x4: {  	_ = 	snop  }
0x5: {  	_ = 	snop  }
0x6: {  	_ = 	snop  }
0x7: {  	_ = 	snop  }
__scs_overlays_trampoline_lowered:
0x8: {  	[smem:$0x3F96] =	sst s0  }
0x9: {  	[smem:$0x3F97] =	sst s1  }
0xa: {  	[smem:$0x3F98] =	sst s2  }
0xb: {  	[smem:$0x3F99] =	sst s3  }
0xc: {  	[smem:$0x3F9A] =	sst s4  }
0xd: {  	[smem:$0x3F9B] =	sst s5  }
0xe: {  	[smem:$0x3F9C] =	sst s6  }
0xf: {  	[smem:$0x3F9D] =	sst s7  }
0x10: {  	[smem:$0x3F9E] =	sst s8  }
0x11: {  	[smem:$0x3F9F] =	sst s9;
	s0 =	simm.s32 @!p0 $0x0  }
0x12: {  	s1 =	sld [smem:$0x3F85];
	s0 =	simm.s32 @p0 $0x1  }
0x13: {  	[smem:$0x3FA0] =	sst s0;
	s0 =	simm.s32 @!p1 $0x0  }
0x14: {  	s2 =	sld [smem:$0x3F84];
	s0 =	simm.s32 @p1 $0x1  }
0x15: {  	[smem:$0x3FA1] =	sst s0;
	s0 =	simm.s32 @!p2 $0x0  }
0x16: {  	s3 =	sld [smem:$0x3FDB];
	s0 =	simm.s32 @p2 $0x1  }
0x17: {  	s4 =	simm.s32 $0x1BF5;
	[smem:$0x3FA3] =	sst s0  }
0x18: {  	s0 =	sld [smem:$0x3F86];
	_ =	swait.ge [sflag:s4], $0x0  }
0x19: {  	s7 =	sld [smem:$0x3F87]  }
0x1a: {  	s8 =	sadd.s32 $0xFFFFE003, lr  }
0x1b: {  	s9 =	sadd.s32 $0xFFFFFEF7, lr;
	s5 =	simm.s32 $0xFFFFFFFF;
	p2 =	slt.u32 s8, $0xFFFFF086  }
0x1c: {  	p1 =	slt.u32 s9, $0xF7A;
	s5 =	simm.s32 @!p2 $0x0  }
0x1d: {  	s5 =	simm.s32 @p1 $0x1;
	p0 =	seq.s32 s7, s2  }
0x1e: {  	s7 =	smul.u32 @!p0 $0xF7A, s2;
	p2 =	seq.s32 @!p0 s5, $0x0  }
0x1f: {  	s9 =	smul.u32 $0xF7A, s1;
	s8 =	simm.s32 @!p0 $0x1BF5;
	p2 =	por !p2, p0  }
0x20: {  	[sflag:s8] =	ssyncset.s32 @!p0 $0xFFFFF086;
	s6 =	sadd.s32 @!p0 s3, s7;
	s7 =	simm.s32 @!p0 $0x108  }
0x21: {  	s3 =	sadd.s32 s3, s9;
	s6 =	sadd.s32 @!p0 $0x88, s6;
	s7 =	simm.s32 @p2 $0x1082  }
0x22: {  	[simem:s7], [sflag:s8] =	dma.local @!p0 [hbm:s6], $0xF7A  }
0x23: {  	s9 =	sor.u32 $0xD0000000, s2;
	s6 =	simm.s32 $0x108;
	_ =	swait.ge @!p0 [sflag:s8], $0x0  }
0x24: {  	s3 =	sadd.s32 $0x88, s3;
	s6 =	simm.s32 @!p1 $0x1082;
	[sflag:s4] =	ssyncset.s32 $0xFFFFF086  }
0x25: {  	[simem:s6], [sflag:s4] =	dma.local [hbm:s3], $0xF7A  }
0x26: {  	[smem:$0x3F87] =	sst s1;
	(tag) =	ssettag s2;
	_ =	strace s9  }
0x27: {  	s1 =	sld [smem:$0x3F97]  }
0x28: {  	s2 =	sld [smem:$0x3F98]  }
0x29: {  	s4 =	sld [smem:$0x3F9A]  }
0x2a: {  	p0 =	seq.s32 s5, $0x0;
	s5 =	sld [smem:$0x3F9B]  }
0x2b: {  	s6 =	sld [smem:$0x3F9C]  }
0x2c: {  	s7 =	sld [smem:$0x3F9D]  }
0x2d: {  	s3 =	simm.s32 $0x108;
	s8 =	sld [smem:$0x3F9E]  }
0x2e: {  	s3 =	simm.s32 @!p0 $0x1082;
	s9 =	sld [smem:$0x3F9F]  }
0x2f: {  	lr =	sadd.s32 s0, s3;
	s0 =	sld [smem:$0x3F96]  }
0x30: {  	s3 =	sld [smem:$0x3F99]  }
0x31: {  	[smem:$0x3FA2] =	sst s10  }
0x32: {  	s10 =	sld [smem:$0x3FA0];
	_ =	sdelay $0x3  }
0x33: {  	p0 =	seq.s32 s10, $0x1;
	s10 =	sld [smem:$0x3FA2];
	_ =	sdelay $0x3  }
0x34: {  	[smem:$0x3FA2] =	sst s10  }
0x35: {  	s10 =	sld [smem:$0x3FA1];
	_ =	sdelay $0x3  }
0x36: {  	p1 =	seq.s32 s10, $0x1;
	s10 =	sld [smem:$0x3FA2];
	_ =	sdelay $0x3  }
0x37: {  	[smem:$0x3FA2] =	sst s10  }
0x38: {  	s10 =	sld [smem:$0x3FA3]  }
0x39: {  	_ = 	snop;
	(pc) =	sbr.ind lr, $3  }
0x3a: {  	_ = 	snop  }
0x3b: {  	_ = 	snop  }
0x3c: {  	p2 =	seq.s32 s10, $0x1;
	s10 =	sld [smem:$0x3FA2]  }
0x3d: {  	_ =	shalt  }
0x3e: {  	_ =	shalt  }
0x3f: {  	_ =	shalt  }
0x40: {  	_ =	shalt  }
0x41: {  	_ =	shalt  }
0x42: {  	_ =	shalt  }
0x43: {  	_ =	shalt  }
0x44: {  	_ =	shalt  }
0x45: {  	_ =	shalt  }
0x46: {  	_ =	shalt  }
0x47: {  	_ =	shalt  }
0x48: {  	_ =	shalt  }
0x49: {  	_ =	shalt  }
0x4a: {  	_ =	shalt  }
0x4b: {  	_ =	shalt  }
0x4c: {  	_ =	shalt  }
0x4d: {  	_ =	shalt  }
0x4e: {  	_ =	shalt  }
0x4f: {  	_ =	shalt  }
0x50: {  	_ =	shalt  }
0x51: {  	_ =	shalt  }
0x52: {  	_ =	shalt  }
0x53: {  	_ =	shalt  }
0x54: {  	_ =	shalt  }
0x55: {  	_ =	shalt  }
0x56: {  	_ =	shalt  }
0x57: {  	_ =	shalt  }
0x58: {  	_ =	shalt  }
0x59: {  	_ =	shalt  }
0x5a: {  	_ =	shalt  }
0x5b: {  	_ =	shalt  }
0x5c: {  	_ =	shalt  }
0x5d: {  	_ =	shalt  }
0x5e: {  	_ =	shalt  }
0x5f: {  	_ =	shalt  }
0x60: {  	_ =	shalt  }
0x61: {  	_ =	shalt  }
0x62: {  	_ =	shalt  }
0x63: {  	_ =	shalt  }
0x64: {  	_ =	shalt  }
0x65: {  	_ =	shalt  }
0x66: {  	_ =	shalt  }
0x67: {  	_ =	shalt  }
0x68: {  	_ =	shalt  }
0x69: {  	_ =	shalt  }
0x6a: {  	_ =	shalt  }
0x6b: {  	_ =	shalt  }
0x6c: {  	_ =	shalt  }
0x6d: {  	_ =	shalt  }
0x6e: {  	_ =	shalt  }
0x6f: {  	_ =	shalt  }
0x70: {  	_ =	shalt  }
0x71: {  	_ =	shalt  }
0x72: {  	_ =	shalt  }
0x73: {  	_ =	shalt  }
0x74: {  	_ =	shalt  }
0x75: {  	_ =	shalt  }
0x76: {  	_ =	shalt  }
0x77: {  	_ =	shalt  }
0x78: {  	_ =	shalt  }
0x79: {  	_ =	shalt  }
0x7a: {  	_ =	shalt  }
0x7b: {  	_ =	shalt  }
0x7c: {  	_ =	shalt  }
0x7d: {  	_ =	shalt  }
0x7e: {  	_ =	shalt  }
0x7f: {  	_ =	shalt  }
0x80: {  	_ =	shalt  }
0x81: {  	_ =	shalt  }
0x82: {  	_ =	shalt  }
0x83: {  	_ =	shalt  }
0x84: {  	_ =	shalt  }
0x85: {  	_ =	shalt  }
0x86: {  	_ =	shalt  }
0x87: {  	_ =	shalt  }
.Lfunc_end0:
.L_simem_size_0:
called_computation.6_lowered:
.L_overlay_start_0:
0x88: {  	s2 =	sld [smem:$0x3FD9]  }
0x89: {  	s3 =	sld [smem:$0x3FFE];
	_ =	sdelay $0x1  }
0x8a: {  	s1 =	srdreg.scid  }
0x8b: {  	s0 =	sand.u32 $0x1, s1  }
0x8c: {  	s16 =	sshll.u32 s0, $0xA;
	s2 =	sadd.s32 s3, s2  }
0x8d: {  	s2 =	sadd.s32 s2, s16  }
0x8e: {  	[smem:$0x3FAE] =	sst s2  }
0x8f: {  	_ = 	snop  }
0x90: {  	(tm) =	ssettm $0x1  }
0x91: {  	s17 =	sld [smem:$0x3FFB];
	_ =	sdelay $0x3  }
0x92: {  	_ =	strace s17  }
0x93: {  	s2 =	sld [smem:$0x3FFC];
	_ =	sdelay $0x3  }
0x94: {  	_ =	strace s2  }
0x95: {  	s2 =	sld [smem:$0x3FFD];
	_ =	sdelay $0x3  }
0x96: {  	_ =	strace s2  }
0x97: {  	_ =	strace $0x8FFFFFFF  }
0x98: {  	s18 =	sld [smem:$0x3FDB];
	_ =	sdelay $0x1  }
0x99: {  	s19 =	simm.s32 $_scs_section_size  }
0x9a: {  	s4 =	simm.s32 $_size__tile_overlayer_lowered;
	s5 =	simm.s32 $_tile_overlayer_lowered  }
0x9b: {  	s22 =	simm.s32 $0x1BFF;
	s21 =	sshll.u32 s5, $0x1;
	s2 =	sadd.s32 s19, s18  }
0x9c: {  	s6 =	simm.s32 $0x0;
	s20 =	sshll.u32 s4, $0x1;
	s4 =	sadd.s32 s21, s2  }
0x9d: {  	[timem:s6], [sflag:s22] =	dma.local [hbm:s4], s20  }
0x9e: {  	_ =	swait.ge [sflag:s22], s20  }
0x9f: {  	s3 =	ssub.s32 $0x0, s20;
	[sflag:s22] =	ssyncset.done $0x0  }
0xa0: {  	[sflag:s22] =	ssyncadd.s32 s3;
	_ =	sdelay $0x1  }
0xa1: {  	s23 =	simm.s32 $0x1B8B  }
0xa2: {  	_ =	swait.ge [sflag:s23], $0x1  }
0xa3: {  	[sflag:s23] =	ssyncset.done $0x0  }
0xa4: {  	s25 =	simm.s32 $0x1B8E;
	s24 =	sld [smem:$0x3FFE];
	[sflag:s23] =	ssyncadd.s32 $0xFFFFFFFF  }
0xa5: {  	s26 =	simm.s32 $execute0_lowered;
	[smem:$0x3FD2] =	sst s25  }
0xa6: {  	s4 =	sshll.u32 s26, $0x1;
	_ =	strace $0x80000058;
	[dreg:$0x1] =	wrdreg $0xFFFFFFFF  }
0xa7: {  	s28 =	simm.s32 $_size_execute0_lowered;
	s2 =	sadd.s32 s2, s4;
	[dreg:$0x0] =	wrdreg $0x0  }
0xa8: {  	s4 =	sshll.u32 s28, $0x1;
	[dreg:$0x2] =	wrdreg s2  }
0xa9: {  	[dreg:$0x3] =	wrdreg s4  }
0xaa: {  	[dreg:$0x4] =	wrdreg $0xC0  }
0xab: {  	_ =	task [dreg:s6], $0x5FFFF  }
0xac: {  	[dreg:$0x1] =	wrdreg $0xFFFFFFFF  }
0xad: {  	[dreg:$0x0] =	wrdreg $0x60  }
0xae: {  	[dreg:$0x2] =	wrdreg s24  }
0xaf: {  	[dreg:$0x3] =	wrdreg $0x8B000  }
0xb0: {  	[dreg:$0x4] =	wrdreg $0x9  }
0xb1: {  	_ =	task.clear_ibuf [dreg:s6], $0x5FFFF;
	_ =	strace $0x90000058  }
0xb2: {  	s29 =	simm.s32 $0x9;
	_ =	strace $0x8000005A  }
0xb3: {  	_ =	swait.ge [sflag:s29], $0x1  }
0xb4: {  	[sflag:s29] =	ssyncadd.s32 $0xFFFFFFFF  }
0xb5: {  	_ =	strace $0x9000005A  }
0xb6: {  	_ =	sfence  }
0xb7: {  	s30 =	sld [smem:$0x0];
	_ =	sdelay $0x2  }
0xb8: {  	s31 =	sshll.u32 s1, $0xD;
	s1 =	sshrl.u32 s1, $0x2  }
0xb9: {  	s3 =	sand.u32 $0x4000, s31;
	s1 =	sadd.s32 s1, s30  }
0xba: {  	s0 =	sor.u32 s3, s0;
	s1 =	sshll.u32 s1, $0x11  }
0xbb: {  	s0 =	sor.u32 s1, s0  }
0xbc: {  	s0 =	sadd.s32 $0x8F2B, s0  }
0xbd: {  	[sflag:s0] =	ssyncadd.remote.s32 $0x1  }
0xbe: {  	_ =	sfence.sel $0xFFFF  }
0xbf: {  	[dreg:$0x0] =	wrdreg $0xFFFFFFFF;
	(pc) =	sbr.abs _section_cstart, $3  }
0xc0: {  	[dreg:$0x1] =	wrdreg $0xFFFFFFFF  }
0xc1: {  	_ =	task.clear_ibuf [dreg:s6], $0x2FFFF;
	_ =	strace $0x9FFFFFFF  }
0xc2: {  	(tm) =	ssettm $0x7FFFFFFF  }
0xc3: {  	_ =	shalt  }
tec
execute0_lowered:
.L_overlay_start_1:
0x0: {  	(tag) =	ssettag $0x1  }
0x1: {  	s0 =	rddreg [dreg:$0x0]  }
0x2: {  	s1 =	rddreg [dreg:$0x1];
	s2 =	srdreg.scid;
	s3 =	simm.s32 $0x0  }
0x3: {  	s12 =	stileid.u32;
	s16 =	simm.s32 $0x7;
	s17 =	simm.s32 $0x80  }
0x4: {  	s18 =	simm.s32 $0x100;
	s28 =	simm.s32 $0x6;
	s29 =	simm.s32 $0x8200  }
0x5: {  	s30 =	simm.s32 $0x8280;
	s31 =	simm.s32 $0x10;
	s2 =	sand.u32 $0x1, s2  }
0x6: {  	[smem:$0x7FF] =	sst s3;
	s6 =	smul.u32 $0x13C00, s12;
	s4 =	sadd.s32 $0x94C00, s0  }
0x7: {  	s7 =	sadd.s32 $0x7E00, s0;
	s8 =	sadd.s32 $0x11C00, s0;
	s10 =	smul.u32 $0x4F000, s12  }
0x8: {  	s19 =	sadd.s32 $0x1C200, s0;
	s23 =	sshll.u32 s12, $0x6;
	s5 =	smul.u32 $0x13C000, s2  }
0x9: {  	_ =	strace $0x80000059;
	[dreg:$0x3] =	wrdreg s19;
	s20 =	sshll.u32 s2, $0x4  }
0xa: {  	s9 =	ssub.s32 $0x2, s2;
	s2 =	smul.u32 $0x27100, s2;
	s19 =	simm.s32 $0x180  }
0xb: {  	s21 =	sshrl.u32 s9, $0x1;
	s22 =	sshrl.u32 s10, $0x2;
	s5 =	sadd.s32 s6, s5  }
0xc: {  	s6 =	sor.u32 s12, s20;
	s12 =	smul.u32 $0x2710, s12;
	s15 =	sadd.s32 s22, s1  }
0xd: {  	s20 =	simm.s32 $0x3;
	s22 =	simm.s32 $0x5;
	s5 =	sshrl.u32 s5, $0x3  }
0xe: {  	s6 =	smul.u32 $0x2710, s6;
	s15 =	sshrl.u32 s15, $0x3;
	s0 =	sadd.s32 s5, s0  }
0xf: {  	s5 =	ssub.s32 s9, s21;
	s2 =	sadd.s32 s12, s2;
	s21 =	simm.s32 $0x200  }
0x10: {  	s11 =	sshrl.u32 s6, $0x3;
	s6 =	sor.u32 $0x1C07, s23;
	s0 =	sadd.s32 $0x10B400, s0  }
0x11: {  	s26 =	sshrl.u32 s2, $0x3;
	s2 =	sadd.s32 $0x80, s2;
	s5 =	smax.u32 s5, $0x1  }
0x12: {  	s23 =	simm.s32 $0x4200;
	s24 =	sadd.s32 $0x4E0, s11;
	[dreg:$0x6] =	wrdreg s0  }
0x13: {  	[dreg:$0x7] =	wrdreg s5;
	s11 =	sadd.s32 s26, s8;
	s2 =	sshrl.u32 s2, $0x3  }
0x14: {  	s12 =	sadd.s32 s26, s7;
	s26 =	simm.s32 $0x2;
	s0 =	simm.s32 $0x8300  }
0x15: {  	s25 =	sadd.s32 s7, s24;
	s9 =	sadd.s32 s8, s24;
	s13 =	sadd.s32 s2, s8  }
0x16: {  	s14 =	sadd.s32 s2, s7;
	s24 =	simm.s32 $0x1;
	[dreg:$0x4] =	wrdreg s25  }
0x17: {  	s2 =	simm.s32 $0x0;
	[dreg:$0x5] =	wrdreg s9;
	s25 =	simm.s32 $0x4  }
.LBB2_1:
0x18: {  	s5 =	rddreg [dreg:$0x3]  }
0x19: {  	[spmem:s15], [sflag:s6] =	dma.local [hbm:s5], $0x2780  }
0x1a: {  	_ =	swait.ge [sflag:s16], $0x2780  }
0x1b: {  	[sflag:s16] =	ssyncset.done $0x0  }
0x1c: {  	[sflag:s16] =	ssyncadd.s32 $0xFFFFD880  }
0x1d: {  	s7 =	sadd.s32 $0x0, s12;
	[bflag:$0x0] =	sbarrier.arrive $0xFFFF  }
0x1e: {  	[tilespmem:s3], [sflag:$0x3] =	stream.linear.gather [hbm4b:s7+s3], $0x80, $0x38;
	[tilespmem:$0x1C700] =	vst v63  }
0x1f: {  	s8 =	sadd.s32 $0x0, s11  }
0x20: {  	[tilespmem:s17], [sflag:$0x4] =	stream.linear.gather [hbm4b:s8+s3], $0x80, $0x38;
	[tilespmem:$0x1C700] =	vst v63  }
0x21: {  	s9 =	sadd.s32 $0x0, s14  }
0x22: {  	[tilespmem:s18], [sflag:$0x5] =	stream.linear.gather [hbm4b:s9+s3], $0x80, $0x38;
	[tilespmem:$0x1C700] =	vst v63  }
0x23: {  	s10 =	sadd.s32 $0x0, s13  }
0x24: {  	[tilespmem:s19], [sflag:$0x6] =	stream.linear.gather [hbm4b:s10+s3], $0x80, $0x38;
	[tilespmem:$0x1C700] =	vst v63  }
0x25: {  	_ =	swait.ge [sflag:s20], $0x80  }
0x26: {  	[sflag:s20] =	ssyncset.done $0x0  }
0x27: {  	[sflag:s20] =	ssyncadd.s32 $0xFFFFFF80  }
0x28: {  	[tilespmem:s21], [sflag:$0x1] =	stream.indirect.gather [hbm4b:s4+s17], $0x80, s3, s17, $0xb8;
	[tilespmem:$0x1C700] =	vst v63  }
0x29: {  	_ =	swait.ge [sflag:s22], $0x80  }
0x2a: {  	[sflag:s22] =	ssyncset.done $0x0  }
0x2b: {  	[sflag:s22] =	ssyncadd.s32 $0xFFFFFF80  }
0x2c: {  	[tilespmem:s23], [sflag:$0x2] =	stream.indirect.gather [hbm4b:s4+s17], $0x80, s18, s17, $0xb8;
	[tilespmem:$0x1C700] =	vst v63  }
0x2d: {  	_ =	swait.ge [sflag:s24], $0x4000  }
0x2e: {  	[sflag:s24] =	ssyncset.done $0x0  }
0x2f: {  	[sflag:s24] =	ssyncadd.s32 $0xFFFFC000  }
0x30: {  	_ =	swait.ge [sflag:s25], $0x80  }
0x31: {  	[sflag:s25] =	ssyncset.done $0x0  }
0x32: {  	[sflag:s25] =	ssyncadd.s32 $0xFFFFFF80  }
0x33: {  	[spmem:s1] =	stream.indirect.scatter.add.f32 [tilespmem:s21], [sflag:$0x7], $0x80, s17, s17, $0xb8;
	[tilespmem:$0x1C700] =	vst v63  }
0x34: {  	_ =	swait.ge [sflag:s16], $0x4000  }
0x35: {  	[sflag:s16] =	ssyncset.done $0x0  }
0x36: {  	[sflag:s16] =	ssyncadd.s32 $0xFFFFC000  }
0x37: {  	_ =	swait.ge [sflag:s26], $0x4000  }
0x38: {  	[sflag:s26] =	ssyncset.done $0x0  }
0x39: {  	[sflag:s26] =	ssyncadd.s32 $0xFFFFC000  }
0x3a: {  	_ =	swait.ge [sflag:s28], $0x80  }
0x3b: {  	[sflag:s28] =	ssyncset.done $0x0  }
0x3c: {  	[sflag:s28] =	ssyncadd.s32 $0xFFFFFF80  }
0x3d: {  	[spmem:s1] =	stream.indirect.scatter.add.f32 [tilespmem:s23], [sflag:$0x7], $0x80, s19, s17, $0xb8;
	[tilespmem:$0x1C700] =	vst v63  }
0x3e: {  	_ =	swait.ge [sflag:s16], $0x4000  }
0x3f: {  	s5 =	simm.s32 $0x20;
	s7 =	simm.s32 $0x40;
	[sflag:s16] =	ssyncset.done $0x0  }
.LBB2_2:
0x40: {  	s9 =	sadd.s32 s5, s12  }
0x41: {  	[sflag:s16] =	ssyncadd.s32 $0xFFFFC000;
	s10 =	smov.u32 s7;
	s8 =	sadd.s32 $0x20, s7  }
0x42: {  	[tilespmem:s3], [sflag:$0x3] =	stream.linear.gather [hbm4b:s9+s3], $0x80, $0x38;
	[tilespmem:$0x1C700] =	vst v63  }
0x43: {  	p0 =	sne.s32 s7, $0x4C0;
	s7 =	sadd.s32 s5, s11  }
0x44: {  	[tilespmem:s17], [sflag:$0x4] =	stream.linear.gather [hbm4b:s7+s3], $0x80, $0x38;
	[tilespmem:$0x1C700] =	vst v63  }
0x45: {  	s7 =	sadd.s32 s5, s14  }
0x46: {  	[tilespmem:s18], [sflag:$0x5] =	stream.linear.gather [hbm4b:s7+s3], $0x80, $0x38;
	[tilespmem:$0x1C700] =	vst v63  }
0x47: {  	s7 =	sadd.s32 s5, s13;
	s5 =	smov.u32 s10  }
0x48: {  	[tilespmem:s19], [sflag:$0x6] =	stream.linear.gather [hbm4b:s7+s3], $0x80, $0x38;
	[tilespmem:$0x1C700] =	vst v63  }
0x49: {  	_ =	swait.ge [sflag:s20], $0x80  }
0x4a: {  	[sflag:s20] =	ssyncset.done $0x0  }
0x4b: {  	[sflag:s20] =	ssyncadd.s32 $0xFFFFFF80  }
0x4c: {  	[tilespmem:s21], [sflag:$0x1] =	stream.indirect.gather [hbm4b:s4+s17], $0x80, s3, s17, $0xb8;
	[tilespmem:$0x1C700] =	vst v63  }
0x4d: {  	_ =	swait.ge [sflag:s22], $0x80  }
0x4e: {  	[sflag:s22] =	ssyncset.done $0x0  }
0x4f: {  	[sflag:s22] =	ssyncadd.s32 $0xFFFFFF80  }
0x50: {  	[tilespmem:s23], [sflag:$0x2] =	stream.indirect.gather [hbm4b:s4+s17], $0x80, s18, s17, $0xb8;
	[tilespmem:$0x1C700] =	vst v63  }
0x51: {  	_ =	swait.ge [sflag:s24], $0x4000  }
0x52: {  	[sflag:s24] =	ssyncset.done $0x0  }
0x53: {  	[sflag:s24] =	ssyncadd.s32 $0xFFFFC000  }
0x54: {  	_ =	swait.ge [sflag:s25], $0x80  }
0x55: {  	[sflag:s25] =	ssyncset.done $0x0  }
0x56: {  	[sflag:s25] =	ssyncadd.s32 $0xFFFFFF80  }
0x57: {  	[spmem:s1] =	stream.indirect.scatter.add.f32 [tilespmem:s21], [sflag:$0x7], $0x80, s17, s17, $0xb8;
	[tilespmem:$0x1C700] =	vst v63  }
0x58: {  	_ =	swait.ge [sflag:s16], $0x4000  }
0x59: {  	[sflag:s16] =	ssyncset.done $0x0  }
0x5a: {  	[sflag:s16] =	ssyncadd.s32 $0xFFFFC000  }
0x5b: {  	_ =	swait.ge [sflag:s26], $0x4000  }
0x5c: {  	[sflag:s26] =	ssyncset.done $0x0  }
0x5d: {  	[sflag:s26] =	ssyncadd.s32 $0xFFFFC000  }
0x5e: {  	_ =	swait.ge [sflag:s28], $0x80  }
.Ltmp0:
0x5f: {  	[sflag:s28] =	ssyncset.done $0x0;
	(pc) =	sbr.rel @p0 .LBB2_2-.Ltmp0, $4  }
0x60: {  	[sflag:s28] =	ssyncadd.s32 $0xFFFFFF80  }
0x61: {  	[spmem:s1] =	stream.indirect.scatter.add.f32 [tilespmem:s23], [sflag:$0x7], $0x80, s19, s17, $0xb8;
	[tilespmem:$0x1C700] =	vst v63  }
0x62: {  	_ =	swait.ge [sflag:s16], $0x4000  }
0x63: {  	s7 =	smov.u32 s8;
	[sflag:s16] =	ssyncset.done $0x0  }
0x64: {  	s7 =	sadd.s32 s5, s12;
	[sflag:s16] =	ssyncadd.s32 $0xFFFFC000  }
0x65: {  	[tilespmem:s3], [sflag:$0x3] =	stream.linear.gather [hbm4b:s7+s3], $0x80, $0x38;
	[tilespmem:$0x1C700] =	vst v63  }
0x66: {  	s8 =	sadd.s32 s5, s11  }
0x67: {  	[tilespmem:s17], [sflag:$0x4] =	stream.linear.gather [hbm4b:s8+s3], $0x80, $0x38;
	[tilespmem:$0x1C700] =	vst v63  }
0x68: {  	s9 =	sadd.s32 s5, s14  }
0x69: {  	[tilespmem:s18], [sflag:$0x5] =	stream.linear.gather [hbm4b:s9+s3], $0x80, $0x38;
	[tilespmem:$0x1C700] =	vst v63  }
0x6a: {  	s10 =	sadd.s32 s5, s13  }
0x6b: {  	[tilespmem:s19], [sflag:$0x6] =	stream.linear.gather [hbm4b:s10+s3], $0x80, $0x38;
	[tilespmem:$0x1C700] =	vst v63  }
0x6c: {  	_ =	swait.ge [sflag:s20], $0x80  }
0x6d: {  	[sflag:s20] =	ssyncset.done $0x0  }
0x6e: {  	[sflag:s20] =	ssyncadd.s32 $0xFFFFFF80  }
0x6f: {  	[tilespmem:s21], [sflag:$0x1] =	stream.indirect.gather [hbm4b:s4+s17], $0x80, s3, s17, $0xb8;
	[tilespmem:$0x1C700] =	vst v63  }
0x70: {  	_ =	swait.ge [sflag:s22], $0x80  }
0x71: {  	[sflag:s22] =	ssyncset.done $0x0  }
0x72: {  	[sflag:s22] =	ssyncadd.s32 $0xFFFFFF80  }
0x73: {  	[tilespmem:s23], [sflag:$0x2] =	stream.indirect.gather [hbm4b:s4+s17], $0x80, s18, s17, $0xb8;
	[tilespmem:$0x1C700] =	vst v63  }
0x74: {  	_ =	swait.ge [sflag:s24], $0x4000  }
0x75: {  	[sflag:s24] =	ssyncset.done $0x0  }
0x76: {  	[sflag:s24] =	ssyncadd.s32 $0xFFFFC000  }
0x77: {  	_ =	swait.ge [sflag:s25], $0x80  }
0x78: {  	[sflag:s25] =	ssyncset.done $0x0  }
0x79: {  	[sflag:s25] =	ssyncadd.s32 $0xFFFFFF80  }
0x7a: {  	[spmem:s1] =	stream.indirect.scatter.add.f32 [tilespmem:s21], [sflag:$0x7], $0x80, s17, s17, $0xb8;
	[tilespmem:$0x1C700] =	vst v63  }
0x7b: {  	_ =	swait.ge [sflag:s16], $0x4000  }
0x7c: {  	[sflag:s16] =	ssyncset.done $0x0  }
0x7d: {  	[sflag:s16] =	ssyncadd.s32 $0xFFFFC000  }
0x7e: {  	_ =	swait.ge [sflag:s26], $0x4000  }
0x7f: {  	[sflag:s26] =	ssyncset.done $0x0  }
0x80: {  	[sflag:s26] =	ssyncadd.s32 $0xFFFFC000  }
0x81: {  	_ =	swait.ge [sflag:s28], $0x80  }
0x82: {  	[sflag:s28] =	ssyncset.done $0x0  }
0x83: {  	[sflag:s28] =	ssyncadd.s32 $0xFFFFFF80  }
0x84: {  	[spmem:s1] =	stream.indirect.scatter.add.f32 [tilespmem:s23], [sflag:$0x7], $0x80, s19, s17, $0xb8;
	[tilespmem:$0x1C700] =	vst v63  }
0x85: {  	_ =	swait.ge [sflag:s16], $0x4000  }
0x86: {  	[sflag:s16] =	ssyncset.done $0x0  }
0x87: {  	s7 =	rddreg [dreg:$0x4];
	[sflag:s16] =	ssyncadd.s32 $0xFFFFC000  }
0x88: {  	[tilespmem:s29], [sflag:$0x7] =	stream.linear.gather [hbm4b:s7+s3], $0x10, $0x38;
	[tilespmem:$0x1C700] =	vst v63  }
0x89: {  	_ =	swait.ge [sflag:s16], $0x10  }
0x8a: {  	[sflag:s16] =	ssyncset.done $0x0  }
0x8b: {  	s8 =	rddreg [dreg:$0x5];
	[sflag:s16] =	ssyncadd.s32 $0xFFFFFFF0  }
0x8c: {  	[tilespmem:s30], [sflag:$0x7] =	stream.linear.gather [hbm4b:s8+s3], $0x10, $0x38;
	[tilespmem:$0x1C700] =	vst v63  }
0x8d: {  	_ =	swait.ge [sflag:s16], $0x10  }
0x8e: {  	[sflag:s16] =	ssyncset.done $0x0  }
0x8f: {  	[sflag:s16] =	ssyncadd.s32 $0xFFFFFFF0  }
0x90: {  	[tilespmem:s0], [sflag:$0x1] =	stream.indirect.gather [hbm4b:s4+s31], $0x80, s29, s31, $0xb8;
	[tilespmem:$0x1C700] =	vst v63  }
0x91: {  	_ =	swait.ge [sflag:s24], $0x800  }
0x92: {  	[sflag:s24] =	ssyncset.done $0x0  }
0x93: {  	[sflag:s24] =	ssyncadd.s32 $0xFFFFF800  }
0x94: {  	[spmem:s1] =	stream.indirect.scatter.add.f32 [tilespmem:s0], [sflag:$0x7], $0x80, s30, s31, $0xb8;
	[tilespmem:$0x1C700] =	vst v63  }
0x95: {  	_ =	swait.ge [sflag:s16], $0x800  }
0x96: {  	[sflag:s16] =	ssyncset.done $0x0  }
0x97: {  	[sflag:s16] =	ssyncadd.s32 $0xFFFFF800  }
0x98: {  	[bflag:$0x0] =	sbarrier.arrive $0xFFFF  }
0x99: {  	s9 =	rddreg [dreg:$0x6]  }
0x9a: {  	[hbm:s9], [sflag:s6] =	dma.local [spmem:s15], $0x2780  }
0x9b: {  	_ =	swait.ge [sflag:s16], $0x2780  }
0x9c: {  	s2 =	sadd.s32 $0x1, s2;
	s10 =	rddreg [dreg:$0x7]  }
0x9d: {  	p0 =	sne.s32 s2, s10  }
.Ltmp1:
0x9e: {  	_ = 	snop;
	(pc) =	sbr.rel @p0 .LBB2_1-.Ltmp1, $3  }
0x9f: {  	_ =	sdelay $0x1  }
0xa0: {  	[sflag:s16] =	ssyncset.done $0x0  }
0xa1: {  	[sflag:s16] =	ssyncadd.s32 $0xFFFFD880  }
0xa2: {  	_ =	sfence.sel $0x180000  }
0xa3: {  	[bflag:$0x0] =	sbarrier.arrive $0xFFFF  }
0xa4: {  	_ =	strace $0x90000059  }
0xa5: {  	s0 =	stileid.u32;
	[bflag:$0x2] =	sbarrier.arrive $0xFFFF  }
0xa6: {  	p0 =	sne.s32 s0, $0x0;
	s0 =	rddreg [dreg:$0x2]  }
0xa7: {  	s0 =	sadd.s32 @!p0 $0x100000, s0  }
0xa8: {  	[sflag:s0] =	ssyncadd.tile.s32 @!p0 $0x1;
	_ =	shalt  }
.Lfunc_end2:
_tile_overlayer_lowered:
.L_overlay_start_2:
0xa9: {  	(tag) =	ssettag $0x2  }
0xaa: {  	s0 =	rddreg [dreg:$0x0];
	s2 =	stileid.u32  }
0xab: {  	s1 =	rddreg [dreg:$0x1];
	p0 =	sne.s32 s2, $0x0  }
0xac: {  	s3 =	rddreg [dreg:$0x2];
	[bflag:$0x3] =	sbarrier.arrive $0xFFFF;
	s2 =	simm.s32 @!p0 $0x1C07  }
0xad: {  	[timem:s3], [sflag:s2] =	dma.local @!p0 [hbm:s0], s1  }
0xae: {  	s0 =	simm.s32 @!p0 $0x7  }
0xaf: {  	_ =	swait.ge @!p0 [sflag:s0], s1  }
0xb0: {  	s1 =	ssub.s32 @!p0 $0x0, s1;
	[sflag:s0] =	ssyncset.done @!p0 $0x0  }
0xb1: {  	[sflag:s0] =	ssyncadd.s32 @!p0 s1  }
0xb2: {  	[bflag:$0x3] =	sbarrier.arrive $0xFFFF  }
0xb3: {  	_ =	shalt  }

// kernel: kernel.49.cloned.1.call-start
scs
__scs_entry_jumppad:
0x0: {  	(pc) =	sbr.rel $0x88, $3  }
0x1: {  	(tag) =	ssettag $0x0;
	lr =	simm.s32 $0x1  }
0x2: {  	[smem:$0x3F87] =	sst lr;
	_ =	strace $0xD0000000  }
0x3: {  	_ = 	snop  }
0x4: {  	_ = 	snop  }
0x5: {  	_ = 	snop  }
0x6: {  	_ = 	snop  }
0x7: {  	_ = 	snop  }
__scs_overlays_trampoline_lowered:
0x8: {  	[smem:$0x3F96] =	sst s0  }
0x9: {  	[smem:$0x3F97] =	sst s1  }
0xa: {  	[smem:$0x3F98] =	sst s2  }
0xb: {  	[smem:$0x3F99] =	sst s3  }
0xc: {  	[smem:$0x3F9A] =	sst s4  }
0xd: {  	[smem:$0x3F9B] =	sst s5  }
0xe: {  	[smem:$0x3F9C] =	sst s6  }
0xf: {  	[smem:$0x3F9D] =	sst s7  }
0x10: {  	[smem:$0x3F9E] =	sst s8  }
0x11: {  	[smem:$0x3F9F] =	sst s9;
	s0 =	simm.s32 @!p0 $0x0  }
0x12: {  	s1 =	sld [smem:$0x3F85];
	s0 =	simm.s32 @p0 $0x1  }
0x13: {  	[smem:$0x3FA0] =	sst s0;
	s0 =	simm.s32 @!p1 $0x0  }
0x14: {  	s2 =	sld [smem:$0x3F84];
	s0 =	simm.s32 @p1 $0x1  }
0x15: {  	[smem:$0x3FA1] =	sst s0;
	s0 =	simm.s32 @!p2 $0x0  }
0x16: {  	s3 =	sld [smem:$0x3FDB];
	s0 =	simm.s32 @p2 $0x1  }
0x17: {  	s4 =	simm.s32 $0x1BF5;
	[smem:$0x3FA3] =	sst s0  }
0x18: {  	s0 =	sld [smem:$0x3F86];
	_ =	swait.ge [sflag:s4], $0x0  }
0x19: {  	s7 =	sld [smem:$0x3F87]  }
0x1a: {  	s8 =	sadd.s32 $0xFFFFE003, lr  }
0x1b: {  	s9 =	sadd.s32 $0xFFFFFEF7, lr;
	s5 =	simm.s32 $0xFFFFFFFF;
	p2 =	slt.u32 s8, $0xFFFFF086  }
0x1c: {  	p1 =	slt.u32 s9, $0xF7A;
	s5 =	simm.s32 @!p2 $0x0  }
0x1d: {  	s5 =	simm.s32 @p1 $0x1;
	p0 =	seq.s32 s7, s2  }
0x1e: {  	s7 =	smul.u32 @!p0 $0xF7A, s2;
	p2 =	seq.s32 @!p0 s5, $0x0  }
0x1f: {  	s9 =	smul.u32 $0xF7A, s1;
	s8 =	simm.s32 @!p0 $0x1BF5;
	p2 =	por !p2, p0  }
0x20: {  	[sflag:s8] =	ssyncset.s32 @!p0 $0xFFFFF086;
	s6 =	sadd.s32 @!p0 s3, s7;
	s7 =	simm.s32 @!p0 $0x108  }
0x21: {  	s3 =	sadd.s32 s3, s9;
	s6 =	sadd.s32 @!p0 $0x88, s6;
	s7 =	simm.s32 @p2 $0x1082  }
0x22: {  	[simem:s7], [sflag:s8] =	dma.local @!p0 [hbm:s6], $0xF7A  }
0x23: {  	s9 =	sor.u32 $0xD0000000, s2;
	s6 =	simm.s32 $0x108;
	_ =	swait.ge @!p0 [sflag:s8], $0x0  }
0x24: {  	s3 =	sadd.s32 $0x88, s3;
	s6 =	simm.s32 @!p1 $0x1082;
	[sflag:s4] =	ssyncset.s32 $0xFFFFF086  }
0x25: {  	[simem:s6], [sflag:s4] =	dma.local [hbm:s3], $0xF7A  }
0x26: {  	[smem:$0x3F87] =	sst s1;
	(tag) =	ssettag s2;
	_ =	strace s9  }
0x27: {  	s1 =	sld [smem:$0x3F97]  }
0x28: {  	s2 =	sld [smem:$0x3F98]  }
0x29: {  	s4 =	sld [smem:$0x3F9A]  }
0x2a: {  	p0 =	seq.s32 s5, $0x0;
	s5 =	sld [smem:$0x3F9B]  }
0x2b: {  	s6 =	sld [smem:$0x3F9C]  }
0x2c: {  	s7 =	sld [smem:$0x3F9D]  }
0x2d: {  	s3 =	simm.s32 $0x108;
	s8 =	sld [smem:$0x3F9E]  }
0x2e: {  	s3 =	simm.s32 @!p0 $0x1082;
	s9 =	sld [smem:$0x3F9F]  }
0x2f: {  	lr =	sadd.s32 s0, s3;
	s0 =	sld [smem:$0x3F96]  }
0x30: {  	s3 =	sld [smem:$0x3F99]  }
0x31: {  	[smem:$0x3FA2] =	sst s10  }
0x32: {  	s10 =	sld [smem:$0x3FA0];
	_ =	sdelay $0x3  }
0x33: {  	p0 =	seq.s32 s10, $0x1;
	s10 =	sld [smem:$0x3FA2];
	_ =	sdelay $0x3  }
0x34: {  	[smem:$0x3FA2] =	sst s10  }
0x35: {  	s10 =	sld [smem:$0x3FA1];
	_ =	sdelay $0x3  }
0x36: {  	p1 =	seq.s32 s10, $0x1;
	s10 =	sld [smem:$0x3FA2];
	_ =	sdelay $0x3  }
0x37: {  	[smem:$0x3FA2] =	sst s10  }
0x38: {  	s10 =	sld [smem:$0x3FA3]  }
0x39: {  	_ = 	snop;
	(pc) =	sbr.ind lr, $3  }
0x3a: {  	_ = 	snop  }
0x3b: {  	_ = 	snop  }
0x3c: {  	p2 =	seq.s32 s10, $0x1;
	s10 =	sld [smem:$0x3FA2]  }
0x3d: {  	_ =	shalt  }
0x3e: {  	_ =	shalt  }
0x3f: {  	_ =	shalt  }
0x40: {  	_ =	shalt  }
0x41: {  	_ =	shalt  }
0x42: {  	_ =	shalt  }
0x43: {  	_ =	shalt  }
0x44: {  	_ =	shalt  }
0x45: {  	_ =	shalt  }
0x46: {  	_ =	shalt  }
0x47: {  	_ =	shalt  }
0x48: {  	_ =	shalt  }
0x49: {  	_ =	shalt  }
0x4a: {  	_ =	shalt  }
0x4b: {  	_ =	shalt  }
0x4c: {  	_ =	shalt  }
0x4d: {  	_ =	shalt  }
0x4e: {  	_ =	shalt  }
0x4f: {  	_ =	shalt  }
0x50: {  	_ =	shalt  }
0x51: {  	_ =	shalt  }
0x52: {  	_ =	shalt  }
0x53: {  	_ =	shalt  }
0x54: {  	_ =	shalt  }
0x55: {  	_ =	shalt  }
0x56: {  	_ =	shalt  }
0x57: {  	_ =	shalt  }
0x58: {  	_ =	shalt  }
0x59: {  	_ =	shalt  }
0x5a: {  	_ =	shalt  }
0x5b: {  	_ =	shalt  }
0x5c: {  	_ =	shalt  }
0x5d: {  	_ =	shalt  }
0x5e: {  	_ =	shalt  }
0x5f: {  	_ =	shalt  }
0x60: {  	_ =	shalt  }
0x61: {  	_ =	shalt  }
0x62: {  	_ =	shalt  }
0x63: {  	_ =	shalt  }
0x64: {  	_ =	shalt  }
0x65: {  	_ =	shalt  }
0x66: {  	_ =	shalt  }
0x67: {  	_ =	shalt  }
0x68: {  	_ =	shalt  }
0x69: {  	_ =	shalt  }
0x6a: {  	_ =	shalt  }
0x6b: {  	_ =	shalt  }
0x6c: {  	_ =	shalt  }
0x6d: {  	_ =	shalt  }
0x6e: {  	_ =	shalt  }
0x6f: {  	_ =	shalt  }
0x70: {  	_ =	shalt  }
0x71: {  	_ =	shalt  }
0x72: {  	_ =	shalt  }
0x73: {  	_ =	shalt  }
0x74: {  	_ =	shalt  }
0x75: {  	_ =	shalt  }
0x76: {  	_ =	shalt  }
0x77: {  	_ =	shalt  }
0x78: {  	_ =	shalt  }
0x79: {  	_ =	shalt  }
0x7a: {  	_ =	shalt  }
0x7b: {  	_ =	shalt  }
0x7c: {  	_ =	shalt  }
0x7d: {  	_ =	shalt  }
0x7e: {  	_ =	shalt  }
0x7f: {  	_ =	shalt  }
0x80: {  	_ =	shalt  }
0x81: {  	_ =	shalt  }
0x82: {  	_ =	shalt  }
0x83: {  	_ =	shalt  }
0x84: {  	_ =	shalt  }
0x85: {  	_ =	shalt  }
0x86: {  	_ =	shalt  }
0x87: {  	_ =	shalt  }
.Lfunc_end0:
.L_simem_size_0:
called_computation.7_lowered:
.L_overlay_start_0:
0x88: {  	s2 =	sld [smem:$0x3FD9]  }
0x89: {  	s3 =	sld [smem:$0x3FFE];
	_ =	sdelay $0x1  }
0x8a: {  	s1 =	srdreg.scid  }
0x8b: {  	s0 =	sand.u32 $0x1, s1  }
0x8c: {  	s16 =	sshll.u32 s0, $0xA;
	s2 =	sadd.s32 s3, s2  }
0x8d: {  	s2 =	sadd.s32 s2, s16  }
0x8e: {  	[smem:$0x3FAE] =	sst s2  }
0x8f: {  	_ = 	snop  }
0x90: {  	(tm) =	ssettm $0x1  }
0x91: {  	s17 =	sld [smem:$0x3FFB];
	_ =	sdelay $0x3  }
0x92: {  	_ =	strace s17  }
0x93: {  	s2 =	sld [smem:$0x3FFC];
	_ =	sdelay $0x3  }
0x94: {  	_ =	strace s2  }
0x95: {  	s2 =	sld [smem:$0x3FFD];
	_ =	sdelay $0x3  }
0x96: {  	_ =	strace s2  }
0x97: {  	_ =	strace $0x8FFFFFFF  }
0x98: {  	s18 =	sld [smem:$0x3FDB];
	_ =	sdelay $0x1  }
0x99: {  	s19 =	simm.s32 $_scs_section_size  }
0x9a: {  	s4 =	simm.s32 $_size__tile_overlayer_lowered;
	s5 =	simm.s32 $_tile_overlayer_lowered  }
0x9b: {  	s22 =	simm.s32 $0x1BFF;
	s21 =	sshll.u32 s5, $0x1;
	s2 =	sadd.s32 s19, s18  }
0x9c: {  	s6 =	simm.s32 $0x0;
	s20 =	sshll.u32 s4, $0x1;
	s4 =	sadd.s32 s21, s2  }
0x9d: {  	[timem:s6], [sflag:s22] =	dma.local [hbm:s4], s20  }
0x9e: {  	_ =	swait.ge [sflag:s22], s20  }
0x9f: {  	s3 =	ssub.s32 $0x0, s20;
	[sflag:s22] =	ssyncset.done $0x0  }
0xa0: {  	[sflag:s22] =	ssyncadd.s32 s3;
	_ =	sdelay $0x1  }
0xa1: {  	s23 =	simm.s32 $0x1B8B  }
0xa2: {  	_ =	swait.ge [sflag:s23], $0x1  }
0xa3: {  	[sflag:s23] =	ssyncset.done $0x0  }
0xa4: {  	s25 =	simm.s32 $0x1B8E;
	s24 =	sld [smem:$0x3FFE];
	[sflag:s23] =	ssyncadd.s32 $0xFFFFFFFF  }
0xa5: {  	s26 =	simm.s32 $execute0_lowered;
	[smem:$0x3FD2] =	sst s25  }
0xa6: {  	s4 =	sshll.u32 s26, $0x1;
	_ =	strace $0x8000005B;
	[dreg:$0x1] =	wrdreg $0xFFFFFFFF  }
0xa7: {  	s28 =	simm.s32 $_size_execute0_lowered;
	s2 =	sadd.s32 s2, s4;
	[dreg:$0x0] =	wrdreg $0x0  }
0xa8: {  	s4 =	sshll.u32 s28, $0x1;
	[dreg:$0x2] =	wrdreg s2  }
0xa9: {  	[dreg:$0x3] =	wrdreg s4  }
0xaa: {  	[dreg:$0x4] =	wrdreg $0xC0  }
0xab: {  	_ =	task [dreg:s6], $0x5FFFF  }
0xac: {  	[dreg:$0x1] =	wrdreg $0xFFFFFFFF  }
0xad: {  	[dreg:$0x0] =	wrdreg $0x60  }
0xae: {  	[dreg:$0x2] =	wrdreg s24  }
0xaf: {  	[dreg:$0x3] =	wrdreg $0x8B000  }
0xb0: {  	[dreg:$0x4] =	wrdreg $0x9  }
0xb1: {  	_ =	task.clear_ibuf [dreg:s6], $0x5FFFF;
	_ =	strace $0x9000005B  }
0xb2: {  	s29 =	simm.s32 $0x9;
	_ =	strace $0x8000005D  }
0xb3: {  	_ =	swait.ge [sflag:s29], $0x1  }
0xb4: {  	[sflag:s29] =	ssyncadd.s32 $0xFFFFFFFF  }
0xb5: {  	_ =	strace $0x9000005D  }
0xb6: {  	_ =	sfence  }
0xb7: {  	s30 =	sld [smem:$0x0];
	_ =	sdelay $0x2  }
0xb8: {  	s31 =	sshll.u32 s1, $0xD;
	s1 =	sshrl.u32 s1, $0x2  }
0xb9: {  	s3 =	sand.u32 $0x4000, s31;
	s1 =	sadd.s32 s1, s30  }
0xba: {  	s0 =	sor.u32 s3, s0;
	s1 =	sshll.u32 s1, $0x11  }
0xbb: {  	s0 =	sor.u32 s1, s0  }
0xbc: {  	s0 =	sadd.s32 $0x8F2B, s0  }
0xbd: {  	[sflag:s0] =	ssyncadd.remote.s32 $0x1  }
0xbe: {  	_ =	sfence.sel $0xFFFF  }
0xbf: {  	[dreg:$0x0] =	wrdreg $0xFFFFFFFF;
	(pc) =	sbr.abs _section_cstart, $3  }
0xc0: {  	[dreg:$0x1] =	wrdreg $0xFFFFFFFF  }
0xc1: {  	_ =	task.clear_ibuf [dreg:s6], $0x2FFFF;
	_ =	strace $0x9FFFFFFF  }
0xc2: {  	(tm) =	ssettm $0x7FFFFFFF  }
0xc3: {  	_ =	shalt  }
tec
execute0_lowered:
.L_overlay_start_1:
0x0: {  	(tag) =	ssettag $0x1  }
0x1: {  	s0 =	rddreg [dreg:$0x0]  }
0x2: {  	s1 =	rddreg [dreg:$0x1];
	s2 =	srdreg.scid;
	s3 =	simm.s32 $0x0  }
0x3: {  	s12 =	stileid.u32;
	s16 =	simm.s32 $0x7;
	s17 =	simm.s32 $0x80  }
0x4: {  	s18 =	simm.s32 $0x100;
	s28 =	simm.s32 $0x6;
	s29 =	simm.s32 $0x8200  }
0x5: {  	s30 =	simm.s32 $0x8280;
	s31 =	simm.s32 $0x10;
	s2 =	sand.u32 $0x1, s2  }
0x6: {  	[smem:$0x7FF] =	sst s3;
	s6 =	smul.u32 $0x13C00, s12;
	s4 =	sadd.s32 $0x1EA00, s0  }
0x7: {  	s7 =	sadd.s32 $0x7E00, s0;
	s8 =	sadd.s32 $0x11C00, s0;
	s10 =	smul.u32 $0x4F000, s12  }
0x8: {  	s19 =	sadd.s32 $0x1C200, s0;
	s23 =	sshll.u32 s12, $0x6;
	s5 =	smul.u32 $0x13C000, s2  }
0x9: {  	_ =	strace $0x8000005C;
	[dreg:$0x3] =	wrdreg s19;
	s20 =	sshll.u32 s2, $0x4  }
0xa: {  	s9 =	ssub.s32 $0x2, s2;
	s2 =	smul.u32 $0x27100, s2;
	s19 =	simm.s32 $0x180  }
0xb: {  	s21 =	sshrl.u32 s9, $0x1;
	s22 =	sshrl.u32 s10, $0x2;
	s5 =	sadd.s32 s6, s5  }
0xc: {  	s6 =	sor.u32 s12, s20;
	s12 =	smul.u32 $0x2710, s12;
	s15 =	sadd.s32 s22, s1  }
0xd: {  	s20 =	simm.s32 $0x3;
	s22 =	simm.s32 $0x5;
	s5 =	sshrl.u32 s5, $0x3  }
0xe: {  	s6 =	smul.u32 $0x2710, s6;
	s15 =	sshrl.u32 s15, $0x3;
	s0 =	sadd.s32 s5, s0  }
0xf: {  	s5 =	ssub.s32 s9, s21;
	s2 =	sadd.s32 s12, s2;
	s21 =	simm.s32 $0x200  }
0x10: {  	s11 =	sshrl.u32 s6, $0x3;
	s6 =	sor.u32 $0x1C07, s23;
	s0 =	sadd.s32 $0x45C00, s0  }
0x11: {  	s26 =	sshrl.u32 s2, $0x3;
	s2 =	sadd.s32 $0x80, s2;
	s5 =	smax.u32 s5, $0x1  }
0x12: {  	s23 =	simm.s32 $0x4200;
	s24 =	sadd.s32 $0x4E0, s11;
	[dreg:$0x6] =	wrdreg s0  }
0x13: {  	[dreg:$0x7] =	wrdreg s5;
	s11 =	sadd.s32 s26, s8;
	s2 =	sshrl.u32 s2, $0x3  }
0x14: {  	s12 =	sadd.s32 s26, s7;
	s26 =	simm.s32 $0x2;
	s0 =	simm.s32 $0x8300  }
0x15: {  	s25 =	sadd.s32 s7, s24;
	s9 =	sadd.s32 s8, s24;
	s13 =	sadd.s32 s2, s8  }
0x16: {  	s14 =	sadd.s32 s2, s7;
	s24 =	simm.s32 $0x1;
	[dreg:$0x4] =	wrdreg s25  }
0x17: {  	s2 =	simm.s32 $0x0;
	[dreg:$0x5] =	wrdreg s9;
	s25 =	simm.s32 $0x4  }
.LBB2_1:
0x18: {  	s5 =	rddreg [dreg:$0x3]  }
0x19: {  	[spmem:s15], [sflag:s6] =	dma.local [hbm:s5], $0x2780  }
0x1a: {  	_ =	swait.ge [sflag:s16], $0x2780  }
0x1b: {  	[sflag:s16] =	ssyncset.done $0x0  }
0x1c: {  	[sflag:s16] =	ssyncadd.s32 $0xFFFFD880  }
0x1d: {  	s7 =	sadd.s32 $0x0, s12;
	[bflag:$0x0] =	sbarrier.arrive $0xFFFF  }
0x1e: {  	[tilespmem:s3], [sflag:$0x3] =	stream.linear.gather [hbm4b:s7+s3], $0x80, $0x38;
	[tilespmem:$0x1C700] =	vst v63  }
0x1f: {  	s8 =	sadd.s32 $0x0, s11  }
0x20: {  	[tilespmem:s17], [sflag:$0x4] =	stream.linear.gather [hbm4b:s8+s3], $0x80, $0x38;
	[tilespmem:$0x1C700] =	vst v63  }
0x21: {  	s9 =	sadd.s32 $0x0, s14  }
0x22: {  	[tilespmem:s18], [sflag:$0x5] =	stream.linear.gather [hbm4b:s9+s3], $0x80, $0x38;
	[tilespmem:$0x1C700] =	vst v63  }
0x23: {  	s10 =	sadd.s32 $0x0, s13  }
0x24: {  	[tilespmem:s19], [sflag:$0x6] =	stream.linear.gather [hbm4b:s10+s3], $0x80, $0x38;
	[tilespmem:$0x1C700] =	vst v63  }
0x25: {  	_ =	swait.ge [sflag:s20], $0x80  }
0x26: {  	[sflag:s20] =	ssyncset.done $0x0  }
0x27: {  	[sflag:s20] =	ssyncadd.s32 $0xFFFFFF80  }
0x28: {  	[tilespmem:s21], [sflag:$0x1] =	stream.indirect.gather [hbm4b:s4+s17], $0x80, s3, s17, $0xb8;
	[tilespmem:$0x1C700] =	vst v63  }
0x29: {  	_ =	swait.ge [sflag:s22], $0x80  }
0x2a: {  	[sflag:s22] =	ssyncset.done $0x0  }
0x2b: {  	[sflag:s22] =	ssyncadd.s32 $0xFFFFFF80  }
0x2c: {  	[tilespmem:s23], [sflag:$0x2] =	stream.indirect.gather [hbm4b:s4+s17], $0x80, s18, s17, $0xb8;
	[tilespmem:$0x1C700] =	vst v63  }
0x2d: {  	_ =	swait.ge [sflag:s24], $0x4000  }
0x2e: {  	[sflag:s24] =	ssyncset.done $0x0  }
0x2f: {  	[sflag:s24] =	ssyncadd.s32 $0xFFFFC000  }
0x30: {  	_ =	swait.ge [sflag:s25], $0x80  }
0x31: {  	[sflag:s25] =	ssyncset.done $0x0  }
0x32: {  	[sflag:s25] =	ssyncadd.s32 $0xFFFFFF80  }
0x33: {  	[spmem:s1] =	stream.indirect.scatter.add.f32 [tilespmem:s21], [sflag:$0x7], $0x80, s17, s17, $0xb8;
	[tilespmem:$0x1C700] =	vst v63  }
0x34: {  	_ =	swait.ge [sflag:s16], $0x4000  }
0x35: {  	[sflag:s16] =	ssyncset.done $0x0  }
0x36: {  	[sflag:s16] =	ssyncadd.s32 $0xFFFFC000  }
0x37: {  	_ =	swait.ge [sflag:s26], $0x4000  }
0x38: {  	[sflag:s26] =	ssyncset.done $0x0  }
0x39: {  	[sflag:s26] =	ssyncadd.s32 $0xFFFFC000  }
0x3a: {  	_ =	swait.ge [sflag:s28], $0x80  }
0x3b: {  	[sflag:s28] =	ssyncset.done $0x0  }
0x3c: {  	[sflag:s28] =	ssyncadd.s32 $0xFFFFFF80  }
0x3d: {  	[spmem:s1] =	stream.indirect.scatter.add.f32 [tilespmem:s23], [sflag:$0x7], $0x80, s19, s17, $0xb8;
	[tilespmem:$0x1C700] =	vst v63  }
0x3e: {  	_ =	swait.ge [sflag:s16], $0x4000  }
0x3f: {  	s5 =	simm.s32 $0x20;
	s7 =	simm.s32 $0x40;
	[sflag:s16] =	ssyncset.done $0x0  }
.LBB2_2:
0x40: {  	s9 =	sadd.s32 s5, s12  }
0x41: {  	[sflag:s16] =	ssyncadd.s32 $0xFFFFC000;
	s10 =	smov.u32 s7;
	s8 =	sadd.s32 $0x20, s7  }
0x42: {  	[tilespmem:s3], [sflag:$0x3] =	stream.linear.gather [hbm4b:s9+s3], $0x80, $0x38;
	[tilespmem:$0x1C700] =	vst v63  }
0x43: {  	p0 =	sne.s32 s7, $0x4C0;
	s7 =	sadd.s32 s5, s11  }
0x44: {  	[tilespmem:s17], [sflag:$0x4] =	stream.linear.gather [hbm4b:s7+s3], $0x80, $0x38;
	[tilespmem:$0x1C700] =	vst v63  }
0x45: {  	s7 =	sadd.s32 s5, s14  }
0x46: {  	[tilespmem:s18], [sflag:$0x5] =	stream.linear.gather [hbm4b:s7+s3], $0x80, $0x38;
	[tilespmem:$0x1C700] =	vst v63  }
0x47: {  	s7 =	sadd.s32 s5, s13;
	s5 =	smov.u32 s10  }
0x48: {  	[tilespmem:s19], [sflag:$0x6] =	stream.linear.gather [hbm4b:s7+s3], $0x80, $0x38;
	[tilespmem:$0x1C700] =	vst v63  }
0x49: {  	_ =	swait.ge [sflag:s20], $0x80  }
0x4a: {  	[sflag:s20] =	ssyncset.done $0x0  }
0x4b: {  	[sflag:s20] =	ssyncadd.s32 $0xFFFFFF80  }
0x4c: {  	[tilespmem:s21], [sflag:$0x1] =	stream.indirect.gather [hbm4b:s4+s17], $0x80, s3, s17, $0xb8;
	[tilespmem:$0x1C700] =	vst v63  }
0x4d: {  	_ =	swait.ge [sflag:s22], $0x80  }
0x4e: {  	[sflag:s22] =	ssyncset.done $0x0  }
0x4f: {  	[sflag:s22] =	ssyncadd.s32 $0xFFFFFF80  }
0x50: {  	[tilespmem:s23], [sflag:$0x2] =	stream.indirect.gather [hbm4b:s4+s17], $0x80, s18, s17, $0xb8;
	[tilespmem:$0x1C700] =	vst v63  }
0x51: {  	_ =	swait.ge [sflag:s24], $0x4000  }
0x52: {  	[sflag:s24] =	ssyncset.done $0x0  }
0x53: {  	[sflag:s24] =	ssyncadd.s32 $0xFFFFC000  }
0x54: {  	_ =	swait.ge [sflag:s25], $0x80  }
0x55: {  	[sflag:s25] =	ssyncset.done $0x0  }
0x56: {  	[sflag:s25] =	ssyncadd.s32 $0xFFFFFF80  }
0x57: {  	[spmem:s1] =	stream.indirect.scatter.add.f32 [tilespmem:s21], [sflag:$0x7], $0x80, s17, s17, $0xb8;
	[tilespmem:$0x1C700] =	vst v63  }
0x58: {  	_ =	swait.ge [sflag:s16], $0x4000  }
0x59: {  	[sflag:s16] =	ssyncset.done $0x0  }
0x5a: {  	[sflag:s16] =	ssyncadd.s32 $0xFFFFC000  }
0x5b: {  	_ =	swait.ge [sflag:s26], $0x4000  }
0x5c: {  	[sflag:s26] =	ssyncset.done $0x0  }
0x5d: {  	[sflag:s26] =	ssyncadd.s32 $0xFFFFC000  }
0x5e: {  	_ =	swait.ge [sflag:s28], $0x80  }
.Ltmp0:
0x5f: {  	[sflag:s28] =	ssyncset.done $0x0;
	(pc) =	sbr.rel @p0 .LBB2_2-.Ltmp0, $4  }
0x60: {  	[sflag:s28] =	ssyncadd.s32 $0xFFFFFF80  }
0x61: {  	[spmem:s1] =	stream.indirect.scatter.add.f32 [tilespmem:s23], [sflag:$0x7], $0x80, s19, s17, $0xb8;
	[tilespmem:$0x1C700] =	vst v63  }
0x62: {  	_ =	swait.ge [sflag:s16], $0x4000  }
0x63: {  	s7 =	smov.u32 s8;
	[sflag:s16] =	ssyncset.done $0x0  }
0x64: {  	s7 =	sadd.s32 s5, s12;
	[sflag:s16] =	ssyncadd.s32 $0xFFFFC000  }
0x65: {  	[tilespmem:s3], [sflag:$0x3] =	stream.linear.gather [hbm4b:s7+s3], $0x80, $0x38;
	[tilespmem:$0x1C700] =	vst v63  }
0x66: {  	s8 =	sadd.s32 s5, s11  }
0x67: {  	[tilespmem:s17], [sflag:$0x4] =	stream.linear.gather [hbm4b:s8+s3], $0x80, $0x38;
	[tilespmem:$0x1C700] =	vst v63  }
0x68: {  	s9 =	sadd.s32 s5, s14  }
0x69: {  	[tilespmem:s18], [sflag:$0x5] =	stream.linear.gather [hbm4b:s9+s3], $0x80, $0x38;
	[tilespmem:$0x1C700] =	vst v63  }
0x6a: {  	s10 =	sadd.s32 s5, s13  }
0x6b: {  	[tilespmem:s19], [sflag:$0x6] =	stream.linear.gather [hbm4b:s10+s3], $0x80, $0x38;
	[tilespmem:$0x1C700] =	vst v63  }
0x6c: {  	_ =	swait.ge [sflag:s20], $0x80  }
0x6d: {  	[sflag:s20] =	ssyncset.done $0x0  }
0x6e: {  	[sflag:s20] =	ssyncadd.s32 $0xFFFFFF80  }
0x6f: {  	[tilespmem:s21], [sflag:$0x1] =	stream.indirect.gather [hbm4b:s4+s17], $0x80, s3, s17, $0xb8;
	[tilespmem:$0x1C700] =	vst v63  }
0x70: {  	_ =	swait.ge [sflag:s22], $0x80  }
0x71: {  	[sflag:s22] =	ssyncset.done $0x0  }
0x72: {  	[sflag:s22] =	ssyncadd.s32 $0xFFFFFF80  }
0x73: {  	[tilespmem:s23], [sflag:$0x2] =	stream.indirect.gather [hbm4b:s4+s17], $0x80, s18, s17, $0xb8;
	[tilespmem:$0x1C700] =	vst v63  }
0x74: {  	_ =	swait.ge [sflag:s24], $0x4000  }
0x75: {  	[sflag:s24] =	ssyncset.done $0x0  }
0x76: {  	[sflag:s24] =	ssyncadd.s32 $0xFFFFC000  }
0x77: {  	_ =	swait.ge [sflag:s25], $0x80  }
0x78: {  	[sflag:s25] =	ssyncset.done $0x0  }
0x79: {  	[sflag:s25] =	ssyncadd.s32 $0xFFFFFF80  }
0x7a: {  	[spmem:s1] =	stream.indirect.scatter.add.f32 [tilespmem:s21], [sflag:$0x7], $0x80, s17, s17, $0xb8;
	[tilespmem:$0x1C700] =	vst v63  }
0x7b: {  	_ =	swait.ge [sflag:s16], $0x4000  }
0x7c: {  	[sflag:s16] =	ssyncset.done $0x0  }
0x7d: {  	[sflag:s16] =	ssyncadd.s32 $0xFFFFC000  }
0x7e: {  	_ =	swait.ge [sflag:s26], $0x4000  }
0x7f: {  	[sflag:s26] =	ssyncset.done $0x0  }
0x80: {  	[sflag:s26] =	ssyncadd.s32 $0xFFFFC000  }
0x81: {  	_ =	swait.ge [sflag:s28], $0x80  }
0x82: {  	[sflag:s28] =	ssyncset.done $0x0  }
0x83: {  	[sflag:s28] =	ssyncadd.s32 $0xFFFFFF80  }
0x84: {  	[spmem:s1] =	stream.indirect.scatter.add.f32 [tilespmem:s23], [sflag:$0x7], $0x80, s19, s17, $0xb8;
	[tilespmem:$0x1C700] =	vst v63  }
0x85: {  	_ =	swait.ge [sflag:s16], $0x4000  }
0x86: {  	[sflag:s16] =	ssyncset.done $0x0  }
0x87: {  	s7 =	rddreg [dreg:$0x4];
	[sflag:s16] =	ssyncadd.s32 $0xFFFFC000  }
0x88: {  	[tilespmem:s29], [sflag:$0x7] =	stream.linear.gather [hbm4b:s7+s3], $0x10, $0x38;
	[tilespmem:$0x1C700] =	vst v63  }
0x89: {  	_ =	swait.ge [sflag:s16], $0x10  }
0x8a: {  	[sflag:s16] =	ssyncset.done $0x0  }
0x8b: {  	s8 =	rddreg [dreg:$0x5];
	[sflag:s16] =	ssyncadd.s32 $0xFFFFFFF0  }
0x8c: {  	[tilespmem:s30], [sflag:$0x7] =	stream.linear.gather [hbm4b:s8+s3], $0x10, $0x38;
	[tilespmem:$0x1C700] =	vst v63  }
0x8d: {  	_ =	swait.ge [sflag:s16], $0x10  }
0x8e: {  	[sflag:s16] =	ssyncset.done $0x0  }
0x8f: {  	[sflag:s16] =	ssyncadd.s32 $0xFFFFFFF0  }
0x90: {  	[tilespmem:s0], [sflag:$0x1] =	stream.indirect.gather [hbm4b:s4+s31], $0x80, s29, s31, $0xb8;
	[tilespmem:$0x1C700] =	vst v63  }
0x91: {  	_ =	swait.ge [sflag:s24], $0x800  }
0x92: {  	[sflag:s24] =	ssyncset.done $0x0  }
0x93: {  	[sflag:s24] =	ssyncadd.s32 $0xFFFFF800  }
0x94: {  	[spmem:s1] =	stream.indirect.scatter.add.f32 [tilespmem:s0], [sflag:$0x7], $0x80, s30, s31, $0xb8;
	[tilespmem:$0x1C700] =	vst v63  }
0x95: {  	_ =	swait.ge [sflag:s16], $0x800  }
0x96: {  	[sflag:s16] =	ssyncset.done $0x0  }
0x97: {  	[sflag:s16] =	ssyncadd.s32 $0xFFFFF800  }
0x98: {  	[bflag:$0x0] =	sbarrier.arrive $0xFFFF  }
0x99: {  	s9 =	rddreg [dreg:$0x6]  }
0x9a: {  	[hbm:s9], [sflag:s6] =	dma.local [spmem:s15], $0x2780  }
0x9b: {  	_ =	swait.ge [sflag:s16], $0x2780  }
0x9c: {  	s2 =	sadd.s32 $0x1, s2;
	s10 =	rddreg [dreg:$0x7]  }
0x9d: {  	p0 =	sne.s32 s2, s10  }
.Ltmp1:
0x9e: {  	_ = 	snop;
	(pc) =	sbr.rel @p0 .LBB2_1-.Ltmp1, $3  }
0x9f: {  	_ =	sdelay $0x1  }
0xa0: {  	[sflag:s16] =	ssyncset.done $0x0  }
0xa1: {  	[sflag:s16] =	ssyncadd.s32 $0xFFFFD880  }
0xa2: {  	_ =	sfence.sel $0x180000  }
0xa3: {  	[bflag:$0x0] =	sbarrier.arrive $0xFFFF  }
0xa4: {  	_ =	strace $0x9000005C  }
0xa5: {  	s0 =	stileid.u32;
	[bflag:$0x2] =	sbarrier.arrive $0xFFFF  }
0xa6: {  	p0 =	sne.s32 s0, $0x0;
	s0 =	rddreg [dreg:$0x2]  }
0xa7: {  	s0 =	sadd.s32 @!p0 $0x100000, s0  }
0xa8: {  	[sflag:s0] =	ssyncadd.tile.s32 @!p0 $0x1;
	_ =	shalt  }
.Lfunc_end2:
_tile_overlayer_lowered:
.L_overlay_start_2:
0xa9: {  	(tag) =	ssettag $0x2  }
0xaa: {  	s0 =	rddreg [dreg:$0x0];
	s2 =	stileid.u32  }
0xab: {  	s1 =	rddreg [dreg:$0x1];
	p0 =	sne.s32 s2, $0x0  }
0xac: {  	s3 =	rddreg [dreg:$0x2];
	[bflag:$0x3] =	sbarrier.arrive $0xFFFF;
	s2 =	simm.s32 @!p0 $0x1C07  }
0xad: {  	[timem:s3], [sflag:s2] =	dma.local @!p0 [hbm:s0], s1  }
0xae: {  	s0 =	simm.s32 @!p0 $0x7  }
0xaf: {  	_ =	swait.ge @!p0 [sflag:s0], s1  }
0xb0: {  	s1 =	ssub.s32 @!p0 $0x0, s1;
	[sflag:s0] =	ssyncset.done @!p0 $0x0  }
0xb1: {  	[sflag:s0] =	ssyncadd.s32 @!p0 s1  }
0xb2: {  	[bflag:$0x3] =	sbarrier.arrive $0xFFFF  }
0xb3: {  	_ =	shalt  }

// kernel: kernel.52.cloned.1.call-start
scs
__scs_entry_jumppad:
0x0: {  	(pc) =	sbr.rel $0x88, $3  }
0x1: {  	(tag) =	ssettag $0x0;
	lr =	simm.s32 $0x1  }
0x2: {  	[smem:$0x3F87] =	sst lr;
	_ =	strace $0xD0000000  }
0x3: {  	_ = 	snop  }
0x4: {  	_ = 	snop  }
0x5: {  	_ = 	snop  }
0x6: {  	_ = 	snop  }
0x7: {  	_ = 	snop  }
__scs_overlays_trampoline_lowered:
0x8: {  	[smem:$0x3F96] =	sst s0  }
0x9: {  	[smem:$0x3F97] =	sst s1  }
0xa: {  	[smem:$0x3F98] =	sst s2  }
0xb: {  	[smem:$0x3F99] =	sst s3  }
0xc: {  	[smem:$0x3F9A] =	sst s4  }
0xd: {  	[smem:$0x3F9B] =	sst s5  }
0xe: {  	[smem:$0x3F9C] =	sst s6  }
0xf: {  	[smem:$0x3F9D] =	sst s7  }
0x10: {  	[smem:$0x3F9E] =	sst s8  }
0x11: {  	[smem:$0x3F9F] =	sst s9;
	s0 =	simm.s32 @!p0 $0x0  }
0x12: {  	s1 =	sld [smem:$0x3F85];
	s0 =	simm.s32 @p0 $0x1  }
0x13: {  	[smem:$0x3FA0] =	sst s0;
	s0 =	simm.s32 @!p1 $0x0  }
0x14: {  	s2 =	sld [smem:$0x3F84];
	s0 =	simm.s32 @p1 $0x1  }
0x15: {  	[smem:$0x3FA1] =	sst s0;
	s0 =	simm.s32 @!p2 $0x0  }
0x16: {  	s3 =	sld [smem:$0x3FDB];
	s0 =	simm.s32 @p2 $0x1  }
0x17: {  	s4 =	simm.s32 $0x1BF5;
	[smem:$0x3FA3] =	sst s0  }
0x18: {  	s0 =	sld [smem:$0x3F86];
	_ =	swait.ge [sflag:s4], $0x0  }
0x19: {  	s7 =	sld [smem:$0x3F87]  }
0x1a: {  	s8 =	sadd.s32 $0xFFFFE003, lr  }
0x1b: {  	s9 =	sadd.s32 $0xFFFFFEF7, lr;
	s5 =	simm.s32 $0xFFFFFFFF;
	p2 =	slt.u32 s8, $0xFFFFF086  }
0x1c: {  	p1 =	slt.u32 s9, $0xF7A;
	s5 =	simm.s32 @!p2 $0x0  }
0x1d: {  	s5 =	simm.s32 @p1 $0x1;
	p0 =	seq.s32 s7, s2  }
0x1e: {  	s7 =	smul.u32 @!p0 $0xF7A, s2;
	p2 =	seq.s32 @!p0 s5, $0x0  }
0x1f: {  	s9 =	smul.u32 $0xF7A, s1;
	s8 =	simm.s32 @!p0 $0x1BF5;
	p2 =	por !p2, p0  }
0x20: {  	[sflag:s8] =	ssyncset.s32 @!p0 $0xFFFFF086;
	s6 =	sadd.s32 @!p0 s3, s7;
	s7 =	simm.s32 @!p0 $0x108  }
0x21: {  	s3 =	sadd.s32 s3, s9;
	s6 =	sadd.s32 @!p0 $0x88, s6;
	s7 =	simm.s32 @p2 $0x1082  }
0x22: {  	[simem:s7], [sflag:s8] =	dma.local @!p0 [hbm:s6], $0xF7A  }
0x23: {  	s9 =	sor.u32 $0xD0000000, s2;
	s6 =	simm.s32 $0x108;
	_ =	swait.ge @!p0 [sflag:s8], $0x0  }
0x24: {  	s3 =	sadd.s32 $0x88, s3;
	s6 =	simm.s32 @!p1 $0x1082;
	[sflag:s4] =	ssyncset.s32 $0xFFFFF086  }
0x25: {  	[simem:s6], [sflag:s4] =	dma.local [hbm:s3], $0xF7A  }
0x26: {  	[smem:$0x3F87] =	sst s1;
	(tag) =	ssettag s2;
	_ =	strace s9  }
0x27: {  	s1 =	sld [smem:$0x3F97]  }
0x28: {  	s2 =	sld [smem:$0x3F98]  }
0x29: {  	s4 =	sld [smem:$0x3F9A]  }
0x2a: {  	p0 =	seq.s32 s5, $0x0;
	s5 =	sld [smem:$0x3F9B]  }
0x2b: {  	s6 =	sld [smem:$0x3F9C]  }
0x2c: {  	s7 =	sld [smem:$0x3F9D]  }
0x2d: {  	s3 =	simm.s32 $0x108;
	s8 =	sld [smem:$0x3F9E]  }
0x2e: {  	s3 =	simm.s32 @!p0 $0x1082;
	s9 =	sld [smem:$0x3F9F]  }
0x2f: {  	lr =	sadd.s32 s0, s3;
	s0 =	sld [smem:$0x3F96]  }
0x30: {  	s3 =	sld [smem:$0x3F99]  }
0x31: {  	[smem:$0x3FA2] =	sst s10  }
0x32: {  	s10 =	sld [smem:$0x3FA0];
	_ =	sdelay $0x3  }
0x33: {  	p0 =	seq.s32 s10, $0x1;
	s10 =	sld [smem:$0x3FA2];
	_ =	sdelay $0x3  }
0x34: {  	[smem:$0x3FA2] =	sst s10  }
0x35: {  	s10 =	sld [smem:$0x3FA1];
	_ =	sdelay $0x3  }
0x36: {  	p1 =	seq.s32 s10, $0x1;
	s10 =	sld [smem:$0x3FA2];
	_ =	sdelay $0x3  }
0x37: {  	[smem:$0x3FA2] =	sst s10  }
0x38: {  	s10 =	sld [smem:$0x3FA3]  }
0x39: {  	_ = 	snop;
	(pc) =	sbr.ind lr, $3  }
0x3a: {  	_ = 	snop  }
0x3b: {  	_ = 	snop  }
0x3c: {  	p2 =	seq.s32 s10, $0x1;
	s10 =	sld [smem:$0x3FA2]  }
0x3d: {  	_ =	shalt  }
0x3e: {  	_ =	shalt  }
0x3f: {  	_ =	shalt  }
0x40: {  	_ =	shalt  }
0x41: {  	_ =	shalt  }
0x42: {  	_ =	shalt  }
0x43: {  	_ =	shalt  }
0x44: {  	_ =	shalt  }
0x45: {  	_ =	shalt  }
0x46: {  	_ =	shalt  }
0x47: {  	_ =	shalt  }
0x48: {  	_ =	shalt  }
0x49: {  	_ =	shalt  }
0x4a: {  	_ =	shalt  }
0x4b: {  	_ =	shalt  }
0x4c: {  	_ =	shalt  }
0x4d: {  	_ =	shalt  }
0x4e: {  	_ =	shalt  }
0x4f: {  	_ =	shalt  }
0x50: {  	_ =	shalt  }
0x51: {  	_ =	shalt  }
0x52: {  	_ =	shalt  }
0x53: {  	_ =	shalt  }
0x54: {  	_ =	shalt  }
0x55: {  	_ =	shalt  }
0x56: {  	_ =	shalt  }
0x57: {  	_ =	shalt  }
0x58: {  	_ =	shalt  }
0x59: {  	_ =	shalt  }
0x5a: {  	_ =	shalt  }
0x5b: {  	_ =	shalt  }
0x5c: {  	_ =	shalt  }
0x5d: {  	_ =	shalt  }
0x5e: {  	_ =	shalt  }
0x5f: {  	_ =	shalt  }
0x60: {  	_ =	shalt  }
0x61: {  	_ =	shalt  }
0x62: {  	_ =	shalt  }
0x63: {  	_ =	shalt  }
0x64: {  	_ =	shalt  }
0x65: {  	_ =	shalt  }
0x66: {  	_ =	shalt  }
0x67: {  	_ =	shalt  }
0x68: {  	_ =	shalt  }
0x69: {  	_ =	shalt  }
0x6a: {  	_ =	shalt  }
0x6b: {  	_ =	shalt  }
0x6c: {  	_ =	shalt  }
0x6d: {  	_ =	shalt  }
0x6e: {  	_ =	shalt  }
0x6f: {  	_ =	shalt  }
0x70: {  	_ =	shalt  }
0x71: {  	_ =	shalt  }
0x72: {  	_ =	shalt  }
0x73: {  	_ =	shalt  }
0x74: {  	_ =	shalt  }
0x75: {  	_ =	shalt  }
0x76: {  	_ =	shalt  }
0x77: {  	_ =	shalt  }
0x78: {  	_ =	shalt  }
0x79: {  	_ =	shalt  }
0x7a: {  	_ =	shalt  }
0x7b: {  	_ =	shalt  }
0x7c: {  	_ =	shalt  }
0x7d: {  	_ =	shalt  }
0x7e: {  	_ =	shalt  }
0x7f: {  	_ =	shalt  }
0x80: {  	_ =	shalt  }
0x81: {  	_ =	shalt  }
0x82: {  	_ =	shalt  }
0x83: {  	_ =	shalt  }
0x84: {  	_ =	shalt  }
0x85: {  	_ =	shalt  }
0x86: {  	_ =	shalt  }
0x87: {  	_ =	shalt  }
.Lfunc_end0:
.L_simem_size_0:
called_computation.8_lowered:
.L_overlay_start_0:
0x88: {  	s2 =	sld [smem:$0x3FD9]  }
0x89: {  	s3 =	sld [smem:$0x3FFE];
	_ =	sdelay $0x1  }
0x8a: {  	s1 =	srdreg.scid  }
0x8b: {  	s0 =	sand.u32 $0x1, s1  }
0x8c: {  	s16 =	sshll.u32 s0, $0xA;
	s2 =	sadd.s32 s3, s2  }
0x8d: {  	s2 =	sadd.s32 s2, s16  }
0x8e: {  	[smem:$0x3FAE] =	sst s2  }
0x8f: {  	_ = 	snop  }
0x90: {  	(tm) =	ssettm $0x1  }
0x91: {  	s17 =	sld [smem:$0x3FFB];
	_ =	sdelay $0x3  }
0x92: {  	_ =	strace s17  }
0x93: {  	s2 =	sld [smem:$0x3FFC];
	_ =	sdelay $0x3  }
0x94: {  	_ =	strace s2  }
0x95: {  	s2 =	sld [smem:$0x3FFD];
	_ =	sdelay $0x3  }
0x96: {  	_ =	strace s2  }
0x97: {  	_ =	strace $0x8FFFFFFF  }
0x98: {  	s18 =	sld [smem:$0x3FDB];
	_ =	sdelay $0x1  }
0x99: {  	s19 =	simm.s32 $_scs_section_size  }
0x9a: {  	s4 =	simm.s32 $_size__tile_overlayer_lowered;
	s5 =	simm.s32 $_tile_overlayer_lowered  }
0x9b: {  	s22 =	simm.s32 $0x1BFF;
	s21 =	sshll.u32 s5, $0x1;
	s2 =	sadd.s32 s19, s18  }
0x9c: {  	s6 =	simm.s32 $0x0;
	s20 =	sshll.u32 s4, $0x1;
	s4 =	sadd.s32 s21, s2  }
0x9d: {  	[timem:s6], [sflag:s22] =	dma.local [hbm:s4], s20  }
0x9e: {  	_ =	swait.ge [sflag:s22], s20  }
0x9f: {  	s3 =	ssub.s32 $0x0, s20;
	[sflag:s22] =	ssyncset.done $0x0  }
0xa0: {  	[sflag:s22] =	ssyncadd.s32 s3;
	_ =	sdelay $0x1  }
0xa1: {  	s23 =	simm.s32 $0x1B8B  }
0xa2: {  	_ =	swait.ge [sflag:s23], $0x1  }
0xa3: {  	[sflag:s23] =	ssyncset.done $0x0  }
0xa4: {  	s25 =	simm.s32 $0x1B8E;
	s24 =	sld [smem:$0x3FFE];
	[sflag:s23] =	ssyncadd.s32 $0xFFFFFFFF  }
0xa5: {  	s26 =	simm.s32 $execute0_lowered;
	[smem:$0x3FD2] =	sst s25  }
0xa6: {  	s4 =	sshll.u32 s26, $0x1;
	_ =	strace $0x8000005E;
	[dreg:$0x1] =	wrdreg $0xFFFFFFFF  }
0xa7: {  	s28 =	simm.s32 $_size_execute0_lowered;
	s2 =	sadd.s32 s2, s4;
	[dreg:$0x0] =	wrdreg $0x0  }
0xa8: {  	s4 =	sshll.u32 s28, $0x1;
	[dreg:$0x2] =	wrdreg s2  }
0xa9: {  	[dreg:$0x3] =	wrdreg s4  }
0xaa: {  	[dreg:$0x4] =	wrdreg $0xC0  }
0xab: {  	_ =	task [dreg:s6], $0x5FFFF  }
0xac: {  	[dreg:$0x1] =	wrdreg $0xFFFFFFFF  }
0xad: {  	[dreg:$0x0] =	wrdreg $0x60  }
0xae: {  	[dreg:$0x2] =	wrdreg s24  }
0xaf: {  	[dreg:$0x3] =	wrdreg $0x8B000  }
0xb0: {  	[dreg:$0x4] =	wrdreg $0x9  }
0xb1: {  	_ =	task.clear_ibuf [dreg:s6], $0x5FFFF;
	_ =	strace $0x9000005E  }
0xb2: {  	s29 =	simm.s32 $0x9;
	_ =	strace $0x80000060  }
0xb3: {  	_ =	swait.ge [sflag:s29], $0x1  }
0xb4: {  	[sflag:s29] =	ssyncadd.s32 $0xFFFFFFFF  }
0xb5: {  	_ =	strace $0x90000060  }
0xb6: {  	_ =	sfence  }
0xb7: {  	s30 =	sld [smem:$0x0];
	_ =	sdelay $0x2  }
0xb8: {  	s31 =	sshll.u32 s1, $0xD;
	s1 =	sshrl.u32 s1, $0x2  }
0xb9: {  	s3 =	sand.u32 $0x4000, s31;
	s1 =	sadd.s32 s1, s30  }
0xba: {  	s0 =	sor.u32 s3, s0;
	s1 =	sshll.u32 s1, $0x11  }
0xbb: {  	s0 =	sor.u32 s1, s0  }
0xbc: {  	s0 =	sadd.s32 $0x8F2B, s0  }
0xbd: {  	[sflag:s0] =	ssyncadd.remote.s32 $0x1  }
0xbe: {  	_ =	sfence.sel $0xFFFF  }
0xbf: {  	[dreg:$0x0] =	wrdreg $0xFFFFFFFF;
	(pc) =	sbr.abs _section_cstart, $3  }
0xc0: {  	[dreg:$0x1] =	wrdreg $0xFFFFFFFF  }
0xc1: {  	_ =	task.clear_ibuf [dreg:s6], $0x2FFFF;
	_ =	strace $0x9FFFFFFF  }
0xc2: {  	(tm) =	ssettm $0x7FFFFFFF  }
0xc3: {  	_ =	shalt  }
tec
execute0_lowered:
.L_overlay_start_1:
0x0: {  	(tag) =	ssettag $0x1  }
0x1: {  	s0 =	rddreg [dreg:$0x0]  }
0x2: {  	s1 =	rddreg [dreg:$0x1];
	s2 =	srdreg.scid;
	s3 =	simm.s32 $0x0  }
0x3: {  	s12 =	stileid.u32;
	s16 =	simm.s32 $0x7;
	s17 =	simm.s32 $0x80  }
0x4: {  	s18 =	simm.s32 $0x100;
	s28 =	simm.s32 $0x6;
	s29 =	simm.s32 $0x8200  }
0x5: {  	s30 =	simm.s32 $0x8280;
	s31 =	simm.s32 $0x10;
	s2 =	sand.u32 $0x1, s2  }
0x6: {  	[smem:$0x7FF] =	sst s3;
	s6 =	smul.u32 $0x13C00, s12;
	s4 =	sadd.s32 $0x94C00, s0  }
0x7: {  	s7 =	sadd.s32 $0x7E00, s0;
	s8 =	sadd.s32 $0x11C00, s0;
	s10 =	smul.u32 $0x4F000, s12  }
0x8: {  	s19 =	sadd.s32 $0x1C200, s0;
	s23 =	sshll.u32 s12, $0x6;
	s5 =	smul.u32 $0x13C000, s2  }
0x9: {  	_ =	strace $0x8000005F;
	[dreg:$0x3] =	wrdreg s19;
	s20 =	sshll.u32 s2, $0x4  }
0xa: {  	s9 =	ssub.s32 $0x2, s2;
	s2 =	smul.u32 $0x27100, s2;
	s19 =	simm.s32 $0x180  }
0xb: {  	s21 =	sshrl.u32 s9, $0x1;
	s22 =	sshrl.u32 s10, $0x2;
	s5 =	sadd.s32 s6, s5  }
0xc: {  	s6 =	sor.u32 s12, s20;
	s12 =	smul.u32 $0x2710, s12;
	s15 =	sadd.s32 s22, s1  }
0xd: {  	s20 =	simm.s32 $0x3;
	s22 =	simm.s32 $0x5;
	s5 =	sshrl.u32 s5, $0x3  }
0xe: {  	s6 =	smul.u32 $0x2710, s6;
	s15 =	sshrl.u32 s15, $0x3;
	s0 =	sadd.s32 s5, s0  }
0xf: {  	s5 =	ssub.s32 s9, s21;
	s2 =	sadd.s32 s12, s2;
	s21 =	simm.s32 $0x200  }
0x10: {  	s11 =	sshrl.u32 s6, $0x3;
	s6 =	sor.u32 $0x1C07, s23;
	s0 =	sadd.s32 $0xBC400, s0  }
0x11: {  	s26 =	sshrl.u32 s2, $0x3;
	s2 =	sadd.s32 $0x80, s2;
	s5 =	smax.u32 s5, $0x1  }
0x12: {  	s23 =	simm.s32 $0x4200;
	s24 =	sadd.s32 $0x4E0, s11;
	[dreg:$0x6] =	wrdreg s0  }
0x13: {  	[dreg:$0x7] =	wrdreg s5;
	s11 =	sadd.s32 s26, s8;
	s2 =	sshrl.u32 s2, $0x3  }
0x14: {  	s12 =	sadd.s32 s26, s7;
	s26 =	simm.s32 $0x2;
	s0 =	simm.s32 $0x8300  }
0x15: {  	s25 =	sadd.s32 s7, s24;
	s9 =	sadd.s32 s8, s24;
	s13 =	sadd.s32 s2, s8  }
0x16: {  	s14 =	sadd.s32 s2, s7;
	s24 =	simm.s32 $0x1;
	[dreg:$0x4] =	wrdreg s25  }
0x17: {  	s2 =	simm.s32 $0x0;
	[dreg:$0x5] =	wrdreg s9;
	s25 =	simm.s32 $0x4  }
.LBB2_1:
0x18: {  	s5 =	rddreg [dreg:$0x3]  }
0x19: {  	[spmem:s15], [sflag:s6] =	dma.local [hbm:s5], $0x2780  }
0x1a: {  	_ =	swait.ge [sflag:s16], $0x2780  }
0x1b: {  	[sflag:s16] =	ssyncset.done $0x0  }
0x1c: {  	[sflag:s16] =	ssyncadd.s32 $0xFFFFD880  }
0x1d: {  	s7 =	sadd.s32 $0x0, s12;
	[bflag:$0x0] =	sbarrier.arrive $0xFFFF  }
0x1e: {  	[tilespmem:s3], [sflag:$0x3] =	stream.linear.gather [hbm4b:s7+s3], $0x80, $0x38;
	[tilespmem:$0x1C700] =	vst v63  }
0x1f: {  	s8 =	sadd.s32 $0x0, s11  }
0x20: {  	[tilespmem:s17], [sflag:$0x4] =	stream.linear.gather [hbm4b:s8+s3], $0x80, $0x38;
	[tilespmem:$0x1C700] =	vst v63  }
0x21: {  	s9 =	sadd.s32 $0x0, s14  }
0x22: {  	[tilespmem:s18], [sflag:$0x5] =	stream.linear.gather [hbm4b:s9+s3], $0x80, $0x38;
	[tilespmem:$0x1C700] =	vst v63  }
0x23: {  	s10 =	sadd.s32 $0x0, s13  }
0x24: {  	[tilespmem:s19], [sflag:$0x6] =	stream.linear.gather [hbm4b:s10+s3], $0x80, $0x38;
	[tilespmem:$0x1C700] =	vst v63  }
0x25: {  	_ =	swait.ge [sflag:s20], $0x80  }
0x26: {  	[sflag:s20] =	ssyncset.done $0x0  }
0x27: {  	[sflag:s20] =	ssyncadd.s32 $0xFFFFFF80  }
0x28: {  	[tilespmem:s21], [sflag:$0x1] =	stream.indirect.gather [hbm4b:s4+s17], $0x80, s3, s17, $0xb8;
	[tilespmem:$0x1C700] =	vst v63  }
0x29: {  	_ =	swait.ge [sflag:s22], $0x80  }
0x2a: {  	[sflag:s22] =	ssyncset.done $0x0  }
0x2b: {  	[sflag:s22] =	ssyncadd.s32 $0xFFFFFF80  }
0x2c: {  	[tilespmem:s23], [sflag:$0x2] =	stream.indirect.gather [hbm4b:s4+s17], $0x80, s18, s17, $0xb8;
	[tilespmem:$0x1C700] =	vst v63  }
0x2d: {  	_ =	swait.ge [sflag:s24], $0x4000  }
0x2e: {  	[sflag:s24] =	ssyncset.done $0x0  }
0x2f: {  	[sflag:s24] =	ssyncadd.s32 $0xFFFFC000  }
0x30: {  	_ =	swait.ge [sflag:s25], $0x80  }
0x31: {  	[sflag:s25] =	ssyncset.done $0x0  }
0x32: {  	[sflag:s25] =	ssyncadd.s32 $0xFFFFFF80  }
0x33: {  	[spmem:s1] =	stream.indirect.scatter.add.f32 [tilespmem:s21], [sflag:$0x7], $0x80, s17, s17, $0xb8;
	[tilespmem:$0x1C700] =	vst v63  }
0x34: {  	_ =	swait.ge [sflag:s16], $0x4000  }
0x35: {  	[sflag:s16] =	ssyncset.done $0x0  }
0x36: {  	[sflag:s16] =	ssyncadd.s32 $0xFFFFC000  }
0x37: {  	_ =	swait.ge [sflag:s26], $0x4000  }
0x38: {  	[sflag:s26] =	ssyncset.done $0x0  }
0x39: {  	[sflag:s26] =	ssyncadd.s32 $0xFFFFC000  }
0x3a: {  	_ =	swait.ge [sflag:s28], $0x80  }
0x3b: {  	[sflag:s28] =	ssyncset.done $0x0  }
0x3c: {  	[sflag:s28] =	ssyncadd.s32 $0xFFFFFF80  }
0x3d: {  	[spmem:s1] =	stream.indirect.scatter.add.f32 [tilespmem:s23], [sflag:$0x7], $0x80, s19, s17, $0xb8;
	[tilespmem:$0x1C700] =	vst v63  }
0x3e: {  	_ =	swait.ge [sflag:s16], $0x4000  }
0x3f: {  	s5 =	simm.s32 $0x20;
	s7 =	simm.s32 $0x40;
	[sflag:s16] =	ssyncset.done $0x0  }
.LBB2_2:
0x40: {  	s9 =	sadd.s32 s5, s12  }
0x41: {  	[sflag:s16] =	ssyncadd.s32 $0xFFFFC000;
	s10 =	smov.u32 s7;
	s8 =	sadd.s32 $0x20, s7  }
0x42: {  	[tilespmem:s3], [sflag:$0x3] =	stream.linear.gather [hbm4b:s9+s3], $0x80, $0x38;
	[tilespmem:$0x1C700] =	vst v63  }
0x43: {  	p0 =	sne.s32 s7, $0x4C0;
	s7 =	sadd.s32 s5, s11  }
0x44: {  	[tilespmem:s17], [sflag:$0x4] =	stream.linear.gather [hbm4b:s7+s3], $0x80, $0x38;
	[tilespmem:$0x1C700] =	vst v63  }
0x45: {  	s7 =	sadd.s32 s5, s14  }
0x46: {  	[tilespmem:s18], [sflag:$0x5] =	stream.linear.gather [hbm4b:s7+s3], $0x80, $0x38;
	[tilespmem:$0x1C700] =	vst v63  }
0x47: {  	s7 =	sadd.s32 s5, s13;
	s5 =	smov.u32 s10  }
0x48: {  	[tilespmem:s19], [sflag:$0x6] =	stream.linear.gather [hbm4b:s7+s3], $0x80, $0x38;
	[tilespmem:$0x1C700] =	vst v63  }
0x49: {  	_ =	swait.ge [sflag:s20], $0x80  }
0x4a: {  	[sflag:s20] =	ssyncset.done $0x0  }
0x4b: {  	[sflag:s20] =	ssyncadd.s32 $0xFFFFFF80  }
0x4c: {  	[tilespmem:s21], [sflag:$0x1] =	stream.indirect.gather [hbm4b:s4+s17], $0x80, s3, s17, $0xb8;
	[tilespmem:$0x1C700] =	vst v63  }
0x4d: {  	_ =	swait.ge [sflag:s22], $0x80  }
0x4e: {  	[sflag:s22] =	ssyncset.done $0x0  }
0x4f: {  	[sflag:s22] =	ssyncadd.s32 $0xFFFFFF80  }
0x50: {  	[tilespmem:s23], [sflag:$0x2] =	stream.indirect.gather [hbm4b:s4+s17], $0x80, s18, s17, $0xb8;
	[tilespmem:$0x1C700] =	vst v63  }
0x51: {  	_ =	swait.ge [sflag:s24], $0x4000  }
0x52: {  	[sflag:s24] =	ssyncset.done $0x0  }
0x53: {  	[sflag:s24] =	ssyncadd.s32 $0xFFFFC000  }
0x54: {  	_ =	swait.ge [sflag:s25], $0x80  }
0x55: {  	[sflag:s25] =	ssyncset.done $0x0  }
0x56: {  	[sflag:s25] =	ssyncadd.s32 $0xFFFFFF80  }
0x57: {  	[spmem:s1] =	stream.indirect.scatter.add.f32 [tilespmem:s21], [sflag:$0x7], $0x80, s17, s17, $0xb8;
	[tilespmem:$0x1C700] =	vst v63  }
0x58: {  	_ =	swait.ge [sflag:s16], $0x4000  }
0x59: {  	[sflag:s16] =	ssyncset.done $0x0  }
0x5a: {  	[sflag:s16] =	ssyncadd.s32 $0xFFFFC000  }
0x5b: {  	_ =	swait.ge [sflag:s26], $0x4000  }
0x5c: {  	[sflag:s26] =	ssyncset.done $0x0  }
0x5d: {  	[sflag:s26] =	ssyncadd.s32 $0xFFFFC000  }
0x5e: {  	_ =	swait.ge [sflag:s28], $0x80  }
.Ltmp0:
0x5f: {  	[sflag:s28] =	ssyncset.done $0x0;
	(pc) =	sbr.rel @p0 .LBB2_2-.Ltmp0, $4  }
0x60: {  	[sflag:s28] =	ssyncadd.s32 $0xFFFFFF80  }
0x61: {  	[spmem:s1] =	stream.indirect.scatter.add.f32 [tilespmem:s23], [sflag:$0x7], $0x80, s19, s17, $0xb8;
	[tilespmem:$0x1C700] =	vst v63  }
0x62: {  	_ =	swait.ge [sflag:s16], $0x4000  }
0x63: {  	s7 =	smov.u32 s8;
	[sflag:s16] =	ssyncset.done $0x0  }
0x64: {  	s7 =	sadd.s32 s5, s12;
	[sflag:s16] =	ssyncadd.s32 $0xFFFFC000  }
0x65: {  	[tilespmem:s3], [sflag:$0x3] =	stream.linear.gather [hbm4b:s7+s3], $0x80, $0x38;
	[tilespmem:$0x1C700] =	vst v63  }
0x66: {  	s8 =	sadd.s32 s5, s11  }
0x67: {  	[tilespmem:s17], [sflag:$0x4] =	stream.linear.gather [hbm4b:s8+s3], $0x80, $0x38;
	[tilespmem:$0x1C700] =	vst v63  }
0x68: {  	s9 =	sadd.s32 s5, s14  }
0x69: {  	[tilespmem:s18], [sflag:$0x5] =	stream.linear.gather [hbm4b:s9+s3], $0x80, $0x38;
	[tilespmem:$0x1C700] =	vst v63  }
0x6a: {  	s10 =	sadd.s32 s5, s13  }
0x6b: {  	[tilespmem:s19], [sflag:$0x6] =	stream.linear.gather [hbm4b:s10+s3], $0x80, $0x38;
	[tilespmem:$0x1C700] =	vst v63  }
0x6c: {  	_ =	swait.ge [sflag:s20], $0x80  }
0x6d: {  	[sflag:s20] =	ssyncset.done $0x0  }
0x6e: {  	[sflag:s20] =	ssyncadd.s32 $0xFFFFFF80  }
0x6f: {  	[tilespmem:s21], [sflag:$0x1] =	stream.indirect.gather [hbm4b:s4+s17], $0x80, s3, s17, $0xb8;
	[tilespmem:$0x1C700] =	vst v63  }
0x70: {  	_ =	swait.ge [sflag:s22], $0x80  }
0x71: {  	[sflag:s22] =	ssyncset.done $0x0  }
0x72: {  	[sflag:s22] =	ssyncadd.s32 $0xFFFFFF80  }
0x73: {  	[tilespmem:s23], [sflag:$0x2] =	stream.indirect.gather [hbm4b:s4+s17], $0x80, s18, s17, $0xb8;
	[tilespmem:$0x1C700] =	vst v63  }
0x74: {  	_ =	swait.ge [sflag:s24], $0x4000  }
0x75: {  	[sflag:s24] =	ssyncset.done $0x0  }
0x76: {  	[sflag:s24] =	ssyncadd.s32 $0xFFFFC000  }
0x77: {  	_ =	swait.ge [sflag:s25], $0x80  }
0x78: {  	[sflag:s25] =	ssyncset.done $0x0  }
0x79: {  	[sflag:s25] =	ssyncadd.s32 $0xFFFFFF80  }
0x7a: {  	[spmem:s1] =	stream.indirect.scatter.add.f32 [tilespmem:s21], [sflag:$0x7], $0x80, s17, s17, $0xb8;
	[tilespmem:$0x1C700] =	vst v63  }
0x7b: {  	_ =	swait.ge [sflag:s16], $0x4000  }
0x7c: {  	[sflag:s16] =	ssyncset.done $0x0  }
0x7d: {  	[sflag:s16] =	ssyncadd.s32 $0xFFFFC000  }
0x7e: {  	_ =	swait.ge [sflag:s26], $0x4000  }
0x7f: {  	[sflag:s26] =	ssyncset.done $0x0  }
0x80: {  	[sflag:s26] =	ssyncadd.s32 $0xFFFFC000  }
0x81: {  	_ =	swait.ge [sflag:s28], $0x80  }
0x82: {  	[sflag:s28] =	ssyncset.done $0x0  }
0x83: {  	[sflag:s28] =	ssyncadd.s32 $0xFFFFFF80  }
0x84: {  	[spmem:s1] =	stream.indirect.scatter.add.f32 [tilespmem:s23], [sflag:$0x7], $0x80, s19, s17, $0xb8;
	[tilespmem:$0x1C700] =	vst v63  }
0x85: {  	_ =	swait.ge [sflag:s16], $0x4000  }
0x86: {  	[sflag:s16] =	ssyncset.done $0x0  }
0x87: {  	s7 =	rddreg [dreg:$0x4];
	[sflag:s16] =	ssyncadd.s32 $0xFFFFC000  }
0x88: {  	[tilespmem:s29], [sflag:$0x7] =	stream.linear.gather [hbm4b:s7+s3], $0x10, $0x38;
	[tilespmem:$0x1C700] =	vst v63  }
0x89: {  	_ =	swait.ge [sflag:s16], $0x10  }
0x8a: {  	[sflag:s16] =	ssyncset.done $0x0  }
0x8b: {  	s8 =	rddreg [dreg:$0x5];
	[sflag:s16] =	ssyncadd.s32 $0xFFFFFFF0  }
0x8c: {  	[tilespmem:s30], [sflag:$0x7] =	stream.linear.gather [hbm4b:s8+s3], $0x10, $0x38;
	[tilespmem:$0x1C700] =	vst v63  }
0x8d: {  	_ =	swait.ge [sflag:s16], $0x10  }
0x8e: {  	[sflag:s16] =	ssyncset.done $0x0  }
0x8f: {  	[sflag:s16] =	ssyncadd.s32 $0xFFFFFFF0  }
0x90: {  	[tilespmem:s0], [sflag:$0x1] =	stream.indirect.gather [hbm4b:s4+s31], $0x80, s29, s31, $0xb8;
	[tilespmem:$0x1C700] =	vst v63  }
0x91: {  	_ =	swait.ge [sflag:s24], $0x800  }
0x92: {  	[sflag:s24] =	ssyncset.done $0x0  }
0x93: {  	[sflag:s24] =	ssyncadd.s32 $0xFFFFF800  }
0x94: {  	[spmem:s1] =	stream.indirect.scatter.add.f32 [tilespmem:s0], [sflag:$0x7], $0x80, s30, s31, $0xb8;
	[tilespmem:$0x1C700] =	vst v63  }
0x95: {  	_ =	swait.ge [sflag:s16], $0x800  }
0x96: {  	[sflag:s16] =	ssyncset.done $0x0  }
0x97: {  	[sflag:s16] =	ssyncadd.s32 $0xFFFFF800  }
0x98: {  	[bflag:$0x0] =	sbarrier.arrive $0xFFFF  }
0x99: {  	s9 =	rddreg [dreg:$0x6]  }
0x9a: {  	[hbm:s9], [sflag:s6] =	dma.local [spmem:s15], $0x2780  }
0x9b: {  	_ =	swait.ge [sflag:s16], $0x2780  }
0x9c: {  	s2 =	sadd.s32 $0x1, s2;
	s10 =	rddreg [dreg:$0x7]  }
0x9d: {  	p0 =	sne.s32 s2, s10  }
.Ltmp1:
0x9e: {  	_ = 	snop;
	(pc) =	sbr.rel @p0 .LBB2_1-.Ltmp1, $3  }
0x9f: {  	_ =	sdelay $0x1  }
0xa0: {  	[sflag:s16] =	ssyncset.done $0x0  }
0xa1: {  	[sflag:s16] =	ssyncadd.s32 $0xFFFFD880  }
0xa2: {  	_ =	sfence.sel $0x180000  }
0xa3: {  	[bflag:$0x0] =	sbarrier.arrive $0xFFFF  }
0xa4: {  	_ =	strace $0x9000005F  }
0xa5: {  	s0 =	stileid.u32;
	[bflag:$0x2] =	sbarrier.arrive $0xFFFF  }
0xa6: {  	p0 =	sne.s32 s0, $0x0;
	s0 =	rddreg [dreg:$0x2]  }
0xa7: {  	s0 =	sadd.s32 @!p0 $0x100000, s0  }
0xa8: {  	[sflag:s0] =	ssyncadd.tile.s32 @!p0 $0x1;
	_ =	shalt  }
.Lfunc_end2:
_tile_overlayer_lowered:
.L_overlay_start_2:
0xa9: {  	(tag) =	ssettag $0x2  }
0xaa: {  	s0 =	rddreg [dreg:$0x0];
	s2 =	stileid.u32  }
0xab: {  	s1 =	rddreg [dreg:$0x1];
	p0 =	sne.s32 s2, $0x0  }
0xac: {  	s3 =	rddreg [dreg:$0x2];
	[bflag:$0x3] =	sbarrier.arrive $0xFFFF;
	s2 =	simm.s32 @!p0 $0x1C07  }
0xad: {  	[timem:s3], [sflag:s2] =	dma.local @!p0 [hbm:s0], s1  }
0xae: {  	s0 =	simm.s32 @!p0 $0x7  }
0xaf: {  	_ =	swait.ge @!p0 [sflag:s0], s1  }
0xb0: {  	s1 =	ssub.s32 @!p0 $0x0, s1;
	[sflag:s0] =	ssyncset.done @!p0 $0x0  }
0xb1: {  	[sflag:s0] =	ssyncadd.s32 @!p0 s1  }
0xb2: {  	[bflag:$0x3] =	sbarrier.arrive $0xFFFF  }
0xb3: {  	_ =	shalt  }

// kernel: kernel.55.cloned.1.call-start
scs
__scs_entry_jumppad:
0x0: {  	(pc) =	sbr.rel $0x88, $3  }
0x1: {  	(tag) =	ssettag $0x0;
	lr =	simm.s32 $0x1  }
0x2: {  	[smem:$0x3F87] =	sst lr;
	_ =	strace $0xD0000000  }
0x3: {  	_ = 	snop  }
0x4: {  	_ = 	snop  }
0x5: {  	_ = 	snop  }
0x6: {  	_ = 	snop  }
0x7: {  	_ = 	snop  }
__scs_overlays_trampoline_lowered:
0x8: {  	[smem:$0x3F96] =	sst s0  }
0x9: {  	[smem:$0x3F97] =	sst s1  }
0xa: {  	[smem:$0x3F98] =	sst s2  }
0xb: {  	[smem:$0x3F99] =	sst s3  }
0xc: {  	[smem:$0x3F9A] =	sst s4  }
0xd: {  	[smem:$0x3F9B] =	sst s5  }
0xe: {  	[smem:$0x3F9C] =	sst s6  }
0xf: {  	[smem:$0x3F9D] =	sst s7  }
0x10: {  	[smem:$0x3F9E] =	sst s8  }
0x11: {  	[smem:$0x3F9F] =	sst s9;
	s0 =	simm.s32 @!p0 $0x0  }
0x12: {  	s1 =	sld [smem:$0x3F85];
	s0 =	simm.s32 @p0 $0x1  }
0x13: {  	[smem:$0x3FA0] =	sst s0;
	s0 =	simm.s32 @!p1 $0x0  }
0x14: {  	s2 =	sld [smem:$0x3F84];
	s0 =	simm.s32 @p1 $0x1  }
0x15: {  	[smem:$0x3FA1] =	sst s0;
	s0 =	simm.s32 @!p2 $0x0  }
0x16: {  	s3 =	sld [smem:$0x3FDB];
	s0 =	simm.s32 @p2 $0x1  }
0x17: {  	s4 =	simm.s32 $0x1BF5;
	[smem:$0x3FA3] =	sst s0  }
0x18: {  	s0 =	sld [smem:$0x3F86];
	_ =	swait.ge [sflag:s4], $0x0  }
0x19: {  	s7 =	sld [smem:$0x3F87]  }
0x1a: {  	s8 =	sadd.s32 $0xFFFFE003, lr  }
0x1b: {  	s9 =	sadd.s32 $0xFFFFFEF7, lr;
	s5 =	simm.s32 $0xFFFFFFFF;
	p2 =	slt.u32 s8, $0xFFFFF086  }
0x1c: {  	p1 =	slt.u32 s9, $0xF7A;
	s5 =	simm.s32 @!p2 $0x0  }
0x1d: {  	s5 =	simm.s32 @p1 $0x1;
	p0 =	seq.s32 s7, s2  }
0x1e: {  	s7 =	smul.u32 @!p0 $0xF7A, s2;
	p2 =	seq.s32 @!p0 s5, $0x0  }
0x1f: {  	s9 =	smul.u32 $0xF7A, s1;
	s8 =	simm.s32 @!p0 $0x1BF5;
	p2 =	por !p2, p0  }
0x20: {  	[sflag:s8] =	ssyncset.s32 @!p0 $0xFFFFF086;
	s6 =	sadd.s32 @!p0 s3, s7;
	s7 =	simm.s32 @!p0 $0x108  }
0x21: {  	s3 =	sadd.s32 s3, s9;
	s6 =	sadd.s32 @!p0 $0x88, s6;
	s7 =	simm.s32 @p2 $0x1082  }
0x22: {  	[simem:s7], [sflag:s8] =	dma.local @!p0 [hbm:s6], $0xF7A  }
0x23: {  	s9 =	sor.u32 $0xD0000000, s2;
	s6 =	simm.s32 $0x108;
	_ =	swait.ge @!p0 [sflag:s8], $0x0  }
0x24: {  	s3 =	sadd.s32 $0x88, s3;
	s6 =	simm.s32 @!p1 $0x1082;
	[sflag:s4] =	ssyncset.s32 $0xFFFFF086  }
0x25: {  	[simem:s6], [sflag:s4] =	dma.local [hbm:s3], $0xF7A  }
0x26: {  	[smem:$0x3F87] =	sst s1;
	(tag) =	ssettag s2;
	_ =	strace s9  }
0x27: {  	s1 =	sld [smem:$0x3F97]  }
0x28: {  	s2 =	sld [smem:$0x3F98]  }
0x29: {  	s4 =	sld [smem:$0x3F9A]  }
0x2a: {  	p0 =	seq.s32 s5, $0x0;
	s5 =	sld [smem:$0x3F9B]  }
0x2b: {  	s6 =	sld [smem:$0x3F9C]  }
0x2c: {  	s7 =	sld [smem:$0x3F9D]  }
0x2d: {  	s3 =	simm.s32 $0x108;
	s8 =	sld [smem:$0x3F9E]  }
0x2e: {  	s3 =	simm.s32 @!p0 $0x1082;
	s9 =	sld [smem:$0x3F9F]  }
0x2f: {  	lr =	sadd.s32 s0, s3;
	s0 =	sld [smem:$0x3F96]  }
0x30: {  	s3 =	sld [smem:$0x3F99]  }
0x31: {  	[smem:$0x3FA2] =	sst s10  }
0x32: {  	s10 =	sld [smem:$0x3FA0];
	_ =	sdelay $0x3  }
0x33: {  	p0 =	seq.s32 s10, $0x1;
	s10 =	sld [smem:$0x3FA2];
	_ =	sdelay $0x3  }
0x34: {  	[smem:$0x3FA2] =	sst s10  }
0x35: {  	s10 =	sld [smem:$0x3FA1];
	_ =	sdelay $0x3  }
0x36: {  	p1 =	seq.s32 s10, $0x1;
	s10 =	sld [smem:$0x3FA2];
	_ =	sdelay $0x3  }
0x37: {  	[smem:$0x3FA2] =	sst s10  }
0x38: {  	s10 =	sld [smem:$0x3FA3]  }
0x39: {  	_ = 	snop;
	(pc) =	sbr.ind lr, $3  }
0x3a: {  	_ = 	snop  }
0x3b: {  	_ = 	snop  }
0x3c: {  	p2 =	seq.s32 s10, $0x1;
	s10 =	sld [smem:$0x3FA2]  }
0x3d: {  	_ =	shalt  }
0x3e: {  	_ =	shalt  }
0x3f: {  	_ =	shalt  }
0x40: {  	_ =	shalt  }
0x41: {  	_ =	shalt  }
0x42: {  	_ =	shalt  }
0x43: {  	_ =	shalt  }
0x44: {  	_ =	shalt  }
0x45: {  	_ =	shalt  }
0x46: {  	_ =	shalt  }
0x47: {  	_ =	shalt  }
0x48: {  	_ =	shalt  }
0x49: {  	_ =	shalt  }
0x4a: {  	_ =	shalt  }
0x4b: {  	_ =	shalt  }
0x4c: {  	_ =	shalt  }
0x4d: {  	_ =	shalt  }
0x4e: {  	_ =	shalt  }
0x4f: {  	_ =	shalt  }
0x50: {  	_ =	shalt  }
0x51: {  	_ =	shalt  }
0x52: {  	_ =	shalt  }
0x53: {  	_ =	shalt  }
0x54: {  	_ =	shalt  }
0x55: {  	_ =	shalt  }
0x56: {  	_ =	shalt  }
0x57: {  	_ =	shalt  }
0x58: {  	_ =	shalt  }
0x59: {  	_ =	shalt  }
0x5a: {  	_ =	shalt  }
0x5b: {  	_ =	shalt  }
0x5c: {  	_ =	shalt  }
0x5d: {  	_ =	shalt  }
0x5e: {  	_ =	shalt  }
0x5f: {  	_ =	shalt  }
0x60: {  	_ =	shalt  }
0x61: {  	_ =	shalt  }
0x62: {  	_ =	shalt  }
0x63: {  	_ =	shalt  }
0x64: {  	_ =	shalt  }
0x65: {  	_ =	shalt  }
0x66: {  	_ =	shalt  }
0x67: {  	_ =	shalt  }
0x68: {  	_ =	shalt  }
0x69: {  	_ =	shalt  }
0x6a: {  	_ =	shalt  }
0x6b: {  	_ =	shalt  }
0x6c: {  	_ =	shalt  }
0x6d: {  	_ =	shalt  }
0x6e: {  	_ =	shalt  }
0x6f: {  	_ =	shalt  }
0x70: {  	_ =	shalt  }
0x71: {  	_ =	shalt  }
0x72: {  	_ =	shalt  }
0x73: {  	_ =	shalt  }
0x74: {  	_ =	shalt  }
0x75: {  	_ =	shalt  }
0x76: {  	_ =	shalt  }
0x77: {  	_ =	shalt  }
0x78: {  	_ =	shalt  }
0x79: {  	_ =	shalt  }
0x7a: {  	_ =	shalt  }
0x7b: {  	_ =	shalt  }
0x7c: {  	_ =	shalt  }
0x7d: {  	_ =	shalt  }
0x7e: {  	_ =	shalt  }
0x7f: {  	_ =	shalt  }
0x80: {  	_ =	shalt  }
0x81: {  	_ =	shalt  }
0x82: {  	_ =	shalt  }
0x83: {  	_ =	shalt  }
0x84: {  	_ =	shalt  }
0x85: {  	_ =	shalt  }
0x86: {  	_ =	shalt  }
0x87: {  	_ =	shalt  }
.Lfunc_end0:
.L_simem_size_0:
called_computation.9_lowered:
.L_overlay_start_0:
0x88: {  	s2 =	sld [smem:$0x3FD9]  }
0x89: {  	s3 =	sld [smem:$0x3FFE];
	_ =	sdelay $0x1  }
0x8a: {  	s1 =	srdreg.scid  }
0x8b: {  	s0 =	sand.u32 $0x1, s1  }
0x8c: {  	s16 =	sshll.u32 s0, $0xA;
	s2 =	sadd.s32 s3, s2  }
0x8d: {  	s2 =	sadd.s32 s2, s16  }
0x8e: {  	[smem:$0x3FAE] =	sst s2  }
0x8f: {  	_ = 	snop  }
0x90: {  	(tm) =	ssettm $0x1  }
0x91: {  	s17 =	sld [smem:$0x3FFB];
	_ =	sdelay $0x3  }
0x92: {  	_ =	strace s17  }
0x93: {  	s2 =	sld [smem:$0x3FFC];
	_ =	sdelay $0x3  }
0x94: {  	_ =	strace s2  }
0x95: {  	s2 =	sld [smem:$0x3FFD];
	_ =	sdelay $0x3  }
0x96: {  	_ =	strace s2  }
0x97: {  	_ =	strace $0x8FFFFFFF  }
0x98: {  	s18 =	sld [smem:$0x3FDB];
	_ =	sdelay $0x1  }
0x99: {  	s19 =	simm.s32 $_scs_section_size  }
0x9a: {  	s4 =	simm.s32 $_size__tile_overlayer_lowered;
	s5 =	simm.s32 $_tile_overlayer_lowered  }
0x9b: {  	s22 =	simm.s32 $0x1BFF;
	s21 =	sshll.u32 s5, $0x1;
	s2 =	sadd.s32 s19, s18  }
0x9c: {  	s6 =	simm.s32 $0x0;
	s20 =	sshll.u32 s4, $0x1;
	s4 =	sadd.s32 s21, s2  }
0x9d: {  	[timem:s6], [sflag:s22] =	dma.local [hbm:s4], s20  }
0x9e: {  	_ =	swait.ge [sflag:s22], s20  }
0x9f: {  	s3 =	ssub.s32 $0x0, s20;
	[sflag:s22] =	ssyncset.done $0x0  }
0xa0: {  	[sflag:s22] =	ssyncadd.s32 s3;
	_ =	sdelay $0x1  }
0xa1: {  	s23 =	simm.s32 $0x1B8B  }
0xa2: {  	_ =	swait.ge [sflag:s23], $0x1  }
0xa3: {  	[sflag:s23] =	ssyncset.done $0x0  }
0xa4: {  	s25 =	simm.s32 $0x1B8E;
	s24 =	sld [smem:$0x3FFE];
	[sflag:s23] =	ssyncadd.s32 $0xFFFFFFFF  }
0xa5: {  	s26 =	simm.s32 $execute0_lowered;
	[smem:$0x3FD2] =	sst s25  }
0xa6: {  	s4 =	sshll.u32 s26, $0x1;
	_ =	strace $0x80000061;
	[dreg:$0x1] =	wrdreg $0xFFFFFFFF  }
0xa7: {  	s28 =	simm.s32 $_size_execute0_lowered;
	s2 =	sadd.s32 s2, s4;
	[dreg:$0x0] =	wrdreg $0x0  }
0xa8: {  	s4 =	sshll.u32 s28, $0x1;
	[dreg:$0x2] =	wrdreg s2  }
0xa9: {  	[dreg:$0x3] =	wrdreg s4  }
0xaa: {  	[dreg:$0x4] =	wrdreg $0xC0  }
0xab: {  	_ =	task [dreg:s6], $0x5FFFF  }
0xac: {  	[dreg:$0x1] =	wrdreg $0xFFFFFFFF  }
0xad: {  	[dreg:$0x0] =	wrdreg $0x60  }
0xae: {  	[dreg:$0x2] =	wrdreg s24  }
0xaf: {  	[dreg:$0x3] =	wrdreg $0x8B000  }
0xb0: {  	[dreg:$0x4] =	wrdreg $0x9  }
0xb1: {  	_ =	task.clear_ibuf [dreg:s6], $0x5FFFF;
	_ =	strace $0x90000061  }
0xb2: {  	s29 =	simm.s32 $0x9;
	_ =	strace $0x80000063  }
0xb3: {  	_ =	swait.ge [sflag:s29], $0x1  }
0xb4: {  	[sflag:s29] =	ssyncadd.s32 $0xFFFFFFFF  }
0xb5: {  	_ =	strace $0x90000063  }
0xb6: {  	_ =	sfence  }
0xb7: {  	s30 =	sld [smem:$0x0];
	_ =	sdelay $0x2  }
0xb8: {  	s31 =	sshll.u32 s1, $0xD;
	s1 =	sshrl.u32 s1, $0x2  }
0xb9: {  	s3 =	sand.u32 $0x4000, s31;
	s1 =	sadd.s32 s1, s30  }
0xba: {  	s0 =	sor.u32 s3, s0;
	s1 =	sshll.u32 s1, $0x11  }
0xbb: {  	s0 =	sor.u32 s1, s0  }
0xbc: {  	s0 =	sadd.s32 $0x8F2B, s0  }
0xbd: {  	[sflag:s0] =	ssyncadd.remote.s32 $0x1  }
0xbe: {  	_ =	sfence.sel $0xFFFF  }
0xbf: {  	[dreg:$0x0] =	wrdreg $0xFFFFFFFF;
	(pc) =	sbr.abs _section_cstart, $3  }
0xc0: {  	[dreg:$0x1] =	wrdreg $0xFFFFFFFF  }
0xc1: {  	_ =	task.clear_ibuf [dreg:s6], $0x2FFFF;
	_ =	strace $0x9FFFFFFF  }
0xc2: {  	(tm) =	ssettm $0x7FFFFFFF  }
0xc3: {  	_ =	shalt  }
tec
execute0_lowered:
.L_overlay_start_1:
0x0: {  	(tag) =	ssettag $0x1  }
0x1: {  	s0 =	rddreg [dreg:$0x0]  }
0x2: {  	s1 =	rddreg [dreg:$0x1];
	s2 =	srdreg.scid;
	s3 =	simm.s32 $0x0  }
0x3: {  	s12 =	stileid.u32;
	s16 =	simm.s32 $0x7;
	s17 =	simm.s32 $0x80  }
0x4: {  	s18 =	simm.s32 $0x100;
	s28 =	simm.s32 $0x6;
	s29 =	simm.s32 $0x8200  }
0x5: {  	s30 =	simm.s32 $0x8280;
	s31 =	simm.s32 $0x10;
	s2 =	sand.u32 $0x1, s2  }
0x6: {  	[smem:$0x7FF] =	sst s3;
	s6 =	smul.u32 $0x13C00, s12;
	s4 =	sadd.s32 $0x94C00, s0  }
0x7: {  	s7 =	sadd.s32 $0x7E00, s0;
	s8 =	sadd.s32 $0x11C00, s0;
	s10 =	smul.u32 $0x4F000, s12  }
0x8: {  	s19 =	sadd.s32 $0x1C200, s0;
	s23 =	sshll.u32 s12, $0x6;
	s5 =	smul.u32 $0x13C000, s2  }
0x9: {  	_ =	strace $0x80000062;
	[dreg:$0x3] =	wrdreg s19;
	s20 =	sshll.u32 s2, $0x4  }
0xa: {  	s9 =	ssub.s32 $0x2, s2;
	s2 =	smul.u32 $0x27100, s2;
	s19 =	simm.s32 $0x180  }
0xb: {  	s21 =	sshrl.u32 s9, $0x1;
	s22 =	sshrl.u32 s10, $0x2;
	s5 =	sadd.s32 s6, s5  }
0xc: {  	s6 =	sor.u32 s12, s20;
	s12 =	smul.u32 $0x2710, s12;
	s15 =	sadd.s32 s22, s1  }
0xd: {  	s20 =	simm.s32 $0x3;
	s22 =	simm.s32 $0x5;
	s5 =	sshrl.u32 s5, $0x3  }
0xe: {  	s6 =	smul.u32 $0x2710, s6;
	s15 =	sshrl.u32 s15, $0x3;
	s0 =	sadd.s32 s5, s0  }
0xf: {  	s5 =	ssub.s32 s9, s21;
	s2 =	sadd.s32 s12, s2;
	s21 =	simm.s32 $0x200  }
0x10: {  	s11 =	sshrl.u32 s6, $0x3;
	s6 =	sor.u32 $0x1C07, s23;
	s0 =	sadd.s32 $0x10B400, s0  }
0x11: {  	s26 =	sshrl.u32 s2, $0x3;
	s2 =	sadd.s32 $0x80, s2;
	s5 =	smax.u32 s5, $0x1  }
0x12: {  	s23 =	simm.s32 $0x4200;
	s24 =	sadd.s32 $0x4E0, s11;
	[dreg:$0x6] =	wrdreg s0  }
0x13: {  	[dreg:$0x7] =	wrdreg s5;
	s11 =	sadd.s32 s26, s8;
	s2 =	sshrl.u32 s2, $0x3  }
0x14: {  	s12 =	sadd.s32 s26, s7;
	s26 =	simm.s32 $0x2;
	s0 =	simm.s32 $0x8300  }
0x15: {  	s25 =	sadd.s32 s7, s24;
	s9 =	sadd.s32 s8, s24;
	s13 =	sadd.s32 s2, s8  }
0x16: {  	s14 =	sadd.s32 s2, s7;
	s24 =	simm.s32 $0x1;
	[dreg:$0x4] =	wrdreg s25  }
0x17: {  	s2 =	simm.s32 $0x0;
	[dreg:$0x5] =	wrdreg s9;
	s25 =	simm.s32 $0x4  }
.LBB2_1:
0x18: {  	s5 =	rddreg [dreg:$0x3]  }
0x19: {  	[spmem:s15], [sflag:s6] =	dma.local [hbm:s5], $0x2780  }
0x1a: {  	_ =	swait.ge [sflag:s16], $0x2780  }
0x1b: {  	[sflag:s16] =	ssyncset.done $0x0  }
0x1c: {  	[sflag:s16] =	ssyncadd.s32 $0xFFFFD880  }
0x1d: {  	s7 =	sadd.s32 $0x0, s12;
	[bflag:$0x0] =	sbarrier.arrive $0xFFFF  }
0x1e: {  	[tilespmem:s3], [sflag:$0x3] =	stream.linear.gather [hbm4b:s7+s3], $0x80, $0x38;
	[tilespmem:$0x1C700] =	vst v63  }
0x1f: {  	s8 =	sadd.s32 $0x0, s11  }
0x20: {  	[tilespmem:s17], [sflag:$0x4] =	stream.linear.gather [hbm4b:s8+s3], $0x80, $0x38;
	[tilespmem:$0x1C700] =	vst v63  }
0x21: {  	s9 =	sadd.s32 $0x0, s14  }
0x22: {  	[tilespmem:s18], [sflag:$0x5] =	stream.linear.gather [hbm4b:s9+s3], $0x80, $0x38;
	[tilespmem:$0x1C700] =	vst v63  }
0x23: {  	s10 =	sadd.s32 $0x0, s13  }
0x24: {  	[tilespmem:s19], [sflag:$0x6] =	stream.linear.gather [hbm4b:s10+s3], $0x80, $0x38;
	[tilespmem:$0x1C700] =	vst v63  }
0x25: {  	_ =	swait.ge [sflag:s20], $0x80  }
0x26: {  	[sflag:s20] =	ssyncset.done $0x0  }
0x27: {  	[sflag:s20] =	ssyncadd.s32 $0xFFFFFF80  }
0x28: {  	[tilespmem:s21], [sflag:$0x1] =	stream.indirect.gather [hbm4b:s4+s17], $0x80, s3, s17, $0xb8;
	[tilespmem:$0x1C700] =	vst v63  }
0x29: {  	_ =	swait.ge [sflag:s22], $0x80  }
0x2a: {  	[sflag:s22] =	ssyncset.done $0x0  }
0x2b: {  	[sflag:s22] =	ssyncadd.s32 $0xFFFFFF80  }
0x2c: {  	[tilespmem:s23], [sflag:$0x2] =	stream.indirect.gather [hbm4b:s4+s17], $0x80, s18, s17, $0xb8;
	[tilespmem:$0x1C700] =	vst v63  }
0x2d: {  	_ =	swait.ge [sflag:s24], $0x4000  }
0x2e: {  	[sflag:s24] =	ssyncset.done $0x0  }
0x2f: {  	[sflag:s24] =	ssyncadd.s32 $0xFFFFC000  }
0x30: {  	_ =	swait.ge [sflag:s25], $0x80  }
0x31: {  	[sflag:s25] =	ssyncset.done $0x0  }
0x32: {  	[sflag:s25] =	ssyncadd.s32 $0xFFFFFF80  }
0x33: {  	[spmem:s1] =	stream.indirect.scatter.add.f32 [tilespmem:s21], [sflag:$0x7], $0x80, s17, s17, $0xb8;
	[tilespmem:$0x1C700] =	vst v63  }
0x34: {  	_ =	swait.ge [sflag:s16], $0x4000  }
0x35: {  	[sflag:s16] =	ssyncset.done $0x0  }
0x36: {  	[sflag:s16] =	ssyncadd.s32 $0xFFFFC000  }
0x37: {  	_ =	swait.ge [sflag:s26], $0x4000  }
0x38: {  	[sflag:s26] =	ssyncset.done $0x0  }
0x39: {  	[sflag:s26] =	ssyncadd.s32 $0xFFFFC000  }
0x3a: {  	_ =	swait.ge [sflag:s28], $0x80  }
0x3b: {  	[sflag:s28] =	ssyncset.done $0x0  }
0x3c: {  	[sflag:s28] =	ssyncadd.s32 $0xFFFFFF80  }
0x3d: {  	[spmem:s1] =	stream.indirect.scatter.add.f32 [tilespmem:s23], [sflag:$0x7], $0x80, s19, s17, $0xb8;
	[tilespmem:$0x1C700] =	vst v63  }
0x3e: {  	_ =	swait.ge [sflag:s16], $0x4000  }
0x3f: {  	s5 =	simm.s32 $0x20;
	s7 =	simm.s32 $0x40;
	[sflag:s16] =	ssyncset.done $0x0  }
.LBB2_2:
0x40: {  	s9 =	sadd.s32 s5, s12  }
0x41: {  	[sflag:s16] =	ssyncadd.s32 $0xFFFFC000;
	s10 =	smov.u32 s7;
	s8 =	sadd.s32 $0x20, s7  }
0x42: {  	[tilespmem:s3], [sflag:$0x3] =	stream.linear.gather [hbm4b:s9+s3], $0x80, $0x38;
	[tilespmem:$0x1C700] =	vst v63  }
0x43: {  	p0 =	sne.s32 s7, $0x4C0;
	s7 =	sadd.s32 s5, s11  }
0x44: {  	[tilespmem:s17], [sflag:$0x4] =	stream.linear.gather [hbm4b:s7+s3], $0x80, $0x38;
	[tilespmem:$0x1C700] =	vst v63  }
0x45: {  	s7 =	sadd.s32 s5, s14  }
0x46: {  	[tilespmem:s18], [sflag:$0x5] =	stream.linear.gather [hbm4b:s7+s3], $0x80, $0x38;
	[tilespmem:$0x1C700] =	vst v63  }
0x47: {  	s7 =	sadd.s32 s5, s13;
	s5 =	smov.u32 s10  }
0x48: {  	[tilespmem:s19], [sflag:$0x6] =	stream.linear.gather [hbm4b:s7+s3], $0x80, $0x38;
	[tilespmem:$0x1C700] =	vst v63  }
0x49: {  	_ =	swait.ge [sflag:s20], $0x80  }
0x4a: {  	[sflag:s20] =	ssyncset.done $0x0  }
0x4b: {  	[sflag:s20] =	ssyncadd.s32 $0xFFFFFF80  }
0x4c: {  	[tilespmem:s21], [sflag:$0x1] =	stream.indirect.gather [hbm4b:s4+s17], $0x80, s3, s17, $0xb8;
	[tilespmem:$0x1C700] =	vst v63  }
0x4d: {  	_ =	swait.ge [sflag:s22], $0x80  }
0x4e: {  	[sflag:s22] =	ssyncset.done $0x0  }
0x4f: {  	[sflag:s22] =	ssyncadd.s32 $0xFFFFFF80  }
0x50: {  	[tilespmem:s23], [sflag:$0x2] =	stream.indirect.gather [hbm4b:s4+s17], $0x80, s18, s17, $0xb8;
	[tilespmem:$0x1C700] =	vst v63  }
0x51: {  	_ =	swait.ge [sflag:s24], $0x4000  }
0x52: {  	[sflag:s24] =	ssyncset.done $0x0  }
0x53: {  	[sflag:s24] =	ssyncadd.s32 $0xFFFFC000  }
0x54: {  	_ =	swait.ge [sflag:s25], $0x80  }
0x55: {  	[sflag:s25] =	ssyncset.done $0x0  }
0x56: {  	[sflag:s25] =	ssyncadd.s32 $0xFFFFFF80  }
0x57: {  	[spmem:s1] =	stream.indirect.scatter.add.f32 [tilespmem:s21], [sflag:$0x7], $0x80, s17, s17, $0xb8;
	[tilespmem:$0x1C700] =	vst v63  }
0x58: {  	_ =	swait.ge [sflag:s16], $0x4000  }
0x59: {  	[sflag:s16] =	ssyncset.done $0x0  }
0x5a: {  	[sflag:s16] =	ssyncadd.s32 $0xFFFFC000  }
0x5b: {  	_ =	swait.ge [sflag:s26], $0x4000  }
0x5c: {  	[sflag:s26] =	ssyncset.done $0x0  }
0x5d: {  	[sflag:s26] =	ssyncadd.s32 $0xFFFFC000  }
0x5e: {  	_ =	swait.ge [sflag:s28], $0x80  }
.Ltmp0:
0x5f: {  	[sflag:s28] =	ssyncset.done $0x0;
	(pc) =	sbr.rel @p0 .LBB2_2-.Ltmp0, $4  }
0x60: {  	[sflag:s28] =	ssyncadd.s32 $0xFFFFFF80  }
0x61: {  	[spmem:s1] =	stream.indirect.scatter.add.f32 [tilespmem:s23], [sflag:$0x7], $0x80, s19, s17, $0xb8;
	[tilespmem:$0x1C700] =	vst v63  }
0x62: {  	_ =	swait.ge [sflag:s16], $0x4000  }
0x63: {  	s7 =	smov.u32 s8;
	[sflag:s16] =	ssyncset.done $0x0  }
0x64: {  	s7 =	sadd.s32 s5, s12;
	[sflag:s16] =	ssyncadd.s32 $0xFFFFC000  }
0x65: {  	[tilespmem:s3], [sflag:$0x3] =	stream.linear.gather [hbm4b:s7+s3], $0x80, $0x38;
	[tilespmem:$0x1C700] =	vst v63  }
0x66: {  	s8 =	sadd.s32 s5, s11  }
0x67: {  	[tilespmem:s17], [sflag:$0x4] =	stream.linear.gather [hbm4b:s8+s3], $0x80, $0x38;
	[tilespmem:$0x1C700] =	vst v63  }
0x68: {  	s9 =	sadd.s32 s5, s14  }
0x69: {  	[tilespmem:s18], [sflag:$0x5] =	stream.linear.gather [hbm4b:s9+s3], $0x80, $0x38;
	[tilespmem:$0x1C700] =	vst v63  }
0x6a: {  	s10 =	sadd.s32 s5, s13  }
0x6b: {  	[tilespmem:s19], [sflag:$0x6] =	stream.linear.gather [hbm4b:s10+s3], $0x80, $0x38;
	[tilespmem:$0x1C700] =	vst v63  }
0x6c: {  	_ =	swait.ge [sflag:s20], $0x80  }
0x6d: {  	[sflag:s20] =	ssyncset.done $0x0  }
0x6e: {  	[sflag:s20] =	ssyncadd.s32 $0xFFFFFF80  }
0x6f: {  	[tilespmem:s21], [sflag:$0x1] =	stream.indirect.gather [hbm4b:s4+s17], $0x80, s3, s17, $0xb8;
	[tilespmem:$0x1C700] =	vst v63  }
0x70: {  	_ =	swait.ge [sflag:s22], $0x80  }
0x71: {  	[sflag:s22] =	ssyncset.done $0x0  }
0x72: {  	[sflag:s22] =	ssyncadd.s32 $0xFFFFFF80  }
0x73: {  	[tilespmem:s23], [sflag:$0x2] =	stream.indirect.gather [hbm4b:s4+s17], $0x80, s18, s17, $0xb8;
	[tilespmem:$0x1C700] =	vst v63  }
0x74: {  	_ =	swait.ge [sflag:s24], $0x4000  }
0x75: {  	[sflag:s24] =	ssyncset.done $0x0  }
0x76: {  	[sflag:s24] =	ssyncadd.s32 $0xFFFFC000  }
0x77: {  	_ =	swait.ge [sflag:s25], $0x80  }
0x78: {  	[sflag:s25] =	ssyncset.done $0x0  }
0x79: {  	[sflag:s25] =	ssyncadd.s32 $0xFFFFFF80  }
0x7a: {  	[spmem:s1] =	stream.indirect.scatter.add.f32 [tilespmem:s21], [sflag:$0x7], $0x80, s17, s17, $0xb8;
	[tilespmem:$0x1C700] =	vst v63  }
0x7b: {  	_ =	swait.ge [sflag:s16], $0x4000  }
0x7c: {  	[sflag:s16] =	ssyncset.done $0x0  }
0x7d: {  	[sflag:s16] =	ssyncadd.s32 $0xFFFFC000  }
0x7e: {  	_ =	swait.ge [sflag:s26], $0x4000  }
0x7f: {  	[sflag:s26] =	ssyncset.done $0x0  }
0x80: {  	[sflag:s26] =	ssyncadd.s32 $0xFFFFC000  }
0x81: {  	_ =	swait.ge [sflag:s28], $0x80  }
0x82: {  	[sflag:s28] =	ssyncset.done $0x0  }
0x83: {  	[sflag:s28] =	ssyncadd.s32 $0xFFFFFF80  }
0x84: {  	[spmem:s1] =	stream.indirect.scatter.add.f32 [tilespmem:s23], [sflag:$0x7], $0x80, s19, s17, $0xb8;
	[tilespmem:$0x1C700] =	vst v63  }
0x85: {  	_ =	swait.ge [sflag:s16], $0x4000  }
0x86: {  	[sflag:s16] =	ssyncset.done $0x0  }
0x87: {  	s7 =	rddreg [dreg:$0x4];
	[sflag:s16] =	ssyncadd.s32 $0xFFFFC000  }
0x88: {  	[tilespmem:s29], [sflag:$0x7] =	stream.linear.gather [hbm4b:s7+s3], $0x10, $0x38;
	[tilespmem:$0x1C700] =	vst v63  }
0x89: {  	_ =	swait.ge [sflag:s16], $0x10  }
0x8a: {  	[sflag:s16] =	ssyncset.done $0x0  }
0x8b: {  	s8 =	rddreg [dreg:$0x5];
	[sflag:s16] =	ssyncadd.s32 $0xFFFFFFF0  }
0x8c: {  	[tilespmem:s30], [sflag:$0x7] =	stream.linear.gather [hbm4b:s8+s3], $0x10, $0x38;
	[tilespmem:$0x1C700] =	vst v63  }
0x8d: {  	_ =	swait.ge [sflag:s16], $0x10  }
0x8e: {  	[sflag:s16] =	ssyncset.done $0x0  }
0x8f: {  	[sflag:s16] =	ssyncadd.s32 $0xFFFFFFF0  }
0x90: {  	[tilespmem:s0], [sflag:$0x1] =	stream.indirect.gather [hbm4b:s4+s31], $0x80, s29, s31, $0xb8;
	[tilespmem:$0x1C700] =	vst v63  }
0x91: {  	_ =	swait.ge [sflag:s24], $0x800  }
0x92: {  	[sflag:s24] =	ssyncset.done $0x0  }
0x93: {  	[sflag:s24] =	ssyncadd.s32 $0xFFFFF800  }
0x94: {  	[spmem:s1] =	stream.indirect.scatter.add.f32 [tilespmem:s0], [sflag:$0x7], $0x80, s30, s31, $0xb8;
	[tilespmem:$0x1C700] =	vst v63  }
0x95: {  	_ =	swait.ge [sflag:s16], $0x800  }
0x96: {  	[sflag:s16] =	ssyncset.done $0x0  }
0x97: {  	[sflag:s16] =	ssyncadd.s32 $0xFFFFF800  }
0x98: {  	[bflag:$0x0] =	sbarrier.arrive $0xFFFF  }
0x99: {  	s9 =	rddreg [dreg:$0x6]  }
0x9a: {  	[hbm:s9], [sflag:s6] =	dma.local [spmem:s15], $0x2780  }
0x9b: {  	_ =	swait.ge [sflag:s16], $0x2780  }
0x9c: {  	s2 =	sadd.s32 $0x1, s2;
	s10 =	rddreg [dreg:$0x7]  }
0x9d: {  	p0 =	sne.s32 s2, s10  }
.Ltmp1:
0x9e: {  	_ = 	snop;
	(pc) =	sbr.rel @p0 .LBB2_1-.Ltmp1, $3  }
0x9f: {  	_ =	sdelay $0x1  }
0xa0: {  	[sflag:s16] =	ssyncset.done $0x0  }
0xa1: {  	[sflag:s16] =	ssyncadd.s32 $0xFFFFD880  }
0xa2: {  	_ =	sfence.sel $0x180000  }
0xa3: {  	[bflag:$0x0] =	sbarrier.arrive $0xFFFF  }
0xa4: {  	_ =	strace $0x90000062  }
0xa5: {  	s0 =	stileid.u32;
	[bflag:$0x2] =	sbarrier.arrive $0xFFFF  }
0xa6: {  	p0 =	sne.s32 s0, $0x0;
	s0 =	rddreg [dreg:$0x2]  }
0xa7: {  	s0 =	sadd.s32 @!p0 $0x100000, s0  }
0xa8: {  	[sflag:s0] =	ssyncadd.tile.s32 @!p0 $0x1;
	_ =	shalt  }
.Lfunc_end2:
_tile_overlayer_lowered:
.L_overlay_start_2:
0xa9: {  	(tag) =	ssettag $0x2  }
0xaa: {  	s0 =	rddreg [dreg:$0x0];
	s2 =	stileid.u32  }
0xab: {  	s1 =	rddreg [dreg:$0x1];
	p0 =	sne.s32 s2, $0x0  }
0xac: {  	s3 =	rddreg [dreg:$0x2];
	[bflag:$0x3] =	sbarrier.arrive $0xFFFF;
	s2 =	simm.s32 @!p0 $0x1C07  }
0xad: {  	[timem:s3], [sflag:s2] =	dma.local @!p0 [hbm:s0], s1  }
0xae: {  	s0 =	simm.s32 @!p0 $0x7  }
0xaf: {  	_ =	swait.ge @!p0 [sflag:s0], s1  }
0xb0: {  	s1 =	ssub.s32 @!p0 $0x0, s1;
	[sflag:s0] =	ssyncset.done @!p0 $0x0  }
0xb1: {  	[sflag:s0] =	ssyncadd.s32 @!p0 s1  }
0xb2: {  	[bflag:$0x3] =	sbarrier.arrive $0xFFFF  }
0xb3: {  	_ =	shalt  }

</sc_bundles>
